<compile_context>
chip_gen: v7x
topology: tpu7x:2x2x1
jax: 0.10.2.dev20260603
libtpu: 0.0.44.dev20260713+nightly
codegen_flags: <defaults>
</compile_context>

<pallas_src>
import jax
import jax.numpy as jnp
from jax import lax
from jax.experimental import pallas as pl
from jax.experimental.pallas import tpu as pltpu
from jax.experimental.pallas import tpu_sc as plsc

_N = 10000
_E = 320000
_NC = 2
_NS = 16
_NW = _NC * _NS
_CHUNK = 128
_CPT = 80
_EPAD = _NW * _CPT * _CHUNK
_NPAD = _N + 128
_STRIPE = 624
_TAIL0 = _STRIPE * _NS
_TAIL = _N - _TAIL0
_D = 128
_PIECES = [(0, _CHUNK), (128, _CHUNK), (256, _CHUNK), (384, _CHUNK),
           (512, _STRIPE - 512)]


def _fill_rows(buf, nrows, ncols, val):
    vec = jnp.full((16,), val, jnp.float32)

    def row(r, carry):
        for j in range(ncols // 16):
            buf[r, pl.ds(j * 16, 16)] = vec
        return carry

    lax.fori_loop(0, nrows, row, 0)


def _zero_stripes(stage_v, sh, s, r0):
    _fill_rows(stage_v, _CHUNK, _D, 0.0)
    for off, n in _PIECES:
        pltpu.sync_copy(stage_v.at[pl.ds(0, n)], sh.at[pl.ds(r0 + off, n)])

    @pl.when(s == _NS - 1)
    def _():
        pltpu.sync_copy(stage_v.at[pl.ds(0, _TAIL)],
                        sh.at[pl.ds(_TAIL0, _TAIL)])


def _copy_out_stripes(stage_v, sh, out, c, s, r0):

    def piece(off, n):
        pltpu.sync_copy(sh.at[pl.ds(off, n)], stage_v.at[pl.ds(0, n)])
        pltpu.sync_copy(stage_v.at[pl.ds(0, n)], out.at[c, pl.ds(off, n)])

    for off, n in _PIECES:
        piece(r0 + off, n)

    @pl.when(s == _NS - 1)
    def _():
        piece(_TAIL0, _TAIL)


_EPT = _CPT * _CHUNK


def _seg_sum_call(table, src1, dst1, with_deg=False):
    mesh = plsc.VectorSubcoreMesh(core_axis_name="c", subcore_axis_name="s")

    def body(table_h, src_h, dst_h, acc_out, deg_out,
             sidx_v, d0_v, d1_v, rows0_v, rows1_v, gs0, gs1, ds0, ds1, acc_sh):
        c = lax.axis_index("c")
        s = lax.axis_index("s")
        wid = s * _NC + c
        r0 = s * _STRIPE
        e0 = wid * _EPT
        with_deg = deg_out is not None

        pltpu.sync_copy(src_h.at[pl.ds(e0, _EPT)], sidx_v)

        _zero_stripes(rows0_v, acc_sh, s, r0)
        plsc.subcore_barrier()

        def gather(t, buf, sem):
            pltpu.async_copy(table_h.at[sidx_v.at[pl.ds(t * _CHUNK, _CHUNK)]],
                             buf, sem)

        def gwait(buf, sem):
            pltpu.make_async_copy(table_h.at[pl.ds(0, _CHUNK)], buf, sem).wait()

        def dload(t, dbuf, sem):
            pltpu.async_copy(dst_h.at[pl.ds(e0 + t * _CHUNK, _CHUNK)], dbuf, sem)

        def dwait(dbuf, sem):
            pltpu.make_async_copy(dst_h.at[pl.ds(0, _CHUNK)], dbuf, sem).wait()

        def scatter(buf, dbuf):
            pltpu.sync_copy(buf, acc_sh.at[dbuf], add=True)

        dload(0, d0_v, ds0)
        dload(1, d1_v, ds1)
        gather(0, rows0_v, gs0)
        gather(1, rows1_v, gs1)

        def loop_body(k, carry):
            t = 2 * k
            gwait(rows0_v, gs0)
            dwait(d0_v, ds0)
            scatter(rows0_v, d0_v)
            gather(t + 2, rows0_v, gs0)
            dload(t + 2, d0_v, ds0)
            gwait(rows1_v, gs1)
            dwait(d1_v, ds1)
            scatter(rows1_v, d1_v)
            gather(t + 3, rows1_v, gs1)
            dload(t + 3, d1_v, ds1)
            return carry

        lax.fori_loop(0, _CPT // 2 - 1, loop_body, 0)

        gwait(rows0_v, gs0)
        dwait(d0_v, ds0)
        scatter(rows0_v, d0_v)
        gwait(rows1_v, gs1)
        dwait(d1_v, ds1)
        scatter(rows1_v, d1_v)

        plsc.subcore_barrier()
        _copy_out_stripes(rows0_v, acc_sh, acc_out, c, s, r0)

        if with_deg:
            plsc.subcore_barrier()
            _zero_stripes(rows0_v, acc_sh, s, r0)
            _fill_rows(rows1_v, _CHUNK, _D, 1.0)
            plsc.subcore_barrier()

            dload(0, d0_v, ds0)
            dload(1, d1_v, ds1)

            def deg_body(k, carry):
                t = 2 * k
                dwait(d0_v, ds0)
                scatter(rows1_v, d0_v)
                dload(t + 2, d0_v, ds0)
                dwait(d1_v, ds1)
                scatter(rows1_v, d1_v)
                dload(t + 3, d1_v, ds1)
                return carry

            lax.fori_loop(0, _CPT // 2 - 1, deg_body, 0)

            dwait(d0_v, ds0)
            scatter(rows1_v, d0_v)
            dwait(d1_v, ds1)
            scatter(rows1_v, d1_v)

            plsc.subcore_barrier()
            _copy_out_stripes(rows0_v, acc_sh, deg_out, c, s, r0)

    def body_with_deg(*refs):
        body(*refs[:5], *refs[5:])

    def body_no_deg(table_h, src_h, dst_h, acc_out, *rest):
        body(table_h, src_h, dst_h, acc_out, None, *rest)

    out_type = [jax.ShapeDtypeStruct((_NC, _N, _D), jnp.float32)]
    if with_deg:
        out_type.append(jax.ShapeDtypeStruct((_NC, _N, _D), jnp.float32))
    fn = pl.kernel(
        body_with_deg if with_deg else body_no_deg,
        out_type=tuple(out_type),
        mesh=mesh,
        scratch_types=(
            pltpu.VMEM((_EPT,), jnp.int32),
            pltpu.VMEM((_CHUNK,), jnp.int32),
            pltpu.VMEM((_CHUNK,), jnp.int32),
            pltpu.VMEM((_CHUNK, _D), jnp.float32),
            pltpu.VMEM((_CHUNK, _D), jnp.float32),
            pltpu.SemaphoreType.DMA,
            pltpu.SemaphoreType.DMA,
            pltpu.SemaphoreType.DMA,
            pltpu.SemaphoreType.DMA,
            pltpu.VMEM_SHARED((_NPAD, _D), jnp.float32),
        ),
    )
    out = fn(table, src1, dst1)
    return out if with_deg else out[0]


_R = 1000
_IW = 8


def _tc1_body(agg_ref, deg_ref, x_ref, wl1_ref, bl1_ref, wr1_ref,
              wr2_ref, h_ref, hr_ref, invd_ref):
    a = agg_ref[0] + agg_ref[1]
    d = deg_ref[0, :, 0:1] + deg_ref[1, :, 0:1]
    invd = 1.0 / jnp.maximum(d, 1.0)
    mean = a * invd
    h = mean @ wl1_ref[...] + bl1_ref[...] + x_ref[...] @ wr1_ref[...]
    h = jnp.maximum(h, 0.0)
    h_ref[...] = h
    hr_ref[...] = h @ wr2_ref[...]
    invd_ref[...] = jnp.broadcast_to(invd, (invd.shape[0], _IW))


def _tc1(aggp, degp, x, Wl1T, bl1, Wr1T, Wr2T):
    grid = (_N // _R,)
    D_IN, D_OUT = 128, 64
    return pl.pallas_call(
        _tc1_body,
        grid=grid,
        in_specs=[
            pl.BlockSpec((_NC, _R, D_IN), lambda i: (0, i, 0)),
            pl.BlockSpec((_NC, _R, _D), lambda i: (0, i, 0)),
            pl.BlockSpec((_R, D_IN), lambda i: (i, 0)),
            pl.BlockSpec((D_IN, D_IN), lambda i: (0, 0)),
            pl.BlockSpec((1, D_IN), lambda i: (0, 0)),
            pl.BlockSpec((D_IN, D_IN), lambda i: (0, 0)),
            pl.BlockSpec((D_IN, D_OUT), lambda i: (0, 0)),
        ],
        out_specs=[
            pl.BlockSpec((_R, D_IN), lambda i: (i, 0)),
            pl.BlockSpec((_R, D_OUT), lambda i: (i, 0)),
            pl.BlockSpec((_R, _IW), lambda i: (i, 0)),
        ],
        out_shape=[
            jax.ShapeDtypeStruct((_N, D_IN), jnp.float32),
            jax.ShapeDtypeStruct((_N, D_OUT), jnp.float32),
            jax.ShapeDtypeStruct((_N, _IW), jnp.float32),
        ],
    )(aggp, degp, x, Wl1T, bl1, Wr1T, Wr2T)


def _tc2_body(agg_ref, invd_ref, hr_ref, wl2_ref, bl2_ref, wc1_ref, bc1_ref,
              wc2_ref, bc2_ref, emb_ref, log_ref, prob_ref):
    a = agg_ref[0] + agg_ref[1]
    mean = a * invd_ref[:, 0:1]
    emb = mean @ wl2_ref[...] + bl2_ref[...] + hr_ref[...]
    z = jnp.maximum(emb @ wc1_ref[...] + bc1_ref[...], 0.0)
    logits = z @ wc2_ref[...] + bc2_ref[...]
    m = jnp.max(logits, axis=1, keepdims=True)
    e = jnp.exp(logits - m)
    probs = e / jnp.sum(e, axis=1, keepdims=True)
    emb_ref[...] = emb
    log_ref[...] = logits
    prob_ref[...] = probs


def _tc2(agg2p, invd, hr, Wl2T, bl2, Wc1T, bc1, Wc2T, bc2):
    grid = (_N // _R,)
    D_IN, D_OUT, D_C = 128, 64, 64
    return pl.pallas_call(
        _tc2_body,
        grid=grid,
        in_specs=[
            pl.BlockSpec((_NC, _R, D_IN), lambda i: (0, i, 0)),
            pl.BlockSpec((_R, _IW), lambda i: (i, 0)),
            pl.BlockSpec((_R, D_OUT), lambda i: (i, 0)),
            pl.BlockSpec((D_IN, D_OUT), lambda i: (0, 0)),
            pl.BlockSpec((1, D_OUT), lambda i: (0, 0)),
            pl.BlockSpec((D_OUT, D_C), lambda i: (0, 0)),
            pl.BlockSpec((1, D_C), lambda i: (0, 0)),
            pl.BlockSpec((D_C, 2), lambda i: (0, 0)),
            pl.BlockSpec((1, 2), lambda i: (0, 0)),
        ],
        out_specs=[
            pl.BlockSpec((_R, D_OUT), lambda i: (i, 0)),
            pl.BlockSpec((_R, 2), lambda i: (i, 0)),
            pl.BlockSpec((_R, 2), lambda i: (i, 0)),
        ],
        out_shape=[
            jax.ShapeDtypeStruct((_N, D_OUT), jnp.float32),
            jax.ShapeDtypeStruct((_N, 2), jnp.float32),
            jax.ShapeDtypeStruct((_N, 2), jnp.float32),
        ],
    )(agg2p, invd, hr, Wl2T, bl2, Wc1T, bc1, Wc2T, bc2)


@jax.jit
def kernel(x, edge_index, W_l1, b_l1, W_r1, W_l2, b_l2, W_r2,
           Wc1, bc1, Wc2, bc2):
    npad = _EPAD - _E
    pad_i = jnp.arange(npad, dtype=jnp.int32)
    src1 = jnp.concatenate([edge_index[0], (pad_i * 127) % _N])
    dst1 = jnp.concatenate([edge_index[1], _N + pad_i % 128])

    agg1p, degp = _seg_sum_call(x, src1, dst1, with_deg=True)
    h, hr, invd = _tc1(agg1p, degp, x, W_l1.T, b_l1[None, :], W_r1.T, W_r2.T)
    agg2p = _seg_sum_call(h, src1, dst1)
    emb, logits, probs = _tc2(agg2p, invd, hr, W_l2.T, b_l2[None, :],
                              Wc1.T, bc1[None, :], Wc2.T, bc2[None, :])
    return logits, emb, probs

# --- scband reference (transcript-rebuilt; emitter-appended) ---
"""Pipeline reference for scband-graph-sagefraud-detector-79791902425640 (READ-ONLY COPY).

The authoritative reference and input builder live on the scoring server;
editing this copy changes nothing except your own understanding.
"""

import jax, jax.numpy as jnp
import numpy as np

N = 10000
E = 320000
D_IN = 128
D_HID = 128
D_OUT = 64


def setup_inputs(seed: int = 0) -> dict:
    key = jax.random.key(seed)
    ks = jax.random.split(key, 12)
    x = jax.random.normal(ks[0], (N, D_IN), dtype=jnp.float32)
    edge_index = jax.random.randint(ks[1], (2, E), 0, N, dtype=jnp.int32)
    # SAGEConv layer 1 (128 -> 128): lin_l (neighbor agg, with bias), lin_r (root)
    W_l1 = jax.random.normal(ks[2], (D_HID, D_IN), dtype=jnp.float32) / np.sqrt(D_IN)
    b_l1 = jnp.zeros((D_HID,), dtype=jnp.float32)
    W_r1 = jax.random.normal(ks[3], (D_HID, D_IN), dtype=jnp.float32) / np.sqrt(D_IN)
    # SAGEConv layer 2 (128 -> 64)
    W_l2 = jax.random.normal(ks[4], (D_OUT, D_HID), dtype=jnp.float32) / np.sqrt(D_HID)
    b_l2 = jnp.zeros((D_OUT,), dtype=jnp.float32)
    W_r2 = jax.random.normal(ks[5], (D_OUT, D_HID), dtype=jnp.float32) / np.sqrt(D_HID)
    # classifier: Linear(64 -> 64) -> ReLU -> Linear(64 -> 2)
    Wc1 = jax.random.normal(ks[6], (D_HID // 2, D_OUT), dtype=jnp.float32) / np.sqrt(D_OUT)
    bc1 = jnp.zeros((D_HID // 2,), dtype=jnp.float32)
    Wc2 = jax.random.normal(ks[7], (2, D_HID // 2), dtype=jnp.float32) / np.sqrt(D_HID // 2)
    bc2 = jnp.zeros((2,), dtype=jnp.float32)
    return {"x": x, "edge_index": edge_index,
            "W_l1": W_l1, "b_l1": b_l1, "W_r1": W_r1,
            "W_l2": W_l2, "b_l2": b_l2, "W_r2": W_r2,
            "Wc1": Wc1, "bc1": bc1, "Wc2": Wc2, "bc2": bc2}


def sage_conv(x, edge_index, W_l, b_l, W_r):
    # PyG SAGEConv with mean aggregation: out = lin_l(mean_{j->i} x_j) + lin_r(x_i)
    src = edge_index[0]
    dst = edge_index[1]
    msgs = jnp.take(x, src, axis=0)                      # gather (SparseCore)
    agg = jax.ops.segment_sum(msgs, dst, num_segments=N)  # scatter-add
    deg = jax.ops.segment_sum(jnp.ones((edge_index.shape[1],), x.dtype), dst, num_segments=N)
    mean = agg / jnp.clip(deg, 1.0)[:, None]
    return mean @ W_l.T + b_l + x @ W_r.T


def reference(x, edge_index, W_l1, b_l1, W_r1, W_l2, b_l2, W_r2, Wc1, bc1, Wc2, bc2):
    # layer 1 + ReLU (dropout is identity in eval mode)
    h = jax.nn.relu(sage_conv(x, edge_index, W_l1, b_l1, W_r1))
    # layer 2 (last layer: no activation)
    node_embeddings = sage_conv(h, edge_index, W_l2, b_l2, W_r2)
    # classifier head (batch=None -> per-node logits)
    z = jax.nn.relu(node_embeddings @ Wc1.T + bc1)
    logits = z @ Wc2.T + bc2
    probabilities = jax.nn.softmax(logits, axis=-1)
    return (logits, node_embeddings, probabilities)

if __name__ == "__main__":
    import jax
    _d = setup_inputs()
    print(jax.jit(kernel)(*tuple(_d.values())))

</pallas_src>

<mosaic_0001>
#map = affine_map<(d0, d1) -> (0, 0)>
#map1 = affine_map<(d0, d1) -> (0)>
#map2 = affine_map<(d0, d1) -> (0, 0, 0)>
module attributes {stable_mosaic.version = 14 : i64} {
  func.func @body_with_deg(%arg0: i32, %arg1: i32, %arg2: memref<10000x128xf32, #tpu.memory_space<hbm>>, %arg3: memref<327680xi32, #tpu.memory_space<hbm>>, %arg4: memref<327680xi32, #tpu.memory_space<hbm>>, %arg5: memref<2x10000x128xf32, #tpu.memory_space<hbm>>, %arg6: memref<2x10000x128xf32, #tpu.memory_space<hbm>>, %arg7: memref<10240xi32, #tpu.memory_space<vmem>>, %arg8: memref<128xi32, #tpu.memory_space<vmem>>, %arg9: memref<128xi32, #tpu.memory_space<vmem>>, %arg10: memref<128x128xf32, #tpu.memory_space<vmem>>, %arg11: memref<128x128xf32, #tpu.memory_space<vmem>>, %arg12: memref<!tpu.dma_semaphore, #tpu.memory_space<semaphore_mem>>, %arg13: memref<!tpu.dma_semaphore, #tpu.memory_space<semaphore_mem>>, %arg14: memref<!tpu.dma_semaphore, #tpu.memory_space<semaphore_mem>>, %arg15: memref<!tpu.dma_semaphore, #tpu.memory_space<semaphore_mem>>, %arg16: memref<10128x128xf32, #tpu.memory_space<vmem_shared>>) attributes {dimension_semantics = [#tpu.dimension_semantics<core_parallel>, #tpu.dimension_semantics<subcore_parallel>], iteration_bounds = array<i64: 2, 16>, scalar_prefetch = 0 : i64, scratch_operands = 10 : i64, tpu.core_type = #tpu.core_type<sc_vector_subcore>, window_params = [{transform_indices = #map}, {transform_indices = #map1}, {transform_indices = #map1}, {transform_indices = #map2}, {transform_indices = #map2}]} {
    %mul3A = arith.constant 2 : i32
    %mul3A_0 = arith.muli %arg1, %mul3A : i32
    %add3A = arith.addi %mul3A_0, %arg0 : i32
    %mul3A_1 = arith.constant 624 : i32
    %mul3A_2 = arith.muli %arg1, %mul3A_1 : i32
    %mul3A_3 = arith.constant 10240 : i32
    %mul3A_4 = arith.muli %add3A, %mul3A_3 : i32
    "tpu.region"() ({
      %run_scoped3A = tpu.sem_alloc : memref<!tpu.dma_semaphore, #tpu.memory_space<semaphore_mem>>
      %dma_start3A_152 = tpu.memref_slice %arg3[%mul3A_4] : memref<327680xi32, #tpu.memory_space<hbm>> -> memref<10240xi32, #tpu.memory_space<hbm>>
      %dma_start3A_153 = tpu.memref_slice %arg3[%mul3A_4] : memref<327680xi32, #tpu.memory_space<hbm>> -> memref<10240xi32, #tpu.memory_space<hbm>>
      tpu.enqueue_dma source(%dma_start3A_153 : memref<10240xi32, #tpu.memory_space<hbm>>) target(%arg7 : memref<10240xi32, #tpu.memory_space<vmem>>) target_semaphore(%run_scoped3A : memref<!tpu.dma_semaphore, #tpu.memory_space<semaphore_mem>>)
      %dma_wait3A_154 = tpu.memref_slice %arg3[%mul3A_4] : memref<327680xi32, #tpu.memory_space<hbm>> -> memref<10240xi32, #tpu.memory_space<hbm>>
      %dma_wait3A_155 = tpu.memref_slice %arg3[%mul3A_4] : memref<327680xi32, #tpu.memory_space<hbm>> -> memref<10240xi32, #tpu.memory_space<hbm>>
      tpu.wait_dma2 semaphore(%run_scoped3A : memref<!tpu.dma_semaphore, #tpu.memory_space<semaphore_mem>>) src(%dma_wait3A_155 : memref<10240xi32, #tpu.memory_space<hbm>>) dst(%arg7 : memref<10240xi32, #tpu.memory_space<vmem>>)
      tpu.yield
    }) : () -> ()
    %broadcast_in_dim3A = arith.constant 0.000000e+00 : f32
    %broadcast_in_dim3A_5 = vector.broadcast %broadcast_in_dim3A : f32 to vector<16xf32>
    %scan3A = arith.constant 0 : i32
    %scan3A_6 = arith.constant 0 : i32
    %scan3A_7 = arith.constant 128 : i32
    %scan3A_8 = arith.addi %scan3A_6, %scan3A_7 : i32
    %scan3A_9 = arith.constant 1 : i32
    scf.for %scan3A_152 = %scan3A_6 to %scan3A_8 step %scan3A_9  : i32 {
      %swap3A = arith.index_cast %scan3A_152 : i32 to index
      %swap3A_153 = arith.constant 0 : index
      %swap3A_154 = tpu.vector_load %arg10[%swap3A, %swap3A_153] {strides = array<i32>} : memref<128x128xf32, #tpu.memory_space<vmem>>, vector<1x16xf32>,
      %swap3A_155 = vector.shape_cast %swap3A_154 : vector<1x16xf32> to vector<16xf32>
      %swap3A_156 = vector.shape_cast %broadcast_in_dim3A_5 : vector<16xf32> to vector<1x16xf32>
      tpu.vector_store %arg10[%swap3A, %swap3A_153], %swap3A_156 {strides = array<i32>} : memref<128x128xf32, #tpu.memory_space<vmem>>, vector<1x16xf32>,
      %swap3A_157 = arith.index_cast %scan3A_152 : i32 to index
      %swap3A_158 = arith.constant 16 : index
      %swap3A_159 = tpu.vector_load %arg10[%swap3A_157, %swap3A_158] {strides = array<i32>} : memref<128x128xf32, #tpu.memory_space<vmem>>, vector<1x16xf32>,
      %swap3A_160 = vector.shape_cast %swap3A_159 : vector<1x16xf32> to vector<16xf32>
      %swap3A_161 = vector.shape_cast %broadcast_in_dim3A_5 : vector<16xf32> to vector<1x16xf32>
      tpu.vector_store %arg10[%swap3A_157, %swap3A_158], %swap3A_161 {strides = array<i32>} : memref<128x128xf32, #tpu.memory_space<vmem>>, vector<1x16xf32>,
      %swap3A_162 = arith.index_cast %scan3A_152 : i32 to index
      %swap3A_163 = arith.constant 32 : index
      %swap3A_164 = tpu.vector_load %arg10[%swap3A_162, %swap3A_163] {strides = array<i32>} : memref<128x128xf32, #tpu.memory_space<vmem>>, vector<1x16xf32>,
      %swap3A_165 = vector.shape_cast %swap3A_164 : vector<1x16xf32> to vector<16xf32>
      %swap3A_166 = vector.shape_cast %broadcast_in_dim3A_5 : vector<16xf32> to vector<1x16xf32>
      tpu.vector_store %arg10[%swap3A_162, %swap3A_163], %swap3A_166 {strides = array<i32>} : memref<128x128xf32, #tpu.memory_space<vmem>>, vector<1x16xf32>,
      %swap3A_167 = arith.index_cast %scan3A_152 : i32 to index
      %swap3A_168 = arith.constant 48 : index
      %swap3A_169 = tpu.vector_load %arg10[%swap3A_167, %swap3A_168] {strides = array<i32>} : memref<128x128xf32, #tpu.memory_space<vmem>>, vector<1x16xf32>,
      %swap3A_170 = vector.shape_cast %swap3A_169 : vector<1x16xf32> to vector<16xf32>
      %swap3A_171 = vector.shape_cast %broadcast_in_dim3A_5 : vector<16xf32> to vector<1x16xf32>
      tpu.vector_store %arg10[%swap3A_167, %swap3A_168], %swap3A_171 {strides = array<i32>} : memref<128x128xf32, #tpu.memory_space<vmem>>, vector<1x16xf32>,
      %swap3A_172 = arith.index_cast %scan3A_152 : i32 to index
      %swap3A_173 = arith.constant 64 : index
      %swap3A_174 = tpu.vector_load %arg10[%swap3A_172, %swap3A_173] {strides = array<i32>} : memref<128x128xf32, #tpu.memory_space<vmem>>, vector<1x16xf32>,
      %swap3A_175 = vector.shape_cast %swap3A_174 : vector<1x16xf32> to vector<16xf32>
      %swap3A_176 = vector.shape_cast %broadcast_in_dim3A_5 : vector<16xf32> to vector<1x16xf32>
      tpu.vector_store %arg10[%swap3A_172, %swap3A_173], %swap3A_176 {strides = array<i32>} : memref<128x128xf32, #tpu.memory_space<vmem>>, vector<1x16xf32>,
      %swap3A_177 = arith.index_cast %scan3A_152 : i32 to index
      %swap3A_178 = arith.constant 80 : index
      %swap3A_179 = tpu.vector_load %arg10[%swap3A_177, %swap3A_178] {strides = array<i32>} : memref<128x128xf32, #tpu.memory_space<vmem>>, vector<1x16xf32>,
      %swap3A_180 = vector.shape_cast %swap3A_179 : vector<1x16xf32> to vector<16xf32>
      %swap3A_181 = vector.shape_cast %broadcast_in_dim3A_5 : vector<16xf32> to vector<1x16xf32>
      tpu.vector_store %arg10[%swap3A_177, %swap3A_178], %swap3A_181 {strides = array<i32>} : memref<128x128xf32, #tpu.memory_space<vmem>>, vector<1x16xf32>,
      %swap3A_182 = arith.index_cast %scan3A_152 : i32 to index
      %swap3A_183 = arith.constant 96 : index
      %swap3A_184 = tpu.vector_load %arg10[%swap3A_182, %swap3A_183] {strides = array<i32>} : memref<128x128xf32, #tpu.memory_space<vmem>>, vector<1x16xf32>,
      %swap3A_185 = vector.shape_cast %swap3A_184 : vector<1x16xf32> to vector<16xf32>
      %swap3A_186 = vector.shape_cast %broadcast_in_dim3A_5 : vector<16xf32> to vector<1x16xf32>
      tpu.vector_store %arg10[%swap3A_182, %swap3A_183], %swap3A_186 {strides = array<i32>} : memref<128x128xf32, #tpu.memory_space<vmem>>, vector<1x16xf32>,
      %swap3A_187 = arith.index_cast %scan3A_152 : i32 to index
      %swap3A_188 = arith.constant 112 : index
      %swap3A_189 = tpu.vector_load %arg10[%swap3A_187, %swap3A_188] {strides = array<i32>} : memref<128x128xf32, #tpu.memory_space<vmem>>, vector<1x16xf32>,
      %swap3A_190 = vector.shape_cast %swap3A_189 : vector<1x16xf32> to vector<16xf32>
      %swap3A_191 = vector.shape_cast %broadcast_in_dim3A_5 : vector<16xf32> to vector<1x16xf32>
      tpu.vector_store %arg10[%swap3A_187, %swap3A_188], %swap3A_191 {strides = array<i32>} : memref<128x128xf32, #tpu.memory_space<vmem>>, vector<1x16xf32>,
    }
    %scan3A_10 = arith.constant 128 : i32
    %add3A_11 = arith.constant 0 : i32
    %add3A_12 = arith.addi %mul3A_2, %add3A_11 : i32
    "tpu.region"() ({
      %run_scoped3A = tpu.sem_alloc : memref<!tpu.dma_semaphore, #tpu.memory_space<semaphore_mem>>
      %dma_start3A_152 = arith.constant 0 : i32
      %dma_start3A_153 = arith.constant 0 : i32
      %dma_start3A_154 = tpu.memref_slice %arg10[%dma_start3A_152, %dma_start3A_153] : memref<128x128xf32, #tpu.memory_space<vmem>> -> memref<128x128xf32, #tpu.memory_space<vmem>>
      %dma_start3A_155 = arith.constant 0 : i32
      %dma_start3A_156 = tpu.memref_slice %arg16[%add3A_12, %dma_start3A_155] : memref<10128x128xf32, #tpu.memory_space<vmem_shared>> -> memref<128x128xf32, #tpu.memory_space<vmem_shared>>
      %dma_start3A_157 = arith.constant 0 : i32
      %dma_start3A_158 = tpu.memref_slice %arg16[%add3A_12, %dma_start3A_157] : memref<10128x128xf32, #tpu.memory_space<vmem_shared>> -> memref<128x128xf32, #tpu.memory_space<vmem_shared>>
      %dma_start3A_159 = arith.constant 0 : i32
      %dma_start3A_160 = arith.constant 0 : i32
      %dma_start3A_161 = tpu.memref_slice %arg10[%dma_start3A_159, %dma_start3A_160] : memref<128x128xf32, #tpu.memory_space<vmem>> -> memref<128x128xf32, #tpu.memory_space<vmem>>
      tpu.enqueue_dma source(%dma_start3A_161 : memref<128x128xf32, #tpu.memory_space<vmem>>) target(%dma_start3A_158 : memref<128x128xf32, #tpu.memory_space<vmem_shared>>) target_semaphore(%run_scoped3A : memref<!tpu.dma_semaphore, #tpu.memory_space<semaphore_mem>>)
      %dma_wait3A_162 = arith.constant 0 : i32
      %dma_wait3A_163 = arith.constant 0 : i32
      %dma_wait3A_164 = tpu.memref_slice %arg10[%dma_wait3A_162, %dma_wait3A_163] : memref<128x128xf32, #tpu.memory_space<vmem>> -> memref<128x128xf32, #tpu.memory_space<vmem>>
      %dma_wait3A_165 = arith.constant 0 : i32
      %dma_wait3A_166 = tpu.memref_slice %arg16[%add3A_12, %dma_wait3A_165] : memref<10128x128xf32, #tpu.memory_space<vmem_shared>> -> memref<128x128xf32, #tpu.memory_space<vmem_shared>>
      %dma_wait3A_167 = arith.constant 0 : i32
      %dma_wait3A_168 = tpu.memref_slice %arg16[%add3A_12, %dma_wait3A_167] : memref<10128x128xf32, #tpu.memory_space<vmem_shared>> -> memref<128x128xf32, #tpu.memory_space<vmem_shared>>
      %dma_wait3A_169 = arith.constant 0 : i32
      %dma_wait3A_170 = arith.constant 0 : i32
      %dma_wait3A_171 = tpu.memref_slice %arg10[%dma_wait3A_169, %dma_wait3A_170] : memref<128x128xf32, #tpu.memory_space<vmem>> -> memref<128x128xf32, #tpu.memory_space<vmem>>
      tpu.wait_dma2 semaphore(%run_scoped3A : memref<!tpu.dma_semaphore, #tpu.memory_space<semaphore_mem>>) src(%dma_wait3A_171 : memref<128x128xf32, #tpu.memory_space<vmem>>) dst(%dma_wait3A_168 : memref<128x128xf32, #tpu.memory_space<vmem_shared>>)
      tpu.yield
    }) : () -> ()
    %add3A_13 = arith.constant 128 : i32
    %add3A_14 = arith.addi %mul3A_2, %add3A_13 : i32
    "tpu.region"() ({
      %run_scoped3A = tpu.sem_alloc : memref<!tpu.dma_semaphore, #tpu.memory_space<semaphore_mem>>
      %dma_start3A_152 = arith.constant 0 : i32
      %dma_start3A_153 = arith.constant 0 : i32
      %dma_start3A_154 = tpu.memref_slice %arg10[%dma_start3A_152, %dma_start3A_153] : memref<128x128xf32, #tpu.memory_space<vmem>> -> memref<128x128xf32, #tpu.memory_space<vmem>>
      %dma_start3A_155 = arith.constant 0 : i32
      %dma_start3A_156 = tpu.memref_slice %arg16[%add3A_14, %dma_start3A_155] : memref<10128x128xf32, #tpu.memory_space<vmem_shared>> -> memref<128x128xf32, #tpu.memory_space<vmem_shared>>
      %dma_start3A_157 = arith.constant 0 : i32
      %dma_start3A_158 = tpu.memref_slice %arg16[%add3A_14, %dma_start3A_157] : memref<10128x128xf32, #tpu.memory_space<vmem_shared>> -> memref<128x128xf32, #tpu.memory_space<vmem_shared>>
      %dma_start3A_159 = arith.constant 0 : i32
      %dma_start3A_160 = arith.constant 0 : i32
      %dma_start3A_161 = tpu.memref_slice %arg10[%dma_start3A_159, %dma_start3A_160] : memref<128x128xf32, #tpu.memory_space<vmem>> -> memref<128x128xf32, #tpu.memory_space<vmem>>
      tpu.enqueue_dma source(%dma_start3A_161 : memref<128x128xf32, #tpu.memory_space<vmem>>) target(%dma_start3A_158 : memref<128x128xf32, #tpu.memory_space<vmem_shared>>) target_semaphore(%run_scoped3A : memref<!tpu.dma_semaphore, #tpu.memory_space<semaphore_mem>>)
      %dma_wait3A_162 = arith.constant 0 : i32
      %dma_wait3A_163 = arith.constant 0 : i32
      %dma_wait3A_164 = tpu.memref_slice %arg10[%dma_wait3A_162, %dma_wait3A_163] : memref<128x128xf32, #tpu.memory_space<vmem>> -> memref<128x128xf32, #tpu.memory_space<vmem>>
      %dma_wait3A_165 = arith.constant 0 : i32
      %dma_wait3A_166 = tpu.memref_slice %arg16[%add3A_14, %dma_wait3A_165] : memref<10128x128xf32, #tpu.memory_space<vmem_shared>> -> memref<128x128xf32, #tpu.memory_space<vmem_shared>>
      %dma_wait3A_167 = arith.constant 0 : i32
      %dma_wait3A_168 = tpu.memref_slice %arg16[%add3A_14, %dma_wait3A_167] : memref<10128x128xf32, #tpu.memory_space<vmem_shared>> -> memref<128x128xf32, #tpu.memory_space<vmem_shared>>
      %dma_wait3A_169 = arith.constant 0 : i32
      %dma_wait3A_170 = arith.constant 0 : i32
      %dma_wait3A_171 = tpu.memref_slice %arg10[%dma_wait3A_169, %dma_wait3A_170] : memref<128x128xf32, #tpu.memory_space<vmem>> -> memref<128x128xf32, #tpu.memory_space<vmem>>
      tpu.wait_dma2 semaphore(%run_scoped3A : memref<!tpu.dma_semaphore, #tpu.memory_space<semaphore_mem>>) src(%dma_wait3A_171 : memref<128x128xf32, #tpu.memory_space<vmem>>) dst(%dma_wait3A_168 : memref<128x128xf32, #tpu.memory_space<vmem_shared>>)
      tpu.yield
    }) : () -> ()
    %add3A_15 = arith.constant 256 : i32
    %add3A_16 = arith.addi %mul3A_2, %add3A_15 : i32
    "tpu.region"() ({
      %run_scoped3A = tpu.sem_alloc : memref<!tpu.dma_semaphore, #tpu.memory_space<semaphore_mem>>
      %dma_start3A_152 = arith.constant 0 : i32
      %dma_start3A_153 = arith.constant 0 : i32
      %dma_start3A_154 = tpu.memref_slice %arg10[%dma_start3A_152, %dma_start3A_153] : memref<128x128xf32, #tpu.memory_space<vmem>> -> memref<128x128xf32, #tpu.memory_space<vmem>>
      %dma_start3A_155 = arith.constant 0 : i32
      %dma_start3A_156 = tpu.memref_slice %arg16[%add3A_16, %dma_start3A_155] : memref<10128x128xf32, #tpu.memory_space<vmem_shared>> -> memref<128x128xf32, #tpu.memory_space<vmem_shared>>
      %dma_start3A_157 = arith.constant 0 : i32
      %dma_start3A_158 = tpu.memref_slice %arg16[%add3A_16, %dma_start3A_157] : memref<10128x128xf32, #tpu.memory_space<vmem_shared>> -> memref<128x128xf32, #tpu.memory_space<vmem_shared>>
      %dma_start3A_159 = arith.constant 0 : i32
      %dma_start3A_160 = arith.constant 0 : i32
      %dma_start3A_161 = tpu.memref_slice %arg10[%dma_start3A_159, %dma_start3A_160] : memref<128x128xf32, #tpu.memory_space<vmem>> -> memref<128x128xf32, #tpu.memory_space<vmem>>
      tpu.enqueue_dma source(%dma_start3A_161 : memref<128x128xf32, #tpu.memory_space<vmem>>) target(%dma_start3A_158 : memref<128x128xf32, #tpu.memory_space<vmem_shared>>) target_semaphore(%run_scoped3A : memref<!tpu.dma_semaphore, #tpu.memory_space<semaphore_mem>>)
      %dma_wait3A_162 = arith.constant 0 : i32
      %dma_wait3A_163 = arith.constant 0 : i32
      %dma_wait3A_164 = tpu.memref_slice %arg10[%dma_wait3A_162, %dma_wait3A_163] : memref<128x128xf32, #tpu.memory_space<vmem>> -> memref<128x128xf32, #tpu.memory_space<vmem>>
      %dma_wait3A_165 = arith.constant 0 : i32
      %dma_wait3A_166 = tpu.memref_slice %arg16[%add3A_16, %dma_wait3A_165] : memref<10128x128xf32, #tpu.memory_space<vmem_shared>> -> memref<128x128xf32, #tpu.memory_space<vmem_shared>>
      %dma_wait3A_167 = arith.constant 0 : i32
      %dma_wait3A_168 = tpu.memref_slice %arg16[%add3A_16, %dma_wait3A_167] : memref<10128x128xf32, #tpu.memory_space<vmem_shared>> -> memref<128x128xf32, #tpu.memory_space<vmem_shared>>
      %dma_wait3A_169 = arith.constant 0 : i32
      %dma_wait3A_170 = arith.constant 0 : i32
      %dma_wait3A_171 = tpu.memref_slice %arg10[%dma_wait3A_169, %dma_wait3A_170] : memref<128x128xf32, #tpu.memory_space<vmem>> -> memref<128x128xf32, #tpu.memory_space<vmem>>
      tpu.wait_dma2 semaphore(%run_scoped3A : memref<!tpu.dma_semaphore, #tpu.memory_space<semaphore_mem>>) src(%dma_wait3A_171 : memref<128x128xf32, #tpu.memory_space<vmem>>) dst(%dma_wait3A_168 : memref<128x128xf32, #tpu.memory_space<vmem_shared>>)
      tpu.yield
    }) : () -> ()
    %add3A_17 = arith.constant 384 : i32
    %add3A_18 = arith.addi %mul3A_2, %add3A_17 : i32
    "tpu.region"() ({
      %run_scoped3A = tpu.sem_alloc : memref<!tpu.dma_semaphore, #tpu.memory_space<semaphore_mem>>
      %dma_start3A_152 = arith.constant 0 : i32
      %dma_start3A_153 = arith.constant 0 : i32
      %dma_start3A_154 = tpu.memref_slice %arg10[%dma_start3A_152, %dma_start3A_153] : memref<128x128xf32, #tpu.memory_space<vmem>> -> memref<128x128xf32, #tpu.memory_space<vmem>>
      %dma_start3A_155 = arith.constant 0 : i32
      %dma_start3A_156 = tpu.memref_slice %arg16[%add3A_18, %dma_start3A_155] : memref<10128x128xf32, #tpu.memory_space<vmem_shared>> -> memref<128x128xf32, #tpu.memory_space<vmem_shared>>
      %dma_start3A_157 = arith.constant 0 : i32
      %dma_start3A_158 = tpu.memref_slice %arg16[%add3A_18, %dma_start3A_157] : memref<10128x128xf32, #tpu.memory_space<vmem_shared>> -> memref<128x128xf32, #tpu.memory_space<vmem_shared>>
      %dma_start3A_159 = arith.constant 0 : i32
      %dma_start3A_160 = arith.constant 0 : i32
      %dma_start3A_161 = tpu.memref_slice %arg10[%dma_start3A_159, %dma_start3A_160] : memref<128x128xf32, #tpu.memory_space<vmem>> -> memref<128x128xf32, #tpu.memory_space<vmem>>
      tpu.enqueue_dma source(%dma_start3A_161 : memref<128x128xf32, #tpu.memory_space<vmem>>) target(%dma_start3A_158 : memref<128x128xf32, #tpu.memory_space<vmem_shared>>) target_semaphore(%run_scoped3A : memref<!tpu.dma_semaphore, #tpu.memory_space<semaphore_mem>>)
      %dma_wait3A_162 = arith.constant 0 : i32
      %dma_wait3A_163 = arith.constant 0 : i32
      %dma_wait3A_164 = tpu.memref_slice %arg10[%dma_wait3A_162, %dma_wait3A_163] : memref<128x128xf32, #tpu.memory_space<vmem>> -> memref<128x128xf32, #tpu.memory_space<vmem>>
      %dma_wait3A_165 = arith.constant 0 : i32
      %dma_wait3A_166 = tpu.memref_slice %arg16[%add3A_18, %dma_wait3A_165] : memref<10128x128xf32, #tpu.memory_space<vmem_shared>> -> memref<128x128xf32, #tpu.memory_space<vmem_shared>>
      %dma_wait3A_167 = arith.constant 0 : i32
      %dma_wait3A_168 = tpu.memref_slice %arg16[%add3A_18, %dma_wait3A_167] : memref<10128x128xf32, #tpu.memory_space<vmem_shared>> -> memref<128x128xf32, #tpu.memory_space<vmem_shared>>
      %dma_wait3A_169 = arith.constant 0 : i32
      %dma_wait3A_170 = arith.constant 0 : i32
      %dma_wait3A_171 = tpu.memref_slice %arg10[%dma_wait3A_169, %dma_wait3A_170] : memref<128x128xf32, #tpu.memory_space<vmem>> -> memref<128x128xf32, #tpu.memory_space<vmem>>
      tpu.wait_dma2 semaphore(%run_scoped3A : memref<!tpu.dma_semaphore, #tpu.memory_space<semaphore_mem>>) src(%dma_wait3A_171 : memref<128x128xf32, #tpu.memory_space<vmem>>) dst(%dma_wait3A_168 : memref<128x128xf32, #tpu.memory_space<vmem_shared>>)
      tpu.yield
    }) : () -> ()
    %add3A_19 = arith.constant 512 : i32
    %add3A_20 = arith.addi %mul3A_2, %add3A_19 : i32
    "tpu.region"() ({
      %run_scoped3A = tpu.sem_alloc : memref<!tpu.dma_semaphore, #tpu.memory_space<semaphore_mem>>
      %dma_start3A_152 = arith.constant 0 : i32
      %dma_start3A_153 = arith.constant 0 : i32
      %dma_start3A_154 = tpu.memref_slice %arg10[%dma_start3A_152, %dma_start3A_153] : memref<128x128xf32, #tpu.memory_space<vmem>> -> memref<112x128xf32, #tpu.memory_space<vmem>>
      %dma_start3A_155 = arith.constant 0 : i32
      %dma_start3A_156 = tpu.memref_slice %arg16[%add3A_20, %dma_start3A_155] : memref<10128x128xf32, #tpu.memory_space<vmem_shared>> -> memref<112x128xf32, #tpu.memory_space<vmem_shared>>
      %dma_start3A_157 = arith.constant 0 : i32
      %dma_start3A_158 = tpu.memref_slice %arg16[%add3A_20, %dma_start3A_157] : memref<10128x128xf32, #tpu.memory_space<vmem_shared>> -> memref<112x128xf32, #tpu.memory_space<vmem_shared>>
      %dma_start3A_159 = arith.constant 0 : i32
      %dma_start3A_160 = arith.constant 0 : i32
      %dma_start3A_161 = tpu.memref_slice %arg10[%dma_start3A_159, %dma_start3A_160] : memref<128x128xf32, #tpu.memory_space<vmem>> -> memref<112x128xf32, #tpu.memory_space<vmem>>
      tpu.enqueue_dma source(%dma_start3A_161 : memref<112x128xf32, #tpu.memory_space<vmem>>) target(%dma_start3A_158 : memref<112x128xf32, #tpu.memory_space<vmem_shared>>) target_semaphore(%run_scoped3A : memref<!tpu.dma_semaphore, #tpu.memory_space<semaphore_mem>>)
      %dma_wait3A_162 = arith.constant 0 : i32
      %dma_wait3A_163 = arith.constant 0 : i32
      %dma_wait3A_164 = tpu.memref_slice %arg10[%dma_wait3A_162, %dma_wait3A_163] : memref<128x128xf32, #tpu.memory_space<vmem>> -> memref<112x128xf32, #tpu.memory_space<vmem>>
      %dma_wait3A_165 = arith.constant 0 : i32
      %dma_wait3A_166 = tpu.memref_slice %arg16[%add3A_20, %dma_wait3A_165] : memref<10128x128xf32, #tpu.memory_space<vmem_shared>> -> memref<112x128xf32, #tpu.memory_space<vmem_shared>>
      %dma_wait3A_167 = arith.constant 0 : i32
      %dma_wait3A_168 = tpu.memref_slice %arg16[%add3A_20, %dma_wait3A_167] : memref<10128x128xf32, #tpu.memory_space<vmem_shared>> -> memref<112x128xf32, #tpu.memory_space<vmem_shared>>
      %dma_wait3A_169 = arith.constant 0 : i32
      %dma_wait3A_170 = arith.constant 0 : i32
      %dma_wait3A_171 = tpu.memref_slice %arg10[%dma_wait3A_169, %dma_wait3A_170] : memref<128x128xf32, #tpu.memory_space<vmem>> -> memref<112x128xf32, #tpu.memory_space<vmem>>
      tpu.wait_dma2 semaphore(%run_scoped3A : memref<!tpu.dma_semaphore, #tpu.memory_space<semaphore_mem>>) src(%dma_wait3A_171 : memref<112x128xf32, #tpu.memory_space<vmem>>) dst(%dma_wait3A_168 : memref<112x128xf32, #tpu.memory_space<vmem_shared>>)
      tpu.yield
    }) : () -> ()
    %eq3A = arith.constant 15 : i32
    %eq3A_21 = arith.cmpi eq, %arg1, %eq3A : i32
    %convert_element_type3A = arith.extui %eq3A_21 : i1 to i32
    %cond3A = arith.constant 0 : i32
    %cond3A_22 = arith.cmpi ne, %convert_element_type3A, %cond3A : i32
    scf.if %cond3A_22 {
      "tpu.region"() ({
        %run_scoped3A = tpu.sem_alloc : memref<!tpu.dma_semaphore, #tpu.memory_space<semaphore_mem>>
        %dma_start3A_152 = arith.constant 0 : i32
        %dma_start3A_153 = arith.constant 0 : i32
        %dma_start3A_154 = tpu.memref_slice %arg10[%dma_start3A_152, %dma_start3A_153] : memref<128x128xf32, #tpu.memory_space<vmem>> -> memref<16x128xf32, #tpu.memory_space<vmem>>
        %dma_start3A_155 = arith.constant 9984 : i32
        %dma_start3A_156 = arith.constant 0 : i32
        %dma_start3A_157 = tpu.memref_slice %arg16[%dma_start3A_155, %dma_start3A_156] : memref<10128x128xf32, #tpu.memory_space<vmem_shared>> -> memref<16x128xf32, #tpu.memory_space<vmem_shared>>
        %dma_start3A_158 = arith.constant 9984 : i32
        %dma_start3A_159 = arith.constant 0 : i32
        %dma_start3A_160 = tpu.memref_slice %arg16[%dma_start3A_158, %dma_start3A_159] : memref<10128x128xf32, #tpu.memory_space<vmem_shared>> -> memref<16x128xf32, #tpu.memory_space<vmem_shared>>
        %dma_start3A_161 = arith.constant 0 : i32
        %dma_start3A_162 = arith.constant 0 : i32
        %dma_start3A_163 = tpu.memref_slice %arg10[%dma_start3A_161, %dma_start3A_162] : memref<128x128xf32, #tpu.memory_space<vmem>> -> memref<16x128xf32, #tpu.memory_space<vmem>>
        tpu.enqueue_dma source(%dma_start3A_163 : memref<16x128xf32, #tpu.memory_space<vmem>>) target(%dma_start3A_160 : memref<16x128xf32, #tpu.memory_space<vmem_shared>>) target_semaphore(%run_scoped3A : memref<!tpu.dma_semaphore, #tpu.memory_space<semaphore_mem>>)
        %dma_wait3A_164 = arith.constant 0 : i32
        %dma_wait3A_165 = arith.constant 0 : i32
        %dma_wait3A_166 = tpu.memref_slice %arg10[%dma_wait3A_164, %dma_wait3A_165] : memref<128x128xf32, #tpu.memory_space<vmem>> -> memref<16x128xf32, #tpu.memory_space<vmem>>
        %dma_wait3A_167 = arith.constant 9984 : i32
        %dma_wait3A_168 = arith.constant 0 : i32
        %dma_wait3A_169 = tpu.memref_slice %arg16[%dma_wait3A_167, %dma_wait3A_168] : memref<10128x128xf32, #tpu.memory_space<vmem_shared>> -> memref<16x128xf32, #tpu.memory_space<vmem_shared>>
        %dma_wait3A_170 = arith.constant 9984 : i32
        %dma_wait3A_171 = arith.constant 0 : i32
        %dma_wait3A_172 = tpu.memref_slice %arg16[%dma_wait3A_170, %dma_wait3A_171] : memref<10128x128xf32, #tpu.memory_space<vmem_shared>> -> memref<16x128xf32, #tpu.memory_space<vmem_shared>>
        %dma_wait3A_173 = arith.constant 0 : i32
        %dma_wait3A_174 = arith.constant 0 : i32
        %dma_wait3A_175 = tpu.memref_slice %arg10[%dma_wait3A_173, %dma_wait3A_174] : memref<128x128xf32, #tpu.memory_space<vmem>> -> memref<16x128xf32, #tpu.memory_space<vmem>>
        tpu.wait_dma2 semaphore(%run_scoped3A : memref<!tpu.dma_semaphore, #tpu.memory_space<semaphore_mem>>) src(%dma_wait3A_175 : memref<16x128xf32, #tpu.memory_space<vmem>>) dst(%dma_wait3A_172 : memref<16x128xf32, #tpu.memory_space<vmem_shared>>)
        tpu.yield
      }) : () -> ()
    } else {
    }
    %barrier3A = arith.constant 0 : index
    tpu.barrier barrier_id(%barrier3A)
    %add3A_23 = arith.constant 0 : i32
    %add3A_24 = arith.addi %mul3A_4, %add3A_23 : i32
    %dma_start3A = tpu.memref_slice %arg4[%add3A_24] : memref<327680xi32, #tpu.memory_space<hbm>> -> memref<128xi32, #tpu.memory_space<hbm>>
    %dma_start3A_25 = tpu.memref_slice %arg4[%add3A_24] : memref<327680xi32, #tpu.memory_space<hbm>> -> memref<128xi32, #tpu.memory_space<hbm>>
    tpu.enqueue_dma source(%dma_start3A_25 : memref<128xi32, #tpu.memory_space<hbm>>) target(%arg8 : memref<128xi32, #tpu.memory_space<vmem>>) target_semaphore(%arg14 : memref<!tpu.dma_semaphore, #tpu.memory_space<semaphore_mem>>)
    %add3A_26 = arith.constant 128 : i32
    %add3A_27 = arith.addi %mul3A_4, %add3A_26 : i32
    %dma_start3A_28 = tpu.memref_slice %arg4[%add3A_27] : memref<327680xi32, #tpu.memory_space<hbm>> -> memref<128xi32, #tpu.memory_space<hbm>>
    %dma_start3A_29 = tpu.memref_slice %arg4[%add3A_27] : memref<327680xi32, #tpu.memory_space<hbm>> -> memref<128xi32, #tpu.memory_space<hbm>>
    tpu.enqueue_dma source(%dma_start3A_29 : memref<128xi32, #tpu.memory_space<hbm>>) target(%arg9 : memref<128xi32, #tpu.memory_space<vmem>>) target_semaphore(%arg15 : memref<!tpu.dma_semaphore, #tpu.memory_space<semaphore_mem>>)
    %dma_start3A_30 = arith.constant 0 : i32
    %dma_start3A_31 = tpu.memref_slice %arg7[%dma_start3A_30] : memref<10240xi32, #tpu.memory_space<vmem>> -> memref<128xi32, #tpu.memory_space<vmem>>
    %dma_start3A_32 = arith.constant 0 : i32
    %dma_start3A_33 = arith.constant 0 : i32
    %dma_start3A_34 = tpu.memref_slice %arg2[%dma_start3A_32, %dma_start3A_33] : memref<10000x128xf32, #tpu.memory_space<hbm>> -> memref<10000x128xf32, #tpu.memory_space<hbm>>
    tpu.enqueue_indirect_dma source(%dma_start3A_34 : memref<10000x128xf32, #tpu.memory_space<hbm>>) target(%arg10 : memref<128x128xf32, #tpu.memory_space<vmem>>) offsets(%dma_start3A_31 : memref<128xi32, #tpu.memory_space<vmem>>) semaphore(%arg12 : memref<!tpu.dma_semaphore, #tpu.memory_space<semaphore_mem>>)
    %dma_start3A_35 = arith.constant 128 : i32
    %dma_start3A_36 = tpu.memref_slice %arg7[%dma_start3A_35] : memref<10240xi32, #tpu.memory_space<vmem>> -> memref<128xi32, #tpu.memory_space<vmem>>
    %dma_start3A_37 = arith.constant 0 : i32
    %dma_start3A_38 = arith.constant 0 : i32
    %dma_start3A_39 = tpu.memref_slice %arg2[%dma_start3A_37, %dma_start3A_38] : memref<10000x128xf32, #tpu.memory_space<hbm>> -> memref<10000x128xf32, #tpu.memory_space<hbm>>
    tpu.enqueue_indirect_dma source(%dma_start3A_39 : memref<10000x128xf32, #tpu.memory_space<hbm>>) target(%arg11 : memref<128x128xf32, #tpu.memory_space<vmem>>) offsets(%dma_start3A_36 : memref<128xi32, #tpu.memory_space<vmem>>) semaphore(%arg13 : memref<!tpu.dma_semaphore, #tpu.memory_space<semaphore_mem>>)
    %scan3A_40 = arith.constant 0 : i32
    %scan3A_41 = arith.constant 0 : i32
    %scan3A_42 = arith.constant 39 : i32
    %scan3A_43 = arith.addi %scan3A_41, %scan3A_42 : i32
    %scan3A_44 = arith.constant 1 : i32
    scf.for %scan3A_152 = %scan3A_41 to %scan3A_43 step %scan3A_44  : i32 {
      %mul3A_153 = arith.constant 2 : i32
      %mul3A_154 = arith.muli %mul3A_153, %scan3A_152 : i32
      %dma_wait3A_155 = arith.constant 0 : i32
      %dma_wait3A_156 = arith.constant 0 : i32
      %dma_wait3A_157 = tpu.memref_slice %arg2[%dma_wait3A_155, %dma_wait3A_156] : memref<10000x128xf32, #tpu.memory_space<hbm>> -> memref<128x128xf32, #tpu.memory_space<hbm>>
      %dma_wait3A_158 = arith.constant 0 : i32
      %dma_wait3A_159 = arith.constant 0 : i32
      %dma_wait3A_160 = tpu.memref_slice %arg2[%dma_wait3A_158, %dma_wait3A_159] : memref<10000x128xf32, #tpu.memory_space<hbm>> -> memref<128x128xf32, #tpu.memory_space<hbm>>
      tpu.wait_dma2 semaphore(%arg12 : memref<!tpu.dma_semaphore, #tpu.memory_space<semaphore_mem>>) src(%dma_wait3A_160 : memref<128x128xf32, #tpu.memory_space<hbm>>) dst(%arg10 : memref<128x128xf32, #tpu.memory_space<vmem>>)
      %dma_wait3A_161 = arith.constant 0 : i32
      %dma_wait3A_162 = tpu.memref_slice %arg4[%dma_wait3A_161] : memref<327680xi32, #tpu.memory_space<hbm>> -> memref<128xi32, #tpu.memory_space<hbm>>
      %dma_wait3A_163 = arith.constant 0 : i32
      %dma_wait3A_164 = tpu.memref_slice %arg4[%dma_wait3A_163] : memref<327680xi32, #tpu.memory_space<hbm>> -> memref<128xi32, #tpu.memory_space<hbm>>
      tpu.wait_dma2 semaphore(%arg14 : memref<!tpu.dma_semaphore, #tpu.memory_space<semaphore_mem>>) src(%dma_wait3A_164 : memref<128xi32, #tpu.memory_space<hbm>>) dst(%arg8 : memref<128xi32, #tpu.memory_space<vmem>>)
      "tpu.region"() ({
        %run_scoped3A = tpu.sem_alloc : memref<!tpu.dma_semaphore, #tpu.memory_space<semaphore_mem>>
        %dma_start3A_205 = arith.constant 0 : i32
        %dma_start3A_206 = arith.constant 0 : i32
        %dma_start3A_207 = tpu.memref_slice %arg16[%dma_start3A_205, %dma_start3A_206] : memref<10128x128xf32, #tpu.memory_space<vmem_shared>> -> memref<10128x128xf32, #tpu.memory_space<vmem_shared>>
        tpu.enqueue_indirect_dma source(%arg10 : memref<128x128xf32, #tpu.memory_space<vmem>>) target(%dma_start3A_207 : memref<10128x128xf32, #tpu.memory_space<vmem_shared>>) offsets(%arg8 : memref<128xi32, #tpu.memory_space<vmem>>) semaphore(%run_scoped3A : memref<!tpu.dma_semaphore, #tpu.memory_space<semaphore_mem>>) {add = true}
        %dma_wait3A_208 = arith.constant 0 : i32
        %dma_wait3A_209 = arith.constant 0 : i32
        %dma_wait3A_210 = tpu.memref_slice %arg16[%dma_wait3A_208, %dma_wait3A_209] : memref<10128x128xf32, #tpu.memory_space<vmem_shared>> -> memref<10128x128xf32, #tpu.memory_space<vmem_shared>>
        tpu.wait_indirect_dma semaphore(%run_scoped3A : memref<!tpu.dma_semaphore, #tpu.memory_space<semaphore_mem>>) src(%arg10 : memref<128x128xf32, #tpu.memory_space<vmem>>) dst(%dma_wait3A_210 : memref<10128x128xf32, #tpu.memory_space<vmem_shared>>)
        tpu.yield
      }) : () -> ()
      %add3A_165 = arith.constant 2 : i32
      %add3A_166 = arith.addi %mul3A_154, %add3A_165 : i32
      %mul3A_167 = arith.constant 128 : i32
      %mul3A_168 = arith.muli %add3A_166, %mul3A_167 : i32
      %dma_start3A_169 = tpu.memref_slice %arg7[%mul3A_168] : memref<10240xi32, #tpu.memory_space<vmem>> -> memref<128xi32, #tpu.memory_space<vmem>>
      %dma_start3A_170 = arith.constant 0 : i32
      %dma_start3A_171 = arith.constant 0 : i32
      %dma_start3A_172 = tpu.memref_slice %arg2[%dma_start3A_170, %dma_start3A_171] : memref<10000x128xf32, #tpu.memory_space<hbm>> -> memref<10000x128xf32, #tpu.memory_space<hbm>>
      tpu.enqueue_indirect_dma source(%dma_start3A_172 : memref<10000x128xf32, #tpu.memory_space<hbm>>) target(%arg10 : memref<128x128xf32, #tpu.memory_space<vmem>>) offsets(%dma_start3A_169 : memref<128xi32, #tpu.memory_space<vmem>>) semaphore(%arg12 : memref<!tpu.dma_semaphore, #tpu.memory_space<semaphore_mem>>)
      %add3A_173 = arith.constant 2 : i32
      %add3A_174 = arith.addi %mul3A_154, %add3A_173 : i32
      %mul3A_175 = arith.constant 128 : i32
      %mul3A_176 = arith.muli %add3A_174, %mul3A_175 : i32
      %add3A_177 = arith.addi %mul3A_4, %mul3A_176 : i32
      %dma_start3A_178 = tpu.memref_slice %arg4[%add3A_177] : memref<327680xi32, #tpu.memory_space<hbm>> -> memref<128xi32, #tpu.memory_space<hbm>>
      %dma_start3A_179 = tpu.memref_slice %arg4[%add3A_177] : memref<327680xi32, #tpu.memory_space<hbm>> -> memref<128xi32, #tpu.memory_space<hbm>>
      tpu.enqueue_dma source(%dma_start3A_179 : memref<128xi32, #tpu.memory_space<hbm>>) target(%arg8 : memref<128xi32, #tpu.memory_space<vmem>>) target_semaphore(%arg14 : memref<!tpu.dma_semaphore, #tpu.memory_space<semaphore_mem>>)
      %dma_wait3A_180 = arith.constant 0 : i32
      %dma_wait3A_181 = arith.constant 0 : i32
      %dma_wait3A_182 = tpu.memref_slice %arg2[%dma_wait3A_180, %dma_wait3A_181] : memref<10000x128xf32, #tpu.memory_space<hbm>> -> memref<128x128xf32, #tpu.memory_space<hbm>>
      %dma_wait3A_183 = arith.constant 0 : i32
      %dma_wait3A_184 = arith.constant 0 : i32
      %dma_wait3A_185 = tpu.memref_slice %arg2[%dma_wait3A_183, %dma_wait3A_184] : memref<10000x128xf32, #tpu.memory_space<hbm>> -> memref<128x128xf32, #tpu.memory_space<hbm>>
      tpu.wait_dma2 semaphore(%arg13 : memref<!tpu.dma_semaphore, #tpu.memory_space<semaphore_mem>>) src(%dma_wait3A_185 : memref<128x128xf32, #tpu.memory_space<hbm>>) dst(%arg11 : memref<128x128xf32, #tpu.memory_space<vmem>>)
      %dma_wait3A_186 = arith.constant 0 : i32
      %dma_wait3A_187 = tpu.memref_slice %arg4[%dma_wait3A_186] : memref<327680xi32, #tpu.memory_space<hbm>> -> memref<128xi32, #tpu.memory_space<hbm>>
      %dma_wait3A_188 = arith.constant 0 : i32
      %dma_wait3A_189 = tpu.memref_slice %arg4[%dma_wait3A_188] : memref<327680xi32, #tpu.memory_space<hbm>> -> memref<128xi32, #tpu.memory_space<hbm>>
      tpu.wait_dma2 semaphore(%arg15 : memref<!tpu.dma_semaphore, #tpu.memory_space<semaphore_mem>>) src(%dma_wait3A_189 : memref<128xi32, #tpu.memory_space<hbm>>) dst(%arg9 : memref<128xi32, #tpu.memory_space<vmem>>)
      "tpu.region"() ({
        %run_scoped3A = tpu.sem_alloc : memref<!tpu.dma_semaphore, #tpu.memory_space<semaphore_mem>>
        %dma_start3A_205 = arith.constant 0 : i32
        %dma_start3A_206 = arith.constant 0 : i32
        %dma_start3A_207 = tpu.memref_slice %arg16[%dma_start3A_205, %dma_start3A_206] : memref<10128x128xf32, #tpu.memory_space<vmem_shared>> -> memref<10128x128xf32, #tpu.memory_space<vmem_shared>>
        tpu.enqueue_indirect_dma source(%arg11 : memref<128x128xf32, #tpu.memory_space<vmem>>) target(%dma_start3A_207 : memref<10128x128xf32, #tpu.memory_space<vmem_shared>>) offsets(%arg9 : memref<128xi32, #tpu.memory_space<vmem>>) semaphore(%run_scoped3A : memref<!tpu.dma_semaphore, #tpu.memory_space<semaphore_mem>>) {add = true}
        %dma_wait3A_208 = arith.constant 0 : i32
        %dma_wait3A_209 = arith.constant 0 : i32
        %dma_wait3A_210 = tpu.memref_slice %arg16[%dma_wait3A_208, %dma_wait3A_209] : memref<10128x128xf32, #tpu.memory_space<vmem_shared>> -> memref<10128x128xf32, #tpu.memory_space<vmem_shared>>
        tpu.wait_indirect_dma semaphore(%run_scoped3A : memref<!tpu.dma_semaphore, #tpu.memory_space<semaphore_mem>>) src(%arg11 : memref<128x128xf32, #tpu.memory_space<vmem>>) dst(%dma_wait3A_210 : memref<10128x128xf32, #tpu.memory_space<vmem_shared>>)
        tpu.yield
      }) : () -> ()
      %add3A_190 = arith.constant 3 : i32
      %add3A_191 = arith.addi %mul3A_154, %add3A_190 : i32
      %mul3A_192 = arith.constant 128 : i32
      %mul3A_193 = arith.muli %add3A_191, %mul3A_192 : i32
      %dma_start3A_194 = tpu.memref_slice %arg7[%mul3A_193] : memref<10240xi32, #tpu.memory_space<vmem>> -> memref<128xi32, #tpu.memory_space<vmem>>
      %dma_start3A_195 = arith.constant 0 : i32
      %dma_start3A_196 = arith.constant 0 : i32
      %dma_start3A_197 = tpu.memref_slice %arg2[%dma_start3A_195, %dma_start3A_196] : memref<10000x128xf32, #tpu.memory_space<hbm>> -> memref<10000x128xf32, #tpu.memory_space<hbm>>
      tpu.enqueue_indirect_dma source(%dma_start3A_197 : memref<10000x128xf32, #tpu.memory_space<hbm>>) target(%arg11 : memref<128x128xf32, #tpu.memory_space<vmem>>) offsets(%dma_start3A_194 : memref<128xi32, #tpu.memory_space<vmem>>) semaphore(%arg13 : memref<!tpu.dma_semaphore, #tpu.memory_space<semaphore_mem>>)
      %add3A_198 = arith.constant 3 : i32
      %add3A_199 = arith.addi %mul3A_154, %add3A_198 : i32
      %mul3A_200 = arith.constant 128 : i32
      %mul3A_201 = arith.muli %add3A_199, %mul3A_200 : i32
      %add3A_202 = arith.addi %mul3A_4, %mul3A_201 : i32
      %dma_start3A_203 = tpu.memref_slice %arg4[%add3A_202] : memref<327680xi32, #tpu.memory_space<hbm>> -> memref<128xi32, #tpu.memory_space<hbm>>
      %dma_start3A_204 = tpu.memref_slice %arg4[%add3A_202] : memref<327680xi32, #tpu.memory_space<hbm>> -> memref<128xi32, #tpu.memory_space<hbm>>
      tpu.enqueue_dma source(%dma_start3A_204 : memref<128xi32, #tpu.memory_space<hbm>>) target(%arg9 : memref<128xi32, #tpu.memory_space<vmem>>) target_semaphore(%arg15 : memref<!tpu.dma_semaphore, #tpu.memory_space<semaphore_mem>>)
    }
    %scan3A_45 = arith.constant 39 : i32
    %dma_wait3A = arith.constant 0 : i32
    %dma_wait3A_46 = arith.constant 0 : i32
    %dma_wait3A_47 = tpu.memref_slice %arg2[%dma_wait3A, %dma_wait3A_46] : memref<10000x128xf32, #tpu.memory_space<hbm>> -> memref<128x128xf32, #tpu.memory_space<hbm>>
    %dma_wait3A_48 = arith.constant 0 : i32
    %dma_wait3A_49 = arith.constant 0 : i32
    %dma_wait3A_50 = tpu.memref_slice %arg2[%dma_wait3A_48, %dma_wait3A_49] : memref<10000x128xf32, #tpu.memory_space<hbm>> -> memref<128x128xf32, #tpu.memory_space<hbm>>
    tpu.wait_dma2 semaphore(%arg12 : memref<!tpu.dma_semaphore, #tpu.memory_space<semaphore_mem>>) src(%dma_wait3A_50 : memref<128x128xf32, #tpu.memory_space<hbm>>) dst(%arg10 : memref<128x128xf32, #tpu.memory_space<vmem>>)
    %dma_wait3A_51 = arith.constant 0 : i32
    %dma_wait3A_52 = tpu.memref_slice %arg4[%dma_wait3A_51] : memref<327680xi32, #tpu.memory_space<hbm>> -> memref<128xi32, #tpu.memory_space<hbm>>
    %dma_wait3A_53 = arith.constant 0 : i32
    %dma_wait3A_54 = tpu.memref_slice %arg4[%dma_wait3A_53] : memref<327680xi32, #tpu.memory_space<hbm>> -> memref<128xi32, #tpu.memory_space<hbm>>
    tpu.wait_dma2 semaphore(%arg14 : memref<!tpu.dma_semaphore, #tpu.memory_space<semaphore_mem>>) src(%dma_wait3A_54 : memref<128xi32, #tpu.memory_space<hbm>>) dst(%arg8 : memref<128xi32, #tpu.memory_space<vmem>>)
    "tpu.region"() ({
      %run_scoped3A = tpu.sem_alloc : memref<!tpu.dma_semaphore, #tpu.memory_space<semaphore_mem>>
      %dma_start3A_152 = arith.constant 0 : i32
      %dma_start3A_153 = arith.constant 0 : i32
      %dma_start3A_154 = tpu.memref_slice %arg16[%dma_start3A_152, %dma_start3A_153] : memref<10128x128xf32, #tpu.memory_space<vmem_shared>> -> memref<10128x128xf32, #tpu.memory_space<vmem_shared>>
      tpu.enqueue_indirect_dma source(%arg10 : memref<128x128xf32, #tpu.memory_space<vmem>>) target(%dma_start3A_154 : memref<10128x128xf32, #tpu.memory_space<vmem_shared>>) offsets(%arg8 : memref<128xi32, #tpu.memory_space<vmem>>) semaphore(%run_scoped3A : memref<!tpu.dma_semaphore, #tpu.memory_space<semaphore_mem>>) {add = true}
      %dma_wait3A_155 = arith.constant 0 : i32
      %dma_wait3A_156 = arith.constant 0 : i32
      %dma_wait3A_157 = tpu.memref_slice %arg16[%dma_wait3A_155, %dma_wait3A_156] : memref<10128x128xf32, #tpu.memory_space<vmem_shared>> -> memref<10128x128xf32, #tpu.memory_space<vmem_shared>>
      tpu.wait_indirect_dma semaphore(%run_scoped3A : memref<!tpu.dma_semaphore, #tpu.memory_space<semaphore_mem>>) src(%arg10 : memref<128x128xf32, #tpu.memory_space<vmem>>) dst(%dma_wait3A_157 : memref<10128x128xf32, #tpu.memory_space<vmem_shared>>)
      tpu.yield
    }) : () -> ()
    %dma_wait3A_55 = arith.constant 0 : i32
    %dma_wait3A_56 = arith.constant 0 : i32
    %dma_wait3A_57 = tpu.memref_slice %arg2[%dma_wait3A_55, %dma_wait3A_56] : memref<10000x128xf32, #tpu.memory_space<hbm>> -> memref<128x128xf32, #tpu.memory_space<hbm>>
    %dma_wait3A_58 = arith.constant 0 : i32
    %dma_wait3A_59 = arith.constant 0 : i32
    %dma_wait3A_60 = tpu.memref_slice %arg2[%dma_wait3A_58, %dma_wait3A_59] : memref<10000x128xf32, #tpu.memory_space<hbm>> -> memref<128x128xf32, #tpu.memory_space<hbm>>
    tpu.wait_dma2 semaphore(%arg13 : memref<!tpu.dma_semaphore, #tpu.memory_space<semaphore_mem>>) src(%dma_wait3A_60 : memref<128x128xf32, #tpu.memory_space<hbm>>) dst(%arg11 : memref<128x128xf32, #tpu.memory_space<vmem>>)
    %dma_wait3A_61 = arith.constant 0 : i32
    %dma_wait3A_62 = tpu.memref_slice %arg4[%dma_wait3A_61] : memref<327680xi32, #tpu.memory_space<hbm>> -> memref<128xi32, #tpu.memory_space<hbm>>
    %dma_wait3A_63 = arith.constant 0 : i32
    %dma_wait3A_64 = tpu.memref_slice %arg4[%dma_wait3A_63] : memref<327680xi32, #tpu.memory_space<hbm>> -> memref<128xi32, #tpu.memory_space<hbm>>
    tpu.wait_dma2 semaphore(%arg15 : memref<!tpu.dma_semaphore, #tpu.memory_space<semaphore_mem>>) src(%dma_wait3A_64 : memref<128xi32, #tpu.memory_space<hbm>>) dst(%arg9 : memref<128xi32, #tpu.memory_space<vmem>>)
    "tpu.region"() ({
      %run_scoped3A = tpu.sem_alloc : memref<!tpu.dma_semaphore, #tpu.memory_space<semaphore_mem>>
      %dma_start3A_152 = arith.constant 0 : i32
      %dma_start3A_153 = arith.constant 0 : i32
      %dma_start3A_154 = tpu.memref_slice %arg16[%dma_start3A_152, %dma_start3A_153] : memref<10128x128xf32, #tpu.memory_space<vmem_shared>> -> memref<10128x128xf32, #tpu.memory_space<vmem_shared>>
      tpu.enqueue_indirect_dma source(%arg11 : memref<128x128xf32, #tpu.memory_space<vmem>>) target(%dma_start3A_154 : memref<10128x128xf32, #tpu.memory_space<vmem_shared>>) offsets(%arg9 : memref<128xi32, #tpu.memory_space<vmem>>) semaphore(%run_scoped3A : memref<!tpu.dma_semaphore, #tpu.memory_space<semaphore_mem>>) {add = true}
      %dma_wait3A_155 = arith.constant 0 : i32
      %dma_wait3A_156 = arith.constant 0 : i32
      %dma_wait3A_157 = tpu.memref_slice %arg16[%dma_wait3A_155, %dma_wait3A_156] : memref<10128x128xf32, #tpu.memory_space<vmem_shared>> -> memref<10128x128xf32, #tpu.memory_space<vmem_shared>>
      tpu.wait_indirect_dma semaphore(%run_scoped3A : memref<!tpu.dma_semaphore, #tpu.memory_space<semaphore_mem>>) src(%arg11 : memref<128x128xf32, #tpu.memory_space<vmem>>) dst(%dma_wait3A_157 : memref<10128x128xf32, #tpu.memory_space<vmem_shared>>)
      tpu.yield
    }) : () -> ()
    %barrier3A_65 = arith.constant 0 : index
    tpu.barrier barrier_id(%barrier3A_65)
    %add3A_66 = arith.constant 0 : i32
    %add3A_67 = arith.addi %mul3A_2, %add3A_66 : i32
    "tpu.region"() ({
      %run_scoped3A = tpu.sem_alloc : memref<!tpu.dma_semaphore, #tpu.memory_space<semaphore_mem>>
      %dma_start3A_152 = arith.constant 0 : i32
      %dma_start3A_153 = arith.constant 0 : i32
      %dma_start3A_154 = tpu.memref_slice %arg10[%dma_start3A_152, %dma_start3A_153] : memref<128x128xf32, #tpu.memory_space<vmem>> -> memref<128x128xf32, #tpu.memory_space<vmem>>
      %dma_start3A_155 = arith.constant 0 : i32
      %dma_start3A_156 = tpu.memref_slice %arg16[%add3A_67, %dma_start3A_155] : memref<10128x128xf32, #tpu.memory_space<vmem_shared>> -> memref<128x128xf32, #tpu.memory_space<vmem_shared>>
      %dma_start3A_157 = arith.constant 0 : i32
      %dma_start3A_158 = arith.constant 0 : i32
      %dma_start3A_159 = tpu.memref_slice %arg10[%dma_start3A_157, %dma_start3A_158] : memref<128x128xf32, #tpu.memory_space<vmem>> -> memref<128x128xf32, #tpu.memory_space<vmem>>
      %dma_start3A_160 = arith.constant 0 : i32
      %dma_start3A_161 = tpu.memref_slice %arg16[%add3A_67, %dma_start3A_160] : memref<10128x128xf32, #tpu.memory_space<vmem_shared>> -> memref<128x128xf32, #tpu.memory_space<vmem_shared>>
      tpu.enqueue_dma source(%dma_start3A_161 : memref<128x128xf32, #tpu.memory_space<vmem_shared>>) target(%dma_start3A_159 : memref<128x128xf32, #tpu.memory_space<vmem>>) target_semaphore(%run_scoped3A : memref<!tpu.dma_semaphore, #tpu.memory_space<semaphore_mem>>)
      %dma_wait3A_162 = arith.constant 0 : i32
      %dma_wait3A_163 = arith.constant 0 : i32
      %dma_wait3A_164 = tpu.memref_slice %arg10[%dma_wait3A_162, %dma_wait3A_163] : memref<128x128xf32, #tpu.memory_space<vmem>> -> memref<128x128xf32, #tpu.memory_space<vmem>>
      %dma_wait3A_165 = arith.constant 0 : i32
      %dma_wait3A_166 = tpu.memref_slice %arg16[%add3A_67, %dma_wait3A_165] : memref<10128x128xf32, #tpu.memory_space<vmem_shared>> -> memref<128x128xf32, #tpu.memory_space<vmem_shared>>
      %dma_wait3A_167 = arith.constant 0 : i32
      %dma_wait3A_168 = arith.constant 0 : i32
      %dma_wait3A_169 = tpu.memref_slice %arg10[%dma_wait3A_167, %dma_wait3A_168] : memref<128x128xf32, #tpu.memory_space<vmem>> -> memref<128x128xf32, #tpu.memory_space<vmem>>
      %dma_wait3A_170 = arith.constant 0 : i32
      %dma_wait3A_171 = tpu.memref_slice %arg16[%add3A_67, %dma_wait3A_170] : memref<10128x128xf32, #tpu.memory_space<vmem_shared>> -> memref<128x128xf32, #tpu.memory_space<vmem_shared>>
      tpu.wait_dma2 semaphore(%run_scoped3A : memref<!tpu.dma_semaphore, #tpu.memory_space<semaphore_mem>>) src(%dma_wait3A_171 : memref<128x128xf32, #tpu.memory_space<vmem_shared>>) dst(%dma_wait3A_169 : memref<128x128xf32, #tpu.memory_space<vmem>>)
      tpu.yield
    }) : () -> ()
    "tpu.region"() ({
      %run_scoped3A = tpu.sem_alloc : memref<!tpu.dma_semaphore, #tpu.memory_space<semaphore_mem>>
      %dma_start3A_152 = arith.constant 0 : i32
      %dma_start3A_153 = arith.constant 0 : i32
      %dma_start3A_154 = tpu.memref_slice %arg10[%dma_start3A_152, %dma_start3A_153] : memref<128x128xf32, #tpu.memory_space<vmem>> -> memref<128x128xf32, #tpu.memory_space<vmem>>
      %dma_start3A_155 = arith.constant 0 : i32
      %dma_start3A_156 = tpu.memref_slice %arg5[%arg0, %add3A_67, %dma_start3A_155] : memref<2x10000x128xf32, #tpu.memory_space<hbm>> -> memref<1x128x128xf32, #tpu.memory_space<hbm>>
      %dma_start3A_157 = tpu.memref_squeeze %dma_start3A_156 : memref<1x128x128xf32, #tpu.memory_space<hbm>> -> memref<128x128xf32, #tpu.memory_space<hbm>>
      %dma_start3A_158 = arith.constant 0 : i32
      %dma_start3A_159 = tpu.memref_slice %arg5[%arg0, %add3A_67, %dma_start3A_158] : memref<2x10000x128xf32, #tpu.memory_space<hbm>> -> memref<1x128x128xf32, #tpu.memory_space<hbm>>
      %dma_start3A_160 = tpu.memref_squeeze %dma_start3A_159 : memref<1x128x128xf32, #tpu.memory_space<hbm>> -> memref<128x128xf32, #tpu.memory_space<hbm>>
      %dma_start3A_161 = arith.constant 0 : i32
      %dma_start3A_162 = arith.constant 0 : i32
      %dma_start3A_163 = tpu.memref_slice %arg10[%dma_start3A_161, %dma_start3A_162] : memref<128x128xf32, #tpu.memory_space<vmem>> -> memref<128x128xf32, #tpu.memory_space<vmem>>
      tpu.enqueue_dma source(%dma_start3A_163 : memref<128x128xf32, #tpu.memory_space<vmem>>) target(%dma_start3A_160 : memref<128x128xf32, #tpu.memory_space<hbm>>) target_semaphore(%run_scoped3A : memref<!tpu.dma_semaphore, #tpu.memory_space<semaphore_mem>>)
      %dma_wait3A_164 = arith.constant 0 : i32
      %dma_wait3A_165 = arith.constant 0 : i32
      %dma_wait3A_166 = tpu.memref_slice %arg10[%dma_wait3A_164, %dma_wait3A_165] : memref<128x128xf32, #tpu.memory_space<vmem>> -> memref<128x128xf32, #tpu.memory_space<vmem>>
      %dma_wait3A_167 = arith.constant 0 : i32
      %dma_wait3A_168 = tpu.memref_slice %arg5[%arg0, %add3A_67, %dma_wait3A_167] : memref<2x10000x128xf32, #tpu.memory_space<hbm>> -> memref<1x128x128xf32, #tpu.memory_space<hbm>>
      %dma_wait3A_169 = tpu.memref_squeeze %dma_wait3A_168 : memref<1x128x128xf32, #tpu.memory_space<hbm>> -> memref<128x128xf32, #tpu.memory_space<hbm>>
      %dma_wait3A_170 = arith.constant 0 : i32
      %dma_wait3A_171 = tpu.memref_slice %arg5[%arg0, %add3A_67, %dma_wait3A_170] : memref<2x10000x128xf32, #tpu.memory_space<hbm>> -> memref<1x128x128xf32, #tpu.memory_space<hbm>>
      %dma_wait3A_172 = tpu.memref_squeeze %dma_wait3A_171 : memref<1x128x128xf32, #tpu.memory_space<hbm>> -> memref<128x128xf32, #tpu.memory_space<hbm>>
      %dma_wait3A_173 = arith.constant 0 : i32
      %dma_wait3A_174 = arith.constant 0 : i32
      %dma_wait3A_175 = tpu.memref_slice %arg10[%dma_wait3A_173, %dma_wait3A_174] : memref<128x128xf32, #tpu.memory_space<vmem>> -> memref<128x128xf32, #tpu.memory_space<vmem>>
      tpu.wait_dma2 semaphore(%run_scoped3A : memref<!tpu.dma_semaphore, #tpu.memory_space<semaphore_mem>>) src(%dma_wait3A_175 : memref<128x128xf32, #tpu.memory_space<vmem>>) dst(%dma_wait3A_172 : memref<128x128xf32, #tpu.memory_space<hbm>>)
      tpu.yield
    }) : () -> ()
    %add3A_68 = arith.constant 128 : i32
    %add3A_69 = arith.addi %mul3A_2, %add3A_68 : i32
    "tpu.region"() ({
      %run_scoped3A = tpu.sem_alloc : memref<!tpu.dma_semaphore, #tpu.memory_space<semaphore_mem>>
      %dma_start3A_152 = arith.constant 0 : i32
      %dma_start3A_153 = arith.constant 0 : i32
      %dma_start3A_154 = tpu.memref_slice %arg10[%dma_start3A_152, %dma_start3A_153] : memref<128x128xf32, #tpu.memory_space<vmem>> -> memref<128x128xf32, #tpu.memory_space<vmem>>
      %dma_start3A_155 = arith.constant 0 : i32
      %dma_start3A_156 = tpu.memref_slice %arg16[%add3A_69, %dma_start3A_155] : memref<10128x128xf32, #tpu.memory_space<vmem_shared>> -> memref<128x128xf32, #tpu.memory_space<vmem_shared>>
      %dma_start3A_157 = arith.constant 0 : i32
      %dma_start3A_158 = arith.constant 0 : i32
      %dma_start3A_159 = tpu.memref_slice %arg10[%dma_start3A_157, %dma_start3A_158] : memref<128x128xf32, #tpu.memory_space<vmem>> -> memref<128x128xf32, #tpu.memory_space<vmem>>
      %dma_start3A_160 = arith.constant 0 : i32
      %dma_start3A_161 = tpu.memref_slice %arg16[%add3A_69, %dma_start3A_160] : memref<10128x128xf32, #tpu.memory_space<vmem_shared>> -> memref<128x128xf32, #tpu.memory_space<vmem_shared>>
      tpu.enqueue_dma source(%dma_start3A_161 : memref<128x128xf32, #tpu.memory_space<vmem_shared>>) target(%dma_start3A_159 : memref<128x128xf32, #tpu.memory_space<vmem>>) target_semaphore(%run_scoped3A : memref<!tpu.dma_semaphore, #tpu.memory_space<semaphore_mem>>)
      %dma_wait3A_162 = arith.constant 0 : i32
      %dma_wait3A_163 = arith.constant 0 : i32
      %dma_wait3A_164 = tpu.memref_slice %arg10[%dma_wait3A_162, %dma_wait3A_163] : memref<128x128xf32, #tpu.memory_space<vmem>> -> memref<128x128xf32, #tpu.memory_space<vmem>>
      %dma_wait3A_165 = arith.constant 0 : i32
      %dma_wait3A_166 = tpu.memref_slice %arg16[%add3A_69, %dma_wait3A_165] : memref<10128x128xf32, #tpu.memory_space<vmem_shared>> -> memref<128x128xf32, #tpu.memory_space<vmem_shared>>
      %dma_wait3A_167 = arith.constant 0 : i32
      %dma_wait3A_168 = arith.constant 0 : i32
      %dma_wait3A_169 = tpu.memref_slice %arg10[%dma_wait3A_167, %dma_wait3A_168] : memref<128x128xf32, #tpu.memory_space<vmem>> -> memref<128x128xf32, #tpu.memory_space<vmem>>
      %dma_wait3A_170 = arith.constant 0 : i32
      %dma_wait3A_171 = tpu.memref_slice %arg16[%add3A_69, %dma_wait3A_170] : memref<10128x128xf32, #tpu.memory_space<vmem_shared>> -> memref<128x128xf32, #tpu.memory_space<vmem_shared>>
      tpu.wait_dma2 semaphore(%run_scoped3A : memref<!tpu.dma_semaphore, #tpu.memory_space<semaphore_mem>>) src(%dma_wait3A_171 : memref<128x128xf32, #tpu.memory_space<vmem_shared>>) dst(%dma_wait3A_169 : memref<128x128xf32, #tpu.memory_space<vmem>>)
      tpu.yield
    }) : () -> ()
    "tpu.region"() ({
      %run_scoped3A = tpu.sem_alloc : memref<!tpu.dma_semaphore, #tpu.memory_space<semaphore_mem>>
      %dma_start3A_152 = arith.constant 0 : i32
      %dma_start3A_153 = arith.constant 0 : i32
      %dma_start3A_154 = tpu.memref_slice %arg10[%dma_start3A_152, %dma_start3A_153] : memref<128x128xf32, #tpu.memory_space<vmem>> -> memref<128x128xf32, #tpu.memory_space<vmem>>
      %dma_start3A_155 = arith.constant 0 : i32
      %dma_start3A_156 = tpu.memref_slice %arg5[%arg0, %add3A_69, %dma_start3A_155] : memref<2x10000x128xf32, #tpu.memory_space<hbm>> -> memref<1x128x128xf32, #tpu.memory_space<hbm>>
      %dma_start3A_157 = tpu.memref_squeeze %dma_start3A_156 : memref<1x128x128xf32, #tpu.memory_space<hbm>> -> memref<128x128xf32, #tpu.memory_space<hbm>>
      %dma_start3A_158 = arith.constant 0 : i32
      %dma_start3A_159 = tpu.memref_slice %arg5[%arg0, %add3A_69, %dma_start3A_158] : memref<2x10000x128xf32, #tpu.memory_space<hbm>> -> memref<1x128x128xf32, #tpu.memory_space<hbm>>
      %dma_start3A_160 = tpu.memref_squeeze %dma_start3A_159 : memref<1x128x128xf32, #tpu.memory_space<hbm>> -> memref<128x128xf32, #tpu.memory_space<hbm>>
      %dma_start3A_161 = arith.constant 0 : i32
      %dma_start3A_162 = arith.constant 0 : i32
      %dma_start3A_163 = tpu.memref_slice %arg10[%dma_start3A_161, %dma_start3A_162] : memref<128x128xf32, #tpu.memory_space<vmem>> -> memref<128x128xf32, #tpu.memory_space<vmem>>
      tpu.enqueue_dma source(%dma_start3A_163 : memref<128x128xf32, #tpu.memory_space<vmem>>) target(%dma_start3A_160 : memref<128x128xf32, #tpu.memory_space<hbm>>) target_semaphore(%run_scoped3A : memref<!tpu.dma_semaphore, #tpu.memory_space<semaphore_mem>>)
      %dma_wait3A_164 = arith.constant 0 : i32
      %dma_wait3A_165 = arith.constant 0 : i32
      %dma_wait3A_166 = tpu.memref_slice %arg10[%dma_wait3A_164, %dma_wait3A_165] : memref<128x128xf32, #tpu.memory_space<vmem>> -> memref<128x128xf32, #tpu.memory_space<vmem>>
      %dma_wait3A_167 = arith.constant 0 : i32
      %dma_wait3A_168 = tpu.memref_slice %arg5[%arg0, %add3A_69, %dma_wait3A_167] : memref<2x10000x128xf32, #tpu.memory_space<hbm>> -> memref<1x128x128xf32, #tpu.memory_space<hbm>>
      %dma_wait3A_169 = tpu.memref_squeeze %dma_wait3A_168 : memref<1x128x128xf32, #tpu.memory_space<hbm>> -> memref<128x128xf32, #tpu.memory_space<hbm>>
      %dma_wait3A_170 = arith.constant 0 : i32
      %dma_wait3A_171 = tpu.memref_slice %arg5[%arg0, %add3A_69, %dma_wait3A_170] : memref<2x10000x128xf32, #tpu.memory_space<hbm>> -> memref<1x128x128xf32, #tpu.memory_space<hbm>>
      %dma_wait3A_172 = tpu.memref_squeeze %dma_wait3A_171 : memref<1x128x128xf32, #tpu.memory_space<hbm>> -> memref<128x128xf32, #tpu.memory_space<hbm>>
      %dma_wait3A_173 = arith.constant 0 : i32
      %dma_wait3A_174 = arith.constant 0 : i32
      %dma_wait3A_175 = tpu.memref_slice %arg10[%dma_wait3A_173, %dma_wait3A_174] : memref<128x128xf32, #tpu.memory_space<vmem>> -> memref<128x128xf32, #tpu.memory_space<vmem>>
      tpu.wait_dma2 semaphore(%run_scoped3A : memref<!tpu.dma_semaphore, #tpu.memory_space<semaphore_mem>>) src(%dma_wait3A_175 : memref<128x128xf32, #tpu.memory_space<vmem>>) dst(%dma_wait3A_172 : memref<128x128xf32, #tpu.memory_space<hbm>>)
      tpu.yield
    }) : () -> ()
    %add3A_70 = arith.constant 256 : i32
    %add3A_71 = arith.addi %mul3A_2, %add3A_70 : i32
    "tpu.region"() ({
      %run_scoped3A = tpu.sem_alloc : memref<!tpu.dma_semaphore, #tpu.memory_space<semaphore_mem>>
      %dma_start3A_152 = arith.constant 0 : i32
      %dma_start3A_153 = arith.constant 0 : i32
      %dma_start3A_154 = tpu.memref_slice %arg10[%dma_start3A_152, %dma_start3A_153] : memref<128x128xf32, #tpu.memory_space<vmem>> -> memref<128x128xf32, #tpu.memory_space<vmem>>
      %dma_start3A_155 = arith.constant 0 : i32
      %dma_start3A_156 = tpu.memref_slice %arg16[%add3A_71, %dma_start3A_155] : memref<10128x128xf32, #tpu.memory_space<vmem_shared>> -> memref<128x128xf32, #tpu.memory_space<vmem_shared>>
      %dma_start3A_157 = arith.constant 0 : i32
      %dma_start3A_158 = arith.constant 0 : i32
      %dma_start3A_159 = tpu.memref_slice %arg10[%dma_start3A_157, %dma_start3A_158] : memref<128x128xf32, #tpu.memory_space<vmem>> -> memref<128x128xf32, #tpu.memory_space<vmem>>
      %dma_start3A_160 = arith.constant 0 : i32
      %dma_start3A_161 = tpu.memref_slice %arg16[%add3A_71, %dma_start3A_160] : memref<10128x128xf32, #tpu.memory_space<vmem_shared>> -> memref<128x128xf32, #tpu.memory_space<vmem_shared>>
      tpu.enqueue_dma source(%dma_start3A_161 : memref<128x128xf32, #tpu.memory_space<vmem_shared>>) target(%dma_start3A_159 : memref<128x128xf32, #tpu.memory_space<vmem>>) target_semaphore(%run_scoped3A : memref<!tpu.dma_semaphore, #tpu.memory_space<semaphore_mem>>)
      %dma_wait3A_162 = arith.constant 0 : i32
      %dma_wait3A_163 = arith.constant 0 : i32
      %dma_wait3A_164 = tpu.memref_slice %arg10[%dma_wait3A_162, %dma_wait3A_163] : memref<128x128xf32, #tpu.memory_space<vmem>> -> memref<128x128xf32, #tpu.memory_space<vmem>>
      %dma_wait3A_165 = arith.constant 0 : i32
      %dma_wait3A_166 = tpu.memref_slice %arg16[%add3A_71, %dma_wait3A_165] : memref<10128x128xf32, #tpu.memory_space<vmem_shared>> -> memref<128x128xf32, #tpu.memory_space<vmem_shared>>
      %dma_wait3A_167 = arith.constant 0 : i32
      %dma_wait3A_168 = arith.constant 0 : i32
      %dma_wait3A_169 = tpu.memref_slice %arg10[%dma_wait3A_167, %dma_wait3A_168] : memref<128x128xf32, #tpu.memory_space<vmem>> -> memref<128x128xf32, #tpu.memory_space<vmem>>
      %dma_wait3A_170 = arith.constant 0 : i32
      %dma_wait3A_171 = tpu.memref_slice %arg16[%add3A_71, %dma_wait3A_170] : memref<10128x128xf32, #tpu.memory_space<vmem_shared>> -> memref<128x128xf32, #tpu.memory_space<vmem_shared>>
      tpu.wait_dma2 semaphore(%run_scoped3A : memref<!tpu.dma_semaphore, #tpu.memory_space<semaphore_mem>>) src(%dma_wait3A_171 : memref<128x128xf32, #tpu.memory_space<vmem_shared>>) dst(%dma_wait3A_169 : memref<128x128xf32, #tpu.memory_space<vmem>>)
      tpu.yield
    }) : () -> ()
    "tpu.region"() ({
      %run_scoped3A = tpu.sem_alloc : memref<!tpu.dma_semaphore, #tpu.memory_space<semaphore_mem>>
      %dma_start3A_152 = arith.constant 0 : i32
      %dma_start3A_153 = arith.constant 0 : i32
      %dma_start3A_154 = tpu.memref_slice %arg10[%dma_start3A_152, %dma_start3A_153] : memref<128x128xf32, #tpu.memory_space<vmem>> -> memref<128x128xf32, #tpu.memory_space<vmem>>
      %dma_start3A_155 = arith.constant 0 : i32
      %dma_start3A_156 = tpu.memref_slice %arg5[%arg0, %add3A_71, %dma_start3A_155] : memref<2x10000x128xf32, #tpu.memory_space<hbm>> -> memref<1x128x128xf32, #tpu.memory_space<hbm>>
      %dma_start3A_157 = tpu.memref_squeeze %dma_start3A_156 : memref<1x128x128xf32, #tpu.memory_space<hbm>> -> memref<128x128xf32, #tpu.memory_space<hbm>>
      %dma_start3A_158 = arith.constant 0 : i32
      %dma_start3A_159 = tpu.memref_slice %arg5[%arg0, %add3A_71, %dma_start3A_158] : memref<2x10000x128xf32, #tpu.memory_space<hbm>> -> memref<1x128x128xf32, #tpu.memory_space<hbm>>
      %dma_start3A_160 = tpu.memref_squeeze %dma_start3A_159 : memref<1x128x128xf32, #tpu.memory_space<hbm>> -> memref<128x128xf32, #tpu.memory_space<hbm>>
      %dma_start3A_161 = arith.constant 0 : i32
      %dma_start3A_162 = arith.constant 0 : i32
      %dma_start3A_163 = tpu.memref_slice %arg10[%dma_start3A_161, %dma_start3A_162] : memref<128x128xf32, #tpu.memory_space<vmem>> -> memref<128x128xf32, #tpu.memory_space<vmem>>
      tpu.enqueue_dma source(%dma_start3A_163 : memref<128x128xf32, #tpu.memory_space<vmem>>) target(%dma_start3A_160 : memref<128x128xf32, #tpu.memory_space<hbm>>) target_semaphore(%run_scoped3A : memref<!tpu.dma_semaphore, #tpu.memory_space<semaphore_mem>>)
      %dma_wait3A_164 = arith.constant 0 : i32
      %dma_wait3A_165 = arith.constant 0 : i32
      %dma_wait3A_166 = tpu.memref_slice %arg10[%dma_wait3A_164, %dma_wait3A_165] : memref<128x128xf32, #tpu.memory_space<vmem>> -> memref<128x128xf32, #tpu.memory_space<vmem>>
      %dma_wait3A_167 = arith.constant 0 : i32
      %dma_wait3A_168 = tpu.memref_slice %arg5[%arg0, %add3A_71, %dma_wait3A_167] : memref<2x10000x128xf32, #tpu.memory_space<hbm>> -> memref<1x128x128xf32, #tpu.memory_space<hbm>>
      %dma_wait3A_169 = tpu.memref_squeeze %dma_wait3A_168 : memref<1x128x128xf32, #tpu.memory_space<hbm>> -> memref<128x128xf32, #tpu.memory_space<hbm>>
      %dma_wait3A_170 = arith.constant 0 : i32
      %dma_wait3A_171 = tpu.memref_slice %arg5[%arg0, %add3A_71, %dma_wait3A_170] : memref<2x10000x128xf32, #tpu.memory_space<hbm>> -> memref<1x128x128xf32, #tpu.memory_space<hbm>>
      %dma_wait3A_172 = tpu.memref_squeeze %dma_wait3A_171 : memref<1x128x128xf32, #tpu.memory_space<hbm>> -> memref<128x128xf32, #tpu.memory_space<hbm>>
      %dma_wait3A_173 = arith.constant 0 : i32
      %dma_wait3A_174 = arith.constant 0 : i32
      %dma_wait3A_175 = tpu.memref_slice %arg10[%dma_wait3A_173, %dma_wait3A_174] : memref<128x128xf32, #tpu.memory_space<vmem>> -> memref<128x128xf32, #tpu.memory_space<vmem>>
      tpu.wait_dma2 semaphore(%run_scoped3A : memref<!tpu.dma_semaphore, #tpu.memory_space<semaphore_mem>>) src(%dma_wait3A_175 : memref<128x128xf32, #tpu.memory_space<vmem>>) dst(%dma_wait3A_172 : memref<128x128xf32, #tpu.memory_space<hbm>>)
      tpu.yield
    }) : () -> ()
    %add3A_72 = arith.constant 384 : i32
    %add3A_73 = arith.addi %mul3A_2, %add3A_72 : i32
    "tpu.region"() ({
      %run_scoped3A = tpu.sem_alloc : memref<!tpu.dma_semaphore, #tpu.memory_space<semaphore_mem>>
      %dma_start3A_152 = arith.constant 0 : i32
      %dma_start3A_153 = arith.constant 0 : i32
      %dma_start3A_154 = tpu.memref_slice %arg10[%dma_start3A_152, %dma_start3A_153] : memref<128x128xf32, #tpu.memory_space<vmem>> -> memref<128x128xf32, #tpu.memory_space<vmem>>
      %dma_start3A_155 = arith.constant 0 : i32
      %dma_start3A_156 = tpu.memref_slice %arg16[%add3A_73, %dma_start3A_155] : memref<10128x128xf32, #tpu.memory_space<vmem_shared>> -> memref<128x128xf32, #tpu.memory_space<vmem_shared>>
      %dma_start3A_157 = arith.constant 0 : i32
      %dma_start3A_158 = arith.constant 0 : i32
      %dma_start3A_159 = tpu.memref_slice %arg10[%dma_start3A_157, %dma_start3A_158] : memref<128x128xf32, #tpu.memory_space<vmem>> -> memref<128x128xf32, #tpu.memory_space<vmem>>
      %dma_start3A_160 = arith.constant 0 : i32
      %dma_start3A_161 = tpu.memref_slice %arg16[%add3A_73, %dma_start3A_160] : memref<10128x128xf32, #tpu.memory_space<vmem_shared>> -> memref<128x128xf32, #tpu.memory_space<vmem_shared>>
      tpu.enqueue_dma source(%dma_start3A_161 : memref<128x128xf32, #tpu.memory_space<vmem_shared>>) target(%dma_start3A_159 : memref<128x128xf32, #tpu.memory_space<vmem>>) target_semaphore(%run_scoped3A : memref<!tpu.dma_semaphore, #tpu.memory_space<semaphore_mem>>)
      %dma_wait3A_162 = arith.constant 0 : i32
      %dma_wait3A_163 = arith.constant 0 : i32
      %dma_wait3A_164 = tpu.memref_slice %arg10[%dma_wait3A_162, %dma_wait3A_163] : memref<128x128xf32, #tpu.memory_space<vmem>> -> memref<128x128xf32, #tpu.memory_space<vmem>>
      %dma_wait3A_165 = arith.constant 0 : i32
      %dma_wait3A_166 = tpu.memref_slice %arg16[%add3A_73, %dma_wait3A_165] : memref<10128x128xf32, #tpu.memory_space<vmem_shared>> -> memref<128x128xf32, #tpu.memory_space<vmem_shared>>
      %dma_wait3A_167 = arith.constant 0 : i32
      %dma_wait3A_168 = arith.constant 0 : i32
      %dma_wait3A_169 = tpu.memref_slice %arg10[%dma_wait3A_167, %dma_wait3A_168] : memref<128x128xf32, #tpu.memory_space<vmem>> -> memref<128x128xf32, #tpu.memory_space<vmem>>
      %dma_wait3A_170 = arith.constant 0 : i32
      %dma_wait3A_171 = tpu.memref_slice %arg16[%add3A_73, %dma_wait3A_170] : memref<10128x128xf32, #tpu.memory_space<vmem_shared>> -> memref<128x128xf32, #tpu.memory_space<vmem_shared>>
      tpu.wait_dma2 semaphore(%run_scoped3A : memref<!tpu.dma_semaphore, #tpu.memory_space<semaphore_mem>>) src(%dma_wait3A_171 : memref<128x128xf32, #tpu.memory_space<vmem_shared>>) dst(%dma_wait3A_169 : memref<128x128xf32, #tpu.memory_space<vmem>>)
      tpu.yield
    }) : () -> ()
    "tpu.region"() ({
      %run_scoped3A = tpu.sem_alloc : memref<!tpu.dma_semaphore, #tpu.memory_space<semaphore_mem>>
      %dma_start3A_152 = arith.constant 0 : i32
      %dma_start3A_153 = arith.constant 0 : i32
      %dma_start3A_154 = tpu.memref_slice %arg10[%dma_start3A_152, %dma_start3A_153] : memref<128x128xf32, #tpu.memory_space<vmem>> -> memref<128x128xf32, #tpu.memory_space<vmem>>
      %dma_start3A_155 = arith.constant 0 : i32
      %dma_start3A_156 = tpu.memref_slice %arg5[%arg0, %add3A_73, %dma_start3A_155] : memref<2x10000x128xf32, #tpu.memory_space<hbm>> -> memref<1x128x128xf32, #tpu.memory_space<hbm>>
      %dma_start3A_157 = tpu.memref_squeeze %dma_start3A_156 : memref<1x128x128xf32, #tpu.memory_space<hbm>> -> memref<128x128xf32, #tpu.memory_space<hbm>>
      %dma_start3A_158 = arith.constant 0 : i32
      %dma_start3A_159 = tpu.memref_slice %arg5[%arg0, %add3A_73, %dma_start3A_158] : memref<2x10000x128xf32, #tpu.memory_space<hbm>> -> memref<1x128x128xf32, #tpu.memory_space<hbm>>
      %dma_start3A_160 = tpu.memref_squeeze %dma_start3A_159 : memref<1x128x128xf32, #tpu.memory_space<hbm>> -> memref<128x128xf32, #tpu.memory_space<hbm>>
      %dma_start3A_161 = arith.constant 0 : i32
      %dma_start3A_162 = arith.constant 0 : i32
      %dma_start3A_163 = tpu.memref_slice %arg10[%dma_start3A_161, %dma_start3A_162] : memref<128x128xf32, #tpu.memory_space<vmem>> -> memref<128x128xf32, #tpu.memory_space<vmem>>
      tpu.enqueue_dma source(%dma_start3A_163 : memref<128x128xf32, #tpu.memory_space<vmem>>) target(%dma_start3A_160 : memref<128x128xf32, #tpu.memory_space<hbm>>) target_semaphore(%run_scoped3A : memref<!tpu.dma_semaphore, #tpu.memory_space<semaphore_mem>>)
      %dma_wait3A_164 = arith.constant 0 : i32
      %dma_wait3A_165 = arith.constant 0 : i32
      %dma_wait3A_166 = tpu.memref_slice %arg10[%dma_wait3A_164, %dma_wait3A_165] : memref<128x128xf32, #tpu.memory_space<vmem>> -> memref<128x128xf32, #tpu.memory_space<vmem>>
      %dma_wait3A_167 = arith.constant 0 : i32
      %dma_wait3A_168 = tpu.memref_slice %arg5[%arg0, %add3A_73, %dma_wait3A_167] : memref<2x10000x128xf32, #tpu.memory_space<hbm>> -> memref<1x128x128xf32, #tpu.memory_space<hbm>>
      %dma_wait3A_169 = tpu.memref_squeeze %dma_wait3A_168 : memref<1x128x128xf32, #tpu.memory_space<hbm>> -> memref<128x128xf32, #tpu.memory_space<hbm>>
      %dma_wait3A_170 = arith.constant 0 : i32
      %dma_wait3A_171 = tpu.memref_slice %arg5[%arg0, %add3A_73, %dma_wait3A_170] : memref<2x10000x128xf32, #tpu.memory_space<hbm>> -> memref<1x128x128xf32, #tpu.memory_space<hbm>>
      %dma_wait3A_172 = tpu.memref_squeeze %dma_wait3A_171 : memref<1x128x128xf32, #tpu.memory_space<hbm>> -> memref<128x128xf32, #tpu.memory_space<hbm>>
      %dma_wait3A_173 = arith.constant 0 : i32
      %dma_wait3A_174 = arith.constant 0 : i32
      %dma_wait3A_175 = tpu.memref_slice %arg10[%dma_wait3A_173, %dma_wait3A_174] : memref<128x128xf32, #tpu.memory_space<vmem>> -> memref<128x128xf32, #tpu.memory_space<vmem>>
      tpu.wait_dma2 semaphore(%run_scoped3A : memref<!tpu.dma_semaphore, #tpu.memory_space<semaphore_mem>>) src(%dma_wait3A_175 : memref<128x128xf32, #tpu.memory_space<vmem>>) dst(%dma_wait3A_172 : memref<128x128xf32, #tpu.memory_space<hbm>>)
      tpu.yield
    }) : () -> ()
    %add3A_74 = arith.constant 512 : i32
    %add3A_75 = arith.addi %mul3A_2, %add3A_74 : i32
    "tpu.region"() ({
      %run_scoped3A = tpu.sem_alloc : memref<!tpu.dma_semaphore, #tpu.memory_space<semaphore_mem>>
      %dma_start3A_152 = arith.constant 0 : i32
      %dma_start3A_153 = arith.constant 0 : i32
      %dma_start3A_154 = tpu.memref_slice %arg10[%dma_start3A_152, %dma_start3A_153] : memref<128x128xf32, #tpu.memory_space<vmem>> -> memref<112x128xf32, #tpu.memory_space<vmem>>
      %dma_start3A_155 = arith.constant 0 : i32
      %dma_start3A_156 = tpu.memref_slice %arg16[%add3A_75, %dma_start3A_155] : memref<10128x128xf32, #tpu.memory_space<vmem_shared>> -> memref<112x128xf32, #tpu.memory_space<vmem_shared>>
      %dma_start3A_157 = arith.constant 0 : i32
      %dma_start3A_158 = arith.constant 0 : i32
      %dma_start3A_159 = tpu.memref_slice %arg10[%dma_start3A_157, %dma_start3A_158] : memref<128x128xf32, #tpu.memory_space<vmem>> -> memref<112x128xf32, #tpu.memory_space<vmem>>
      %dma_start3A_160 = arith.constant 0 : i32
      %dma_start3A_161 = tpu.memref_slice %arg16[%add3A_75, %dma_start3A_160] : memref<10128x128xf32, #tpu.memory_space<vmem_shared>> -> memref<112x128xf32, #tpu.memory_space<vmem_shared>>
      tpu.enqueue_dma source(%dma_start3A_161 : memref<112x128xf32, #tpu.memory_space<vmem_shared>>) target(%dma_start3A_159 : memref<112x128xf32, #tpu.memory_space<vmem>>) target_semaphore(%run_scoped3A : memref<!tpu.dma_semaphore, #tpu.memory_space<semaphore_mem>>)
      %dma_wait3A_162 = arith.constant 0 : i32
      %dma_wait3A_163 = arith.constant 0 : i32
      %dma_wait3A_164 = tpu.memref_slice %arg10[%dma_wait3A_162, %dma_wait3A_163] : memref<128x128xf32, #tpu.memory_space<vmem>> -> memref<112x128xf32, #tpu.memory_space<vmem>>
      %dma_wait3A_165 = arith.constant 0 : i32
      %dma_wait3A_166 = tpu.memref_slice %arg16[%add3A_75, %dma_wait3A_165] : memref<10128x128xf32, #tpu.memory_space<vmem_shared>> -> memref<112x128xf32, #tpu.memory_space<vmem_shared>>
      %dma_wait3A_167 = arith.constant 0 : i32
      %dma_wait3A_168 = arith.constant 0 : i32
      %dma_wait3A_169 = tpu.memref_slice %arg10[%dma_wait3A_167, %dma_wait3A_168] : memref<128x128xf32, #tpu.memory_space<vmem>> -> memref<112x128xf32, #tpu.memory_space<vmem>>
      %dma_wait3A_170 = arith.constant 0 : i32
      %dma_wait3A_171 = tpu.memref_slice %arg16[%add3A_75, %dma_wait3A_170] : memref<10128x128xf32, #tpu.memory_space<vmem_shared>> -> memref<112x128xf32, #tpu.memory_space<vmem_shared>>
      tpu.wait_dma2 semaphore(%run_scoped3A : memref<!tpu.dma_semaphore, #tpu.memory_space<semaphore_mem>>) src(%dma_wait3A_171 : memref<112x128xf32, #tpu.memory_space<vmem_shared>>) dst(%dma_wait3A_169 : memref<112x128xf32, #tpu.memory_space<vmem>>)
      tpu.yield
    }) : () -> ()
    "tpu.region"() ({
      %run_scoped3A = tpu.sem_alloc : memref<!tpu.dma_semaphore, #tpu.memory_space<semaphore_mem>>
      %dma_start3A_152 = arith.constant 0 : i32
      %dma_start3A_153 = arith.constant 0 : i32
      %dma_start3A_154 = tpu.memref_slice %arg10[%dma_start3A_152, %dma_start3A_153] : memref<128x128xf32, #tpu.memory_space<vmem>> -> memref<112x128xf32, #tpu.memory_space<vmem>>
      %dma_start3A_155 = arith.constant 0 : i32
      %dma_start3A_156 = tpu.memref_slice %arg5[%arg0, %add3A_75, %dma_start3A_155] : memref<2x10000x128xf32, #tpu.memory_space<hbm>> -> memref<1x112x128xf32, #tpu.memory_space<hbm>>
      %dma_start3A_157 = tpu.memref_squeeze %dma_start3A_156 : memref<1x112x128xf32, #tpu.memory_space<hbm>> -> memref<112x128xf32, #tpu.memory_space<hbm>>
      %dma_start3A_158 = arith.constant 0 : i32
      %dma_start3A_159 = tpu.memref_slice %arg5[%arg0, %add3A_75, %dma_start3A_158] : memref<2x10000x128xf32, #tpu.memory_space<hbm>> -> memref<1x112x128xf32, #tpu.memory_space<hbm>>
      %dma_start3A_160 = tpu.memref_squeeze %dma_start3A_159 : memref<1x112x128xf32, #tpu.memory_space<hbm>> -> memref<112x128xf32, #tpu.memory_space<hbm>>
      %dma_start3A_161 = arith.constant 0 : i32
      %dma_start3A_162 = arith.constant 0 : i32
      %dma_start3A_163 = tpu.memref_slice %arg10[%dma_start3A_161, %dma_start3A_162] : memref<128x128xf32, #tpu.memory_space<vmem>> -> memref<112x128xf32, #tpu.memory_space<vmem>>
      tpu.enqueue_dma source(%dma_start3A_163 : memref<112x128xf32, #tpu.memory_space<vmem>>) target(%dma_start3A_160 : memref<112x128xf32, #tpu.memory_space<hbm>>) target_semaphore(%run_scoped3A : memref<!tpu.dma_semaphore, #tpu.memory_space<semaphore_mem>>)
      %dma_wait3A_164 = arith.constant 0 : i32
      %dma_wait3A_165 = arith.constant 0 : i32
      %dma_wait3A_166 = tpu.memref_slice %arg10[%dma_wait3A_164, %dma_wait3A_165] : memref<128x128xf32, #tpu.memory_space<vmem>> -> memref<112x128xf32, #tpu.memory_space<vmem>>
      %dma_wait3A_167 = arith.constant 0 : i32
      %dma_wait3A_168 = tpu.memref_slice %arg5[%arg0, %add3A_75, %dma_wait3A_167] : memref<2x10000x128xf32, #tpu.memory_space<hbm>> -> memref<1x112x128xf32, #tpu.memory_space<hbm>>
      %dma_wait3A_169 = tpu.memref_squeeze %dma_wait3A_168 : memref<1x112x128xf32, #tpu.memory_space<hbm>> -> memref<112x128xf32, #tpu.memory_space<hbm>>
      %dma_wait3A_170 = arith.constant 0 : i32
      %dma_wait3A_171 = tpu.memref_slice %arg5[%arg0, %add3A_75, %dma_wait3A_170] : memref<2x10000x128xf32, #tpu.memory_space<hbm>> -> memref<1x112x128xf32, #tpu.memory_space<hbm>>
      %dma_wait3A_172 = tpu.memref_squeeze %dma_wait3A_171 : memref<1x112x128xf32, #tpu.memory_space<hbm>> -> memref<112x128xf32, #tpu.memory_space<hbm>>
      %dma_wait3A_173 = arith.constant 0 : i32
      %dma_wait3A_174 = arith.constant 0 : i32
      %dma_wait3A_175 = tpu.memref_slice %arg10[%dma_wait3A_173, %dma_wait3A_174] : memref<128x128xf32, #tpu.memory_space<vmem>> -> memref<112x128xf32, #tpu.memory_space<vmem>>
      tpu.wait_dma2 semaphore(%run_scoped3A : memref<!tpu.dma_semaphore, #tpu.memory_space<semaphore_mem>>) src(%dma_wait3A_175 : memref<112x128xf32, #tpu.memory_space<vmem>>) dst(%dma_wait3A_172 : memref<112x128xf32, #tpu.memory_space<hbm>>)
      tpu.yield
    }) : () -> ()
    %eq3A_76 = arith.constant 15 : i32
    %eq3A_77 = arith.cmpi eq, %arg1, %eq3A_76 : i32
    %convert_element_type3A_78 = arith.extui %eq3A_77 : i1 to i32
    %cond3A_79 = arith.constant 0 : i32
    %cond3A_80 = arith.cmpi ne, %convert_element_type3A_78, %cond3A_79 : i32
    scf.if %cond3A_80 {
      "tpu.region"() ({
        %run_scoped3A = tpu.sem_alloc : memref<!tpu.dma_semaphore, #tpu.memory_space<semaphore_mem>>
        %dma_start3A_152 = arith.constant 0 : i32
        %dma_start3A_153 = arith.constant 0 : i32
        %dma_start3A_154 = tpu.memref_slice %arg10[%dma_start3A_152, %dma_start3A_153] : memref<128x128xf32, #tpu.memory_space<vmem>> -> memref<16x128xf32, #tpu.memory_space<vmem>>
        %dma_start3A_155 = arith.constant 9984 : i32
        %dma_start3A_156 = arith.constant 0 : i32
        %dma_start3A_157 = tpu.memref_slice %arg16[%dma_start3A_155, %dma_start3A_156] : memref<10128x128xf32, #tpu.memory_space<vmem_shared>> -> memref<16x128xf32, #tpu.memory_space<vmem_shared>>
        %dma_start3A_158 = arith.constant 0 : i32
        %dma_start3A_159 = arith.constant 0 : i32
        %dma_start3A_160 = tpu.memref_slice %arg10[%dma_start3A_158, %dma_start3A_159] : memref<128x128xf32, #tpu.memory_space<vmem>> -> memref<16x128xf32, #tpu.memory_space<vmem>>
        %dma_start3A_161 = arith.constant 9984 : i32
        %dma_start3A_162 = arith.constant 0 : i32
        %dma_start3A_163 = tpu.memref_slice %arg16[%dma_start3A_161, %dma_start3A_162] : memref<10128x128xf32, #tpu.memory_space<vmem_shared>> -> memref<16x128xf32, #tpu.memory_space<vmem_shared>>
        tpu.enqueue_dma source(%dma_start3A_163 : memref<16x128xf32, #tpu.memory_space<vmem_shared>>) target(%dma_start3A_160 : memref<16x128xf32, #tpu.memory_space<vmem>>) target_semaphore(%run_scoped3A : memref<!tpu.dma_semaphore, #tpu.memory_space<semaphore_mem>>)
        %dma_wait3A_164 = arith.constant 0 : i32
        %dma_wait3A_165 = arith.constant 0 : i32
        %dma_wait3A_166 = tpu.memref_slice %arg10[%dma_wait3A_164, %dma_wait3A_165] : memref<128x128xf32, #tpu.memory_space<vmem>> -> memref<16x128xf32, #tpu.memory_space<vmem>>
        %dma_wait3A_167 = arith.constant 9984 : i32
        %dma_wait3A_168 = arith.constant 0 : i32
        %dma_wait3A_169 = tpu.memref_slice %arg16[%dma_wait3A_167, %dma_wait3A_168] : memref<10128x128xf32, #tpu.memory_space<vmem_shared>> -> memref<16x128xf32, #tpu.memory_space<vmem_shared>>
        %dma_wait3A_170 = arith.constant 0 : i32
        %dma_wait3A_171 = arith.constant 0 : i32
        %dma_wait3A_172 = tpu.memref_slice %arg10[%dma_wait3A_170, %dma_wait3A_171] : memref<128x128xf32, #tpu.memory_space<vmem>> -> memref<16x128xf32, #tpu.memory_space<vmem>>
        %dma_wait3A_173 = arith.constant 9984 : i32
        %dma_wait3A_174 = arith.constant 0 : i32
        %dma_wait3A_175 = tpu.memref_slice %arg16[%dma_wait3A_173, %dma_wait3A_174] : memref<10128x128xf32, #tpu.memory_space<vmem_shared>> -> memref<16x128xf32, #tpu.memory_space<vmem_shared>>
        tpu.wait_dma2 semaphore(%run_scoped3A : memref<!tpu.dma_semaphore, #tpu.memory_space<semaphore_mem>>) src(%dma_wait3A_175 : memref<16x128xf32, #tpu.memory_space<vmem_shared>>) dst(%dma_wait3A_172 : memref<16x128xf32, #tpu.memory_space<vmem>>)
        tpu.yield
      }) : () -> ()
      "tpu.region"() ({
        %run_scoped3A = tpu.sem_alloc : memref<!tpu.dma_semaphore, #tpu.memory_space<semaphore_mem>>
        %dma_start3A_152 = arith.constant 0 : i32
        %dma_start3A_153 = arith.constant 0 : i32
        %dma_start3A_154 = tpu.memref_slice %arg10[%dma_start3A_152, %dma_start3A_153] : memref<128x128xf32, #tpu.memory_space<vmem>> -> memref<16x128xf32, #tpu.memory_space<vmem>>
        %dma_start3A_155 = arith.constant 9984 : i32
        %dma_start3A_156 = arith.constant 0 : i32
        %dma_start3A_157 = tpu.memref_slice %arg5[%arg0, %dma_start3A_155, %dma_start3A_156] : memref<2x10000x128xf32, #tpu.memory_space<hbm>> -> memref<1x16x128xf32, #tpu.memory_space<hbm>>
        %dma_start3A_158 = tpu.memref_squeeze %dma_start3A_157 : memref<1x16x128xf32, #tpu.memory_space<hbm>> -> memref<16x128xf32, #tpu.memory_space<hbm>>
        %dma_start3A_159 = arith.constant 9984 : i32
        %dma_start3A_160 = arith.constant 0 : i32
        %dma_start3A_161 = tpu.memref_slice %arg5[%arg0, %dma_start3A_159, %dma_start3A_160] : memref<2x10000x128xf32, #tpu.memory_space<hbm>> -> memref<1x16x128xf32, #tpu.memory_space<hbm>>
        %dma_start3A_162 = tpu.memref_squeeze %dma_start3A_161 : memref<1x16x128xf32, #tpu.memory_space<hbm>> -> memref<16x128xf32, #tpu.memory_space<hbm>>
        %dma_start3A_163 = arith.constant 0 : i32
        %dma_start3A_164 = arith.constant 0 : i32
        %dma_start3A_165 = tpu.memref_slice %arg10[%dma_start3A_163, %dma_start3A_164] : memref<128x128xf32, #tpu.memory_space<vmem>> -> memref<16x128xf32, #tpu.memory_space<vmem>>
        tpu.enqueue_dma source(%dma_start3A_165 : memref<16x128xf32, #tpu.memory_space<vmem>>) target(%dma_start3A_162 : memref<16x128xf32, #tpu.memory_space<hbm>>) target_semaphore(%run_scoped3A : memref<!tpu.dma_semaphore, #tpu.memory_space<semaphore_mem>>)
        %dma_wait3A_166 = arith.constant 0 : i32
        %dma_wait3A_167 = arith.constant 0 : i32
        %dma_wait3A_168 = tpu.memref_slice %arg10[%dma_wait3A_166, %dma_wait3A_167] : memref<128x128xf32, #tpu.memory_space<vmem>> -> memref<16x128xf32, #tpu.memory_space<vmem>>
        %dma_wait3A_169 = arith.constant 9984 : i32
        %dma_wait3A_170 = arith.constant 0 : i32
        %dma_wait3A_171 = tpu.memref_slice %arg5[%arg0, %dma_wait3A_169, %dma_wait3A_170] : memref<2x10000x128xf32, #tpu.memory_space<hbm>> -> memref<1x16x128xf32, #tpu.memory_space<hbm>>
        %dma_wait3A_172 = tpu.memref_squeeze %dma_wait3A_171 : memref<1x16x128xf32, #tpu.memory_space<hbm>> -> memref<16x128xf32, #tpu.memory_space<hbm>>
        %dma_wait3A_173 = arith.constant 9984 : i32
        %dma_wait3A_174 = arith.constant 0 : i32
        %dma_wait3A_175 = tpu.memref_slice %arg5[%arg0, %dma_wait3A_173, %dma_wait3A_174] : memref<2x10000x128xf32, #tpu.memory_space<hbm>> -> memref<1x16x128xf32, #tpu.memory_space<hbm>>
        %dma_wait3A_176 = tpu.memref_squeeze %dma_wait3A_175 : memref<1x16x128xf32, #tpu.memory_space<hbm>> -> memref<16x128xf32, #tpu.memory_space<hbm>>
        %dma_wait3A_177 = arith.constant 0 : i32
        %dma_wait3A_178 = arith.constant 0 : i32
        %dma_wait3A_179 = tpu.memref_slice %arg10[%dma_wait3A_177, %dma_wait3A_178] : memref<128x128xf32, #tpu.memory_space<vmem>> -> memref<16x128xf32, #tpu.memory_space<vmem>>
        tpu.wait_dma2 semaphore(%run_scoped3A : memref<!tpu.dma_semaphore, #tpu.memory_space<semaphore_mem>>) src(%dma_wait3A_179 : memref<16x128xf32, #tpu.memory_space<vmem>>) dst(%dma_wait3A_176 : memref<16x128xf32, #tpu.memory_space<hbm>>)
        tpu.yield
      }) : () -> ()
    } else {
    }
    %barrier3A_81 = arith.constant 0 : index
    tpu.barrier barrier_id(%barrier3A_81)
    %broadcast_in_dim3A_82 = arith.constant 0.000000e+00 : f32
    %broadcast_in_dim3A_83 = vector.broadcast %broadcast_in_dim3A_82 : f32 to vector<16xf32>
    %scan3A_84 = arith.constant 0 : i32
    %scan3A_85 = arith.constant 0 : i32
    %scan3A_86 = arith.constant 128 : i32
    %scan3A_87 = arith.addi %scan3A_85, %scan3A_86 : i32
    %scan3A_88 = arith.constant 1 : i32
    scf.for %scan3A_152 = %scan3A_85 to %scan3A_87 step %scan3A_88  : i32 {
      %swap3A = arith.index_cast %scan3A_152 : i32 to index
      %swap3A_153 = arith.constant 0 : index
      %swap3A_154 = tpu.vector_load %arg10[%swap3A, %swap3A_153] {strides = array<i32>} : memref<128x128xf32, #tpu.memory_space<vmem>>, vector<1x16xf32>,
      %swap3A_155 = vector.shape_cast %swap3A_154 : vector<1x16xf32> to vector<16xf32>
      %swap3A_156 = vector.shape_cast %broadcast_in_dim3A_83 : vector<16xf32> to vector<1x16xf32>
      tpu.vector_store %arg10[%swap3A, %swap3A_153], %swap3A_156 {strides = array<i32>} : memref<128x128xf32, #tpu.memory_space<vmem>>, vector<1x16xf32>,
      %swap3A_157 = arith.index_cast %scan3A_152 : i32 to index
      %swap3A_158 = arith.constant 16 : index
      %swap3A_159 = tpu.vector_load %arg10[%swap3A_157, %swap3A_158] {strides = array<i32>} : memref<128x128xf32, #tpu.memory_space<vmem>>, vector<1x16xf32>,
      %swap3A_160 = vector.shape_cast %swap3A_159 : vector<1x16xf32> to vector<16xf32>
      %swap3A_161 = vector.shape_cast %broadcast_in_dim3A_83 : vector<16xf32> to vector<1x16xf32>
      tpu.vector_store %arg10[%swap3A_157, %swap3A_158], %swap3A_161 {strides = array<i32>} : memref<128x128xf32, #tpu.memory_space<vmem>>, vector<1x16xf32>,
      %swap3A_162 = arith.index_cast %scan3A_152 : i32 to index
      %swap3A_163 = arith.constant 32 : index
      %swap3A_164 = tpu.vector_load %arg10[%swap3A_162, %swap3A_163] {strides = array<i32>} : memref<128x128xf32, #tpu.memory_space<vmem>>, vector<1x16xf32>,
      %swap3A_165 = vector.shape_cast %swap3A_164 : vector<1x16xf32> to vector<16xf32>
      %swap3A_166 = vector.shape_cast %broadcast_in_dim3A_83 : vector<16xf32> to vector<1x16xf32>
      tpu.vector_store %arg10[%swap3A_162, %swap3A_163], %swap3A_166 {strides = array<i32>} : memref<128x128xf32, #tpu.memory_space<vmem>>, vector<1x16xf32>,
      %swap3A_167 = arith.index_cast %scan3A_152 : i32 to index
      %swap3A_168 = arith.constant 48 : index
      %swap3A_169 = tpu.vector_load %arg10[%swap3A_167, %swap3A_168] {strides = array<i32>} : memref<128x128xf32, #tpu.memory_space<vmem>>, vector<1x16xf32>,
      %swap3A_170 = vector.shape_cast %swap3A_169 : vector<1x16xf32> to vector<16xf32>
      %swap3A_171 = vector.shape_cast %broadcast_in_dim3A_83 : vector<16xf32> to vector<1x16xf32>
      tpu.vector_store %arg10[%swap3A_167, %swap3A_168], %swap3A_171 {strides = array<i32>} : memref<128x128xf32, #tpu.memory_space<vmem>>, vector<1x16xf32>,
      %swap3A_172 = arith.index_cast %scan3A_152 : i32 to index
      %swap3A_173 = arith.constant 64 : index
      %swap3A_174 = tpu.vector_load %arg10[%swap3A_172, %swap3A_173] {strides = array<i32>} : memref<128x128xf32, #tpu.memory_space<vmem>>, vector<1x16xf32>,
      %swap3A_175 = vector.shape_cast %swap3A_174 : vector<1x16xf32> to vector<16xf32>
      %swap3A_176 = vector.shape_cast %broadcast_in_dim3A_83 : vector<16xf32> to vector<1x16xf32>
      tpu.vector_store %arg10[%swap3A_172, %swap3A_173], %swap3A_176 {strides = array<i32>} : memref<128x128xf32, #tpu.memory_space<vmem>>, vector<1x16xf32>,
      %swap3A_177 = arith.index_cast %scan3A_152 : i32 to index
      %swap3A_178 = arith.constant 80 : index
      %swap3A_179 = tpu.vector_load %arg10[%swap3A_177, %swap3A_178] {strides = array<i32>} : memref<128x128xf32, #tpu.memory_space<vmem>>, vector<1x16xf32>,
      %swap3A_180 = vector.shape_cast %swap3A_179 : vector<1x16xf32> to vector<16xf32>
      %swap3A_181 = vector.shape_cast %broadcast_in_dim3A_83 : vector<16xf32> to vector<1x16xf32>
      tpu.vector_store %arg10[%swap3A_177, %swap3A_178], %swap3A_181 {strides = array<i32>} : memref<128x128xf32, #tpu.memory_space<vmem>>, vector<1x16xf32>,
      %swap3A_182 = arith.index_cast %scan3A_152 : i32 to index
      %swap3A_183 = arith.constant 96 : index
      %swap3A_184 = tpu.vector_load %arg10[%swap3A_182, %swap3A_183] {strides = array<i32>} : memref<128x128xf32, #tpu.memory_space<vmem>>, vector<1x16xf32>,
      %swap3A_185 = vector.shape_cast %swap3A_184 : vector<1x16xf32> to vector<16xf32>
      %swap3A_186 = vector.shape_cast %broadcast_in_dim3A_83 : vector<16xf32> to vector<1x16xf32>
      tpu.vector_store %arg10[%swap3A_182, %swap3A_183], %swap3A_186 {strides = array<i32>} : memref<128x128xf32, #tpu.memory_space<vmem>>, vector<1x16xf32>,
      %swap3A_187 = arith.index_cast %scan3A_152 : i32 to index
      %swap3A_188 = arith.constant 112 : index
      %swap3A_189 = tpu.vector_load %arg10[%swap3A_187, %swap3A_188] {strides = array<i32>} : memref<128x128xf32, #tpu.memory_space<vmem>>, vector<1x16xf32>,
      %swap3A_190 = vector.shape_cast %swap3A_189 : vector<1x16xf32> to vector<16xf32>
      %swap3A_191 = vector.shape_cast %broadcast_in_dim3A_83 : vector<16xf32> to vector<1x16xf32>
      tpu.vector_store %arg10[%swap3A_187, %swap3A_188], %swap3A_191 {strides = array<i32>} : memref<128x128xf32, #tpu.memory_space<vmem>>, vector<1x16xf32>,
    }
    %scan3A_89 = arith.constant 128 : i32
    %add3A_90 = arith.constant 0 : i32
    %add3A_91 = arith.addi %mul3A_2, %add3A_90 : i32
    "tpu.region"() ({
      %run_scoped3A = tpu.sem_alloc : memref<!tpu.dma_semaphore, #tpu.memory_space<semaphore_mem>>
      %dma_start3A_152 = arith.constant 0 : i32
      %dma_start3A_153 = arith.constant 0 : i32
      %dma_start3A_154 = tpu.memref_slice %arg10[%dma_start3A_152, %dma_start3A_153] : memref<128x128xf32, #tpu.memory_space<vmem>> -> memref<128x128xf32, #tpu.memory_space<vmem>>
      %dma_start3A_155 = arith.constant 0 : i32
      %dma_start3A_156 = tpu.memref_slice %arg16[%add3A_91, %dma_start3A_155] : memref<10128x128xf32, #tpu.memory_space<vmem_shared>> -> memref<128x128xf32, #tpu.memory_space<vmem_shared>>
      %dma_start3A_157 = arith.constant 0 : i32
      %dma_start3A_158 = tpu.memref_slice %arg16[%add3A_91, %dma_start3A_157] : memref<10128x128xf32, #tpu.memory_space<vmem_shared>> -> memref<128x128xf32, #tpu.memory_space<vmem_shared>>
      %dma_start3A_159 = arith.constant 0 : i32
      %dma_start3A_160 = arith.constant 0 : i32
      %dma_start3A_161 = tpu.memref_slice %arg10[%dma_start3A_159, %dma_start3A_160] : memref<128x128xf32, #tpu.memory_space<vmem>> -> memref<128x128xf32, #tpu.memory_space<vmem>>
      tpu.enqueue_dma source(%dma_start3A_161 : memref<128x128xf32, #tpu.memory_space<vmem>>) target(%dma_start3A_158 : memref<128x128xf32, #tpu.memory_space<vmem_shared>>) target_semaphore(%run_scoped3A : memref<!tpu.dma_semaphore, #tpu.memory_space<semaphore_mem>>)
      %dma_wait3A_162 = arith.constant 0 : i32
      %dma_wait3A_163 = arith.constant 0 : i32
      %dma_wait3A_164 = tpu.memref_slice %arg10[%dma_wait3A_162, %dma_wait3A_163] : memref<128x128xf32, #tpu.memory_space<vmem>> -> memref<128x128xf32, #tpu.memory_space<vmem>>
      %dma_wait3A_165 = arith.constant 0 : i32
      %dma_wait3A_166 = tpu.memref_slice %arg16[%add3A_91, %dma_wait3A_165] : memref<10128x128xf32, #tpu.memory_space<vmem_shared>> -> memref<128x128xf32, #tpu.memory_space<vmem_shared>>
      %dma_wait3A_167 = arith.constant 0 : i32
      %dma_wait3A_168 = tpu.memref_slice %arg16[%add3A_91, %dma_wait3A_167] : memref<10128x128xf32, #tpu.memory_space<vmem_shared>> -> memref<128x128xf32, #tpu.memory_space<vmem_shared>>
      %dma_wait3A_169 = arith.constant 0 : i32
      %dma_wait3A_170 = arith.constant 0 : i32
      %dma_wait3A_171 = tpu.memref_slice %arg10[%dma_wait3A_169, %dma_wait3A_170] : memref<128x128xf32, #tpu.memory_space<vmem>> -> memref<128x128xf32, #tpu.memory_space<vmem>>
      tpu.wait_dma2 semaphore(%run_scoped3A : memref<!tpu.dma_semaphore, #tpu.memory_space<semaphore_mem>>) src(%dma_wait3A_171 : memref<128x128xf32, #tpu.memory_space<vmem>>) dst(%dma_wait3A_168 : memref<128x128xf32, #tpu.memory_space<vmem_shared>>)
      tpu.yield
    }) : () -> ()
    %add3A_92 = arith.constant 128 : i32
    %add3A_93 = arith.addi %mul3A_2, %add3A_92 : i32
    "tpu.region"() ({
      %run_scoped3A = tpu.sem_alloc : memref<!tpu.dma_semaphore, #tpu.memory_space<semaphore_mem>>
      %dma_start3A_152 = arith.constant 0 : i32
      %dma_start3A_153 = arith.constant 0 : i32
      %dma_start3A_154 = tpu.memref_slice %arg10[%dma_start3A_152, %dma_start3A_153] : memref<128x128xf32, #tpu.memory_space<vmem>> -> memref<128x128xf32, #tpu.memory_space<vmem>>
      %dma_start3A_155 = arith.constant 0 : i32
      %dma_start3A_156 = tpu.memref_slice %arg16[%add3A_93, %dma_start3A_155] : memref<10128x128xf32, #tpu.memory_space<vmem_shared>> -> memref<128x128xf32, #tpu.memory_space<vmem_shared>>
      %dma_start3A_157 = arith.constant 0 : i32
      %dma_start3A_158 = tpu.memref_slice %arg16[%add3A_93, %dma_start3A_157] : memref<10128x128xf32, #tpu.memory_space<vmem_shared>> -> memref<128x128xf32, #tpu.memory_space<vmem_shared>>
      %dma_start3A_159 = arith.constant 0 : i32
      %dma_start3A_160 = arith.constant 0 : i32
      %dma_start3A_161 = tpu.memref_slice %arg10[%dma_start3A_159, %dma_start3A_160] : memref<128x128xf32, #tpu.memory_space<vmem>> -> memref<128x128xf32, #tpu.memory_space<vmem>>
      tpu.enqueue_dma source(%dma_start3A_161 : memref<128x128xf32, #tpu.memory_space<vmem>>) target(%dma_start3A_158 : memref<128x128xf32, #tpu.memory_space<vmem_shared>>) target_semaphore(%run_scoped3A : memref<!tpu.dma_semaphore, #tpu.memory_space<semaphore_mem>>)
      %dma_wait3A_162 = arith.constant 0 : i32
      %dma_wait3A_163 = arith.constant 0 : i32
      %dma_wait3A_164 = tpu.memref_slice %arg10[%dma_wait3A_162, %dma_wait3A_163] : memref<128x128xf32, #tpu.memory_space<vmem>> -> memref<128x128xf32, #tpu.memory_space<vmem>>
      %dma_wait3A_165 = arith.constant 0 : i32
      %dma_wait3A_166 = tpu.memref_slice %arg16[%add3A_93, %dma_wait3A_165] : memref<10128x128xf32, #tpu.memory_space<vmem_shared>> -> memref<128x128xf32, #tpu.memory_space<vmem_shared>>
      %dma_wait3A_167 = arith.constant 0 : i32
      %dma_wait3A_168 = tpu.memref_slice %arg16[%add3A_93, %dma_wait3A_167] : memref<10128x128xf32, #tpu.memory_space<vmem_shared>> -> memref<128x128xf32, #tpu.memory_space<vmem_shared>>
      %dma_wait3A_169 = arith.constant 0 : i32
      %dma_wait3A_170 = arith.constant 0 : i32
      %dma_wait3A_171 = tpu.memref_slice %arg10[%dma_wait3A_169, %dma_wait3A_170] : memref<128x128xf32, #tpu.memory_space<vmem>> -> memref<128x128xf32, #tpu.memory_space<vmem>>
      tpu.wait_dma2 semaphore(%run_scoped3A : memref<!tpu.dma_semaphore, #tpu.memory_space<semaphore_mem>>) src(%dma_wait3A_171 : memref<128x128xf32, #tpu.memory_space<vmem>>) dst(%dma_wait3A_168 : memref<128x128xf32, #tpu.memory_space<vmem_shared>>)
      tpu.yield
    }) : () -> ()
    %add3A_94 = arith.constant 256 : i32
    %add3A_95 = arith.addi %mul3A_2, %add3A_94 : i32
    "tpu.region"() ({
      %run_scoped3A = tpu.sem_alloc : memref<!tpu.dma_semaphore, #tpu.memory_space<semaphore_mem>>
      %dma_start3A_152 = arith.constant 0 : i32
      %dma_start3A_153 = arith.constant 0 : i32
      %dma_start3A_154 = tpu.memref_slice %arg10[%dma_start3A_152, %dma_start3A_153] : memref<128x128xf32, #tpu.memory_space<vmem>> -> memref<128x128xf32, #tpu.memory_space<vmem>>
      %dma_start3A_155 = arith.constant 0 : i32
      %dma_start3A_156 = tpu.memref_slice %arg16[%add3A_95, %dma_start3A_155] : memref<10128x128xf32, #tpu.memory_space<vmem_shared>> -> memref<128x128xf32, #tpu.memory_space<vmem_shared>>
      %dma_start3A_157 = arith.constant 0 : i32
      %dma_start3A_158 = tpu.memref_slice %arg16[%add3A_95, %dma_start3A_157] : memref<10128x128xf32, #tpu.memory_space<vmem_shared>> -> memref<128x128xf32, #tpu.memory_space<vmem_shared>>
      %dma_start3A_159 = arith.constant 0 : i32
      %dma_start3A_160 = arith.constant 0 : i32
      %dma_start3A_161 = tpu.memref_slice %arg10[%dma_start3A_159, %dma_start3A_160] : memref<128x128xf32, #tpu.memory_space<vmem>> -> memref<128x128xf32, #tpu.memory_space<vmem>>
      tpu.enqueue_dma source(%dma_start3A_161 : memref<128x128xf32, #tpu.memory_space<vmem>>) target(%dma_start3A_158 : memref<128x128xf32, #tpu.memory_space<vmem_shared>>) target_semaphore(%run_scoped3A : memref<!tpu.dma_semaphore, #tpu.memory_space<semaphore_mem>>)
      %dma_wait3A_162 = arith.constant 0 : i32
      %dma_wait3A_163 = arith.constant 0 : i32
      %dma_wait3A_164 = tpu.memref_slice %arg10[%dma_wait3A_162, %dma_wait3A_163] : memref<128x128xf32, #tpu.memory_space<vmem>> -> memref<128x128xf32, #tpu.memory_space<vmem>>
      %dma_wait3A_165 = arith.constant 0 : i32
      %dma_wait3A_166 = tpu.memref_slice %arg16[%add3A_95, %dma_wait3A_165] : memref<10128x128xf32, #tpu.memory_space<vmem_shared>> -> memref<128x128xf32, #tpu.memory_space<vmem_shared>>
      %dma_wait3A_167 = arith.constant 0 : i32
      %dma_wait3A_168 = tpu.memref_slice %arg16[%add3A_95, %dma_wait3A_167] : memref<10128x128xf32, #tpu.memory_space<vmem_shared>> -> memref<128x128xf32, #tpu.memory_space<vmem_shared>>
      %dma_wait3A_169 = arith.constant 0 : i32
      %dma_wait3A_170 = arith.constant 0 : i32
      %dma_wait3A_171 = tpu.memref_slice %arg10[%dma_wait3A_169, %dma_wait3A_170] : memref<128x128xf32, #tpu.memory_space<vmem>> -> memref<128x128xf32, #tpu.memory_space<vmem>>
      tpu.wait_dma2 semaphore(%run_scoped3A : memref<!tpu.dma_semaphore, #tpu.memory_space<semaphore_mem>>) src(%dma_wait3A_171 : memref<128x128xf32, #tpu.memory_space<vmem>>) dst(%dma_wait3A_168 : memref<128x128xf32, #tpu.memory_space<vmem_shared>>)
      tpu.yield
    }) : () -> ()
    %add3A_96 = arith.constant 384 : i32
    %add3A_97 = arith.addi %mul3A_2, %add3A_96 : i32
    "tpu.region"() ({
      %run_scoped3A = tpu.sem_alloc : memref<!tpu.dma_semaphore, #tpu.memory_space<semaphore_mem>>
      %dma_start3A_152 = arith.constant 0 : i32
      %dma_start3A_153 = arith.constant 0 : i32
      %dma_start3A_154 = tpu.memref_slice %arg10[%dma_start3A_152, %dma_start3A_153] : memref<128x128xf32, #tpu.memory_space<vmem>> -> memref<128x128xf32, #tpu.memory_space<vmem>>
      %dma_start3A_155 = arith.constant 0 : i32
      %dma_start3A_156 = tpu.memref_slice %arg16[%add3A_97, %dma_start3A_155] : memref<10128x128xf32, #tpu.memory_space<vmem_shared>> -> memref<128x128xf32, #tpu.memory_space<vmem_shared>>
      %dma_start3A_157 = arith.constant 0 : i32
      %dma_start3A_158 = tpu.memref_slice %arg16[%add3A_97, %dma_start3A_157] : memref<10128x128xf32, #tpu.memory_space<vmem_shared>> -> memref<128x128xf32, #tpu.memory_space<vmem_shared>>
      %dma_start3A_159 = arith.constant 0 : i32
      %dma_start3A_160 = arith.constant 0 : i32
      %dma_start3A_161 = tpu.memref_slice %arg10[%dma_start3A_159, %dma_start3A_160] : memref<128x128xf32, #tpu.memory_space<vmem>> -> memref<128x128xf32, #tpu.memory_space<vmem>>
      tpu.enqueue_dma source(%dma_start3A_161 : memref<128x128xf32, #tpu.memory_space<vmem>>) target(%dma_start3A_158 : memref<128x128xf32, #tpu.memory_space<vmem_shared>>) target_semaphore(%run_scoped3A : memref<!tpu.dma_semaphore, #tpu.memory_space<semaphore_mem>>)
      %dma_wait3A_162 = arith.constant 0 : i32
      %dma_wait3A_163 = arith.constant 0 : i32
      %dma_wait3A_164 = tpu.memref_slice %arg10[%dma_wait3A_162, %dma_wait3A_163] : memref<128x128xf32, #tpu.memory_space<vmem>> -> memref<128x128xf32, #tpu.memory_space<vmem>>
      %dma_wait3A_165 = arith.constant 0 : i32
      %dma_wait3A_166 = tpu.memref_slice %arg16[%add3A_97, %dma_wait3A_165] : memref<10128x128xf32, #tpu.memory_space<vmem_shared>> -> memref<128x128xf32, #tpu.memory_space<vmem_shared>>
      %dma_wait3A_167 = arith.constant 0 : i32
      %dma_wait3A_168 = tpu.memref_slice %arg16[%add3A_97, %dma_wait3A_167] : memref<10128x128xf32, #tpu.memory_space<vmem_shared>> -> memref<128x128xf32, #tpu.memory_space<vmem_shared>>
      %dma_wait3A_169 = arith.constant 0 : i32
      %dma_wait3A_170 = arith.constant 0 : i32
      %dma_wait3A_171 = tpu.memref_slice %arg10[%dma_wait3A_169, %dma_wait3A_170] : memref<128x128xf32, #tpu.memory_space<vmem>> -> memref<128x128xf32, #tpu.memory_space<vmem>>
      tpu.wait_dma2 semaphore(%run_scoped3A : memref<!tpu.dma_semaphore, #tpu.memory_space<semaphore_mem>>) src(%dma_wait3A_171 : memref<128x128xf32, #tpu.memory_space<vmem>>) dst(%dma_wait3A_168 : memref<128x128xf32, #tpu.memory_space<vmem_shared>>)
      tpu.yield
    }) : () -> ()
    %add3A_98 = arith.constant 512 : i32
    %add3A_99 = arith.addi %mul3A_2, %add3A_98 : i32
    "tpu.region"() ({
      %run_scoped3A = tpu.sem_alloc : memref<!tpu.dma_semaphore, #tpu.memory_space<semaphore_mem>>
      %dma_start3A_152 = arith.constant 0 : i32
      %dma_start3A_153 = arith.constant 0 : i32
      %dma_start3A_154 = tpu.memref_slice %arg10[%dma_start3A_152, %dma_start3A_153] : memref<128x128xf32, #tpu.memory_space<vmem>> -> memref<112x128xf32, #tpu.memory_space<vmem>>
      %dma_start3A_155 = arith.constant 0 : i32
      %dma_start3A_156 = tpu.memref_slice %arg16[%add3A_99, %dma_start3A_155] : memref<10128x128xf32, #tpu.memory_space<vmem_shared>> -> memref<112x128xf32, #tpu.memory_space<vmem_shared>>
      %dma_start3A_157 = arith.constant 0 : i32
      %dma_start3A_158 = tpu.memref_slice %arg16[%add3A_99, %dma_start3A_157] : memref<10128x128xf32, #tpu.memory_space<vmem_shared>> -> memref<112x128xf32, #tpu.memory_space<vmem_shared>>
      %dma_start3A_159 = arith.constant 0 : i32
      %dma_start3A_160 = arith.constant 0 : i32
      %dma_start3A_161 = tpu.memref_slice %arg10[%dma_start3A_159, %dma_start3A_160] : memref<128x128xf32, #tpu.memory_space<vmem>> -> memref<112x128xf32, #tpu.memory_space<vmem>>
      tpu.enqueue_dma source(%dma_start3A_161 : memref<112x128xf32, #tpu.memory_space<vmem>>) target(%dma_start3A_158 : memref<112x128xf32, #tpu.memory_space<vmem_shared>>) target_semaphore(%run_scoped3A : memref<!tpu.dma_semaphore, #tpu.memory_space<semaphore_mem>>)
      %dma_wait3A_162 = arith.constant 0 : i32
      %dma_wait3A_163 = arith.constant 0 : i32
      %dma_wait3A_164 = tpu.memref_slice %arg10[%dma_wait3A_162, %dma_wait3A_163] : memref<128x128xf32, #tpu.memory_space<vmem>> -> memref<112x128xf32, #tpu.memory_space<vmem>>
      %dma_wait3A_165 = arith.constant 0 : i32
      %dma_wait3A_166 = tpu.memref_slice %arg16[%add3A_99, %dma_wait3A_165] : memref<10128x128xf32, #tpu.memory_space<vmem_shared>> -> memref<112x128xf32, #tpu.memory_space<vmem_shared>>
      %dma_wait3A_167 = arith.constant 0 : i32
      %dma_wait3A_168 = tpu.memref_slice %arg16[%add3A_99, %dma_wait3A_167] : memref<10128x128xf32, #tpu.memory_space<vmem_shared>> -> memref<112x128xf32, #tpu.memory_space<vmem_shared>>
      %dma_wait3A_169 = arith.constant 0 : i32
      %dma_wait3A_170 = arith.constant 0 : i32
      %dma_wait3A_171 = tpu.memref_slice %arg10[%dma_wait3A_169, %dma_wait3A_170] : memref<128x128xf32, #tpu.memory_space<vmem>> -> memref<112x128xf32, #tpu.memory_space<vmem>>
      tpu.wait_dma2 semaphore(%run_scoped3A : memref<!tpu.dma_semaphore, #tpu.memory_space<semaphore_mem>>) src(%dma_wait3A_171 : memref<112x128xf32, #tpu.memory_space<vmem>>) dst(%dma_wait3A_168 : memref<112x128xf32, #tpu.memory_space<vmem_shared>>)
      tpu.yield
    }) : () -> ()
    %eq3A_100 = arith.constant 15 : i32
    %eq3A_101 = arith.cmpi eq, %arg1, %eq3A_100 : i32
    %convert_element_type3A_102 = arith.extui %eq3A_101 : i1 to i32
    %cond3A_103 = arith.constant 0 : i32
    %cond3A_104 = arith.cmpi ne, %convert_element_type3A_102, %cond3A_103 : i32
    scf.if %cond3A_104 {
      "tpu.region"() ({
        %run_scoped3A = tpu.sem_alloc : memref<!tpu.dma_semaphore, #tpu.memory_space<semaphore_mem>>
        %dma_start3A_152 = arith.constant 0 : i32
        %dma_start3A_153 = arith.constant 0 : i32
        %dma_start3A_154 = tpu.memref_slice %arg10[%dma_start3A_152, %dma_start3A_153] : memref<128x128xf32, #tpu.memory_space<vmem>> -> memref<16x128xf32, #tpu.memory_space<vmem>>
        %dma_start3A_155 = arith.constant 9984 : i32
        %dma_start3A_156 = arith.constant 0 : i32
        %dma_start3A_157 = tpu.memref_slice %arg16[%dma_start3A_155, %dma_start3A_156] : memref<10128x128xf32, #tpu.memory_space<vmem_shared>> -> memref<16x128xf32, #tpu.memory_space<vmem_shared>>
        %dma_start3A_158 = arith.constant 9984 : i32
        %dma_start3A_159 = arith.constant 0 : i32
        %dma_start3A_160 = tpu.memref_slice %arg16[%dma_start3A_158, %dma_start3A_159] : memref<10128x128xf32, #tpu.memory_space<vmem_shared>> -> memref<16x128xf32, #tpu.memory_space<vmem_shared>>
        %dma_start3A_161 = arith.constant 0 : i32
        %dma_start3A_162 = arith.constant 0 : i32
        %dma_start3A_163 = tpu.memref_slice %arg10[%dma_start3A_161, %dma_start3A_162] : memref<128x128xf32, #tpu.memory_space<vmem>> -> memref<16x128xf32, #tpu.memory_space<vmem>>
        tpu.enqueue_dma source(%dma_start3A_163 : memref<16x128xf32, #tpu.memory_space<vmem>>) target(%dma_start3A_160 : memref<16x128xf32, #tpu.memory_space<vmem_shared>>) target_semaphore(%run_scoped3A : memref<!tpu.dma_semaphore, #tpu.memory_space<semaphore_mem>>)
        %dma_wait3A_164 = arith.constant 0 : i32
        %dma_wait3A_165 = arith.constant 0 : i32
        %dma_wait3A_166 = tpu.memref_slice %arg10[%dma_wait3A_164, %dma_wait3A_165] : memref<128x128xf32, #tpu.memory_space<vmem>> -> memref<16x128xf32, #tpu.memory_space<vmem>>
        %dma_wait3A_167 = arith.constant 9984 : i32
        %dma_wait3A_168 = arith.constant 0 : i32
        %dma_wait3A_169 = tpu.memref_slice %arg16[%dma_wait3A_167, %dma_wait3A_168] : memref<10128x128xf32, #tpu.memory_space<vmem_shared>> -> memref<16x128xf32, #tpu.memory_space<vmem_shared>>
        %dma_wait3A_170 = arith.constant 9984 : i32
        %dma_wait3A_171 = arith.constant 0 : i32
        %dma_wait3A_172 = tpu.memref_slice %arg16[%dma_wait3A_170, %dma_wait3A_171] : memref<10128x128xf32, #tpu.memory_space<vmem_shared>> -> memref<16x128xf32, #tpu.memory_space<vmem_shared>>
        %dma_wait3A_173 = arith.constant 0 : i32
        %dma_wait3A_174 = arith.constant 0 : i32
        %dma_wait3A_175 = tpu.memref_slice %arg10[%dma_wait3A_173, %dma_wait3A_174] : memref<128x128xf32, #tpu.memory_space<vmem>> -> memref<16x128xf32, #tpu.memory_space<vmem>>
        tpu.wait_dma2 semaphore(%run_scoped3A : memref<!tpu.dma_semaphore, #tpu.memory_space<semaphore_mem>>) src(%dma_wait3A_175 : memref<16x128xf32, #tpu.memory_space<vmem>>) dst(%dma_wait3A_172 : memref<16x128xf32, #tpu.memory_space<vmem_shared>>)
        tpu.yield
      }) : () -> ()
    } else {
    }
    %broadcast_in_dim3A_105 = arith.constant 1.000000e+00 : f32
    %broadcast_in_dim3A_106 = vector.broadcast %broadcast_in_dim3A_105 : f32 to vector<16xf32>
    %scan3A_107 = arith.constant 0 : i32
    %scan3A_108 = arith.constant 0 : i32
    %scan3A_109 = arith.constant 128 : i32
    %scan3A_110 = arith.addi %scan3A_108, %scan3A_109 : i32
    %scan3A_111 = arith.constant 1 : i32
    scf.for %scan3A_152 = %scan3A_108 to %scan3A_110 step %scan3A_111  : i32 {
      %swap3A = arith.index_cast %scan3A_152 : i32 to index
      %swap3A_153 = arith.constant 0 : index
      %swap3A_154 = tpu.vector_load %arg11[%swap3A, %swap3A_153] {strides = array<i32>} : memref<128x128xf32, #tpu.memory_space<vmem>>, vector<1x16xf32>,
      %swap3A_155 = vector.shape_cast %swap3A_154 : vector<1x16xf32> to vector<16xf32>
      %swap3A_156 = vector.shape_cast %broadcast_in_dim3A_106 : vector<16xf32> to vector<1x16xf32>
      tpu.vector_store %arg11[%swap3A, %swap3A_153], %swap3A_156 {strides = array<i32>} : memref<128x128xf32, #tpu.memory_space<vmem>>, vector<1x16xf32>,
      %swap3A_157 = arith.index_cast %scan3A_152 : i32 to index
      %swap3A_158 = arith.constant 16 : index
      %swap3A_159 = tpu.vector_load %arg11[%swap3A_157, %swap3A_158] {strides = array<i32>} : memref<128x128xf32, #tpu.memory_space<vmem>>, vector<1x16xf32>,
      %swap3A_160 = vector.shape_cast %swap3A_159 : vector<1x16xf32> to vector<16xf32>
      %swap3A_161 = vector.shape_cast %broadcast_in_dim3A_106 : vector<16xf32> to vector<1x16xf32>
      tpu.vector_store %arg11[%swap3A_157, %swap3A_158], %swap3A_161 {strides = array<i32>} : memref<128x128xf32, #tpu.memory_space<vmem>>, vector<1x16xf32>,
      %swap3A_162 = arith.index_cast %scan3A_152 : i32 to index
      %swap3A_163 = arith.constant 32 : index
      %swap3A_164 = tpu.vector_load %arg11[%swap3A_162, %swap3A_163] {strides = array<i32>} : memref<128x128xf32, #tpu.memory_space<vmem>>, vector<1x16xf32>,
      %swap3A_165 = vector.shape_cast %swap3A_164 : vector<1x16xf32> to vector<16xf32>
      %swap3A_166 = vector.shape_cast %broadcast_in_dim3A_106 : vector<16xf32> to vector<1x16xf32>
      tpu.vector_store %arg11[%swap3A_162, %swap3A_163], %swap3A_166 {strides = array<i32>} : memref<128x128xf32, #tpu.memory_space<vmem>>, vector<1x16xf32>,
      %swap3A_167 = arith.index_cast %scan3A_152 : i32 to index
      %swap3A_168 = arith.constant 48 : index
      %swap3A_169 = tpu.vector_load %arg11[%swap3A_167, %swap3A_168] {strides = array<i32>} : memref<128x128xf32, #tpu.memory_space<vmem>>, vector<1x16xf32>,
      %swap3A_170 = vector.shape_cast %swap3A_169 : vector<1x16xf32> to vector<16xf32>
      %swap3A_171 = vector.shape_cast %broadcast_in_dim3A_106 : vector<16xf32> to vector<1x16xf32>
      tpu.vector_store %arg11[%swap3A_167, %swap3A_168], %swap3A_171 {strides = array<i32>} : memref<128x128xf32, #tpu.memory_space<vmem>>, vector<1x16xf32>,
      %swap3A_172 = arith.index_cast %scan3A_152 : i32 to index
      %swap3A_173 = arith.constant 64 : index
      %swap3A_174 = tpu.vector_load %arg11[%swap3A_172, %swap3A_173] {strides = array<i32>} : memref<128x128xf32, #tpu.memory_space<vmem>>, vector<1x16xf32>,
      %swap3A_175 = vector.shape_cast %swap3A_174 : vector<1x16xf32> to vector<16xf32>
      %swap3A_176 = vector.shape_cast %broadcast_in_dim3A_106 : vector<16xf32> to vector<1x16xf32>
      tpu.vector_store %arg11[%swap3A_172, %swap3A_173], %swap3A_176 {strides = array<i32>} : memref<128x128xf32, #tpu.memory_space<vmem>>, vector<1x16xf32>,
      %swap3A_177 = arith.index_cast %scan3A_152 : i32 to index
      %swap3A_178 = arith.constant 80 : index
      %swap3A_179 = tpu.vector_load %arg11[%swap3A_177, %swap3A_178] {strides = array<i32>} : memref<128x128xf32, #tpu.memory_space<vmem>>, vector<1x16xf32>,
      %swap3A_180 = vector.shape_cast %swap3A_179 : vector<1x16xf32> to vector<16xf32>
      %swap3A_181 = vector.shape_cast %broadcast_in_dim3A_106 : vector<16xf32> to vector<1x16xf32>
      tpu.vector_store %arg11[%swap3A_177, %swap3A_178], %swap3A_181 {strides = array<i32>} : memref<128x128xf32, #tpu.memory_space<vmem>>, vector<1x16xf32>,
      %swap3A_182 = arith.index_cast %scan3A_152 : i32 to index
      %swap3A_183 = arith.constant 96 : index
      %swap3A_184 = tpu.vector_load %arg11[%swap3A_182, %swap3A_183] {strides = array<i32>} : memref<128x128xf32, #tpu.memory_space<vmem>>, vector<1x16xf32>,
      %swap3A_185 = vector.shape_cast %swap3A_184 : vector<1x16xf32> to vector<16xf32>
      %swap3A_186 = vector.shape_cast %broadcast_in_dim3A_106 : vector<16xf32> to vector<1x16xf32>
      tpu.vector_store %arg11[%swap3A_182, %swap3A_183], %swap3A_186 {strides = array<i32>} : memref<128x128xf32, #tpu.memory_space<vmem>>, vector<1x16xf32>,
      %swap3A_187 = arith.index_cast %scan3A_152 : i32 to index
      %swap3A_188 = arith.constant 112 : index
      %swap3A_189 = tpu.vector_load %arg11[%swap3A_187, %swap3A_188] {strides = array<i32>} : memref<128x128xf32, #tpu.memory_space<vmem>>, vector<1x16xf32>,
      %swap3A_190 = vector.shape_cast %swap3A_189 : vector<1x16xf32> to vector<16xf32>
      %swap3A_191 = vector.shape_cast %broadcast_in_dim3A_106 : vector<16xf32> to vector<1x16xf32>
      tpu.vector_store %arg11[%swap3A_187, %swap3A_188], %swap3A_191 {strides = array<i32>} : memref<128x128xf32, #tpu.memory_space<vmem>>, vector<1x16xf32>,
    }
    %scan3A_112 = arith.constant 128 : i32
    %barrier3A_113 = arith.constant 0 : index
    tpu.barrier barrier_id(%barrier3A_113)
    %add3A_114 = arith.constant 0 : i32
    %add3A_115 = arith.addi %mul3A_4, %add3A_114 : i32
    %dma_start3A_116 = tpu.memref_slice %arg4[%add3A_115] : memref<327680xi32, #tpu.memory_space<hbm>> -> memref<128xi32, #tpu.memory_space<hbm>>
    %dma_start3A_117 = tpu.memref_slice %arg4[%add3A_115] : memref<327680xi32, #tpu.memory_space<hbm>> -> memref<128xi32, #tpu.memory_space<hbm>>
    tpu.enqueue_dma source(%dma_start3A_117 : memref<128xi32, #tpu.memory_space<hbm>>) target(%arg8 : memref<128xi32, #tpu.memory_space<vmem>>) target_semaphore(%arg14 : memref<!tpu.dma_semaphore, #tpu.memory_space<semaphore_mem>>)
    %add3A_118 = arith.constant 128 : i32
    %add3A_119 = arith.addi %mul3A_4, %add3A_118 : i32
    %dma_start3A_120 = tpu.memref_slice %arg4[%add3A_119] : memref<327680xi32, #tpu.memory_space<hbm>> -> memref<128xi32, #tpu.memory_space<hbm>>
    %dma_start3A_121 = tpu.memref_slice %arg4[%add3A_119] : memref<327680xi32, #tpu.memory_space<hbm>> -> memref<128xi32, #tpu.memory_space<hbm>>
    tpu.enqueue_dma source(%dma_start3A_121 : memref<128xi32, #tpu.memory_space<hbm>>) target(%arg9 : memref<128xi32, #tpu.memory_space<vmem>>) target_semaphore(%arg15 : memref<!tpu.dma_semaphore, #tpu.memory_space<semaphore_mem>>)
    %scan3A_122 = arith.constant 0 : i32
    %scan3A_123 = arith.constant 0 : i32
    %scan3A_124 = arith.constant 39 : i32
    %scan3A_125 = arith.addi %scan3A_123, %scan3A_124 : i32
    %scan3A_126 = arith.constant 1 : i32
    scf.for %scan3A_152 = %scan3A_123 to %scan3A_125 step %scan3A_126  : i32 {
      %mul3A_153 = arith.constant 2 : i32
      %mul3A_154 = arith.muli %mul3A_153, %scan3A_152 : i32
      %dma_wait3A_155 = arith.constant 0 : i32
      %dma_wait3A_156 = tpu.memref_slice %arg4[%dma_wait3A_155] : memref<327680xi32, #tpu.memory_space<hbm>> -> memref<128xi32, #tpu.memory_space<hbm>>
      %dma_wait3A_157 = arith.constant 0 : i32
      %dma_wait3A_158 = tpu.memref_slice %arg4[%dma_wait3A_157] : memref<327680xi32, #tpu.memory_space<hbm>> -> memref<128xi32, #tpu.memory_space<hbm>>
      tpu.wait_dma2 semaphore(%arg14 : memref<!tpu.dma_semaphore, #tpu.memory_space<semaphore_mem>>) src(%dma_wait3A_158 : memref<128xi32, #tpu.memory_space<hbm>>) dst(%arg8 : memref<128xi32, #tpu.memory_space<vmem>>)
      "tpu.region"() ({
        %run_scoped3A = tpu.sem_alloc : memref<!tpu.dma_semaphore, #tpu.memory_space<semaphore_mem>>
        %dma_start3A_177 = arith.constant 0 : i32
        %dma_start3A_178 = arith.constant 0 : i32
        %dma_start3A_179 = tpu.memref_slice %arg16[%dma_start3A_177, %dma_start3A_178] : memref<10128x128xf32, #tpu.memory_space<vmem_shared>> -> memref<10128x128xf32, #tpu.memory_space<vmem_shared>>
        tpu.enqueue_indirect_dma source(%arg11 : memref<128x128xf32, #tpu.memory_space<vmem>>) target(%dma_start3A_179 : memref<10128x128xf32, #tpu.memory_space<vmem_shared>>) offsets(%arg8 : memref<128xi32, #tpu.memory_space<vmem>>) semaphore(%run_scoped3A : memref<!tpu.dma_semaphore, #tpu.memory_space<semaphore_mem>>) {add = true}
        %dma_wait3A_180 = arith.constant 0 : i32
        %dma_wait3A_181 = arith.constant 0 : i32
        %dma_wait3A_182 = tpu.memref_slice %arg16[%dma_wait3A_180, %dma_wait3A_181] : memref<10128x128xf32, #tpu.memory_space<vmem_shared>> -> memref<10128x128xf32, #tpu.memory_space<vmem_shared>>
        tpu.wait_indirect_dma semaphore(%run_scoped3A : memref<!tpu.dma_semaphore, #tpu.memory_space<semaphore_mem>>) src(%arg11 : memref<128x128xf32, #tpu.memory_space<vmem>>) dst(%dma_wait3A_182 : memref<10128x128xf32, #tpu.memory_space<vmem_shared>>)
        tpu.yield
      }) : () -> ()
      %add3A_159 = arith.constant 2 : i32
      %add3A_160 = arith.addi %mul3A_154, %add3A_159 : i32
      %mul3A_161 = arith.constant 128 : i32
      %mul3A_162 = arith.muli %add3A_160, %mul3A_161 : i32
      %add3A_163 = arith.addi %mul3A_4, %mul3A_162 : i32
      %dma_start3A_164 = tpu.memref_slice %arg4[%add3A_163] : memref<327680xi32, #tpu.memory_space<hbm>> -> memref<128xi32, #tpu.memory_space<hbm>>
      %dma_start3A_165 = tpu.memref_slice %arg4[%add3A_163] : memref<327680xi32, #tpu.memory_space<hbm>> -> memref<128xi32, #tpu.memory_space<hbm>>
      tpu.enqueue_dma source(%dma_start3A_165 : memref<128xi32, #tpu.memory_space<hbm>>) target(%arg8 : memref<128xi32, #tpu.memory_space<vmem>>) target_semaphore(%arg14 : memref<!tpu.dma_semaphore, #tpu.memory_space<semaphore_mem>>)
      %dma_wait3A_166 = arith.constant 0 : i32
      %dma_wait3A_167 = tpu.memref_slice %arg4[%dma_wait3A_166] : memref<327680xi32, #tpu.memory_space<hbm>> -> memref<128xi32, #tpu.memory_space<hbm>>
      %dma_wait3A_168 = arith.constant 0 : i32
      %dma_wait3A_169 = tpu.memref_slice %arg4[%dma_wait3A_168] : memref<327680xi32, #tpu.memory_space<hbm>> -> memref<128xi32, #tpu.memory_space<hbm>>
      tpu.wait_dma2 semaphore(%arg15 : memref<!tpu.dma_semaphore, #tpu.memory_space<semaphore_mem>>) src(%dma_wait3A_169 : memref<128xi32, #tpu.memory_space<hbm>>) dst(%arg9 : memref<128xi32, #tpu.memory_space<vmem>>)
      "tpu.region"() ({
        %run_scoped3A = tpu.sem_alloc : memref<!tpu.dma_semaphore, #tpu.memory_space<semaphore_mem>>
        %dma_start3A_177 = arith.constant 0 : i32
        %dma_start3A_178 = arith.constant 0 : i32
        %dma_start3A_179 = tpu.memref_slice %arg16[%dma_start3A_177, %dma_start3A_178] : memref<10128x128xf32, #tpu.memory_space<vmem_shared>> -> memref<10128x128xf32, #tpu.memory_space<vmem_shared>>
        tpu.enqueue_indirect_dma source(%arg11 : memref<128x128xf32, #tpu.memory_space<vmem>>) target(%dma_start3A_179 : memref<10128x128xf32, #tpu.memory_space<vmem_shared>>) offsets(%arg9 : memref<128xi32, #tpu.memory_space<vmem>>) semaphore(%run_scoped3A : memref<!tpu.dma_semaphore, #tpu.memory_space<semaphore_mem>>) {add = true}
        %dma_wait3A_180 = arith.constant 0 : i32
        %dma_wait3A_181 = arith.constant 0 : i32
        %dma_wait3A_182 = tpu.memref_slice %arg16[%dma_wait3A_180, %dma_wait3A_181] : memref<10128x128xf32, #tpu.memory_space<vmem_shared>> -> memref<10128x128xf32, #tpu.memory_space<vmem_shared>>
        tpu.wait_indirect_dma semaphore(%run_scoped3A : memref<!tpu.dma_semaphore, #tpu.memory_space<semaphore_mem>>) src(%arg11 : memref<128x128xf32, #tpu.memory_space<vmem>>) dst(%dma_wait3A_182 : memref<10128x128xf32, #tpu.memory_space<vmem_shared>>)
        tpu.yield
      }) : () -> ()
      %add3A_170 = arith.constant 3 : i32
      %add3A_171 = arith.addi %mul3A_154, %add3A_170 : i32
      %mul3A_172 = arith.constant 128 : i32
      %mul3A_173 = arith.muli %add3A_171, %mul3A_172 : i32
      %add3A_174 = arith.addi %mul3A_4, %mul3A_173 : i32
      %dma_start3A_175 = tpu.memref_slice %arg4[%add3A_174] : memref<327680xi32, #tpu.memory_space<hbm>> -> memref<128xi32, #tpu.memory_space<hbm>>
      %dma_start3A_176 = tpu.memref_slice %arg4[%add3A_174] : memref<327680xi32, #tpu.memory_space<hbm>> -> memref<128xi32, #tpu.memory_space<hbm>>
      tpu.enqueue_dma source(%dma_start3A_176 : memref<128xi32, #tpu.memory_space<hbm>>) target(%arg9 : memref<128xi32, #tpu.memory_space<vmem>>) target_semaphore(%arg15 : memref<!tpu.dma_semaphore, #tpu.memory_space<semaphore_mem>>)
    }
    %scan3A_127 = arith.constant 39 : i32
    %dma_wait3A_128 = arith.constant 0 : i32
    %dma_wait3A_129 = tpu.memref_slice %arg4[%dma_wait3A_128] : memref<327680xi32, #tpu.memory_space<hbm>> -> memref<128xi32, #tpu.memory_space<hbm>>
    %dma_wait3A_130 = arith.constant 0 : i32
    %dma_wait3A_131 = tpu.memref_slice %arg4[%dma_wait3A_130] : memref<327680xi32, #tpu.memory_space<hbm>> -> memref<128xi32, #tpu.memory_space<hbm>>
    tpu.wait_dma2 semaphore(%arg14 : memref<!tpu.dma_semaphore, #tpu.memory_space<semaphore_mem>>) src(%dma_wait3A_131 : memref<128xi32, #tpu.memory_space<hbm>>) dst(%arg8 : memref<128xi32, #tpu.memory_space<vmem>>)
    "tpu.region"() ({
      %run_scoped3A = tpu.sem_alloc : memref<!tpu.dma_semaphore, #tpu.memory_space<semaphore_mem>>
      %dma_start3A_152 = arith.constant 0 : i32
      %dma_start3A_153 = arith.constant 0 : i32
      %dma_start3A_154 = tpu.memref_slice %arg16[%dma_start3A_152, %dma_start3A_153] : memref<10128x128xf32, #tpu.memory_space<vmem_shared>> -> memref<10128x128xf32, #tpu.memory_space<vmem_shared>>
      tpu.enqueue_indirect_dma source(%arg11 : memref<128x128xf32, #tpu.memory_space<vmem>>) target(%dma_start3A_154 : memref<10128x128xf32, #tpu.memory_space<vmem_shared>>) offsets(%arg8 : memref<128xi32, #tpu.memory_space<vmem>>) semaphore(%run_scoped3A : memref<!tpu.dma_semaphore, #tpu.memory_space<semaphore_mem>>) {add = true}
      %dma_wait3A_155 = arith.constant 0 : i32
      %dma_wait3A_156 = arith.constant 0 : i32
      %dma_wait3A_157 = tpu.memref_slice %arg16[%dma_wait3A_155, %dma_wait3A_156] : memref<10128x128xf32, #tpu.memory_space<vmem_shared>> -> memref<10128x128xf32, #tpu.memory_space<vmem_shared>>
      tpu.wait_indirect_dma semaphore(%run_scoped3A : memref<!tpu.dma_semaphore, #tpu.memory_space<semaphore_mem>>) src(%arg11 : memref<128x128xf32, #tpu.memory_space<vmem>>) dst(%dma_wait3A_157 : memref<10128x128xf32, #tpu.memory_space<vmem_shared>>)
      tpu.yield
    }) : () -> ()
    %dma_wait3A_132 = arith.constant 0 : i32
    %dma_wait3A_133 = tpu.memref_slice %arg4[%dma_wait3A_132] : memref<327680xi32, #tpu.memory_space<hbm>> -> memref<128xi32, #tpu.memory_space<hbm>>
    %dma_wait3A_134 = arith.constant 0 : i32
    %dma_wait3A_135 = tpu.memref_slice %arg4[%dma_wait3A_134] : memref<327680xi32, #tpu.memory_space<hbm>> -> memref<128xi32, #tpu.memory_space<hbm>>
    tpu.wait_dma2 semaphore(%arg15 : memref<!tpu.dma_semaphore, #tpu.memory_space<semaphore_mem>>) src(%dma_wait3A_135 : memref<128xi32, #tpu.memory_space<hbm>>) dst(%arg9 : memref<128xi32, #tpu.memory_space<vmem>>)
    "tpu.region"() ({
      %run_scoped3A = tpu.sem_alloc : memref<!tpu.dma_semaphore, #tpu.memory_space<semaphore_mem>>
      %dma_start3A_152 = arith.constant 0 : i32
      %dma_start3A_153 = arith.constant 0 : i32
      %dma_start3A_154 = tpu.memref_slice %arg16[%dma_start3A_152, %dma_start3A_153] : memref<10128x128xf32, #tpu.memory_space<vmem_shared>> -> memref<10128x128xf32, #tpu.memory_space<vmem_shared>>
      tpu.enqueue_indirect_dma source(%arg11 : memref<128x128xf32, #tpu.memory_space<vmem>>) target(%dma_start3A_154 : memref<10128x128xf32, #tpu.memory_space<vmem_shared>>) offsets(%arg9 : memref<128xi32, #tpu.memory_space<vmem>>) semaphore(%run_scoped3A : memref<!tpu.dma_semaphore, #tpu.memory_space<semaphore_mem>>) {add = true}
      %dma_wait3A_155 = arith.constant 0 : i32
      %dma_wait3A_156 = arith.constant 0 : i32
      %dma_wait3A_157 = tpu.memref_slice %arg16[%dma_wait3A_155, %dma_wait3A_156] : memref<10128x128xf32, #tpu.memory_space<vmem_shared>> -> memref<10128x128xf32, #tpu.memory_space<vmem_shared>>
      tpu.wait_indirect_dma semaphore(%run_scoped3A : memref<!tpu.dma_semaphore, #tpu.memory_space<semaphore_mem>>) src(%arg11 : memref<128x128xf32, #tpu.memory_space<vmem>>) dst(%dma_wait3A_157 : memref<10128x128xf32, #tpu.memory_space<vmem_shared>>)
      tpu.yield
    }) : () -> ()
    %barrier3A_136 = arith.constant 0 : index
    tpu.barrier barrier_id(%barrier3A_136)
    %add3A_137 = arith.constant 0 : i32
    %add3A_138 = arith.addi %mul3A_2, %add3A_137 : i32
    "tpu.region"() ({
      %run_scoped3A = tpu.sem_alloc : memref<!tpu.dma_semaphore, #tpu.memory_space<semaphore_mem>>
      %dma_start3A_152 = arith.constant 0 : i32
      %dma_start3A_153 = arith.constant 0 : i32
      %dma_start3A_154 = tpu.memref_slice %arg10[%dma_start3A_152, %dma_start3A_153] : memref<128x128xf32, #tpu.memory_space<vmem>> -> memref<128x128xf32, #tpu.memory_space<vmem>>
      %dma_start3A_155 = arith.constant 0 : i32
      %dma_start3A_156 = tpu.memref_slice %arg16[%add3A_138, %dma_start3A_155] : memref<10128x128xf32, #tpu.memory_space<vmem_shared>> -> memref<128x128xf32, #tpu.memory_space<vmem_shared>>
      %dma_start3A_157 = arith.constant 0 : i32
      %dma_start3A_158 = arith.constant 0 : i32
      %dma_start3A_159 = tpu.memref_slice %arg10[%dma_start3A_157, %dma_start3A_158] : memref<128x128xf32, #tpu.memory_space<vmem>> -> memref<128x128xf32, #tpu.memory_space<vmem>>
      %dma_start3A_160 = arith.constant 0 : i32
      %dma_start3A_161 = tpu.memref_slice %arg16[%add3A_138, %dma_start3A_160] : memref<10128x128xf32, #tpu.memory_space<vmem_shared>> -> memref<128x128xf32, #tpu.memory_space<vmem_shared>>
      tpu.enqueue_dma source(%dma_start3A_161 : memref<128x128xf32, #tpu.memory_space<vmem_shared>>) target(%dma_start3A_159 : memref<128x128xf32, #tpu.memory_space<vmem>>) target_semaphore(%run_scoped3A : memref<!tpu.dma_semaphore, #tpu.memory_space<semaphore_mem>>)
      %dma_wait3A_162 = arith.constant 0 : i32
      %dma_wait3A_163 = arith.constant 0 : i32
      %dma_wait3A_164 = tpu.memref_slice %arg10[%dma_wait3A_162, %dma_wait3A_163] : memref<128x128xf32, #tpu.memory_space<vmem>> -> memref<128x128xf32, #tpu.memory_space<vmem>>
      %dma_wait3A_165 = arith.constant 0 : i32
      %dma_wait3A_166 = tpu.memref_slice %arg16[%add3A_138, %dma_wait3A_165] : memref<10128x128xf32, #tpu.memory_space<vmem_shared>> -> memref<128x128xf32, #tpu.memory_space<vmem_shared>>
      %dma_wait3A_167 = arith.constant 0 : i32
      %dma_wait3A_168 = arith.constant 0 : i32
      %dma_wait3A_169 = tpu.memref_slice %arg10[%dma_wait3A_167, %dma_wait3A_168] : memref<128x128xf32, #tpu.memory_space<vmem>> -> memref<128x128xf32, #tpu.memory_space<vmem>>
      %dma_wait3A_170 = arith.constant 0 : i32
      %dma_wait3A_171 = tpu.memref_slice %arg16[%add3A_138, %dma_wait3A_170] : memref<10128x128xf32, #tpu.memory_space<vmem_shared>> -> memref<128x128xf32, #tpu.memory_space<vmem_shared>>
      tpu.wait_dma2 semaphore(%run_scoped3A : memref<!tpu.dma_semaphore, #tpu.memory_space<semaphore_mem>>) src(%dma_wait3A_171 : memref<128x128xf32, #tpu.memory_space<vmem_shared>>) dst(%dma_wait3A_169 : memref<128x128xf32, #tpu.memory_space<vmem>>)
      tpu.yield
    }) : () -> ()
    "tpu.region"() ({
      %run_scoped3A = tpu.sem_alloc : memref<!tpu.dma_semaphore, #tpu.memory_space<semaphore_mem>>
      %dma_start3A_152 = arith.constant 0 : i32
      %dma_start3A_153 = arith.constant 0 : i32
      %dma_start3A_154 = tpu.memref_slice %arg10[%dma_start3A_152, %dma_start3A_153] : memref<128x128xf32, #tpu.memory_space<vmem>> -> memref<128x128xf32, #tpu.memory_space<vmem>>
      %dma_start3A_155 = arith.constant 0 : i32
      %dma_start3A_156 = tpu.memref_slice %arg6[%arg0, %add3A_138, %dma_start3A_155] : memref<2x10000x128xf32, #tpu.memory_space<hbm>> -> memref<1x128x128xf32, #tpu.memory_space<hbm>>
      %dma_start3A_157 = tpu.memref_squeeze %dma_start3A_156 : memref<1x128x128xf32, #tpu.memory_space<hbm>> -> memref<128x128xf32, #tpu.memory_space<hbm>>
      %dma_start3A_158 = arith.constant 0 : i32
      %dma_start3A_159 = tpu.memref_slice %arg6[%arg0, %add3A_138, %dma_start3A_158] : memref<2x10000x128xf32, #tpu.memory_space<hbm>> -> memref<1x128x128xf32, #tpu.memory_space<hbm>>
      %dma_start3A_160 = tpu.memref_squeeze %dma_start3A_159 : memref<1x128x128xf32, #tpu.memory_space<hbm>> -> memref<128x128xf32, #tpu.memory_space<hbm>>
      %dma_start3A_161 = arith.constant 0 : i32
      %dma_start3A_162 = arith.constant 0 : i32
      %dma_start3A_163 = tpu.memref_slice %arg10[%dma_start3A_161, %dma_start3A_162] : memref<128x128xf32, #tpu.memory_space<vmem>> -> memref<128x128xf32, #tpu.memory_space<vmem>>
      tpu.enqueue_dma source(%dma_start3A_163 : memref<128x128xf32, #tpu.memory_space<vmem>>) target(%dma_start3A_160 : memref<128x128xf32, #tpu.memory_space<hbm>>) target_semaphore(%run_scoped3A : memref<!tpu.dma_semaphore, #tpu.memory_space<semaphore_mem>>)
      %dma_wait3A_164 = arith.constant 0 : i32
      %dma_wait3A_165 = arith.constant 0 : i32
      %dma_wait3A_166 = tpu.memref_slice %arg10[%dma_wait3A_164, %dma_wait3A_165] : memref<128x128xf32, #tpu.memory_space<vmem>> -> memref<128x128xf32, #tpu.memory_space<vmem>>
      %dma_wait3A_167 = arith.constant 0 : i32
      %dma_wait3A_168 = tpu.memref_slice %arg6[%arg0, %add3A_138, %dma_wait3A_167] : memref<2x10000x128xf32, #tpu.memory_space<hbm>> -> memref<1x128x128xf32, #tpu.memory_space<hbm>>
      %dma_wait3A_169 = tpu.memref_squeeze %dma_wait3A_168 : memref<1x128x128xf32, #tpu.memory_space<hbm>> -> memref<128x128xf32, #tpu.memory_space<hbm>>
      %dma_wait3A_170 = arith.constant 0 : i32
      %dma_wait3A_171 = tpu.memref_slice %arg6[%arg0, %add3A_138, %dma_wait3A_170] : memref<2x10000x128xf32, #tpu.memory_space<hbm>> -> memref<1x128x128xf32, #tpu.memory_space<hbm>>
      %dma_wait3A_172 = tpu.memref_squeeze %dma_wait3A_171 : memref<1x128x128xf32, #tpu.memory_space<hbm>> -> memref<128x128xf32, #tpu.memory_space<hbm>>
      %dma_wait3A_173 = arith.constant 0 : i32
      %dma_wait3A_174 = arith.constant 0 : i32
      %dma_wait3A_175 = tpu.memref_slice %arg10[%dma_wait3A_173, %dma_wait3A_174] : memref<128x128xf32, #tpu.memory_space<vmem>> -> memref<128x128xf32, #tpu.memory_space<vmem>>
      tpu.wait_dma2 semaphore(%run_scoped3A : memref<!tpu.dma_semaphore, #tpu.memory_space<semaphore_mem>>) src(%dma_wait3A_175 : memref<128x128xf32, #tpu.memory_space<vmem>>) dst(%dma_wait3A_172 : memref<128x128xf32, #tpu.memory_space<hbm>>)
      tpu.yield
    }) : () -> ()
    %add3A_139 = arith.constant 128 : i32
    %add3A_140 = arith.addi %mul3A_2, %add3A_139 : i32
    "tpu.region"() ({
      %run_scoped3A = tpu.sem_alloc : memref<!tpu.dma_semaphore, #tpu.memory_space<semaphore_mem>>
      %dma_start3A_152 = arith.constant 0 : i32
      %dma_start3A_153 = arith.constant 0 : i32
      %dma_start3A_154 = tpu.memref_slice %arg10[%dma_start3A_152, %dma_start3A_153] : memref<128x128xf32, #tpu.memory_space<vmem>> -> memref<128x128xf32, #tpu.memory_space<vmem>>
      %dma_start3A_155 = arith.constant 0 : i32
      %dma_start3A_156 = tpu.memref_slice %arg16[%add3A_140, %dma_start3A_155] : memref<10128x128xf32, #tpu.memory_space<vmem_shared>> -> memref<128x128xf32, #tpu.memory_space<vmem_shared>>
      %dma_start3A_157 = arith.constant 0 : i32
      %dma_start3A_158 = arith.constant 0 : i32
      %dma_start3A_159 = tpu.memref_slice %arg10[%dma_start3A_157, %dma_start3A_158] : memref<128x128xf32, #tpu.memory_space<vmem>> -> memref<128x128xf32, #tpu.memory_space<vmem>>
      %dma_start3A_160 = arith.constant 0 : i32
      %dma_start3A_161 = tpu.memref_slice %arg16[%add3A_140, %dma_start3A_160] : memref<10128x128xf32, #tpu.memory_space<vmem_shared>> -> memref<128x128xf32, #tpu.memory_space<vmem_shared>>
      tpu.enqueue_dma source(%dma_start3A_161 : memref<128x128xf32, #tpu.memory_space<vmem_shared>>) target(%dma_start3A_159 : memref<128x128xf32, #tpu.memory_space<vmem>>) target_semaphore(%run_scoped3A : memref<!tpu.dma_semaphore, #tpu.memory_space<semaphore_mem>>)
      %dma_wait3A_162 = arith.constant 0 : i32
      %dma_wait3A_163 = arith.constant 0 : i32
      %dma_wait3A_164 = tpu.memref_slice %arg10[%dma_wait3A_162, %dma_wait3A_163] : memref<128x128xf32, #tpu.memory_space<vmem>> -> memref<128x128xf32, #tpu.memory_space<vmem>>
      %dma_wait3A_165 = arith.constant 0 : i32
      %dma_wait3A_166 = tpu.memref_slice %arg16[%add3A_140, %dma_wait3A_165] : memref<10128x128xf32, #tpu.memory_space<vmem_shared>> -> memref<128x128xf32, #tpu.memory_space<vmem_shared>>
      %dma_wait3A_167 = arith.constant 0 : i32
      %dma_wait3A_168 = arith.constant 0 : i32
      %dma_wait3A_169 = tpu.memref_slice %arg10[%dma_wait3A_167, %dma_wait3A_168] : memref<128x128xf32, #tpu.memory_space<vmem>> -> memref<128x128xf32, #tpu.memory_space<vmem>>
      %dma_wait3A_170 = arith.constant 0 : i32
      %dma_wait3A_171 = tpu.memref_slice %arg16[%add3A_140, %dma_wait3A_170] : memref<10128x128xf32, #tpu.memory_space<vmem_shared>> -> memref<128x128xf32, #tpu.memory_space<vmem_shared>>
      tpu.wait_dma2 semaphore(%run_scoped3A : memref<!tpu.dma_semaphore, #tpu.memory_space<semaphore_mem>>) src(%dma_wait3A_171 : memref<128x128xf32, #tpu.memory_space<vmem_shared>>) dst(%dma_wait3A_169 : memref<128x128xf32, #tpu.memory_space<vmem>>)
      tpu.yield
    }) : () -> ()
    "tpu.region"() ({
      %run_scoped3A = tpu.sem_alloc : memref<!tpu.dma_semaphore, #tpu.memory_space<semaphore_mem>>
      %dma_start3A_152 = arith.constant 0 : i32
      %dma_start3A_153 = arith.constant 0 : i32
      %dma_start3A_154 = tpu.memref_slice %arg10[%dma_start3A_152, %dma_start3A_153] : memref<128x128xf32, #tpu.memory_space<vmem>> -> memref<128x128xf32, #tpu.memory_space<vmem>>
      %dma_start3A_155 = arith.constant 0 : i32
      %dma_start3A_156 = tpu.memref_slice %arg6[%arg0, %add3A_140, %dma_start3A_155] : memref<2x10000x128xf32, #tpu.memory_space<hbm>> -> memref<1x128x128xf32, #tpu.memory_space<hbm>>
      %dma_start3A_157 = tpu.memref_squeeze %dma_start3A_156 : memref<1x128x128xf32, #tpu.memory_space<hbm>> -> memref<128x128xf32, #tpu.memory_space<hbm>>
      %dma_start3A_158 = arith.constant 0 : i32
      %dma_start3A_159 = tpu.memref_slice %arg6[%arg0, %add3A_140, %dma_start3A_158] : memref<2x10000x128xf32, #tpu.memory_space<hbm>> -> memref<1x128x128xf32, #tpu.memory_space<hbm>>
      %dma_start3A_160 = tpu.memref_squeeze %dma_start3A_159 : memref<1x128x128xf32, #tpu.memory_space<hbm>> -> memref<128x128xf32, #tpu.memory_space<hbm>>
      %dma_start3A_161 = arith.constant 0 : i32
      %dma_start3A_162 = arith.constant 0 : i32
      %dma_start3A_163 = tpu.memref_slice %arg10[%dma_start3A_161, %dma_start3A_162] : memref<128x128xf32, #tpu.memory_space<vmem>> -> memref<128x128xf32, #tpu.memory_space<vmem>>
      tpu.enqueue_dma source(%dma_start3A_163 : memref<128x128xf32, #tpu.memory_space<vmem>>) target(%dma_start3A_160 : memref<128x128xf32, #tpu.memory_space<hbm>>) target_semaphore(%run_scoped3A : memref<!tpu.dma_semaphore, #tpu.memory_space<semaphore_mem>>)
      %dma_wait3A_164 = arith.constant 0 : i32
      %dma_wait3A_165 = arith.constant 0 : i32
      %dma_wait3A_166 = tpu.memref_slice %arg10[%dma_wait3A_164, %dma_wait3A_165] : memref<128x128xf32, #tpu.memory_space<vmem>> -> memref<128x128xf32, #tpu.memory_space<vmem>>
      %dma_wait3A_167 = arith.constant 0 : i32
      %dma_wait3A_168 = tpu.memref_slice %arg6[%arg0, %add3A_140, %dma_wait3A_167] : memref<2x10000x128xf32, #tpu.memory_space<hbm>> -> memref<1x128x128xf32, #tpu.memory_space<hbm>>
      %dma_wait3A_169 = tpu.memref_squeeze %dma_wait3A_168 : memref<1x128x128xf32, #tpu.memory_space<hbm>> -> memref<128x128xf32, #tpu.memory_space<hbm>>
      %dma_wait3A_170 = arith.constant 0 : i32
      %dma_wait3A_171 = tpu.memref_slice %arg6[%arg0, %add3A_140, %dma_wait3A_170] : memref<2x10000x128xf32, #tpu.memory_space<hbm>> -> memref<1x128x128xf32, #tpu.memory_space<hbm>>
      %dma_wait3A_172 = tpu.memref_squeeze %dma_wait3A_171 : memref<1x128x128xf32, #tpu.memory_space<hbm>> -> memref<128x128xf32, #tpu.memory_space<hbm>>
      %dma_wait3A_173 = arith.constant 0 : i32
      %dma_wait3A_174 = arith.constant 0 : i32
      %dma_wait3A_175 = tpu.memref_slice %arg10[%dma_wait3A_173, %dma_wait3A_174] : memref<128x128xf32, #tpu.memory_space<vmem>> -> memref<128x128xf32, #tpu.memory_space<vmem>>
      tpu.wait_dma2 semaphore(%run_scoped3A : memref<!tpu.dma_semaphore, #tpu.memory_space<semaphore_mem>>) src(%dma_wait3A_175 : memref<128x128xf32, #tpu.memory_space<vmem>>) dst(%dma_wait3A_172 : memref<128x128xf32, #tpu.memory_space<hbm>>)
      tpu.yield
    }) : () -> ()
    %add3A_141 = arith.constant 256 : i32
    %add3A_142 = arith.addi %mul3A_2, %add3A_141 : i32
    "tpu.region"() ({
      %run_scoped3A = tpu.sem_alloc : memref<!tpu.dma_semaphore, #tpu.memory_space<semaphore_mem>>
      %dma_start3A_152 = arith.constant 0 : i32
      %dma_start3A_153 = arith.constant 0 : i32
      %dma_start3A_154 = tpu.memref_slice %arg10[%dma_start3A_152, %dma_start3A_153] : memref<128x128xf32, #tpu.memory_space<vmem>> -> memref<128x128xf32, #tpu.memory_space<vmem>>
      %dma_start3A_155 = arith.constant 0 : i32
      %dma_start3A_156 = tpu.memref_slice %arg16[%add3A_142, %dma_start3A_155] : memref<10128x128xf32, #tpu.memory_space<vmem_shared>> -> memref<128x128xf32, #tpu.memory_space<vmem_shared>>
      %dma_start3A_157 = arith.constant 0 : i32
      %dma_start3A_158 = arith.constant 0 : i32
      %dma_start3A_159 = tpu.memref_slice %arg10[%dma_start3A_157, %dma_start3A_158] : memref<128x128xf32, #tpu.memory_space<vmem>> -> memref<128x128xf32, #tpu.memory_space<vmem>>
      %dma_start3A_160 = arith.constant 0 : i32
      %dma_start3A_161 = tpu.memref_slice %arg16[%add3A_142, %dma_start3A_160] : memref<10128x128xf32, #tpu.memory_space<vmem_shared>> -> memref<128x128xf32, #tpu.memory_space<vmem_shared>>
      tpu.enqueue_dma source(%dma_start3A_161 : memref<128x128xf32, #tpu.memory_space<vmem_shared>>) target(%dma_start3A_159 : memref<128x128xf32, #tpu.memory_space<vmem>>) target_semaphore(%run_scoped3A : memref<!tpu.dma_semaphore, #tpu.memory_space<semaphore_mem>>)
      %dma_wait3A_162 = arith.constant 0 : i32
      %dma_wait3A_163 = arith.constant 0 : i32
      %dma_wait3A_164 = tpu.memref_slice %arg10[%dma_wait3A_162, %dma_wait3A_163] : memref<128x128xf32, #tpu.memory_space<vmem>> -> memref<128x128xf32, #tpu.memory_space<vmem>>
      %dma_wait3A_165 = arith.constant 0 : i32
      %dma_wait3A_166 = tpu.memref_slice %arg16[%add3A_142, %dma_wait3A_165] : memref<10128x128xf32, #tpu.memory_space<vmem_shared>> -> memref<128x128xf32, #tpu.memory_space<vmem_shared>>
      %dma_wait3A_167 = arith.constant 0 : i32
      %dma_wait3A_168 = arith.constant 0 : i32
      %dma_wait3A_169 = tpu.memref_slice %arg10[%dma_wait3A_167, %dma_wait3A_168] : memref<128x128xf32, #tpu.memory_space<vmem>> -> memref<128x128xf32, #tpu.memory_space<vmem>>
      %dma_wait3A_170 = arith.constant 0 : i32
      %dma_wait3A_171 = tpu.memref_slice %arg16[%add3A_142, %dma_wait3A_170] : memref<10128x128xf32, #tpu.memory_space<vmem_shared>> -> memref<128x128xf32, #tpu.memory_space<vmem_shared>>
      tpu.wait_dma2 semaphore(%run_scoped3A : memref<!tpu.dma_semaphore, #tpu.memory_space<semaphore_mem>>) src(%dma_wait3A_171 : memref<128x128xf32, #tpu.memory_space<vmem_shared>>) dst(%dma_wait3A_169 : memref<128x128xf32, #tpu.memory_space<vmem>>)
      tpu.yield
    }) : () -> ()
    "tpu.region"() ({
      %run_scoped3A = tpu.sem_alloc : memref<!tpu.dma_semaphore, #tpu.memory_space<semaphore_mem>>
      %dma_start3A_152 = arith.constant 0 : i32
      %dma_start3A_153 = arith.constant 0 : i32
      %dma_start3A_154 = tpu.memref_slice %arg10[%dma_start3A_152, %dma_start3A_153] : memref<128x128xf32, #tpu.memory_space<vmem>> -> memref<128x128xf32, #tpu.memory_space<vmem>>
      %dma_start3A_155 = arith.constant 0 : i32
      %dma_start3A_156 = tpu.memref_slice %arg6[%arg0, %add3A_142, %dma_start3A_155] : memref<2x10000x128xf32, #tpu.memory_space<hbm>> -> memref<1x128x128xf32, #tpu.memory_space<hbm>>
      %dma_start3A_157 = tpu.memref_squeeze %dma_start3A_156 : memref<1x128x128xf32, #tpu.memory_space<hbm>> -> memref<128x128xf32, #tpu.memory_space<hbm>>
      %dma_start3A_158 = arith.constant 0 : i32
      %dma_start3A_159 = tpu.memref_slice %arg6[%arg0, %add3A_142, %dma_start3A_158] : memref<2x10000x128xf32, #tpu.memory_space<hbm>> -> memref<1x128x128xf32, #tpu.memory_space<hbm>>
      %dma_start3A_160 = tpu.memref_squeeze %dma_start3A_159 : memref<1x128x128xf32, #tpu.memory_space<hbm>> -> memref<128x128xf32, #tpu.memory_space<hbm>>
      %dma_start3A_161 = arith.constant 0 : i32
      %dma_start3A_162 = arith.constant 0 : i32
      %dma_start3A_163 = tpu.memref_slice %arg10[%dma_start3A_161, %dma_start3A_162] : memref<128x128xf32, #tpu.memory_space<vmem>> -> memref<128x128xf32, #tpu.memory_space<vmem>>
      tpu.enqueue_dma source(%dma_start3A_163 : memref<128x128xf32, #tpu.memory_space<vmem>>) target(%dma_start3A_160 : memref<128x128xf32, #tpu.memory_space<hbm>>) target_semaphore(%run_scoped3A : memref<!tpu.dma_semaphore, #tpu.memory_space<semaphore_mem>>)
      %dma_wait3A_164 = arith.constant 0 : i32
      %dma_wait3A_165 = arith.constant 0 : i32
      %dma_wait3A_166 = tpu.memref_slice %arg10[%dma_wait3A_164, %dma_wait3A_165] : memref<128x128xf32, #tpu.memory_space<vmem>> -> memref<128x128xf32, #tpu.memory_space<vmem>>
      %dma_wait3A_167 = arith.constant 0 : i32
      %dma_wait3A_168 = tpu.memref_slice %arg6[%arg0, %add3A_142, %dma_wait3A_167] : memref<2x10000x128xf32, #tpu.memory_space<hbm>> -> memref<1x128x128xf32, #tpu.memory_space<hbm>>
      %dma_wait3A_169 = tpu.memref_squeeze %dma_wait3A_168 : memref<1x128x128xf32, #tpu.memory_space<hbm>> -> memref<128x128xf32, #tpu.memory_space<hbm>>
      %dma_wait3A_170 = arith.constant 0 : i32
      %dma_wait3A_171 = tpu.memref_slice %arg6[%arg0, %add3A_142, %dma_wait3A_170] : memref<2x10000x128xf32, #tpu.memory_space<hbm>> -> memref<1x128x128xf32, #tpu.memory_space<hbm>>
      %dma_wait3A_172 = tpu.memref_squeeze %dma_wait3A_171 : memref<1x128x128xf32, #tpu.memory_space<hbm>> -> memref<128x128xf32, #tpu.memory_space<hbm>>
      %dma_wait3A_173 = arith.constant 0 : i32
      %dma_wait3A_174 = arith.constant 0 : i32
      %dma_wait3A_175 = tpu.memref_slice %arg10[%dma_wait3A_173, %dma_wait3A_174] : memref<128x128xf32, #tpu.memory_space<vmem>> -> memref<128x128xf32, #tpu.memory_space<vmem>>
      tpu.wait_dma2 semaphore(%run_scoped3A : memref<!tpu.dma_semaphore, #tpu.memory_space<semaphore_mem>>) src(%dma_wait3A_175 : memref<128x128xf32, #tpu.memory_space<vmem>>) dst(%dma_wait3A_172 : memref<128x128xf32, #tpu.memory_space<hbm>>)
      tpu.yield
    }) : () -> ()
    %add3A_143 = arith.constant 384 : i32
    %add3A_144 = arith.addi %mul3A_2, %add3A_143 : i32
    "tpu.region"() ({
      %run_scoped3A = tpu.sem_alloc : memref<!tpu.dma_semaphore, #tpu.memory_space<semaphore_mem>>
      %dma_start3A_152 = arith.constant 0 : i32
      %dma_start3A_153 = arith.constant 0 : i32
      %dma_start3A_154 = tpu.memref_slice %arg10[%dma_start3A_152, %dma_start3A_153] : memref<128x128xf32, #tpu.memory_space<vmem>> -> memref<128x128xf32, #tpu.memory_space<vmem>>
      %dma_start3A_155 = arith.constant 0 : i32
      %dma_start3A_156 = tpu.memref_slice %arg16[%add3A_144, %dma_start3A_155] : memref<10128x128xf32, #tpu.memory_space<vmem_shared>> -> memref<128x128xf32, #tpu.memory_space<vmem_shared>>
      %dma_start3A_157 = arith.constant 0 : i32
      %dma_start3A_158 = arith.constant 0 : i32
      %dma_start3A_159 = tpu.memref_slice %arg10[%dma_start3A_157, %dma_start3A_158] : memref<128x128xf32, #tpu.memory_space<vmem>> -> memref<128x128xf32, #tpu.memory_space<vmem>>
      %dma_start3A_160 = arith.constant 0 : i32
      %dma_start3A_161 = tpu.memref_slice %arg16[%add3A_144, %dma_start3A_160] : memref<10128x128xf32, #tpu.memory_space<vmem_shared>> -> memref<128x128xf32, #tpu.memory_space<vmem_shared>>
      tpu.enqueue_dma source(%dma_start3A_161 : memref<128x128xf32, #tpu.memory_space<vmem_shared>>) target(%dma_start3A_159 : memref<128x128xf32, #tpu.memory_space<vmem>>) target_semaphore(%run_scoped3A : memref<!tpu.dma_semaphore, #tpu.memory_space<semaphore_mem>>)
      %dma_wait3A_162 = arith.constant 0 : i32
      %dma_wait3A_163 = arith.constant 0 : i32
      %dma_wait3A_164 = tpu.memref_slice %arg10[%dma_wait3A_162, %dma_wait3A_163] : memref<128x128xf32, #tpu.memory_space<vmem>> -> memref<128x128xf32, #tpu.memory_space<vmem>>
      %dma_wait3A_165 = arith.constant 0 : i32
      %dma_wait3A_166 = tpu.memref_slice %arg16[%add3A_144, %dma_wait3A_165] : memref<10128x128xf32, #tpu.memory_space<vmem_shared>> -> memref<128x128xf32, #tpu.memory_space<vmem_shared>>
      %dma_wait3A_167 = arith.constant 0 : i32
      %dma_wait3A_168 = arith.constant 0 : i32
      %dma_wait3A_169 = tpu.memref_slice %arg10[%dma_wait3A_167, %dma_wait3A_168] : memref<128x128xf32, #tpu.memory_space<vmem>> -> memref<128x128xf32, #tpu.memory_space<vmem>>
      %dma_wait3A_170 = arith.constant 0 : i32
      %dma_wait3A_171 = tpu.memref_slice %arg16[%add3A_144, %dma_wait3A_170] : memref<10128x128xf32, #tpu.memory_space<vmem_shared>> -> memref<128x128xf32, #tpu.memory_space<vmem_shared>>
      tpu.wait_dma2 semaphore(%run_scoped3A : memref<!tpu.dma_semaphore, #tpu.memory_space<semaphore_mem>>) src(%dma_wait3A_171 : memref<128x128xf32, #tpu.memory_space<vmem_shared>>) dst(%dma_wait3A_169 : memref<128x128xf32, #tpu.memory_space<vmem>>)
      tpu.yield
    }) : () -> ()
    "tpu.region"() ({
      %run_scoped3A = tpu.sem_alloc : memref<!tpu.dma_semaphore, #tpu.memory_space<semaphore_mem>>
      %dma_start3A_152 = arith.constant 0 : i32
      %dma_start3A_153 = arith.constant 0 : i32
      %dma_start3A_154 = tpu.memref_slice %arg10[%dma_start3A_152, %dma_start3A_153] : memref<128x128xf32, #tpu.memory_space<vmem>> -> memref<128x128xf32, #tpu.memory_space<vmem>>
      %dma_start3A_155 = arith.constant 0 : i32
      %dma_start3A_156 = tpu.memref_slice %arg6[%arg0, %add3A_144, %dma_start3A_155] : memref<2x10000x128xf32, #tpu.memory_space<hbm>> -> memref<1x128x128xf32, #tpu.memory_space<hbm>>
      %dma_start3A_157 = tpu.memref_squeeze %dma_start3A_156 : memref<1x128x128xf32, #tpu.memory_space<hbm>> -> memref<128x128xf32, #tpu.memory_space<hbm>>
      %dma_start3A_158 = arith.constant 0 : i32
      %dma_start3A_159 = tpu.memref_slice %arg6[%arg0, %add3A_144, %dma_start3A_158] : memref<2x10000x128xf32, #tpu.memory_space<hbm>> -> memref<1x128x128xf32, #tpu.memory_space<hbm>>
      %dma_start3A_160 = tpu.memref_squeeze %dma_start3A_159 : memref<1x128x128xf32, #tpu.memory_space<hbm>> -> memref<128x128xf32, #tpu.memory_space<hbm>>
      %dma_start3A_161 = arith.constant 0 : i32
      %dma_start3A_162 = arith.constant 0 : i32
      %dma_start3A_163 = tpu.memref_slice %arg10[%dma_start3A_161, %dma_start3A_162] : memref<128x128xf32, #tpu.memory_space<vmem>> -> memref<128x128xf32, #tpu.memory_space<vmem>>
      tpu.enqueue_dma source(%dma_start3A_163 : memref<128x128xf32, #tpu.memory_space<vmem>>) target(%dma_start3A_160 : memref<128x128xf32, #tpu.memory_space<hbm>>) target_semaphore(%run_scoped3A : memref<!tpu.dma_semaphore, #tpu.memory_space<semaphore_mem>>)
      %dma_wait3A_164 = arith.constant 0 : i32
      %dma_wait3A_165 = arith.constant 0 : i32
      %dma_wait3A_166 = tpu.memref_slice %arg10[%dma_wait3A_164, %dma_wait3A_165] : memref<128x128xf32, #tpu.memory_space<vmem>> -> memref<128x128xf32, #tpu.memory_space<vmem>>
      %dma_wait3A_167 = arith.constant 0 : i32
      %dma_wait3A_168 = tpu.memref_slice %arg6[%arg0, %add3A_144, %dma_wait3A_167] : memref<2x10000x128xf32, #tpu.memory_space<hbm>> -> memref<1x128x128xf32, #tpu.memory_space<hbm>>
      %dma_wait3A_169 = tpu.memref_squeeze %dma_wait3A_168 : memref<1x128x128xf32, #tpu.memory_space<hbm>> -> memref<128x128xf32, #tpu.memory_space<hbm>>
      %dma_wait3A_170 = arith.constant 0 : i32
      %dma_wait3A_171 = tpu.memref_slice %arg6[%arg0, %add3A_144, %dma_wait3A_170] : memref<2x10000x128xf32, #tpu.memory_space<hbm>> -> memref<1x128x128xf32, #tpu.memory_space<hbm>>
      %dma_wait3A_172 = tpu.memref_squeeze %dma_wait3A_171 : memref<1x128x128xf32, #tpu.memory_space<hbm>> -> memref<128x128xf32, #tpu.memory_space<hbm>>
      %dma_wait3A_173 = arith.constant 0 : i32
      %dma_wait3A_174 = arith.constant 0 : i32
      %dma_wait3A_175 = tpu.memref_slice %arg10[%dma_wait3A_173, %dma_wait3A_174] : memref<128x128xf32, #tpu.memory_space<vmem>> -> memref<128x128xf32, #tpu.memory_space<vmem>>
      tpu.wait_dma2 semaphore(%run_scoped3A : memref<!tpu.dma_semaphore, #tpu.memory_space<semaphore_mem>>) src(%dma_wait3A_175 : memref<128x128xf32, #tpu.memory_space<vmem>>) dst(%dma_wait3A_172 : memref<128x128xf32, #tpu.memory_space<hbm>>)
      tpu.yield
    }) : () -> ()
    %add3A_145 = arith.constant 512 : i32
    %add3A_146 = arith.addi %mul3A_2, %add3A_145 : i32
    "tpu.region"() ({
      %run_scoped3A = tpu.sem_alloc : memref<!tpu.dma_semaphore, #tpu.memory_space<semaphore_mem>>
      %dma_start3A_152 = arith.constant 0 : i32
      %dma_start3A_153 = arith.constant 0 : i32
      %dma_start3A_154 = tpu.memref_slice %arg10[%dma_start3A_152, %dma_start3A_153] : memref<128x128xf32, #tpu.memory_space<vmem>> -> memref<112x128xf32, #tpu.memory_space<vmem>>
      %dma_start3A_155 = arith.constant 0 : i32
      %dma_start3A_156 = tpu.memref_slice %arg16[%add3A_146, %dma_start3A_155] : memref<10128x128xf32, #tpu.memory_space<vmem_shared>> -> memref<112x128xf32, #tpu.memory_space<vmem_shared>>
      %dma_start3A_157 = arith.constant 0 : i32
      %dma_start3A_158 = arith.constant 0 : i32
      %dma_start3A_159 = tpu.memref_slice %arg10[%dma_start3A_157, %dma_start3A_158] : memref<128x128xf32, #tpu.memory_space<vmem>> -> memref<112x128xf32, #tpu.memory_space<vmem>>
      %dma_start3A_160 = arith.constant 0 : i32
      %dma_start3A_161 = tpu.memref_slice %arg16[%add3A_146, %dma_start3A_160] : memref<10128x128xf32, #tpu.memory_space<vmem_shared>> -> memref<112x128xf32, #tpu.memory_space<vmem_shared>>
      tpu.enqueue_dma source(%dma_start3A_161 : memref<112x128xf32, #tpu.memory_space<vmem_shared>>) target(%dma_start3A_159 : memref<112x128xf32, #tpu.memory_space<vmem>>) target_semaphore(%run_scoped3A : memref<!tpu.dma_semaphore, #tpu.memory_space<semaphore_mem>>)
      %dma_wait3A_162 = arith.constant 0 : i32
      %dma_wait3A_163 = arith.constant 0 : i32
      %dma_wait3A_164 = tpu.memref_slice %arg10[%dma_wait3A_162, %dma_wait3A_163] : memref<128x128xf32, #tpu.memory_space<vmem>> -> memref<112x128xf32, #tpu.memory_space<vmem>>
      %dma_wait3A_165 = arith.constant 0 : i32
      %dma_wait3A_166 = tpu.memref_slice %arg16[%add3A_146, %dma_wait3A_165] : memref<10128x128xf32, #tpu.memory_space<vmem_shared>> -> memref<112x128xf32, #tpu.memory_space<vmem_shared>>
      %dma_wait3A_167 = arith.constant 0 : i32
      %dma_wait3A_168 = arith.constant 0 : i32
      %dma_wait3A_169 = tpu.memref_slice %arg10[%dma_wait3A_167, %dma_wait3A_168] : memref<128x128xf32, #tpu.memory_space<vmem>> -> memref<112x128xf32, #tpu.memory_space<vmem>>
      %dma_wait3A_170 = arith.constant 0 : i32
      %dma_wait3A_171 = tpu.memref_slice %arg16[%add3A_146, %dma_wait3A_170] : memref<10128x128xf32, #tpu.memory_space<vmem_shared>> -> memref<112x128xf32, #tpu.memory_space<vmem_shared>>
      tpu.wait_dma2 semaphore(%run_scoped3A : memref<!tpu.dma_semaphore, #tpu.memory_space<semaphore_mem>>) src(%dma_wait3A_171 : memref<112x128xf32, #tpu.memory_space<vmem_shared>>) dst(%dma_wait3A_169 : memref<112x128xf32, #tpu.memory_space<vmem>>)
      tpu.yield
    }) : () -> ()
    "tpu.region"() ({
      %run_scoped3A = tpu.sem_alloc : memref<!tpu.dma_semaphore, #tpu.memory_space<semaphore_mem>>
      %dma_start3A_152 = arith.constant 0 : i32
      %dma_start3A_153 = arith.constant 0 : i32
      %dma_start3A_154 = tpu.memref_slice %arg10[%dma_start3A_152, %dma_start3A_153] : memref<128x128xf32, #tpu.memory_space<vmem>> -> memref<112x128xf32, #tpu.memory_space<vmem>>
      %dma_start3A_155 = arith.constant 0 : i32
      %dma_start3A_156 = tpu.memref_slice %arg6[%arg0, %add3A_146, %dma_start3A_155] : memref<2x10000x128xf32, #tpu.memory_space<hbm>> -> memref<1x112x128xf32, #tpu.memory_space<hbm>>
      %dma_start3A_157 = tpu.memref_squeeze %dma_start3A_156 : memref<1x112x128xf32, #tpu.memory_space<hbm>> -> memref<112x128xf32, #tpu.memory_space<hbm>>
      %dma_start3A_158 = arith.constant 0 : i32
      %dma_start3A_159 = tpu.memref_slice %arg6[%arg0, %add3A_146, %dma_start3A_158] : memref<2x10000x128xf32, #tpu.memory_space<hbm>> -> memref<1x112x128xf32, #tpu.memory_space<hbm>>
      %dma_start3A_160 = tpu.memref_squeeze %dma_start3A_159 : memref<1x112x128xf32, #tpu.memory_space<hbm>> -> memref<112x128xf32, #tpu.memory_space<hbm>>
      %dma_start3A_161 = arith.constant 0 : i32
      %dma_start3A_162 = arith.constant 0 : i32
      %dma_start3A_163 = tpu.memref_slice %arg10[%dma_start3A_161, %dma_start3A_162] : memref<128x128xf32, #tpu.memory_space<vmem>> -> memref<112x128xf32, #tpu.memory_space<vmem>>
      tpu.enqueue_dma source(%dma_start3A_163 : memref<112x128xf32, #tpu.memory_space<vmem>>) target(%dma_start3A_160 : memref<112x128xf32, #tpu.memory_space<hbm>>) target_semaphore(%run_scoped3A : memref<!tpu.dma_semaphore, #tpu.memory_space<semaphore_mem>>)
      %dma_wait3A_164 = arith.constant 0 : i32
      %dma_wait3A_165 = arith.constant 0 : i32
      %dma_wait3A_166 = tpu.memref_slice %arg10[%dma_wait3A_164, %dma_wait3A_165] : memref<128x128xf32, #tpu.memory_space<vmem>> -> memref<112x128xf32, #tpu.memory_space<vmem>>
      %dma_wait3A_167 = arith.constant 0 : i32
      %dma_wait3A_168 = tpu.memref_slice %arg6[%arg0, %add3A_146, %dma_wait3A_167] : memref<2x10000x128xf32, #tpu.memory_space<hbm>> -> memref<1x112x128xf32, #tpu.memory_space<hbm>>
      %dma_wait3A_169 = tpu.memref_squeeze %dma_wait3A_168 : memref<1x112x128xf32, #tpu.memory_space<hbm>> -> memref<112x128xf32, #tpu.memory_space<hbm>>
      %dma_wait3A_170 = arith.constant 0 : i32
      %dma_wait3A_171 = tpu.memref_slice %arg6[%arg0, %add3A_146, %dma_wait3A_170] : memref<2x10000x128xf32, #tpu.memory_space<hbm>> -> memref<1x112x128xf32, #tpu.memory_space<hbm>>
      %dma_wait3A_172 = tpu.memref_squeeze %dma_wait3A_171 : memref<1x112x128xf32, #tpu.memory_space<hbm>> -> memref<112x128xf32, #tpu.memory_space<hbm>>
      %dma_wait3A_173 = arith.constant 0 : i32
      %dma_wait3A_174 = arith.constant 0 : i32
      %dma_wait3A_175 = tpu.memref_slice %arg10[%dma_wait3A_173, %dma_wait3A_174] : memref<128x128xf32, #tpu.memory_space<vmem>> -> memref<112x128xf32, #tpu.memory_space<vmem>>
      tpu.wait_dma2 semaphore(%run_scoped3A : memref<!tpu.dma_semaphore, #tpu.memory_space<semaphore_mem>>) src(%dma_wait3A_175 : memref<112x128xf32, #tpu.memory_space<vmem>>) dst(%dma_wait3A_172 : memref<112x128xf32, #tpu.memory_space<hbm>>)
      tpu.yield
    }) : () -> ()
    %eq3A_147 = arith.constant 15 : i32
    %eq3A_148 = arith.cmpi eq, %arg1, %eq3A_147 : i32
    %convert_element_type3A_149 = arith.extui %eq3A_148 : i1 to i32
    %cond3A_150 = arith.constant 0 : i32
    %cond3A_151 = arith.cmpi ne, %convert_element_type3A_149, %cond3A_150 : i32
    scf.if %cond3A_151 {
      "tpu.region"() ({
        %run_scoped3A = tpu.sem_alloc : memref<!tpu.dma_semaphore, #tpu.memory_space<semaphore_mem>>
        %dma_start3A_152 = arith.constant 0 : i32
        %dma_start3A_153 = arith.constant 0 : i32
        %dma_start3A_154 = tpu.memref_slice %arg10[%dma_start3A_152, %dma_start3A_153] : memref<128x128xf32, #tpu.memory_space<vmem>> -> memref<16x128xf32, #tpu.memory_space<vmem>>
        %dma_start3A_155 = arith.constant 9984 : i32
        %dma_start3A_156 = arith.constant 0 : i32
        %dma_start3A_157 = tpu.memref_slice %arg16[%dma_start3A_155, %dma_start3A_156] : memref<10128x128xf32, #tpu.memory_space<vmem_shared>> -> memref<16x128xf32, #tpu.memory_space<vmem_shared>>
        %dma_start3A_158 = arith.constant 0 : i32
        %dma_start3A_159 = arith.constant 0 : i32
        %dma_start3A_160 = tpu.memref_slice %arg10[%dma_start3A_158, %dma_start3A_159] : memref<128x128xf32, #tpu.memory_space<vmem>> -> memref<16x128xf32, #tpu.memory_space<vmem>>
        %dma_start3A_161 = arith.constant 9984 : i32
        %dma_start3A_162 = arith.constant 0 : i32
        %dma_start3A_163 = tpu.memref_slice %arg16[%dma_start3A_161, %dma_start3A_162] : memref<10128x128xf32, #tpu.memory_space<vmem_shared>> -> memref<16x128xf32, #tpu.memory_space<vmem_shared>>
        tpu.enqueue_dma source(%dma_start3A_163 : memref<16x128xf32, #tpu.memory_space<vmem_shared>>) target(%dma_start3A_160 : memref<16x128xf32, #tpu.memory_space<vmem>>) target_semaphore(%run_scoped3A : memref<!tpu.dma_semaphore, #tpu.memory_space<semaphore_mem>>)
        %dma_wait3A_164 = arith.constant 0 : i32
        %dma_wait3A_165 = arith.constant 0 : i32
        %dma_wait3A_166 = tpu.memref_slice %arg10[%dma_wait3A_164, %dma_wait3A_165] : memref<128x128xf32, #tpu.memory_space<vmem>> -> memref<16x128xf32, #tpu.memory_space<vmem>>
        %dma_wait3A_167 = arith.constant 9984 : i32
        %dma_wait3A_168 = arith.constant 0 : i32
        %dma_wait3A_169 = tpu.memref_slice %arg16[%dma_wait3A_167, %dma_wait3A_168] : memref<10128x128xf32, #tpu.memory_space<vmem_shared>> -> memref<16x128xf32, #tpu.memory_space<vmem_shared>>
        %dma_wait3A_170 = arith.constant 0 : i32
        %dma_wait3A_171 = arith.constant 0 : i32
        %dma_wait3A_172 = tpu.memref_slice %arg10[%dma_wait3A_170, %dma_wait3A_171] : memref<128x128xf32, #tpu.memory_space<vmem>> -> memref<16x128xf32, #tpu.memory_space<vmem>>
        %dma_wait3A_173 = arith.constant 9984 : i32
        %dma_wait3A_174 = arith.constant 0 : i32
        %dma_wait3A_175 = tpu.memref_slice %arg16[%dma_wait3A_173, %dma_wait3A_174] : memref<10128x128xf32, #tpu.memory_space<vmem_shared>> -> memref<16x128xf32, #tpu.memory_space<vmem_shared>>
        tpu.wait_dma2 semaphore(%run_scoped3A : memref<!tpu.dma_semaphore, #tpu.memory_space<semaphore_mem>>) src(%dma_wait3A_175 : memref<16x128xf32, #tpu.memory_space<vmem_shared>>) dst(%dma_wait3A_172 : memref<16x128xf32, #tpu.memory_space<vmem>>)
        tpu.yield
      }) : () -> ()
      "tpu.region"() ({
        %run_scoped3A = tpu.sem_alloc : memref<!tpu.dma_semaphore, #tpu.memory_space<semaphore_mem>>
        %dma_start3A_152 = arith.constant 0 : i32
        %dma_start3A_153 = arith.constant 0 : i32
        %dma_start3A_154 = tpu.memref_slice %arg10[%dma_start3A_152, %dma_start3A_153] : memref<128x128xf32, #tpu.memory_space<vmem>> -> memref<16x128xf32, #tpu.memory_space<vmem>>
        %dma_start3A_155 = arith.constant 9984 : i32
        %dma_start3A_156 = arith.constant 0 : i32
        %dma_start3A_157 = tpu.memref_slice %arg6[%arg0, %dma_start3A_155, %dma_start3A_156] : memref<2x10000x128xf32, #tpu.memory_space<hbm>> -> memref<1x16x128xf32, #tpu.memory_space<hbm>>
        %dma_start3A_158 = tpu.memref_squeeze %dma_start3A_157 : memref<1x16x128xf32, #tpu.memory_space<hbm>> -> memref<16x128xf32, #tpu.memory_space<hbm>>
        %dma_start3A_159 = arith.constant 9984 : i32
        %dma_start3A_160 = arith.constant 0 : i32
        %dma_start3A_161 = tpu.memref_slice %arg6[%arg0, %dma_start3A_159, %dma_start3A_160] : memref<2x10000x128xf32, #tpu.memory_space<hbm>> -> memref<1x16x128xf32, #tpu.memory_space<hbm>>
        %dma_start3A_162 = tpu.memref_squeeze %dma_start3A_161 : memref<1x16x128xf32, #tpu.memory_space<hbm>> -> memref<16x128xf32, #tpu.memory_space<hbm>>
        %dma_start3A_163 = arith.constant 0 : i32
        %dma_start3A_164 = arith.constant 0 : i32
        %dma_start3A_165 = tpu.memref_slice %arg10[%dma_start3A_163, %dma_start3A_164] : memref<128x128xf32, #tpu.memory_space<vmem>> -> memref<16x128xf32, #tpu.memory_space<vmem>>
        tpu.enqueue_dma source(%dma_start3A_165 : memref<16x128xf32, #tpu.memory_space<vmem>>) target(%dma_start3A_162 : memref<16x128xf32, #tpu.memory_space<hbm>>) target_semaphore(%run_scoped3A : memref<!tpu.dma_semaphore, #tpu.memory_space<semaphore_mem>>)
        %dma_wait3A_166 = arith.constant 0 : i32
        %dma_wait3A_167 = arith.constant 0 : i32
        %dma_wait3A_168 = tpu.memref_slice %arg10[%dma_wait3A_166, %dma_wait3A_167] : memref<128x128xf32, #tpu.memory_space<vmem>> -> memref<16x128xf32, #tpu.memory_space<vmem>>
        %dma_wait3A_169 = arith.constant 9984 : i32
        %dma_wait3A_170 = arith.constant 0 : i32
        %dma_wait3A_171 = tpu.memref_slice %arg6[%arg0, %dma_wait3A_169, %dma_wait3A_170] : memref<2x10000x128xf32, #tpu.memory_space<hbm>> -> memref<1x16x128xf32, #tpu.memory_space<hbm>>
        %dma_wait3A_172 = tpu.memref_squeeze %dma_wait3A_171 : memref<1x16x128xf32, #tpu.memory_space<hbm>> -> memref<16x128xf32, #tpu.memory_space<hbm>>
        %dma_wait3A_173 = arith.constant 9984 : i32
        %dma_wait3A_174 = arith.constant 0 : i32
        %dma_wait3A_175 = tpu.memref_slice %arg6[%arg0, %dma_wait3A_173, %dma_wait3A_174] : memref<2x10000x128xf32, #tpu.memory_space<hbm>> -> memref<1x16x128xf32, #tpu.memory_space<hbm>>
        %dma_wait3A_176 = tpu.memref_squeeze %dma_wait3A_175 : memref<1x16x128xf32, #tpu.memory_space<hbm>> -> memref<16x128xf32, #tpu.memory_space<hbm>>
        %dma_wait3A_177 = arith.constant 0 : i32
        %dma_wait3A_178 = arith.constant 0 : i32
        %dma_wait3A_179 = tpu.memref_slice %arg10[%dma_wait3A_177, %dma_wait3A_178] : memref<128x128xf32, #tpu.memory_space<vmem>> -> memref<16x128xf32, #tpu.memory_space<vmem>>
        tpu.wait_dma2 semaphore(%run_scoped3A : memref<!tpu.dma_semaphore, #tpu.memory_space<semaphore_mem>>) src(%dma_wait3A_179 : memref<16x128xf32, #tpu.memory_space<vmem>>) dst(%dma_wait3A_176 : memref<16x128xf32, #tpu.memory_space<hbm>>)
        tpu.yield
      }) : () -> ()
    } else {
    }
    return
  }
}

#map = affine_map<(d0, d1) -> (0, 0)>
#map1 = affine_map<(d0, d1) -> (0)>
#map2 = affine_map<(d0, d1) -> (0, 0, 0)>
module attributes {stable_mosaic.version = 14 : i64} {
  func.func @body_no_deg(%arg0: i32, %arg1: i32, %arg2: memref<10000x128xf32, #tpu.memory_space<hbm>>, %arg3: memref<327680xi32, #tpu.memory_space<hbm>>, %arg4: memref<327680xi32, #tpu.memory_space<hbm>>, %arg5: memref<2x10000x128xf32, #tpu.memory_space<hbm>>, %arg6: memref<10240xi32, #tpu.memory_space<vmem>>, %arg7: memref<128xi32, #tpu.memory_space<vmem>>, %arg8: memref<128xi32, #tpu.memory_space<vmem>>, %arg9: memref<128x128xf32, #tpu.memory_space<vmem>>, %arg10: memref<128x128xf32, #tpu.memory_space<vmem>>, %arg11: memref<!tpu.dma_semaphore, #tpu.memory_space<semaphore_mem>>, %arg12: memref<!tpu.dma_semaphore, #tpu.memory_space<semaphore_mem>>, %arg13: memref<!tpu.dma_semaphore, #tpu.memory_space<semaphore_mem>>, %arg14: memref<!tpu.dma_semaphore, #tpu.memory_space<semaphore_mem>>, %arg15: memref<10128x128xf32, #tpu.memory_space<vmem_shared>>) attributes {dimension_semantics = [#tpu.dimension_semantics<core_parallel>, #tpu.dimension_semantics<subcore_parallel>], iteration_bounds = array<i64: 2, 16>, scalar_prefetch = 0 : i64, scratch_operands = 10 : i64, tpu.core_type = #tpu.core_type<sc_vector_subcore>, window_params = [{transform_indices = #map}, {transform_indices = #map1}, {transform_indices = #map1}, {transform_indices = #map2}]} {
    %mul3A = arith.constant 2 : i32
    %mul3A_0 = arith.muli %arg1, %mul3A : i32
    %add3A = arith.addi %mul3A_0, %arg0 : i32
    %mul3A_1 = arith.constant 624 : i32
    %mul3A_2 = arith.muli %arg1, %mul3A_1 : i32
    %mul3A_3 = arith.constant 10240 : i32
    %mul3A_4 = arith.muli %add3A, %mul3A_3 : i32
    "tpu.region"() ({
      %run_scoped3A = tpu.sem_alloc : memref<!tpu.dma_semaphore, #tpu.memory_space<semaphore_mem>>
      %dma_start3A_81 = tpu.memref_slice %arg3[%mul3A_4] : memref<327680xi32, #tpu.memory_space<hbm>> -> memref<10240xi32, #tpu.memory_space<hbm>>
      %dma_start3A_82 = tpu.memref_slice %arg3[%mul3A_4] : memref<327680xi32, #tpu.memory_space<hbm>> -> memref<10240xi32, #tpu.memory_space<hbm>>
      tpu.enqueue_dma source(%dma_start3A_82 : memref<10240xi32, #tpu.memory_space<hbm>>) target(%arg6 : memref<10240xi32, #tpu.memory_space<vmem>>) target_semaphore(%run_scoped3A : memref<!tpu.dma_semaphore, #tpu.memory_space<semaphore_mem>>)
      %dma_wait3A_83 = tpu.memref_slice %arg3[%mul3A_4] : memref<327680xi32, #tpu.memory_space<hbm>> -> memref<10240xi32, #tpu.memory_space<hbm>>
      %dma_wait3A_84 = tpu.memref_slice %arg3[%mul3A_4] : memref<327680xi32, #tpu.memory_space<hbm>> -> memref<10240xi32, #tpu.memory_space<hbm>>
      tpu.wait_dma2 semaphore(%run_scoped3A : memref<!tpu.dma_semaphore, #tpu.memory_space<semaphore_mem>>) src(%dma_wait3A_84 : memref<10240xi32, #tpu.memory_space<hbm>>) dst(%arg6 : memref<10240xi32, #tpu.memory_space<vmem>>)
      tpu.yield
    }) : () -> ()
    %broadcast_in_dim3A = arith.constant 0.000000e+00 : f32
    %broadcast_in_dim3A_5 = vector.broadcast %broadcast_in_dim3A : f32 to vector<16xf32>
    %scan3A = arith.constant 0 : i32
    %scan3A_6 = arith.constant 0 : i32
    %scan3A_7 = arith.constant 128 : i32
    %scan3A_8 = arith.addi %scan3A_6, %scan3A_7 : i32
    %scan3A_9 = arith.constant 1 : i32
    scf.for %scan3A_81 = %scan3A_6 to %scan3A_8 step %scan3A_9  : i32 {
      %swap3A = arith.index_cast %scan3A_81 : i32 to index
      %swap3A_82 = arith.constant 0 : index
      %swap3A_83 = tpu.vector_load %arg9[%swap3A, %swap3A_82] {strides = array<i32>} : memref<128x128xf32, #tpu.memory_space<vmem>>, vector<1x16xf32>,
      %swap3A_84 = vector.shape_cast %swap3A_83 : vector<1x16xf32> to vector<16xf32>
      %swap3A_85 = vector.shape_cast %broadcast_in_dim3A_5 : vector<16xf32> to vector<1x16xf32>
      tpu.vector_store %arg9[%swap3A, %swap3A_82], %swap3A_85 {strides = array<i32>} : memref<128x128xf32, #tpu.memory_space<vmem>>, vector<1x16xf32>,
      %swap3A_86 = arith.index_cast %scan3A_81 : i32 to index
      %swap3A_87 = arith.constant 16 : index
      %swap3A_88 = tpu.vector_load %arg9[%swap3A_86, %swap3A_87] {strides = array<i32>} : memref<128x128xf32, #tpu.memory_space<vmem>>, vector<1x16xf32>,
      %swap3A_89 = vector.shape_cast %swap3A_88 : vector<1x16xf32> to vector<16xf32>
      %swap3A_90 = vector.shape_cast %broadcast_in_dim3A_5 : vector<16xf32> to vector<1x16xf32>
      tpu.vector_store %arg9[%swap3A_86, %swap3A_87], %swap3A_90 {strides = array<i32>} : memref<128x128xf32, #tpu.memory_space<vmem>>, vector<1x16xf32>,
      %swap3A_91 = arith.index_cast %scan3A_81 : i32 to index
      %swap3A_92 = arith.constant 32 : index
      %swap3A_93 = tpu.vector_load %arg9[%swap3A_91, %swap3A_92] {strides = array<i32>} : memref<128x128xf32, #tpu.memory_space<vmem>>, vector<1x16xf32>,
      %swap3A_94 = vector.shape_cast %swap3A_93 : vector<1x16xf32> to vector<16xf32>
      %swap3A_95 = vector.shape_cast %broadcast_in_dim3A_5 : vector<16xf32> to vector<1x16xf32>
      tpu.vector_store %arg9[%swap3A_91, %swap3A_92], %swap3A_95 {strides = array<i32>} : memref<128x128xf32, #tpu.memory_space<vmem>>, vector<1x16xf32>,
      %swap3A_96 = arith.index_cast %scan3A_81 : i32 to index
      %swap3A_97 = arith.constant 48 : index
      %swap3A_98 = tpu.vector_load %arg9[%swap3A_96, %swap3A_97] {strides = array<i32>} : memref<128x128xf32, #tpu.memory_space<vmem>>, vector<1x16xf32>,
      %swap3A_99 = vector.shape_cast %swap3A_98 : vector<1x16xf32> to vector<16xf32>
      %swap3A_100 = vector.shape_cast %broadcast_in_dim3A_5 : vector<16xf32> to vector<1x16xf32>
      tpu.vector_store %arg9[%swap3A_96, %swap3A_97], %swap3A_100 {strides = array<i32>} : memref<128x128xf32, #tpu.memory_space<vmem>>, vector<1x16xf32>,
      %swap3A_101 = arith.index_cast %scan3A_81 : i32 to index
      %swap3A_102 = arith.constant 64 : index
      %swap3A_103 = tpu.vector_load %arg9[%swap3A_101, %swap3A_102] {strides = array<i32>} : memref<128x128xf32, #tpu.memory_space<vmem>>, vector<1x16xf32>,
      %swap3A_104 = vector.shape_cast %swap3A_103 : vector<1x16xf32> to vector<16xf32>
      %swap3A_105 = vector.shape_cast %broadcast_in_dim3A_5 : vector<16xf32> to vector<1x16xf32>
      tpu.vector_store %arg9[%swap3A_101, %swap3A_102], %swap3A_105 {strides = array<i32>} : memref<128x128xf32, #tpu.memory_space<vmem>>, vector<1x16xf32>,
      %swap3A_106 = arith.index_cast %scan3A_81 : i32 to index
      %swap3A_107 = arith.constant 80 : index
      %swap3A_108 = tpu.vector_load %arg9[%swap3A_106, %swap3A_107] {strides = array<i32>} : memref<128x128xf32, #tpu.memory_space<vmem>>, vector<1x16xf32>,
      %swap3A_109 = vector.shape_cast %swap3A_108 : vector<1x16xf32> to vector<16xf32>
      %swap3A_110 = vector.shape_cast %broadcast_in_dim3A_5 : vector<16xf32> to vector<1x16xf32>
      tpu.vector_store %arg9[%swap3A_106, %swap3A_107], %swap3A_110 {strides = array<i32>} : memref<128x128xf32, #tpu.memory_space<vmem>>, vector<1x16xf32>,
      %swap3A_111 = arith.index_cast %scan3A_81 : i32 to index
      %swap3A_112 = arith.constant 96 : index
      %swap3A_113 = tpu.vector_load %arg9[%swap3A_111, %swap3A_112] {strides = array<i32>} : memref<128x128xf32, #tpu.memory_space<vmem>>, vector<1x16xf32>,
      %swap3A_114 = vector.shape_cast %swap3A_113 : vector<1x16xf32> to vector<16xf32>
      %swap3A_115 = vector.shape_cast %broadcast_in_dim3A_5 : vector<16xf32> to vector<1x16xf32>
      tpu.vector_store %arg9[%swap3A_111, %swap3A_112], %swap3A_115 {strides = array<i32>} : memref<128x128xf32, #tpu.memory_space<vmem>>, vector<1x16xf32>,
      %swap3A_116 = arith.index_cast %scan3A_81 : i32 to index
      %swap3A_117 = arith.constant 112 : index
      %swap3A_118 = tpu.vector_load %arg9[%swap3A_116, %swap3A_117] {strides = array<i32>} : memref<128x128xf32, #tpu.memory_space<vmem>>, vector<1x16xf32>,
      %swap3A_119 = vector.shape_cast %swap3A_118 : vector<1x16xf32> to vector<16xf32>
      %swap3A_120 = vector.shape_cast %broadcast_in_dim3A_5 : vector<16xf32> to vector<1x16xf32>
      tpu.vector_store %arg9[%swap3A_116, %swap3A_117], %swap3A_120 {strides = array<i32>} : memref<128x128xf32, #tpu.memory_space<vmem>>, vector<1x16xf32>,
    }
    %scan3A_10 = arith.constant 128 : i32
    %add3A_11 = arith.constant 0 : i32
    %add3A_12 = arith.addi %mul3A_2, %add3A_11 : i32
    "tpu.region"() ({
      %run_scoped3A = tpu.sem_alloc : memref<!tpu.dma_semaphore, #tpu.memory_space<semaphore_mem>>
      %dma_start3A_81 = arith.constant 0 : i32
      %dma_start3A_82 = arith.constant 0 : i32
      %dma_start3A_83 = tpu.memref_slice %arg9[%dma_start3A_81, %dma_start3A_82] : memref<128x128xf32, #tpu.memory_space<vmem>> -> memref<128x128xf32, #tpu.memory_space<vmem>>
      %dma_start3A_84 = arith.constant 0 : i32
      %dma_start3A_85 = tpu.memref_slice %arg15[%add3A_12, %dma_start3A_84] : memref<10128x128xf32, #tpu.memory_space<vmem_shared>> -> memref<128x128xf32, #tpu.memory_space<vmem_shared>>
      %dma_start3A_86 = arith.constant 0 : i32
      %dma_start3A_87 = tpu.memref_slice %arg15[%add3A_12, %dma_start3A_86] : memref<10128x128xf32, #tpu.memory_space<vmem_shared>> -> memref<128x128xf32, #tpu.memory_space<vmem_shared>>
      %dma_start3A_88 = arith.constant 0 : i32
      %dma_start3A_89 = arith.constant 0 : i32
      %dma_start3A_90 = tpu.memref_slice %arg9[%dma_start3A_88, %dma_start3A_89] : memref<128x128xf32, #tpu.memory_space<vmem>> -> memref<128x128xf32, #tpu.memory_space<vmem>>
      tpu.enqueue_dma source(%dma_start3A_90 : memref<128x128xf32, #tpu.memory_space<vmem>>) target(%dma_start3A_87 : memref<128x128xf32, #tpu.memory_space<vmem_shared>>) target_semaphore(%run_scoped3A : memref<!tpu.dma_semaphore, #tpu.memory_space<semaphore_mem>>)
      %dma_wait3A_91 = arith.constant 0 : i32
      %dma_wait3A_92 = arith.constant 0 : i32
      %dma_wait3A_93 = tpu.memref_slice %arg9[%dma_wait3A_91, %dma_wait3A_92] : memref<128x128xf32, #tpu.memory_space<vmem>> -> memref<128x128xf32, #tpu.memory_space<vmem>>
      %dma_wait3A_94 = arith.constant 0 : i32
      %dma_wait3A_95 = tpu.memref_slice %arg15[%add3A_12, %dma_wait3A_94] : memref<10128x128xf32, #tpu.memory_space<vmem_shared>> -> memref<128x128xf32, #tpu.memory_space<vmem_shared>>
      %dma_wait3A_96 = arith.constant 0 : i32
      %dma_wait3A_97 = tpu.memref_slice %arg15[%add3A_12, %dma_wait3A_96] : memref<10128x128xf32, #tpu.memory_space<vmem_shared>> -> memref<128x128xf32, #tpu.memory_space<vmem_shared>>
      %dma_wait3A_98 = arith.constant 0 : i32
      %dma_wait3A_99 = arith.constant 0 : i32
      %dma_wait3A_100 = tpu.memref_slice %arg9[%dma_wait3A_98, %dma_wait3A_99] : memref<128x128xf32, #tpu.memory_space<vmem>> -> memref<128x128xf32, #tpu.memory_space<vmem>>
      tpu.wait_dma2 semaphore(%run_scoped3A : memref<!tpu.dma_semaphore, #tpu.memory_space<semaphore_mem>>) src(%dma_wait3A_100 : memref<128x128xf32, #tpu.memory_space<vmem>>) dst(%dma_wait3A_97 : memref<128x128xf32, #tpu.memory_space<vmem_shared>>)
      tpu.yield
    }) : () -> ()
    %add3A_13 = arith.constant 128 : i32
    %add3A_14 = arith.addi %mul3A_2, %add3A_13 : i32
    "tpu.region"() ({
      %run_scoped3A = tpu.sem_alloc : memref<!tpu.dma_semaphore, #tpu.memory_space<semaphore_mem>>
      %dma_start3A_81 = arith.constant 0 : i32
      %dma_start3A_82 = arith.constant 0 : i32
      %dma_start3A_83 = tpu.memref_slice %arg9[%dma_start3A_81, %dma_start3A_82] : memref<128x128xf32, #tpu.memory_space<vmem>> -> memref<128x128xf32, #tpu.memory_space<vmem>>
      %dma_start3A_84 = arith.constant 0 : i32
      %dma_start3A_85 = tpu.memref_slice %arg15[%add3A_14, %dma_start3A_84] : memref<10128x128xf32, #tpu.memory_space<vmem_shared>> -> memref<128x128xf32, #tpu.memory_space<vmem_shared>>
      %dma_start3A_86 = arith.constant 0 : i32
      %dma_start3A_87 = tpu.memref_slice %arg15[%add3A_14, %dma_start3A_86] : memref<10128x128xf32, #tpu.memory_space<vmem_shared>> -> memref<128x128xf32, #tpu.memory_space<vmem_shared>>
      %dma_start3A_88 = arith.constant 0 : i32
      %dma_start3A_89 = arith.constant 0 : i32
      %dma_start3A_90 = tpu.memref_slice %arg9[%dma_start3A_88, %dma_start3A_89] : memref<128x128xf32, #tpu.memory_space<vmem>> -> memref<128x128xf32, #tpu.memory_space<vmem>>
      tpu.enqueue_dma source(%dma_start3A_90 : memref<128x128xf32, #tpu.memory_space<vmem>>) target(%dma_start3A_87 : memref<128x128xf32, #tpu.memory_space<vmem_shared>>) target_semaphore(%run_scoped3A : memref<!tpu.dma_semaphore, #tpu.memory_space<semaphore_mem>>)
      %dma_wait3A_91 = arith.constant 0 : i32
      %dma_wait3A_92 = arith.constant 0 : i32
      %dma_wait3A_93 = tpu.memref_slice %arg9[%dma_wait3A_91, %dma_wait3A_92] : memref<128x128xf32, #tpu.memory_space<vmem>> -> memref<128x128xf32, #tpu.memory_space<vmem>>
      %dma_wait3A_94 = arith.constant 0 : i32
      %dma_wait3A_95 = tpu.memref_slice %arg15[%add3A_14, %dma_wait3A_94] : memref<10128x128xf32, #tpu.memory_space<vmem_shared>> -> memref<128x128xf32, #tpu.memory_space<vmem_shared>>
      %dma_wait3A_96 = arith.constant 0 : i32
      %dma_wait3A_97 = tpu.memref_slice %arg15[%add3A_14, %dma_wait3A_96] : memref<10128x128xf32, #tpu.memory_space<vmem_shared>> -> memref<128x128xf32, #tpu.memory_space<vmem_shared>>
      %dma_wait3A_98 = arith.constant 0 : i32
      %dma_wait3A_99 = arith.constant 0 : i32
      %dma_wait3A_100 = tpu.memref_slice %arg9[%dma_wait3A_98, %dma_wait3A_99] : memref<128x128xf32, #tpu.memory_space<vmem>> -> memref<128x128xf32, #tpu.memory_space<vmem>>
      tpu.wait_dma2 semaphore(%run_scoped3A : memref<!tpu.dma_semaphore, #tpu.memory_space<semaphore_mem>>) src(%dma_wait3A_100 : memref<128x128xf32, #tpu.memory_space<vmem>>) dst(%dma_wait3A_97 : memref<128x128xf32, #tpu.memory_space<vmem_shared>>)
      tpu.yield
    }) : () -> ()
    %add3A_15 = arith.constant 256 : i32
    %add3A_16 = arith.addi %mul3A_2, %add3A_15 : i32
    "tpu.region"() ({
      %run_scoped3A = tpu.sem_alloc : memref<!tpu.dma_semaphore, #tpu.memory_space<semaphore_mem>>
      %dma_start3A_81 = arith.constant 0 : i32
      %dma_start3A_82 = arith.constant 0 : i32
      %dma_start3A_83 = tpu.memref_slice %arg9[%dma_start3A_81, %dma_start3A_82] : memref<128x128xf32, #tpu.memory_space<vmem>> -> memref<128x128xf32, #tpu.memory_space<vmem>>
      %dma_start3A_84 = arith.constant 0 : i32
      %dma_start3A_85 = tpu.memref_slice %arg15[%add3A_16, %dma_start3A_84] : memref<10128x128xf32, #tpu.memory_space<vmem_shared>> -> memref<128x128xf32, #tpu.memory_space<vmem_shared>>
      %dma_start3A_86 = arith.constant 0 : i32
      %dma_start3A_87 = tpu.memref_slice %arg15[%add3A_16, %dma_start3A_86] : memref<10128x128xf32, #tpu.memory_space<vmem_shared>> -> memref<128x128xf32, #tpu.memory_space<vmem_shared>>
      %dma_start3A_88 = arith.constant 0 : i32
      %dma_start3A_89 = arith.constant 0 : i32
      %dma_start3A_90 = tpu.memref_slice %arg9[%dma_start3A_88, %dma_start3A_89] : memref<128x128xf32, #tpu.memory_space<vmem>> -> memref<128x128xf32, #tpu.memory_space<vmem>>
      tpu.enqueue_dma source(%dma_start3A_90 : memref<128x128xf32, #tpu.memory_space<vmem>>) target(%dma_start3A_87 : memref<128x128xf32, #tpu.memory_space<vmem_shared>>) target_semaphore(%run_scoped3A : memref<!tpu.dma_semaphore, #tpu.memory_space<semaphore_mem>>)
      %dma_wait3A_91 = arith.constant 0 : i32
      %dma_wait3A_92 = arith.constant 0 : i32
      %dma_wait3A_93 = tpu.memref_slice %arg9[%dma_wait3A_91, %dma_wait3A_92] : memref<128x128xf32, #tpu.memory_space<vmem>> -> memref<128x128xf32, #tpu.memory_space<vmem>>
      %dma_wait3A_94 = arith.constant 0 : i32
      %dma_wait3A_95 = tpu.memref_slice %arg15[%add3A_16, %dma_wait3A_94] : memref<10128x128xf32, #tpu.memory_space<vmem_shared>> -> memref<128x128xf32, #tpu.memory_space<vmem_shared>>
      %dma_wait3A_96 = arith.constant 0 : i32
      %dma_wait3A_97 = tpu.memref_slice %arg15[%add3A_16, %dma_wait3A_96] : memref<10128x128xf32, #tpu.memory_space<vmem_shared>> -> memref<128x128xf32, #tpu.memory_space<vmem_shared>>
      %dma_wait3A_98 = arith.constant 0 : i32
      %dma_wait3A_99 = arith.constant 0 : i32
      %dma_wait3A_100 = tpu.memref_slice %arg9[%dma_wait3A_98, %dma_wait3A_99] : memref<128x128xf32, #tpu.memory_space<vmem>> -> memref<128x128xf32, #tpu.memory_space<vmem>>
      tpu.wait_dma2 semaphore(%run_scoped3A : memref<!tpu.dma_semaphore, #tpu.memory_space<semaphore_mem>>) src(%dma_wait3A_100 : memref<128x128xf32, #tpu.memory_space<vmem>>) dst(%dma_wait3A_97 : memref<128x128xf32, #tpu.memory_space<vmem_shared>>)
      tpu.yield
    }) : () -> ()
    %add3A_17 = arith.constant 384 : i32
    %add3A_18 = arith.addi %mul3A_2, %add3A_17 : i32
    "tpu.region"() ({
      %run_scoped3A = tpu.sem_alloc : memref<!tpu.dma_semaphore, #tpu.memory_space<semaphore_mem>>
      %dma_start3A_81 = arith.constant 0 : i32
      %dma_start3A_82 = arith.constant 0 : i32
      %dma_start3A_83 = tpu.memref_slice %arg9[%dma_start3A_81, %dma_start3A_82] : memref<128x128xf32, #tpu.memory_space<vmem>> -> memref<128x128xf32, #tpu.memory_space<vmem>>
      %dma_start3A_84 = arith.constant 0 : i32
      %dma_start3A_85 = tpu.memref_slice %arg15[%add3A_18, %dma_start3A_84] : memref<10128x128xf32, #tpu.memory_space<vmem_shared>> -> memref<128x128xf32, #tpu.memory_space<vmem_shared>>
      %dma_start3A_86 = arith.constant 0 : i32
      %dma_start3A_87 = tpu.memref_slice %arg15[%add3A_18, %dma_start3A_86] : memref<10128x128xf32, #tpu.memory_space<vmem_shared>> -> memref<128x128xf32, #tpu.memory_space<vmem_shared>>
      %dma_start3A_88 = arith.constant 0 : i32
      %dma_start3A_89 = arith.constant 0 : i32
      %dma_start3A_90 = tpu.memref_slice %arg9[%dma_start3A_88, %dma_start3A_89] : memref<128x128xf32, #tpu.memory_space<vmem>> -> memref<128x128xf32, #tpu.memory_space<vmem>>
      tpu.enqueue_dma source(%dma_start3A_90 : memref<128x128xf32, #tpu.memory_space<vmem>>) target(%dma_start3A_87 : memref<128x128xf32, #tpu.memory_space<vmem_shared>>) target_semaphore(%run_scoped3A : memref<!tpu.dma_semaphore, #tpu.memory_space<semaphore_mem>>)
      %dma_wait3A_91 = arith.constant 0 : i32
      %dma_wait3A_92 = arith.constant 0 : i32
      %dma_wait3A_93 = tpu.memref_slice %arg9[%dma_wait3A_91, %dma_wait3A_92] : memref<128x128xf32, #tpu.memory_space<vmem>> -> memref<128x128xf32, #tpu.memory_space<vmem>>
      %dma_wait3A_94 = arith.constant 0 : i32
      %dma_wait3A_95 = tpu.memref_slice %arg15[%add3A_18, %dma_wait3A_94] : memref<10128x128xf32, #tpu.memory_space<vmem_shared>> -> memref<128x128xf32, #tpu.memory_space<vmem_shared>>
      %dma_wait3A_96 = arith.constant 0 : i32
      %dma_wait3A_97 = tpu.memref_slice %arg15[%add3A_18, %dma_wait3A_96] : memref<10128x128xf32, #tpu.memory_space<vmem_shared>> -> memref<128x128xf32, #tpu.memory_space<vmem_shared>>
      %dma_wait3A_98 = arith.constant 0 : i32
      %dma_wait3A_99 = arith.constant 0 : i32
      %dma_wait3A_100 = tpu.memref_slice %arg9[%dma_wait3A_98, %dma_wait3A_99] : memref<128x128xf32, #tpu.memory_space<vmem>> -> memref<128x128xf32, #tpu.memory_space<vmem>>
      tpu.wait_dma2 semaphore(%run_scoped3A : memref<!tpu.dma_semaphore, #tpu.memory_space<semaphore_mem>>) src(%dma_wait3A_100 : memref<128x128xf32, #tpu.memory_space<vmem>>) dst(%dma_wait3A_97 : memref<128x128xf32, #tpu.memory_space<vmem_shared>>)
      tpu.yield
    }) : () -> ()
    %add3A_19 = arith.constant 512 : i32
    %add3A_20 = arith.addi %mul3A_2, %add3A_19 : i32
    "tpu.region"() ({
      %run_scoped3A = tpu.sem_alloc : memref<!tpu.dma_semaphore, #tpu.memory_space<semaphore_mem>>
      %dma_start3A_81 = arith.constant 0 : i32
      %dma_start3A_82 = arith.constant 0 : i32
      %dma_start3A_83 = tpu.memref_slice %arg9[%dma_start3A_81, %dma_start3A_82] : memref<128x128xf32, #tpu.memory_space<vmem>> -> memref<112x128xf32, #tpu.memory_space<vmem>>
      %dma_start3A_84 = arith.constant 0 : i32
      %dma_start3A_85 = tpu.memref_slice %arg15[%add3A_20, %dma_start3A_84] : memref<10128x128xf32, #tpu.memory_space<vmem_shared>> -> memref<112x128xf32, #tpu.memory_space<vmem_shared>>
      %dma_start3A_86 = arith.constant 0 : i32
      %dma_start3A_87 = tpu.memref_slice %arg15[%add3A_20, %dma_start3A_86] : memref<10128x128xf32, #tpu.memory_space<vmem_shared>> -> memref<112x128xf32, #tpu.memory_space<vmem_shared>>
      %dma_start3A_88 = arith.constant 0 : i32
      %dma_start3A_89 = arith.constant 0 : i32
      %dma_start3A_90 = tpu.memref_slice %arg9[%dma_start3A_88, %dma_start3A_89] : memref<128x128xf32, #tpu.memory_space<vmem>> -> memref<112x128xf32, #tpu.memory_space<vmem>>
      tpu.enqueue_dma source(%dma_start3A_90 : memref<112x128xf32, #tpu.memory_space<vmem>>) target(%dma_start3A_87 : memref<112x128xf32, #tpu.memory_space<vmem_shared>>) target_semaphore(%run_scoped3A : memref<!tpu.dma_semaphore, #tpu.memory_space<semaphore_mem>>)
      %dma_wait3A_91 = arith.constant 0 : i32
      %dma_wait3A_92 = arith.constant 0 : i32
      %dma_wait3A_93 = tpu.memref_slice %arg9[%dma_wait3A_91, %dma_wait3A_92] : memref<128x128xf32, #tpu.memory_space<vmem>> -> memref<112x128xf32, #tpu.memory_space<vmem>>
      %dma_wait3A_94 = arith.constant 0 : i32
      %dma_wait3A_95 = tpu.memref_slice %arg15[%add3A_20, %dma_wait3A_94] : memref<10128x128xf32, #tpu.memory_space<vmem_shared>> -> memref<112x128xf32, #tpu.memory_space<vmem_shared>>
      %dma_wait3A_96 = arith.constant 0 : i32
      %dma_wait3A_97 = tpu.memref_slice %arg15[%add3A_20, %dma_wait3A_96] : memref<10128x128xf32, #tpu.memory_space<vmem_shared>> -> memref<112x128xf32, #tpu.memory_space<vmem_shared>>
      %dma_wait3A_98 = arith.constant 0 : i32
      %dma_wait3A_99 = arith.constant 0 : i32
      %dma_wait3A_100 = tpu.memref_slice %arg9[%dma_wait3A_98, %dma_wait3A_99] : memref<128x128xf32, #tpu.memory_space<vmem>> -> memref<112x128xf32, #tpu.memory_space<vmem>>
      tpu.wait_dma2 semaphore(%run_scoped3A : memref<!tpu.dma_semaphore, #tpu.memory_space<semaphore_mem>>) src(%dma_wait3A_100 : memref<112x128xf32, #tpu.memory_space<vmem>>) dst(%dma_wait3A_97 : memref<112x128xf32, #tpu.memory_space<vmem_shared>>)
      tpu.yield
    }) : () -> ()
    %eq3A = arith.constant 15 : i32
    %eq3A_21 = arith.cmpi eq, %arg1, %eq3A : i32
    %convert_element_type3A = arith.extui %eq3A_21 : i1 to i32
    %cond3A = arith.constant 0 : i32
    %cond3A_22 = arith.cmpi ne, %convert_element_type3A, %cond3A : i32
    scf.if %cond3A_22 {
      "tpu.region"() ({
        %run_scoped3A = tpu.sem_alloc : memref<!tpu.dma_semaphore, #tpu.memory_space<semaphore_mem>>
        %dma_start3A_81 = arith.constant 0 : i32
        %dma_start3A_82 = arith.constant 0 : i32
        %dma_start3A_83 = tpu.memref_slice %arg9[%dma_start3A_81, %dma_start3A_82] : memref<128x128xf32, #tpu.memory_space<vmem>> -> memref<16x128xf32, #tpu.memory_space<vmem>>
        %dma_start3A_84 = arith.constant 9984 : i32
        %dma_start3A_85 = arith.constant 0 : i32
        %dma_start3A_86 = tpu.memref_slice %arg15[%dma_start3A_84, %dma_start3A_85] : memref<10128x128xf32, #tpu.memory_space<vmem_shared>> -> memref<16x128xf32, #tpu.memory_space<vmem_shared>>
        %dma_start3A_87 = arith.constant 9984 : i32
        %dma_start3A_88 = arith.constant 0 : i32
        %dma_start3A_89 = tpu.memref_slice %arg15[%dma_start3A_87, %dma_start3A_88] : memref<10128x128xf32, #tpu.memory_space<vmem_shared>> -> memref<16x128xf32, #tpu.memory_space<vmem_shared>>
        %dma_start3A_90 = arith.constant 0 : i32
        %dma_start3A_91 = arith.constant 0 : i32
        %dma_start3A_92 = tpu.memref_slice %arg9[%dma_start3A_90, %dma_start3A_91] : memref<128x128xf32, #tpu.memory_space<vmem>> -> memref<16x128xf32, #tpu.memory_space<vmem>>
        tpu.enqueue_dma source(%dma_start3A_92 : memref<16x128xf32, #tpu.memory_space<vmem>>) target(%dma_start3A_89 : memref<16x128xf32, #tpu.memory_space<vmem_shared>>) target_semaphore(%run_scoped3A : memref<!tpu.dma_semaphore, #tpu.memory_space<semaphore_mem>>)
        %dma_wait3A_93 = arith.constant 0 : i32
        %dma_wait3A_94 = arith.constant 0 : i32
        %dma_wait3A_95 = tpu.memref_slice %arg9[%dma_wait3A_93, %dma_wait3A_94] : memref<128x128xf32, #tpu.memory_space<vmem>> -> memref<16x128xf32, #tpu.memory_space<vmem>>
        %dma_wait3A_96 = arith.constant 9984 : i32
        %dma_wait3A_97 = arith.constant 0 : i32
        %dma_wait3A_98 = tpu.memref_slice %arg15[%dma_wait3A_96, %dma_wait3A_97] : memref<10128x128xf32, #tpu.memory_space<vmem_shared>> -> memref<16x128xf32, #tpu.memory_space<vmem_shared>>
        %dma_wait3A_99 = arith.constant 9984 : i32
        %dma_wait3A_100 = arith.constant 0 : i32
        %dma_wait3A_101 = tpu.memref_slice %arg15[%dma_wait3A_99, %dma_wait3A_100] : memref<10128x128xf32, #tpu.memory_space<vmem_shared>> -> memref<16x128xf32, #tpu.memory_space<vmem_shared>>
        %dma_wait3A_102 = arith.constant 0 : i32
        %dma_wait3A_103 = arith.constant 0 : i32
        %dma_wait3A_104 = tpu.memref_slice %arg9[%dma_wait3A_102, %dma_wait3A_103] : memref<128x128xf32, #tpu.memory_space<vmem>> -> memref<16x128xf32, #tpu.memory_space<vmem>>
        tpu.wait_dma2 semaphore(%run_scoped3A : memref<!tpu.dma_semaphore, #tpu.memory_space<semaphore_mem>>) src(%dma_wait3A_104 : memref<16x128xf32, #tpu.memory_space<vmem>>) dst(%dma_wait3A_101 : memref<16x128xf32, #tpu.memory_space<vmem_shared>>)
        tpu.yield
      }) : () -> ()
    } else {
    }
    %barrier3A = arith.constant 0 : index
    tpu.barrier barrier_id(%barrier3A)
    %add3A_23 = arith.constant 0 : i32
    %add3A_24 = arith.addi %mul3A_4, %add3A_23 : i32
    %dma_start3A = tpu.memref_slice %arg4[%add3A_24] : memref<327680xi32, #tpu.memory_space<hbm>> -> memref<128xi32, #tpu.memory_space<hbm>>
    %dma_start3A_25 = tpu.memref_slice %arg4[%add3A_24] : memref<327680xi32, #tpu.memory_space<hbm>> -> memref<128xi32, #tpu.memory_space<hbm>>
    tpu.enqueue_dma source(%dma_start3A_25 : memref<128xi32, #tpu.memory_space<hbm>>) target(%arg7 : memref<128xi32, #tpu.memory_space<vmem>>) target_semaphore(%arg13 : memref<!tpu.dma_semaphore, #tpu.memory_space<semaphore_mem>>)
    %add3A_26 = arith.constant 128 : i32
    %add3A_27 = arith.addi %mul3A_4, %add3A_26 : i32
    %dma_start3A_28 = tpu.memref_slice %arg4[%add3A_27] : memref<327680xi32, #tpu.memory_space<hbm>> -> memref<128xi32, #tpu.memory_space<hbm>>
    %dma_start3A_29 = tpu.memref_slice %arg4[%add3A_27] : memref<327680xi32, #tpu.memory_space<hbm>> -> memref<128xi32, #tpu.memory_space<hbm>>
    tpu.enqueue_dma source(%dma_start3A_29 : memref<128xi32, #tpu.memory_space<hbm>>) target(%arg8 : memref<128xi32, #tpu.memory_space<vmem>>) target_semaphore(%arg14 : memref<!tpu.dma_semaphore, #tpu.memory_space<semaphore_mem>>)
    %dma_start3A_30 = arith.constant 0 : i32
    %dma_start3A_31 = tpu.memref_slice %arg6[%dma_start3A_30] : memref<10240xi32, #tpu.memory_space<vmem>> -> memref<128xi32, #tpu.memory_space<vmem>>
    %dma_start3A_32 = arith.constant 0 : i32
    %dma_start3A_33 = arith.constant 0 : i32
    %dma_start3A_34 = tpu.memref_slice %arg2[%dma_start3A_32, %dma_start3A_33] : memref<10000x128xf32, #tpu.memory_space<hbm>> -> memref<10000x128xf32, #tpu.memory_space<hbm>>
    tpu.enqueue_indirect_dma source(%dma_start3A_34 : memref<10000x128xf32, #tpu.memory_space<hbm>>) target(%arg9 : memref<128x128xf32, #tpu.memory_space<vmem>>) offsets(%dma_start3A_31 : memref<128xi32, #tpu.memory_space<vmem>>) semaphore(%arg11 : memref<!tpu.dma_semaphore, #tpu.memory_space<semaphore_mem>>)
    %dma_start3A_35 = arith.constant 128 : i32
    %dma_start3A_36 = tpu.memref_slice %arg6[%dma_start3A_35] : memref<10240xi32, #tpu.memory_space<vmem>> -> memref<128xi32, #tpu.memory_space<vmem>>
    %dma_start3A_37 = arith.constant 0 : i32
    %dma_start3A_38 = arith.constant 0 : i32
    %dma_start3A_39 = tpu.memref_slice %arg2[%dma_start3A_37, %dma_start3A_38] : memref<10000x128xf32, #tpu.memory_space<hbm>> -> memref<10000x128xf32, #tpu.memory_space<hbm>>
    tpu.enqueue_indirect_dma source(%dma_start3A_39 : memref<10000x128xf32, #tpu.memory_space<hbm>>) target(%arg10 : memref<128x128xf32, #tpu.memory_space<vmem>>) offsets(%dma_start3A_36 : memref<128xi32, #tpu.memory_space<vmem>>) semaphore(%arg12 : memref<!tpu.dma_semaphore, #tpu.memory_space<semaphore_mem>>)
    %scan3A_40 = arith.constant 0 : i32
    %scan3A_41 = arith.constant 0 : i32
    %scan3A_42 = arith.constant 39 : i32
    %scan3A_43 = arith.addi %scan3A_41, %scan3A_42 : i32
    %scan3A_44 = arith.constant 1 : i32
    scf.for %scan3A_81 = %scan3A_41 to %scan3A_43 step %scan3A_44  : i32 {
      %mul3A_82 = arith.constant 2 : i32
      %mul3A_83 = arith.muli %mul3A_82, %scan3A_81 : i32
      %dma_wait3A_84 = arith.constant 0 : i32
      %dma_wait3A_85 = arith.constant 0 : i32
      %dma_wait3A_86 = tpu.memref_slice %arg2[%dma_wait3A_84, %dma_wait3A_85] : memref<10000x128xf32, #tpu.memory_space<hbm>> -> memref<128x128xf32, #tpu.memory_space<hbm>>
      %dma_wait3A_87 = arith.constant 0 : i32
      %dma_wait3A_88 = arith.constant 0 : i32
      %dma_wait3A_89 = tpu.memref_slice %arg2[%dma_wait3A_87, %dma_wait3A_88] : memref<10000x128xf32, #tpu.memory_space<hbm>> -> memref<128x128xf32, #tpu.memory_space<hbm>>
      tpu.wait_dma2 semaphore(%arg11 : memref<!tpu.dma_semaphore, #tpu.memory_space<semaphore_mem>>) src(%dma_wait3A_89 : memref<128x128xf32, #tpu.memory_space<hbm>>) dst(%arg9 : memref<128x128xf32, #tpu.memory_space<vmem>>)
      %dma_wait3A_90 = arith.constant 0 : i32
      %dma_wait3A_91 = tpu.memref_slice %arg4[%dma_wait3A_90] : memref<327680xi32, #tpu.memory_space<hbm>> -> memref<128xi32, #tpu.memory_space<hbm>>
      %dma_wait3A_92 = arith.constant 0 : i32
      %dma_wait3A_93 = tpu.memref_slice %arg4[%dma_wait3A_92] : memref<327680xi32, #tpu.memory_space<hbm>> -> memref<128xi32, #tpu.memory_space<hbm>>
      tpu.wait_dma2 semaphore(%arg13 : memref<!tpu.dma_semaphore, #tpu.memory_space<semaphore_mem>>) src(%dma_wait3A_93 : memref<128xi32, #tpu.memory_space<hbm>>) dst(%arg7 : memref<128xi32, #tpu.memory_space<vmem>>)
      "tpu.region"() ({
        %run_scoped3A = tpu.sem_alloc : memref<!tpu.dma_semaphore, #tpu.memory_space<semaphore_mem>>
        %dma_start3A_134 = arith.constant 0 : i32
        %dma_start3A_135 = arith.constant 0 : i32
        %dma_start3A_136 = tpu.memref_slice %arg15[%dma_start3A_134, %dma_start3A_135] : memref<10128x128xf32, #tpu.memory_space<vmem_shared>> -> memref<10128x128xf32, #tpu.memory_space<vmem_shared>>
        tpu.enqueue_indirect_dma source(%arg9 : memref<128x128xf32, #tpu.memory_space<vmem>>) target(%dma_start3A_136 : memref<10128x128xf32, #tpu.memory_space<vmem_shared>>) offsets(%arg7 : memref<128xi32, #tpu.memory_space<vmem>>) semaphore(%run_scoped3A : memref<!tpu.dma_semaphore, #tpu.memory_space<semaphore_mem>>) {add = true}
        %dma_wait3A_137 = arith.constant 0 : i32
        %dma_wait3A_138 = arith.constant 0 : i32
        %dma_wait3A_139 = tpu.memref_slice %arg15[%dma_wait3A_137, %dma_wait3A_138] : memref<10128x128xf32, #tpu.memory_space<vmem_shared>> -> memref<10128x128xf32, #tpu.memory_space<vmem_shared>>
        tpu.wait_indirect_dma semaphore(%run_scoped3A : memref<!tpu.dma_semaphore, #tpu.memory_space<semaphore_mem>>) src(%arg9 : memref<128x128xf32, #tpu.memory_space<vmem>>) dst(%dma_wait3A_139 : memref<10128x128xf32, #tpu.memory_space<vmem_shared>>)
        tpu.yield
      }) : () -> ()
      %add3A_94 = arith.constant 2 : i32
      %add3A_95 = arith.addi %mul3A_83, %add3A_94 : i32
      %mul3A_96 = arith.constant 128 : i32
      %mul3A_97 = arith.muli %add3A_95, %mul3A_96 : i32
      %dma_start3A_98 = tpu.memref_slice %arg6[%mul3A_97] : memref<10240xi32, #tpu.memory_space<vmem>> -> memref<128xi32, #tpu.memory_space<vmem>>
      %dma_start3A_99 = arith.constant 0 : i32
      %dma_start3A_100 = arith.constant 0 : i32
      %dma_start3A_101 = tpu.memref_slice %arg2[%dma_start3A_99, %dma_start3A_100] : memref<10000x128xf32, #tpu.memory_space<hbm>> -> memref<10000x128xf32, #tpu.memory_space<hbm>>
      tpu.enqueue_indirect_dma source(%dma_start3A_101 : memref<10000x128xf32, #tpu.memory_space<hbm>>) target(%arg9 : memref<128x128xf32, #tpu.memory_space<vmem>>) offsets(%dma_start3A_98 : memref<128xi32, #tpu.memory_space<vmem>>) semaphore(%arg11 : memref<!tpu.dma_semaphore, #tpu.memory_space<semaphore_mem>>)
      %add3A_102 = arith.constant 2 : i32
      %add3A_103 = arith.addi %mul3A_83, %add3A_102 : i32
      %mul3A_104 = arith.constant 128 : i32
      %mul3A_105 = arith.muli %add3A_103, %mul3A_104 : i32
      %add3A_106 = arith.addi %mul3A_4, %mul3A_105 : i32
      %dma_start3A_107 = tpu.memref_slice %arg4[%add3A_106] : memref<327680xi32, #tpu.memory_space<hbm>> -> memref<128xi32, #tpu.memory_space<hbm>>
      %dma_start3A_108 = tpu.memref_slice %arg4[%add3A_106] : memref<327680xi32, #tpu.memory_space<hbm>> -> memref<128xi32, #tpu.memory_space<hbm>>
      tpu.enqueue_dma source(%dma_start3A_108 : memref<128xi32, #tpu.memory_space<hbm>>) target(%arg7 : memref<128xi32, #tpu.memory_space<vmem>>) target_semaphore(%arg13 : memref<!tpu.dma_semaphore, #tpu.memory_space<semaphore_mem>>)
      %dma_wait3A_109 = arith.constant 0 : i32
      %dma_wait3A_110 = arith.constant 0 : i32
      %dma_wait3A_111 = tpu.memref_slice %arg2[%dma_wait3A_109, %dma_wait3A_110] : memref<10000x128xf32, #tpu.memory_space<hbm>> -> memref<128x128xf32, #tpu.memory_space<hbm>>
      %dma_wait3A_112 = arith.constant 0 : i32
      %dma_wait3A_113 = arith.constant 0 : i32
      %dma_wait3A_114 = tpu.memref_slice %arg2[%dma_wait3A_112, %dma_wait3A_113] : memref<10000x128xf32, #tpu.memory_space<hbm>> -> memref<128x128xf32, #tpu.memory_space<hbm>>
      tpu.wait_dma2 semaphore(%arg12 : memref<!tpu.dma_semaphore, #tpu.memory_space<semaphore_mem>>) src(%dma_wait3A_114 : memref<128x128xf32, #tpu.memory_space<hbm>>) dst(%arg10 : memref<128x128xf32, #tpu.memory_space<vmem>>)
      %dma_wait3A_115 = arith.constant 0 : i32
      %dma_wait3A_116 = tpu.memref_slice %arg4[%dma_wait3A_115] : memref<327680xi32, #tpu.memory_space<hbm>> -> memref<128xi32, #tpu.memory_space<hbm>>
      %dma_wait3A_117 = arith.constant 0 : i32
      %dma_wait3A_118 = tpu.memref_slice %arg4[%dma_wait3A_117] : memref<327680xi32, #tpu.memory_space<hbm>> -> memref<128xi32, #tpu.memory_space<hbm>>
      tpu.wait_dma2 semaphore(%arg14 : memref<!tpu.dma_semaphore, #tpu.memory_space<semaphore_mem>>) src(%dma_wait3A_118 : memref<128xi32, #tpu.memory_space<hbm>>) dst(%arg8 : memref<128xi32, #tpu.memory_space<vmem>>)
      "tpu.region"() ({
        %run_scoped3A = tpu.sem_alloc : memref<!tpu.dma_semaphore, #tpu.memory_space<semaphore_mem>>
        %dma_start3A_134 = arith.constant 0 : i32
        %dma_start3A_135 = arith.constant 0 : i32
        %dma_start3A_136 = tpu.memref_slice %arg15[%dma_start3A_134, %dma_start3A_135] : memref<10128x128xf32, #tpu.memory_space<vmem_shared>> -> memref<10128x128xf32, #tpu.memory_space<vmem_shared>>
        tpu.enqueue_indirect_dma source(%arg10 : memref<128x128xf32, #tpu.memory_space<vmem>>) target(%dma_start3A_136 : memref<10128x128xf32, #tpu.memory_space<vmem_shared>>) offsets(%arg8 : memref<128xi32, #tpu.memory_space<vmem>>) semaphore(%run_scoped3A : memref<!tpu.dma_semaphore, #tpu.memory_space<semaphore_mem>>) {add = true}
        %dma_wait3A_137 = arith.constant 0 : i32
        %dma_wait3A_138 = arith.constant 0 : i32
        %dma_wait3A_139 = tpu.memref_slice %arg15[%dma_wait3A_137, %dma_wait3A_138] : memref<10128x128xf32, #tpu.memory_space<vmem_shared>> -> memref<10128x128xf32, #tpu.memory_space<vmem_shared>>
        tpu.wait_indirect_dma semaphore(%run_scoped3A : memref<!tpu.dma_semaphore, #tpu.memory_space<semaphore_mem>>) src(%arg10 : memref<128x128xf32, #tpu.memory_space<vmem>>) dst(%dma_wait3A_139 : memref<10128x128xf32, #tpu.memory_space<vmem_shared>>)
        tpu.yield
      }) : () -> ()
      %add3A_119 = arith.constant 3 : i32
      %add3A_120 = arith.addi %mul3A_83, %add3A_119 : i32
      %mul3A_121 = arith.constant 128 : i32
      %mul3A_122 = arith.muli %add3A_120, %mul3A_121 : i32
      %dma_start3A_123 = tpu.memref_slice %arg6[%mul3A_122] : memref<10240xi32, #tpu.memory_space<vmem>> -> memref<128xi32, #tpu.memory_space<vmem>>
      %dma_start3A_124 = arith.constant 0 : i32
      %dma_start3A_125 = arith.constant 0 : i32
      %dma_start3A_126 = tpu.memref_slice %arg2[%dma_start3A_124, %dma_start3A_125] : memref<10000x128xf32, #tpu.memory_space<hbm>> -> memref<10000x128xf32, #tpu.memory_space<hbm>>
      tpu.enqueue_indirect_dma source(%dma_start3A_126 : memref<10000x128xf32, #tpu.memory_space<hbm>>) target(%arg10 : memref<128x128xf32, #tpu.memory_space<vmem>>) offsets(%dma_start3A_123 : memref<128xi32, #tpu.memory_space<vmem>>) semaphore(%arg12 : memref<!tpu.dma_semaphore, #tpu.memory_space<semaphore_mem>>)
      %add3A_127 = arith.constant 3 : i32
      %add3A_128 = arith.addi %mul3A_83, %add3A_127 : i32
      %mul3A_129 = arith.constant 128 : i32
      %mul3A_130 = arith.muli %add3A_128, %mul3A_129 : i32
      %add3A_131 = arith.addi %mul3A_4, %mul3A_130 : i32
      %dma_start3A_132 = tpu.memref_slice %arg4[%add3A_131] : memref<327680xi32, #tpu.memory_space<hbm>> -> memref<128xi32, #tpu.memory_space<hbm>>
      %dma_start3A_133 = tpu.memref_slice %arg4[%add3A_131] : memref<327680xi32, #tpu.memory_space<hbm>> -> memref<128xi32, #tpu.memory_space<hbm>>
      tpu.enqueue_dma source(%dma_start3A_133 : memref<128xi32, #tpu.memory_space<hbm>>) target(%arg8 : memref<128xi32, #tpu.memory_space<vmem>>) target_semaphore(%arg14 : memref<!tpu.dma_semaphore, #tpu.memory_space<semaphore_mem>>)
    }
    %scan3A_45 = arith.constant 39 : i32
    %dma_wait3A = arith.constant 0 : i32
    %dma_wait3A_46 = arith.constant 0 : i32
    %dma_wait3A_47 = tpu.memref_slice %arg2[%dma_wait3A, %dma_wait3A_46] : memref<10000x128xf32, #tpu.memory_space<hbm>> -> memref<128x128xf32, #tpu.memory_space<hbm>>
    %dma_wait3A_48 = arith.constant 0 : i32
    %dma_wait3A_49 = arith.constant 0 : i32
    %dma_wait3A_50 = tpu.memref_slice %arg2[%dma_wait3A_48, %dma_wait3A_49] : memref<10000x128xf32, #tpu.memory_space<hbm>> -> memref<128x128xf32, #tpu.memory_space<hbm>>
    tpu.wait_dma2 semaphore(%arg11 : memref<!tpu.dma_semaphore, #tpu.memory_space<semaphore_mem>>) src(%dma_wait3A_50 : memref<128x128xf32, #tpu.memory_space<hbm>>) dst(%arg9 : memref<128x128xf32, #tpu.memory_space<vmem>>)
    %dma_wait3A_51 = arith.constant 0 : i32
    %dma_wait3A_52 = tpu.memref_slice %arg4[%dma_wait3A_51] : memref<327680xi32, #tpu.memory_space<hbm>> -> memref<128xi32, #tpu.memory_space<hbm>>
    %dma_wait3A_53 = arith.constant 0 : i32
    %dma_wait3A_54 = tpu.memref_slice %arg4[%dma_wait3A_53] : memref<327680xi32, #tpu.memory_space<hbm>> -> memref<128xi32, #tpu.memory_space<hbm>>
    tpu.wait_dma2 semaphore(%arg13 : memref<!tpu.dma_semaphore, #tpu.memory_space<semaphore_mem>>) src(%dma_wait3A_54 : memref<128xi32, #tpu.memory_space<hbm>>) dst(%arg7 : memref<128xi32, #tpu.memory_space<vmem>>)
    "tpu.region"() ({
      %run_scoped3A = tpu.sem_alloc : memref<!tpu.dma_semaphore, #tpu.memory_space<semaphore_mem>>
      %dma_start3A_81 = arith.constant 0 : i32
      %dma_start3A_82 = arith.constant 0 : i32
      %dma_start3A_83 = tpu.memref_slice %arg15[%dma_start3A_81, %dma_start3A_82] : memref<10128x128xf32, #tpu.memory_space<vmem_shared>> -> memref<10128x128xf32, #tpu.memory_space<vmem_shared>>
      tpu.enqueue_indirect_dma source(%arg9 : memref<128x128xf32, #tpu.memory_space<vmem>>) target(%dma_start3A_83 : memref<10128x128xf32, #tpu.memory_space<vmem_shared>>) offsets(%arg7 : memref<128xi32, #tpu.memory_space<vmem>>) semaphore(%run_scoped3A : memref<!tpu.dma_semaphore, #tpu.memory_space<semaphore_mem>>) {add = true}
      %dma_wait3A_84 = arith.constant 0 : i32
      %dma_wait3A_85 = arith.constant 0 : i32
      %dma_wait3A_86 = tpu.memref_slice %arg15[%dma_wait3A_84, %dma_wait3A_85] : memref<10128x128xf32, #tpu.memory_space<vmem_shared>> -> memref<10128x128xf32, #tpu.memory_space<vmem_shared>>
      tpu.wait_indirect_dma semaphore(%run_scoped3A : memref<!tpu.dma_semaphore, #tpu.memory_space<semaphore_mem>>) src(%arg9 : memref<128x128xf32, #tpu.memory_space<vmem>>) dst(%dma_wait3A_86 : memref<10128x128xf32, #tpu.memory_space<vmem_shared>>)
      tpu.yield
    }) : () -> ()
    %dma_wait3A_55 = arith.constant 0 : i32
    %dma_wait3A_56 = arith.constant 0 : i32
    %dma_wait3A_57 = tpu.memref_slice %arg2[%dma_wait3A_55, %dma_wait3A_56] : memref<10000x128xf32, #tpu.memory_space<hbm>> -> memref<128x128xf32, #tpu.memory_space<hbm>>
    %dma_wait3A_58 = arith.constant 0 : i32
    %dma_wait3A_59 = arith.constant 0 : i32
    %dma_wait3A_60 = tpu.memref_slice %arg2[%dma_wait3A_58, %dma_wait3A_59] : memref<10000x128xf32, #tpu.memory_space<hbm>> -> memref<128x128xf32, #tpu.memory_space<hbm>>
    tpu.wait_dma2 semaphore(%arg12 : memref<!tpu.dma_semaphore, #tpu.memory_space<semaphore_mem>>) src(%dma_wait3A_60 : memref<128x128xf32, #tpu.memory_space<hbm>>) dst(%arg10 : memref<128x128xf32, #tpu.memory_space<vmem>>)
    %dma_wait3A_61 = arith.constant 0 : i32
    %dma_wait3A_62 = tpu.memref_slice %arg4[%dma_wait3A_61] : memref<327680xi32, #tpu.memory_space<hbm>> -> memref<128xi32, #tpu.memory_space<hbm>>
    %dma_wait3A_63 = arith.constant 0 : i32
    %dma_wait3A_64 = tpu.memref_slice %arg4[%dma_wait3A_63] : memref<327680xi32, #tpu.memory_space<hbm>> -> memref<128xi32, #tpu.memory_space<hbm>>
    tpu.wait_dma2 semaphore(%arg14 : memref<!tpu.dma_semaphore, #tpu.memory_space<semaphore_mem>>) src(%dma_wait3A_64 : memref<128xi32, #tpu.memory_space<hbm>>) dst(%arg8 : memref<128xi32, #tpu.memory_space<vmem>>)
    "tpu.region"() ({
      %run_scoped3A = tpu.sem_alloc : memref<!tpu.dma_semaphore, #tpu.memory_space<semaphore_mem>>
      %dma_start3A_81 = arith.constant 0 : i32
      %dma_start3A_82 = arith.constant 0 : i32
      %dma_start3A_83 = tpu.memref_slice %arg15[%dma_start3A_81, %dma_start3A_82] : memref<10128x128xf32, #tpu.memory_space<vmem_shared>> -> memref<10128x128xf32, #tpu.memory_space<vmem_shared>>
      tpu.enqueue_indirect_dma source(%arg10 : memref<128x128xf32, #tpu.memory_space<vmem>>) target(%dma_start3A_83 : memref<10128x128xf32, #tpu.memory_space<vmem_shared>>) offsets(%arg8 : memref<128xi32, #tpu.memory_space<vmem>>) semaphore(%run_scoped3A : memref<!tpu.dma_semaphore, #tpu.memory_space<semaphore_mem>>) {add = true}
      %dma_wait3A_84 = arith.constant 0 : i32
      %dma_wait3A_85 = arith.constant 0 : i32
      %dma_wait3A_86 = tpu.memref_slice %arg15[%dma_wait3A_84, %dma_wait3A_85] : memref<10128x128xf32, #tpu.memory_space<vmem_shared>> -> memref<10128x128xf32, #tpu.memory_space<vmem_shared>>
      tpu.wait_indirect_dma semaphore(%run_scoped3A : memref<!tpu.dma_semaphore, #tpu.memory_space<semaphore_mem>>) src(%arg10 : memref<128x128xf32, #tpu.memory_space<vmem>>) dst(%dma_wait3A_86 : memref<10128x128xf32, #tpu.memory_space<vmem_shared>>)
      tpu.yield
    }) : () -> ()
    %barrier3A_65 = arith.constant 0 : index
    tpu.barrier barrier_id(%barrier3A_65)
    %add3A_66 = arith.constant 0 : i32
    %add3A_67 = arith.addi %mul3A_2, %add3A_66 : i32
    "tpu.region"() ({
      %run_scoped3A = tpu.sem_alloc : memref<!tpu.dma_semaphore, #tpu.memory_space<semaphore_mem>>
      %dma_start3A_81 = arith.constant 0 : i32
      %dma_start3A_82 = arith.constant 0 : i32
      %dma_start3A_83 = tpu.memref_slice %arg9[%dma_start3A_81, %dma_start3A_82] : memref<128x128xf32, #tpu.memory_space<vmem>> -> memref<128x128xf32, #tpu.memory_space<vmem>>
      %dma_start3A_84 = arith.constant 0 : i32
      %dma_start3A_85 = tpu.memref_slice %arg15[%add3A_67, %dma_start3A_84] : memref<10128x128xf32, #tpu.memory_space<vmem_shared>> -> memref<128x128xf32, #tpu.memory_space<vmem_shared>>
      %dma_start3A_86 = arith.constant 0 : i32
      %dma_start3A_87 = arith.constant 0 : i32
      %dma_start3A_88 = tpu.memref_slice %arg9[%dma_start3A_86, %dma_start3A_87] : memref<128x128xf32, #tpu.memory_space<vmem>> -> memref<128x128xf32, #tpu.memory_space<vmem>>
      %dma_start3A_89 = arith.constant 0 : i32
      %dma_start3A_90 = tpu.memref_slice %arg15[%add3A_67, %dma_start3A_89] : memref<10128x128xf32, #tpu.memory_space<vmem_shared>> -> memref<128x128xf32, #tpu.memory_space<vmem_shared>>
      tpu.enqueue_dma source(%dma_start3A_90 : memref<128x128xf32, #tpu.memory_space<vmem_shared>>) target(%dma_start3A_88 : memref<128x128xf32, #tpu.memory_space<vmem>>) target_semaphore(%run_scoped3A : memref<!tpu.dma_semaphore, #tpu.memory_space<semaphore_mem>>)
      %dma_wait3A_91 = arith.constant 0 : i32
      %dma_wait3A_92 = arith.constant 0 : i32
      %dma_wait3A_93 = tpu.memref_slice %arg9[%dma_wait3A_91, %dma_wait3A_92] : memref<128x128xf32, #tpu.memory_space<vmem>> -> memref<128x128xf32, #tpu.memory_space<vmem>>
      %dma_wait3A_94 = arith.constant 0 : i32
      %dma_wait3A_95 = tpu.memref_slice %arg15[%add3A_67, %dma_wait3A_94] : memref<10128x128xf32, #tpu.memory_space<vmem_shared>> -> memref<128x128xf32, #tpu.memory_space<vmem_shared>>
      %dma_wait3A_96 = arith.constant 0 : i32
      %dma_wait3A_97 = arith.constant 0 : i32
      %dma_wait3A_98 = tpu.memref_slice %arg9[%dma_wait3A_96, %dma_wait3A_97] : memref<128x128xf32, #tpu.memory_space<vmem>> -> memref<128x128xf32, #tpu.memory_space<vmem>>
      %dma_wait3A_99 = arith.constant 0 : i32
      %dma_wait3A_100 = tpu.memref_slice %arg15[%add3A_67, %dma_wait3A_99] : memref<10128x128xf32, #tpu.memory_space<vmem_shared>> -> memref<128x128xf32, #tpu.memory_space<vmem_shared>>
      tpu.wait_dma2 semaphore(%run_scoped3A : memref<!tpu.dma_semaphore, #tpu.memory_space<semaphore_mem>>) src(%dma_wait3A_100 : memref<128x128xf32, #tpu.memory_space<vmem_shared>>) dst(%dma_wait3A_98 : memref<128x128xf32, #tpu.memory_space<vmem>>)
      tpu.yield
    }) : () -> ()
    "tpu.region"() ({
      %run_scoped3A = tpu.sem_alloc : memref<!tpu.dma_semaphore, #tpu.memory_space<semaphore_mem>>
      %dma_start3A_81 = arith.constant 0 : i32
      %dma_start3A_82 = arith.constant 0 : i32
      %dma_start3A_83 = tpu.memref_slice %arg9[%dma_start3A_81, %dma_start3A_82] : memref<128x128xf32, #tpu.memory_space<vmem>> -> memref<128x128xf32, #tpu.memory_space<vmem>>
      %dma_start3A_84 = arith.constant 0 : i32
      %dma_start3A_85 = tpu.memref_slice %arg5[%arg0, %add3A_67, %dma_start3A_84] : memref<2x10000x128xf32, #tpu.memory_space<hbm>> -> memref<1x128x128xf32, #tpu.memory_space<hbm>>
      %dma_start3A_86 = tpu.memref_squeeze %dma_start3A_85 : memref<1x128x128xf32, #tpu.memory_space<hbm>> -> memref<128x128xf32, #tpu.memory_space<hbm>>
      %dma_start3A_87 = arith.constant 0 : i32
      %dma_start3A_88 = tpu.memref_slice %arg5[%arg0, %add3A_67, %dma_start3A_87] : memref<2x10000x128xf32, #tpu.memory_space<hbm>> -> memref<1x128x128xf32, #tpu.memory_space<hbm>>
      %dma_start3A_89 = tpu.memref_squeeze %dma_start3A_88 : memref<1x128x128xf32, #tpu.memory_space<hbm>> -> memref<128x128xf32, #tpu.memory_space<hbm>>
      %dma_start3A_90 = arith.constant 0 : i32
      %dma_start3A_91 = arith.constant 0 : i32
      %dma_start3A_92 = tpu.memref_slice %arg9[%dma_start3A_90, %dma_start3A_91] : memref<128x128xf32, #tpu.memory_space<vmem>> -> memref<128x128xf32, #tpu.memory_space<vmem>>
      tpu.enqueue_dma source(%dma_start3A_92 : memref<128x128xf32, #tpu.memory_space<vmem>>) target(%dma_start3A_89 : memref<128x128xf32, #tpu.memory_space<hbm>>) target_semaphore(%run_scoped3A : memref<!tpu.dma_semaphore, #tpu.memory_space<semaphore_mem>>)
      %dma_wait3A_93 = arith.constant 0 : i32
      %dma_wait3A_94 = arith.constant 0 : i32
      %dma_wait3A_95 = tpu.memref_slice %arg9[%dma_wait3A_93, %dma_wait3A_94] : memref<128x128xf32, #tpu.memory_space<vmem>> -> memref<128x128xf32, #tpu.memory_space<vmem>>
      %dma_wait3A_96 = arith.constant 0 : i32
      %dma_wait3A_97 = tpu.memref_slice %arg5[%arg0, %add3A_67, %dma_wait3A_96] : memref<2x10000x128xf32, #tpu.memory_space<hbm>> -> memref<1x128x128xf32, #tpu.memory_space<hbm>>
      %dma_wait3A_98 = tpu.memref_squeeze %dma_wait3A_97 : memref<1x128x128xf32, #tpu.memory_space<hbm>> -> memref<128x128xf32, #tpu.memory_space<hbm>>
      %dma_wait3A_99 = arith.constant 0 : i32
      %dma_wait3A_100 = tpu.memref_slice %arg5[%arg0, %add3A_67, %dma_wait3A_99] : memref<2x10000x128xf32, #tpu.memory_space<hbm>> -> memref<1x128x128xf32, #tpu.memory_space<hbm>>
      %dma_wait3A_101 = tpu.memref_squeeze %dma_wait3A_100 : memref<1x128x128xf32, #tpu.memory_space<hbm>> -> memref<128x128xf32, #tpu.memory_space<hbm>>
      %dma_wait3A_102 = arith.constant 0 : i32
      %dma_wait3A_103 = arith.constant 0 : i32
      %dma_wait3A_104 = tpu.memref_slice %arg9[%dma_wait3A_102, %dma_wait3A_103] : memref<128x128xf32, #tpu.memory_space<vmem>> -> memref<128x128xf32, #tpu.memory_space<vmem>>
      tpu.wait_dma2 semaphore(%run_scoped3A : memref<!tpu.dma_semaphore, #tpu.memory_space<semaphore_mem>>) src(%dma_wait3A_104 : memref<128x128xf32, #tpu.memory_space<vmem>>) dst(%dma_wait3A_101 : memref<128x128xf32, #tpu.memory_space<hbm>>)
      tpu.yield
    }) : () -> ()
    %add3A_68 = arith.constant 128 : i32
    %add3A_69 = arith.addi %mul3A_2, %add3A_68 : i32
    "tpu.region"() ({
      %run_scoped3A = tpu.sem_alloc : memref<!tpu.dma_semaphore, #tpu.memory_space<semaphore_mem>>
      %dma_start3A_81 = arith.constant 0 : i32
      %dma_start3A_82 = arith.constant 0 : i32
      %dma_start3A_83 = tpu.memref_slice %arg9[%dma_start3A_81, %dma_start3A_82] : memref<128x128xf32, #tpu.memory_space<vmem>> -> memref<128x128xf32, #tpu.memory_space<vmem>>
      %dma_start3A_84 = arith.constant 0 : i32
      %dma_start3A_85 = tpu.memref_slice %arg15[%add3A_69, %dma_start3A_84] : memref<10128x128xf32, #tpu.memory_space<vmem_shared>> -> memref<128x128xf32, #tpu.memory_space<vmem_shared>>
      %dma_start3A_86 = arith.constant 0 : i32
      %dma_start3A_87 = arith.constant 0 : i32
      %dma_start3A_88 = tpu.memref_slice %arg9[%dma_start3A_86, %dma_start3A_87] : memref<128x128xf32, #tpu.memory_space<vmem>> -> memref<128x128xf32, #tpu.memory_space<vmem>>
      %dma_start3A_89 = arith.constant 0 : i32
      %dma_start3A_90 = tpu.memref_slice %arg15[%add3A_69, %dma_start3A_89] : memref<10128x128xf32, #tpu.memory_space<vmem_shared>> -> memref<128x128xf32, #tpu.memory_space<vmem_shared>>
      tpu.enqueue_dma source(%dma_start3A_90 : memref<128x128xf32, #tpu.memory_space<vmem_shared>>) target(%dma_start3A_88 : memref<128x128xf32, #tpu.memory_space<vmem>>) target_semaphore(%run_scoped3A : memref<!tpu.dma_semaphore, #tpu.memory_space<semaphore_mem>>)
      %dma_wait3A_91 = arith.constant 0 : i32
      %dma_wait3A_92 = arith.constant 0 : i32
      %dma_wait3A_93 = tpu.memref_slice %arg9[%dma_wait3A_91, %dma_wait3A_92] : memref<128x128xf32, #tpu.memory_space<vmem>> -> memref<128x128xf32, #tpu.memory_space<vmem>>
      %dma_wait3A_94 = arith.constant 0 : i32
      %dma_wait3A_95 = tpu.memref_slice %arg15[%add3A_69, %dma_wait3A_94] : memref<10128x128xf32, #tpu.memory_space<vmem_shared>> -> memref<128x128xf32, #tpu.memory_space<vmem_shared>>
      %dma_wait3A_96 = arith.constant 0 : i32
      %dma_wait3A_97 = arith.constant 0 : i32
      %dma_wait3A_98 = tpu.memref_slice %arg9[%dma_wait3A_96, %dma_wait3A_97] : memref<128x128xf32, #tpu.memory_space<vmem>> -> memref<128x128xf32, #tpu.memory_space<vmem>>
      %dma_wait3A_99 = arith.constant 0 : i32
      %dma_wait3A_100 = tpu.memref_slice %arg15[%add3A_69, %dma_wait3A_99] : memref<10128x128xf32, #tpu.memory_space<vmem_shared>> -> memref<128x128xf32, #tpu.memory_space<vmem_shared>>
      tpu.wait_dma2 semaphore(%run_scoped3A : memref<!tpu.dma_semaphore, #tpu.memory_space<semaphore_mem>>) src(%dma_wait3A_100 : memref<128x128xf32, #tpu.memory_space<vmem_shared>>) dst(%dma_wait3A_98 : memref<128x128xf32, #tpu.memory_space<vmem>>)
      tpu.yield
    }) : () -> ()
    "tpu.region"() ({
      %run_scoped3A = tpu.sem_alloc : memref<!tpu.dma_semaphore, #tpu.memory_space<semaphore_mem>>
      %dma_start3A_81 = arith.constant 0 : i32
      %dma_start3A_82 = arith.constant 0 : i32
      %dma_start3A_83 = tpu.memref_slice %arg9[%dma_start3A_81, %dma_start3A_82] : memref<128x128xf32, #tpu.memory_space<vmem>> -> memref<128x128xf32, #tpu.memory_space<vmem>>
      %dma_start3A_84 = arith.constant 0 : i32
      %dma_start3A_85 = tpu.memref_slice %arg5[%arg0, %add3A_69, %dma_start3A_84] : memref<2x10000x128xf32, #tpu.memory_space<hbm>> -> memref<1x128x128xf32, #tpu.memory_space<hbm>>
      %dma_start3A_86 = tpu.memref_squeeze %dma_start3A_85 : memref<1x128x128xf32, #tpu.memory_space<hbm>> -> memref<128x128xf32, #tpu.memory_space<hbm>>
      %dma_start3A_87 = arith.constant 0 : i32
      %dma_start3A_88 = tpu.memref_slice %arg5[%arg0, %add3A_69, %dma_start3A_87] : memref<2x10000x128xf32, #tpu.memory_space<hbm>> -> memref<1x128x128xf32, #tpu.memory_space<hbm>>
      %dma_start3A_89 = tpu.memref_squeeze %dma_start3A_88 : memref<1x128x128xf32, #tpu.memory_space<hbm>> -> memref<128x128xf32, #tpu.memory_space<hbm>>
      %dma_start3A_90 = arith.constant 0 : i32
      %dma_start3A_91 = arith.constant 0 : i32
      %dma_start3A_92 = tpu.memref_slice %arg9[%dma_start3A_90, %dma_start3A_91] : memref<128x128xf32, #tpu.memory_space<vmem>> -> memref<128x128xf32, #tpu.memory_space<vmem>>
      tpu.enqueue_dma source(%dma_start3A_92 : memref<128x128xf32, #tpu.memory_space<vmem>>) target(%dma_start3A_89 : memref<128x128xf32, #tpu.memory_space<hbm>>) target_semaphore(%run_scoped3A : memref<!tpu.dma_semaphore, #tpu.memory_space<semaphore_mem>>)
      %dma_wait3A_93 = arith.constant 0 : i32
      %dma_wait3A_94 = arith.constant 0 : i32
      %dma_wait3A_95 = tpu.memref_slice %arg9[%dma_wait3A_93, %dma_wait3A_94] : memref<128x128xf32, #tpu.memory_space<vmem>> -> memref<128x128xf32, #tpu.memory_space<vmem>>
      %dma_wait3A_96 = arith.constant 0 : i32
      %dma_wait3A_97 = tpu.memref_slice %arg5[%arg0, %add3A_69, %dma_wait3A_96] : memref<2x10000x128xf32, #tpu.memory_space<hbm>> -> memref<1x128x128xf32, #tpu.memory_space<hbm>>
      %dma_wait3A_98 = tpu.memref_squeeze %dma_wait3A_97 : memref<1x128x128xf32, #tpu.memory_space<hbm>> -> memref<128x128xf32, #tpu.memory_space<hbm>>
      %dma_wait3A_99 = arith.constant 0 : i32
      %dma_wait3A_100 = tpu.memref_slice %arg5[%arg0, %add3A_69, %dma_wait3A_99] : memref<2x10000x128xf32, #tpu.memory_space<hbm>> -> memref<1x128x128xf32, #tpu.memory_space<hbm>>
      %dma_wait3A_101 = tpu.memref_squeeze %dma_wait3A_100 : memref<1x128x128xf32, #tpu.memory_space<hbm>> -> memref<128x128xf32, #tpu.memory_space<hbm>>
      %dma_wait3A_102 = arith.constant 0 : i32
      %dma_wait3A_103 = arith.constant 0 : i32
      %dma_wait3A_104 = tpu.memref_slice %arg9[%dma_wait3A_102, %dma_wait3A_103] : memref<128x128xf32, #tpu.memory_space<vmem>> -> memref<128x128xf32, #tpu.memory_space<vmem>>
      tpu.wait_dma2 semaphore(%run_scoped3A : memref<!tpu.dma_semaphore, #tpu.memory_space<semaphore_mem>>) src(%dma_wait3A_104 : memref<128x128xf32, #tpu.memory_space<vmem>>) dst(%dma_wait3A_101 : memref<128x128xf32, #tpu.memory_space<hbm>>)
      tpu.yield
    }) : () -> ()
    %add3A_70 = arith.constant 256 : i32
    %add3A_71 = arith.addi %mul3A_2, %add3A_70 : i32
    "tpu.region"() ({
      %run_scoped3A = tpu.sem_alloc : memref<!tpu.dma_semaphore, #tpu.memory_space<semaphore_mem>>
      %dma_start3A_81 = arith.constant 0 : i32
      %dma_start3A_82 = arith.constant 0 : i32
      %dma_start3A_83 = tpu.memref_slice %arg9[%dma_start3A_81, %dma_start3A_82] : memref<128x128xf32, #tpu.memory_space<vmem>> -> memref<128x128xf32, #tpu.memory_space<vmem>>
      %dma_start3A_84 = arith.constant 0 : i32
      %dma_start3A_85 = tpu.memref_slice %arg15[%add3A_71, %dma_start3A_84] : memref<10128x128xf32, #tpu.memory_space<vmem_shared>> -> memref<128x128xf32, #tpu.memory_space<vmem_shared>>
      %dma_start3A_86 = arith.constant 0 : i32
      %dma_start3A_87 = arith.constant 0 : i32
      %dma_start3A_88 = tpu.memref_slice %arg9[%dma_start3A_86, %dma_start3A_87] : memref<128x128xf32, #tpu.memory_space<vmem>> -> memref<128x128xf32, #tpu.memory_space<vmem>>
      %dma_start3A_89 = arith.constant 0 : i32
      %dma_start3A_90 = tpu.memref_slice %arg15[%add3A_71, %dma_start3A_89] : memref<10128x128xf32, #tpu.memory_space<vmem_shared>> -> memref<128x128xf32, #tpu.memory_space<vmem_shared>>
      tpu.enqueue_dma source(%dma_start3A_90 : memref<128x128xf32, #tpu.memory_space<vmem_shared>>) target(%dma_start3A_88 : memref<128x128xf32, #tpu.memory_space<vmem>>) target_semaphore(%run_scoped3A : memref<!tpu.dma_semaphore, #tpu.memory_space<semaphore_mem>>)
      %dma_wait3A_91 = arith.constant 0 : i32
      %dma_wait3A_92 = arith.constant 0 : i32
      %dma_wait3A_93 = tpu.memref_slice %arg9[%dma_wait3A_91, %dma_wait3A_92] : memref<128x128xf32, #tpu.memory_space<vmem>> -> memref<128x128xf32, #tpu.memory_space<vmem>>
      %dma_wait3A_94 = arith.constant 0 : i32
      %dma_wait3A_95 = tpu.memref_slice %arg15[%add3A_71, %dma_wait3A_94] : memref<10128x128xf32, #tpu.memory_space<vmem_shared>> -> memref<128x128xf32, #tpu.memory_space<vmem_shared>>
      %dma_wait3A_96 = arith.constant 0 : i32
      %dma_wait3A_97 = arith.constant 0 : i32
      %dma_wait3A_98 = tpu.memref_slice %arg9[%dma_wait3A_96, %dma_wait3A_97] : memref<128x128xf32, #tpu.memory_space<vmem>> -> memref<128x128xf32, #tpu.memory_space<vmem>>
      %dma_wait3A_99 = arith.constant 0 : i32
      %dma_wait3A_100 = tpu.memref_slice %arg15[%add3A_71, %dma_wait3A_99] : memref<10128x128xf32, #tpu.memory_space<vmem_shared>> -> memref<128x128xf32, #tpu.memory_space<vmem_shared>>
      tpu.wait_dma2 semaphore(%run_scoped3A : memref<!tpu.dma_semaphore, #tpu.memory_space<semaphore_mem>>) src(%dma_wait3A_100 : memref<128x128xf32, #tpu.memory_space<vmem_shared>>) dst(%dma_wait3A_98 : memref<128x128xf32, #tpu.memory_space<vmem>>)
      tpu.yield
    }) : () -> ()
    "tpu.region"() ({
      %run_scoped3A = tpu.sem_alloc : memref<!tpu.dma_semaphore, #tpu.memory_space<semaphore_mem>>
      %dma_start3A_81 = arith.constant 0 : i32
      %dma_start3A_82 = arith.constant 0 : i32
      %dma_start3A_83 = tpu.memref_slice %arg9[%dma_start3A_81, %dma_start3A_82] : memref<128x128xf32, #tpu.memory_space<vmem>> -> memref<128x128xf32, #tpu.memory_space<vmem>>
      %dma_start3A_84 = arith.constant 0 : i32
      %dma_start3A_85 = tpu.memref_slice %arg5[%arg0, %add3A_71, %dma_start3A_84] : memref<2x10000x128xf32, #tpu.memory_space<hbm>> -> memref<1x128x128xf32, #tpu.memory_space<hbm>>
      %dma_start3A_86 = tpu.memref_squeeze %dma_start3A_85 : memref<1x128x128xf32, #tpu.memory_space<hbm>> -> memref<128x128xf32, #tpu.memory_space<hbm>>
      %dma_start3A_87 = arith.constant 0 : i32
      %dma_start3A_88 = tpu.memref_slice %arg5[%arg0, %add3A_71, %dma_start3A_87] : memref<2x10000x128xf32, #tpu.memory_space<hbm>> -> memref<1x128x128xf32, #tpu.memory_space<hbm>>
      %dma_start3A_89 = tpu.memref_squeeze %dma_start3A_88 : memref<1x128x128xf32, #tpu.memory_space<hbm>> -> memref<128x128xf32, #tpu.memory_space<hbm>>
      %dma_start3A_90 = arith.constant 0 : i32
      %dma_start3A_91 = arith.constant 0 : i32
      %dma_start3A_92 = tpu.memref_slice %arg9[%dma_start3A_90, %dma_start3A_91] : memref<128x128xf32, #tpu.memory_space<vmem>> -> memref<128x128xf32, #tpu.memory_space<vmem>>
      tpu.enqueue_dma source(%dma_start3A_92 : memref<128x128xf32, #tpu.memory_space<vmem>>) target(%dma_start3A_89 : memref<128x128xf32, #tpu.memory_space<hbm>>) target_semaphore(%run_scoped3A : memref<!tpu.dma_semaphore, #tpu.memory_space<semaphore_mem>>)
      %dma_wait3A_93 = arith.constant 0 : i32
      %dma_wait3A_94 = arith.constant 0 : i32
      %dma_wait3A_95 = tpu.memref_slice %arg9[%dma_wait3A_93, %dma_wait3A_94] : memref<128x128xf32, #tpu.memory_space<vmem>> -> memref<128x128xf32, #tpu.memory_space<vmem>>
      %dma_wait3A_96 = arith.constant 0 : i32
      %dma_wait3A_97 = tpu.memref_slice %arg5[%arg0, %add3A_71, %dma_wait3A_96] : memref<2x10000x128xf32, #tpu.memory_space<hbm>> -> memref<1x128x128xf32, #tpu.memory_space<hbm>>
      %dma_wait3A_98 = tpu.memref_squeeze %dma_wait3A_97 : memref<1x128x128xf32, #tpu.memory_space<hbm>> -> memref<128x128xf32, #tpu.memory_space<hbm>>
      %dma_wait3A_99 = arith.constant 0 : i32
      %dma_wait3A_100 = tpu.memref_slice %arg5[%arg0, %add3A_71, %dma_wait3A_99] : memref<2x10000x128xf32, #tpu.memory_space<hbm>> -> memref<1x128x128xf32, #tpu.memory_space<hbm>>
      %dma_wait3A_101 = tpu.memref_squeeze %dma_wait3A_100 : memref<1x128x128xf32, #tpu.memory_space<hbm>> -> memref<128x128xf32, #tpu.memory_space<hbm>>
      %dma_wait3A_102 = arith.constant 0 : i32
      %dma_wait3A_103 = arith.constant 0 : i32
      %dma_wait3A_104 = tpu.memref_slice %arg9[%dma_wait3A_102, %dma_wait3A_103] : memref<128x128xf32, #tpu.memory_space<vmem>> -> memref<128x128xf32, #tpu.memory_space<vmem>>
      tpu.wait_dma2 semaphore(%run_scoped3A : memref<!tpu.dma_semaphore, #tpu.memory_space<semaphore_mem>>) src(%dma_wait3A_104 : memref<128x128xf32, #tpu.memory_space<vmem>>) dst(%dma_wait3A_101 : memref<128x128xf32, #tpu.memory_space<hbm>>)
      tpu.yield
    }) : () -> ()
    %add3A_72 = arith.constant 384 : i32
    %add3A_73 = arith.addi %mul3A_2, %add3A_72 : i32
    "tpu.region"() ({
      %run_scoped3A = tpu.sem_alloc : memref<!tpu.dma_semaphore, #tpu.memory_space<semaphore_mem>>
      %dma_start3A_81 = arith.constant 0 : i32
      %dma_start3A_82 = arith.constant 0 : i32
      %dma_start3A_83 = tpu.memref_slice %arg9[%dma_start3A_81, %dma_start3A_82] : memref<128x128xf32, #tpu.memory_space<vmem>> -> memref<128x128xf32, #tpu.memory_space<vmem>>
      %dma_start3A_84 = arith.constant 0 : i32
      %dma_start3A_85 = tpu.memref_slice %arg15[%add3A_73, %dma_start3A_84] : memref<10128x128xf32, #tpu.memory_space<vmem_shared>> -> memref<128x128xf32, #tpu.memory_space<vmem_shared>>
      %dma_start3A_86 = arith.constant 0 : i32
      %dma_start3A_87 = arith.constant 0 : i32
      %dma_start3A_88 = tpu.memref_slice %arg9[%dma_start3A_86, %dma_start3A_87] : memref<128x128xf32, #tpu.memory_space<vmem>> -> memref<128x128xf32, #tpu.memory_space<vmem>>
      %dma_start3A_89 = arith.constant 0 : i32
      %dma_start3A_90 = tpu.memref_slice %arg15[%add3A_73, %dma_start3A_89] : memref<10128x128xf32, #tpu.memory_space<vmem_shared>> -> memref<128x128xf32, #tpu.memory_space<vmem_shared>>
      tpu.enqueue_dma source(%dma_start3A_90 : memref<128x128xf32, #tpu.memory_space<vmem_shared>>) target(%dma_start3A_88 : memref<128x128xf32, #tpu.memory_space<vmem>>) target_semaphore(%run_scoped3A : memref<!tpu.dma_semaphore, #tpu.memory_space<semaphore_mem>>)
      %dma_wait3A_91 = arith.constant 0 : i32
      %dma_wait3A_92 = arith.constant 0 : i32
      %dma_wait3A_93 = tpu.memref_slice %arg9[%dma_wait3A_91, %dma_wait3A_92] : memref<128x128xf32, #tpu.memory_space<vmem>> -> memref<128x128xf32, #tpu.memory_space<vmem>>
      %dma_wait3A_94 = arith.constant 0 : i32
      %dma_wait3A_95 = tpu.memref_slice %arg15[%add3A_73, %dma_wait3A_94] : memref<10128x128xf32, #tpu.memory_space<vmem_shared>> -> memref<128x128xf32, #tpu.memory_space<vmem_shared>>
      %dma_wait3A_96 = arith.constant 0 : i32
      %dma_wait3A_97 = arith.constant 0 : i32
      %dma_wait3A_98 = tpu.memref_slice %arg9[%dma_wait3A_96, %dma_wait3A_97] : memref<128x128xf32, #tpu.memory_space<vmem>> -> memref<128x128xf32, #tpu.memory_space<vmem>>
      %dma_wait3A_99 = arith.constant 0 : i32
      %dma_wait3A_100 = tpu.memref_slice %arg15[%add3A_73, %dma_wait3A_99] : memref<10128x128xf32, #tpu.memory_space<vmem_shared>> -> memref<128x128xf32, #tpu.memory_space<vmem_shared>>
      tpu.wait_dma2 semaphore(%run_scoped3A : memref<!tpu.dma_semaphore, #tpu.memory_space<semaphore_mem>>) src(%dma_wait3A_100 : memref<128x128xf32, #tpu.memory_space<vmem_shared>>) dst(%dma_wait3A_98 : memref<128x128xf32, #tpu.memory_space<vmem>>)
      tpu.yield
    }) : () -> ()
    "tpu.region"() ({
      %run_scoped3A = tpu.sem_alloc : memref<!tpu.dma_semaphore, #tpu.memory_space<semaphore_mem>>
      %dma_start3A_81 = arith.constant 0 : i32
      %dma_start3A_82 = arith.constant 0 : i32
      %dma_start3A_83 = tpu.memref_slice %arg9[%dma_start3A_81, %dma_start3A_82] : memref<128x128xf32, #tpu.memory_space<vmem>> -> memref<128x128xf32, #tpu.memory_space<vmem>>
      %dma_start3A_84 = arith.constant 0 : i32
      %dma_start3A_85 = tpu.memref_slice %arg5[%arg0, %add3A_73, %dma_start3A_84] : memref<2x10000x128xf32, #tpu.memory_space<hbm>> -> memref<1x128x128xf32, #tpu.memory_space<hbm>>
      %dma_start3A_86 = tpu.memref_squeeze %dma_start3A_85 : memref<1x128x128xf32, #tpu.memory_space<hbm>> -> memref<128x128xf32, #tpu.memory_space<hbm>>
      %dma_start3A_87 = arith.constant 0 : i32
      %dma_start3A_88 = tpu.memref_slice %arg5[%arg0, %add3A_73, %dma_start3A_87] : memref<2x10000x128xf32, #tpu.memory_space<hbm>> -> memref<1x128x128xf32, #tpu.memory_space<hbm>>
      %dma_start3A_89 = tpu.memref_squeeze %dma_start3A_88 : memref<1x128x128xf32, #tpu.memory_space<hbm>> -> memref<128x128xf32, #tpu.memory_space<hbm>>
      %dma_start3A_90 = arith.constant 0 : i32
      %dma_start3A_91 = arith.constant 0 : i32
      %dma_start3A_92 = tpu.memref_slice %arg9[%dma_start3A_90, %dma_start3A_91] : memref<128x128xf32, #tpu.memory_space<vmem>> -> memref<128x128xf32, #tpu.memory_space<vmem>>
      tpu.enqueue_dma source(%dma_start3A_92 : memref<128x128xf32, #tpu.memory_space<vmem>>) target(%dma_start3A_89 : memref<128x128xf32, #tpu.memory_space<hbm>>) target_semaphore(%run_scoped3A : memref<!tpu.dma_semaphore, #tpu.memory_space<semaphore_mem>>)
      %dma_wait3A_93 = arith.constant 0 : i32
      %dma_wait3A_94 = arith.constant 0 : i32
      %dma_wait3A_95 = tpu.memref_slice %arg9[%dma_wait3A_93, %dma_wait3A_94] : memref<128x128xf32, #tpu.memory_space<vmem>> -> memref<128x128xf32, #tpu.memory_space<vmem>>
      %dma_wait3A_96 = arith.constant 0 : i32
      %dma_wait3A_97 = tpu.memref_slice %arg5[%arg0, %add3A_73, %dma_wait3A_96] : memref<2x10000x128xf32, #tpu.memory_space<hbm>> -> memref<1x128x128xf32, #tpu.memory_space<hbm>>
      %dma_wait3A_98 = tpu.memref_squeeze %dma_wait3A_97 : memref<1x128x128xf32, #tpu.memory_space<hbm>> -> memref<128x128xf32, #tpu.memory_space<hbm>>
      %dma_wait3A_99 = arith.constant 0 : i32
      %dma_wait3A_100 = tpu.memref_slice %arg5[%arg0, %add3A_73, %dma_wait3A_99] : memref<2x10000x128xf32, #tpu.memory_space<hbm>> -> memref<1x128x128xf32, #tpu.memory_space<hbm>>
      %dma_wait3A_101 = tpu.memref_squeeze %dma_wait3A_100 : memref<1x128x128xf32, #tpu.memory_space<hbm>> -> memref<128x128xf32, #tpu.memory_space<hbm>>
      %dma_wait3A_102 = arith.constant 0 : i32
      %dma_wait3A_103 = arith.constant 0 : i32
      %dma_wait3A_104 = tpu.memref_slice %arg9[%dma_wait3A_102, %dma_wait3A_103] : memref<128x128xf32, #tpu.memory_space<vmem>> -> memref<128x128xf32, #tpu.memory_space<vmem>>
      tpu.wait_dma2 semaphore(%run_scoped3A : memref<!tpu.dma_semaphore, #tpu.memory_space<semaphore_mem>>) src(%dma_wait3A_104 : memref<128x128xf32, #tpu.memory_space<vmem>>) dst(%dma_wait3A_101 : memref<128x128xf32, #tpu.memory_space<hbm>>)
      tpu.yield
    }) : () -> ()
    %add3A_74 = arith.constant 512 : i32
    %add3A_75 = arith.addi %mul3A_2, %add3A_74 : i32
    "tpu.region"() ({
      %run_scoped3A = tpu.sem_alloc : memref<!tpu.dma_semaphore, #tpu.memory_space<semaphore_mem>>
      %dma_start3A_81 = arith.constant 0 : i32
      %dma_start3A_82 = arith.constant 0 : i32
      %dma_start3A_83 = tpu.memref_slice %arg9[%dma_start3A_81, %dma_start3A_82] : memref<128x128xf32, #tpu.memory_space<vmem>> -> memref<112x128xf32, #tpu.memory_space<vmem>>
      %dma_start3A_84 = arith.constant 0 : i32
      %dma_start3A_85 = tpu.memref_slice %arg15[%add3A_75, %dma_start3A_84] : memref<10128x128xf32, #tpu.memory_space<vmem_shared>> -> memref<112x128xf32, #tpu.memory_space<vmem_shared>>
      %dma_start3A_86 = arith.constant 0 : i32
      %dma_start3A_87 = arith.constant 0 : i32
      %dma_start3A_88 = tpu.memref_slice %arg9[%dma_start3A_86, %dma_start3A_87] : memref<128x128xf32, #tpu.memory_space<vmem>> -> memref<112x128xf32, #tpu.memory_space<vmem>>
      %dma_start3A_89 = arith.constant 0 : i32
      %dma_start3A_90 = tpu.memref_slice %arg15[%add3A_75, %dma_start3A_89] : memref<10128x128xf32, #tpu.memory_space<vmem_shared>> -> memref<112x128xf32, #tpu.memory_space<vmem_shared>>
      tpu.enqueue_dma source(%dma_start3A_90 : memref<112x128xf32, #tpu.memory_space<vmem_shared>>) target(%dma_start3A_88 : memref<112x128xf32, #tpu.memory_space<vmem>>) target_semaphore(%run_scoped3A : memref<!tpu.dma_semaphore, #tpu.memory_space<semaphore_mem>>)
      %dma_wait3A_91 = arith.constant 0 : i32
      %dma_wait3A_92 = arith.constant 0 : i32
      %dma_wait3A_93 = tpu.memref_slice %arg9[%dma_wait3A_91, %dma_wait3A_92] : memref<128x128xf32, #tpu.memory_space<vmem>> -> memref<112x128xf32, #tpu.memory_space<vmem>>
      %dma_wait3A_94 = arith.constant 0 : i32
      %dma_wait3A_95 = tpu.memref_slice %arg15[%add3A_75, %dma_wait3A_94] : memref<10128x128xf32, #tpu.memory_space<vmem_shared>> -> memref<112x128xf32, #tpu.memory_space<vmem_shared>>
      %dma_wait3A_96 = arith.constant 0 : i32
      %dma_wait3A_97 = arith.constant 0 : i32
      %dma_wait3A_98 = tpu.memref_slice %arg9[%dma_wait3A_96, %dma_wait3A_97] : memref<128x128xf32, #tpu.memory_space<vmem>> -> memref<112x128xf32, #tpu.memory_space<vmem>>
      %dma_wait3A_99 = arith.constant 0 : i32
      %dma_wait3A_100 = tpu.memref_slice %arg15[%add3A_75, %dma_wait3A_99] : memref<10128x128xf32, #tpu.memory_space<vmem_shared>> -> memref<112x128xf32, #tpu.memory_space<vmem_shared>>
      tpu.wait_dma2 semaphore(%run_scoped3A : memref<!tpu.dma_semaphore, #tpu.memory_space<semaphore_mem>>) src(%dma_wait3A_100 : memref<112x128xf32, #tpu.memory_space<vmem_shared>>) dst(%dma_wait3A_98 : memref<112x128xf32, #tpu.memory_space<vmem>>)
      tpu.yield
    }) : () -> ()
    "tpu.region"() ({
      %run_scoped3A = tpu.sem_alloc : memref<!tpu.dma_semaphore, #tpu.memory_space<semaphore_mem>>
      %dma_start3A_81 = arith.constant 0 : i32
      %dma_start3A_82 = arith.constant 0 : i32
      %dma_start3A_83 = tpu.memref_slice %arg9[%dma_start3A_81, %dma_start3A_82] : memref<128x128xf32, #tpu.memory_space<vmem>> -> memref<112x128xf32, #tpu.memory_space<vmem>>
      %dma_start3A_84 = arith.constant 0 : i32
      %dma_start3A_85 = tpu.memref_slice %arg5[%arg0, %add3A_75, %dma_start3A_84] : memref<2x10000x128xf32, #tpu.memory_space<hbm>> -> memref<1x112x128xf32, #tpu.memory_space<hbm>>
      %dma_start3A_86 = tpu.memref_squeeze %dma_start3A_85 : memref<1x112x128xf32, #tpu.memory_space<hbm>> -> memref<112x128xf32, #tpu.memory_space<hbm>>
      %dma_start3A_87 = arith.constant 0 : i32
      %dma_start3A_88 = tpu.memref_slice %arg5[%arg0, %add3A_75, %dma_start3A_87] : memref<2x10000x128xf32, #tpu.memory_space<hbm>> -> memref<1x112x128xf32, #tpu.memory_space<hbm>>
      %dma_start3A_89 = tpu.memref_squeeze %dma_start3A_88 : memref<1x112x128xf32, #tpu.memory_space<hbm>> -> memref<112x128xf32, #tpu.memory_space<hbm>>
      %dma_start3A_90 = arith.constant 0 : i32
      %dma_start3A_91 = arith.constant 0 : i32
      %dma_start3A_92 = tpu.memref_slice %arg9[%dma_start3A_90, %dma_start3A_91] : memref<128x128xf32, #tpu.memory_space<vmem>> -> memref<112x128xf32, #tpu.memory_space<vmem>>
      tpu.enqueue_dma source(%dma_start3A_92 : memref<112x128xf32, #tpu.memory_space<vmem>>) target(%dma_start3A_89 : memref<112x128xf32, #tpu.memory_space<hbm>>) target_semaphore(%run_scoped3A : memref<!tpu.dma_semaphore, #tpu.memory_space<semaphore_mem>>)
      %dma_wait3A_93 = arith.constant 0 : i32
      %dma_wait3A_94 = arith.constant 0 : i32
      %dma_wait3A_95 = tpu.memref_slice %arg9[%dma_wait3A_93, %dma_wait3A_94] : memref<128x128xf32, #tpu.memory_space<vmem>> -> memref<112x128xf32, #tpu.memory_space<vmem>>
      %dma_wait3A_96 = arith.constant 0 : i32
      %dma_wait3A_97 = tpu.memref_slice %arg5[%arg0, %add3A_75, %dma_wait3A_96] : memref<2x10000x128xf32, #tpu.memory_space<hbm>> -> memref<1x112x128xf32, #tpu.memory_space<hbm>>
      %dma_wait3A_98 = tpu.memref_squeeze %dma_wait3A_97 : memref<1x112x128xf32, #tpu.memory_space<hbm>> -> memref<112x128xf32, #tpu.memory_space<hbm>>
      %dma_wait3A_99 = arith.constant 0 : i32
      %dma_wait3A_100 = tpu.memref_slice %arg5[%arg0, %add3A_75, %dma_wait3A_99] : memref<2x10000x128xf32, #tpu.memory_space<hbm>> -> memref<1x112x128xf32, #tpu.memory_space<hbm>>
      %dma_wait3A_101 = tpu.memref_squeeze %dma_wait3A_100 : memref<1x112x128xf32, #tpu.memory_space<hbm>> -> memref<112x128xf32, #tpu.memory_space<hbm>>
      %dma_wait3A_102 = arith.constant 0 : i32
      %dma_wait3A_103 = arith.constant 0 : i32
      %dma_wait3A_104 = tpu.memref_slice %arg9[%dma_wait3A_102, %dma_wait3A_103] : memref<128x128xf32, #tpu.memory_space<vmem>> -> memref<112x128xf32, #tpu.memory_space<vmem>>
      tpu.wait_dma2 semaphore(%run_scoped3A : memref<!tpu.dma_semaphore, #tpu.memory_space<semaphore_mem>>) src(%dma_wait3A_104 : memref<112x128xf32, #tpu.memory_space<vmem>>) dst(%dma_wait3A_101 : memref<112x128xf32, #tpu.memory_space<hbm>>)
      tpu.yield
    }) : () -> ()
    %eq3A_76 = arith.constant 15 : i32
    %eq3A_77 = arith.cmpi eq, %arg1, %eq3A_76 : i32
    %convert_element_type3A_78 = arith.extui %eq3A_77 : i1 to i32
    %cond3A_79 = arith.constant 0 : i32
    %cond3A_80 = arith.cmpi ne, %convert_element_type3A_78, %cond3A_79 : i32
    scf.if %cond3A_80 {
      "tpu.region"() ({
        %run_scoped3A = tpu.sem_alloc : memref<!tpu.dma_semaphore, #tpu.memory_space<semaphore_mem>>
        %dma_start3A_81 = arith.constant 0 : i32
        %dma_start3A_82 = arith.constant 0 : i32
        %dma_start3A_83 = tpu.memref_slice %arg9[%dma_start3A_81, %dma_start3A_82] : memref<128x128xf32, #tpu.memory_space<vmem>> -> memref<16x128xf32, #tpu.memory_space<vmem>>
        %dma_start3A_84 = arith.constant 9984 : i32
        %dma_start3A_85 = arith.constant 0 : i32
        %dma_start3A_86 = tpu.memref_slice %arg15[%dma_start3A_84, %dma_start3A_85] : memref<10128x128xf32, #tpu.memory_space<vmem_shared>> -> memref<16x128xf32, #tpu.memory_space<vmem_shared>>
        %dma_start3A_87 = arith.constant 0 : i32
        %dma_start3A_88 = arith.constant 0 : i32
        %dma_start3A_89 = tpu.memref_slice %arg9[%dma_start3A_87, %dma_start3A_88] : memref<128x128xf32, #tpu.memory_space<vmem>> -> memref<16x128xf32, #tpu.memory_space<vmem>>
        %dma_start3A_90 = arith.constant 9984 : i32
        %dma_start3A_91 = arith.constant 0 : i32
        %dma_start3A_92 = tpu.memref_slice %arg15[%dma_start3A_90, %dma_start3A_91] : memref<10128x128xf32, #tpu.memory_space<vmem_shared>> -> memref<16x128xf32, #tpu.memory_space<vmem_shared>>
        tpu.enqueue_dma source(%dma_start3A_92 : memref<16x128xf32, #tpu.memory_space<vmem_shared>>) target(%dma_start3A_89 : memref<16x128xf32, #tpu.memory_space<vmem>>) target_semaphore(%run_scoped3A : memref<!tpu.dma_semaphore, #tpu.memory_space<semaphore_mem>>)
        %dma_wait3A_93 = arith.constant 0 : i32
        %dma_wait3A_94 = arith.constant 0 : i32
        %dma_wait3A_95 = tpu.memref_slice %arg9[%dma_wait3A_93, %dma_wait3A_94] : memref<128x128xf32, #tpu.memory_space<vmem>> -> memref<16x128xf32, #tpu.memory_space<vmem>>
        %dma_wait3A_96 = arith.constant 9984 : i32
        %dma_wait3A_97 = arith.constant 0 : i32
        %dma_wait3A_98 = tpu.memref_slice %arg15[%dma_wait3A_96, %dma_wait3A_97] : memref<10128x128xf32, #tpu.memory_space<vmem_shared>> -> memref<16x128xf32, #tpu.memory_space<vmem_shared>>
        %dma_wait3A_99 = arith.constant 0 : i32
        %dma_wait3A_100 = arith.constant 0 : i32
        %dma_wait3A_101 = tpu.memref_slice %arg9[%dma_wait3A_99, %dma_wait3A_100] : memref<128x128xf32, #tpu.memory_space<vmem>> -> memref<16x128xf32, #tpu.memory_space<vmem>>
        %dma_wait3A_102 = arith.constant 9984 : i32
        %dma_wait3A_103 = arith.constant 0 : i32
        %dma_wait3A_104 = tpu.memref_slice %arg15[%dma_wait3A_102, %dma_wait3A_103] : memref<10128x128xf32, #tpu.memory_space<vmem_shared>> -> memref<16x128xf32, #tpu.memory_space<vmem_shared>>
        tpu.wait_dma2 semaphore(%run_scoped3A : memref<!tpu.dma_semaphore, #tpu.memory_space<semaphore_mem>>) src(%dma_wait3A_104 : memref<16x128xf32, #tpu.memory_space<vmem_shared>>) dst(%dma_wait3A_101 : memref<16x128xf32, #tpu.memory_space<vmem>>)
        tpu.yield
      }) : () -> ()
      "tpu.region"() ({
        %run_scoped3A = tpu.sem_alloc : memref<!tpu.dma_semaphore, #tpu.memory_space<semaphore_mem>>
        %dma_start3A_81 = arith.constant 0 : i32
        %dma_start3A_82 = arith.constant 0 : i32
        %dma_start3A_83 = tpu.memref_slice %arg9[%dma_start3A_81, %dma_start3A_82] : memref<128x128xf32, #tpu.memory_space<vmem>> -> memref<16x128xf32, #tpu.memory_space<vmem>>
        %dma_start3A_84 = arith.constant 9984 : i32
        %dma_start3A_85 = arith.constant 0 : i32
        %dma_start3A_86 = tpu.memref_slice %arg5[%arg0, %dma_start3A_84, %dma_start3A_85] : memref<2x10000x128xf32, #tpu.memory_space<hbm>> -> memref<1x16x128xf32, #tpu.memory_space<hbm>>
        %dma_start3A_87 = tpu.memref_squeeze %dma_start3A_86 : memref<1x16x128xf32, #tpu.memory_space<hbm>> -> memref<16x128xf32, #tpu.memory_space<hbm>>
        %dma_start3A_88 = arith.constant 9984 : i32
        %dma_start3A_89 = arith.constant 0 : i32
        %dma_start3A_90 = tpu.memref_slice %arg5[%arg0, %dma_start3A_88, %dma_start3A_89] : memref<2x10000x128xf32, #tpu.memory_space<hbm>> -> memref<1x16x128xf32, #tpu.memory_space<hbm>>
        %dma_start3A_91 = tpu.memref_squeeze %dma_start3A_90 : memref<1x16x128xf32, #tpu.memory_space<hbm>> -> memref<16x128xf32, #tpu.memory_space<hbm>>
        %dma_start3A_92 = arith.constant 0 : i32
        %dma_start3A_93 = arith.constant 0 : i32
        %dma_start3A_94 = tpu.memref_slice %arg9[%dma_start3A_92, %dma_start3A_93] : memref<128x128xf32, #tpu.memory_space<vmem>> -> memref<16x128xf32, #tpu.memory_space<vmem>>
        tpu.enqueue_dma source(%dma_start3A_94 : memref<16x128xf32, #tpu.memory_space<vmem>>) target(%dma_start3A_91 : memref<16x128xf32, #tpu.memory_space<hbm>>) target_semaphore(%run_scoped3A : memref<!tpu.dma_semaphore, #tpu.memory_space<semaphore_mem>>)
        %dma_wait3A_95 = arith.constant 0 : i32
        %dma_wait3A_96 = arith.constant 0 : i32
        %dma_wait3A_97 = tpu.memref_slice %arg9[%dma_wait3A_95, %dma_wait3A_96] : memref<128x128xf32, #tpu.memory_space<vmem>> -> memref<16x128xf32, #tpu.memory_space<vmem>>
        %dma_wait3A_98 = arith.constant 9984 : i32
        %dma_wait3A_99 = arith.constant 0 : i32
        %dma_wait3A_100 = tpu.memref_slice %arg5[%arg0, %dma_wait3A_98, %dma_wait3A_99] : memref<2x10000x128xf32, #tpu.memory_space<hbm>> -> memref<1x16x128xf32, #tpu.memory_space<hbm>>
        %dma_wait3A_101 = tpu.memref_squeeze %dma_wait3A_100 : memref<1x16x128xf32, #tpu.memory_space<hbm>> -> memref<16x128xf32, #tpu.memory_space<hbm>>
        %dma_wait3A_102 = arith.constant 9984 : i32
        %dma_wait3A_103 = arith.constant 0 : i32
        %dma_wait3A_104 = tpu.memref_slice %arg5[%arg0, %dma_wait3A_102, %dma_wait3A_103] : memref<2x10000x128xf32, #tpu.memory_space<hbm>> -> memref<1x16x128xf32, #tpu.memory_space<hbm>>
        %dma_wait3A_105 = tpu.memref_squeeze %dma_wait3A_104 : memref<1x16x128xf32, #tpu.memory_space<hbm>> -> memref<16x128xf32, #tpu.memory_space<hbm>>
        %dma_wait3A_106 = arith.constant 0 : i32
        %dma_wait3A_107 = arith.constant 0 : i32
        %dma_wait3A_108 = tpu.memref_slice %arg9[%dma_wait3A_106, %dma_wait3A_107] : memref<128x128xf32, #tpu.memory_space<vmem>> -> memref<16x128xf32, #tpu.memory_space<vmem>>
        tpu.wait_dma2 semaphore(%run_scoped3A : memref<!tpu.dma_semaphore, #tpu.memory_space<semaphore_mem>>) src(%dma_wait3A_108 : memref<16x128xf32, #tpu.memory_space<vmem>>) dst(%dma_wait3A_105 : memref<16x128xf32, #tpu.memory_space<hbm>>)
        tpu.yield
      }) : () -> ()
    } else {
    }
    return
  }
}

module attributes {stable_mosaic.version = 14 : i64} {
  func.func @_tc2_body(%arg0: i32, %arg1: memref<2x1000x128xf32, #tpu.memory_space<vmem>>, %arg2: memref<1000x8xf32, #tpu.memory_space<vmem>>, %arg3: memref<1000x64xf32, #tpu.memory_space<vmem>>, %arg4: memref<128x64xf32, #tpu.memory_space<vmem>>, %arg5: memref<1x64xf32, #tpu.memory_space<vmem>>, %arg6: memref<64x64xf32, #tpu.memory_space<vmem>>, %arg7: memref<1x64xf32, #tpu.memory_space<vmem>>, %arg8: memref<64x2xf32, #tpu.memory_space<vmem>>, %arg9: memref<1x2xf32, #tpu.memory_space<vmem>>, %arg10: memref<1000x64xf32, #tpu.memory_space<vmem>>, %arg11: memref<1000x2xf32, #tpu.memory_space<vmem>>, %arg12: memref<1000x2xf32, #tpu.memory_space<vmem>>) attributes {dimension_semantics = [#tpu.dimension_semantics<arbitrary>], iteration_bounds = array<i64: 10>, scalar_prefetch = 0 : i64, scratch_operands = 0 : i64, tpu.core_type = #tpu.core_type<tc>, window_params = [{transform_indices = @transform_0, window_bounds = array<i64: 2, 1000, 128>}, {transform_indices = @transform_1, window_bounds = array<i64: 1000, 8>}, {transform_indices = @transform_2, window_bounds = array<i64: 1000, 64>}, {pipeline_mode = #tpu.pipeline_mode<synchronous>, transform_indices = @transform_3, window_bounds = array<i64: 128, 64>}, {pipeline_mode = #tpu.pipeline_mode<synchronous>, transform_indices = @transform_4, window_bounds = array<i64: 1, 64>}, {pipeline_mode = #tpu.pipeline_mode<synchronous>, transform_indices = @transform_5, window_bounds = array<i64: 64, 64>}, {pipeline_mode = #tpu.pipeline_mode<synchronous>, transform_indices = @transform_6, window_bounds = array<i64: 1, 64>}, {pipeline_mode = #tpu.pipeline_mode<synchronous>, transform_indices = @transform_7, window_bounds = array<i64: 64, 2>}, {pipeline_mode = #tpu.pipeline_mode<synchronous>, transform_indices = @transform_8, window_bounds = array<i64: 1, 2>}, {transform_indices = @transform_9, window_bounds = array<i64: 1000, 64>}, {transform_indices = @transform_10, window_bounds = array<i64: 1000, 2>}, {transform_indices = @transform_11, window_bounds = array<i64: 1000, 2>}]} {
    %get3A = arith.constant 0 : index
    %get3A_0 = arith.constant 0 : index
    %get3A_1 = arith.constant 0 : index
    %get3A_2 = vector.load %arg1[%get3A, %get3A_0, %get3A_1] : memref<2x1000x128xf32, #tpu.memory_space<vmem>>, vector<1x1000x128xf32>
    %get3A_3 = vector.shape_cast %get3A_2 : vector<1x1000x128xf32> to vector<1000x128xf32>
    %get3A_4 = arith.constant 1 : index
    %get3A_5 = arith.constant 0 : index
    %get3A_6 = arith.constant 0 : index
    %get3A_7 = vector.load %arg1[%get3A_4, %get3A_5, %get3A_6] : memref<2x1000x128xf32, #tpu.memory_space<vmem>>, vector<1x1000x128xf32>
    %get3A_8 = vector.shape_cast %get3A_7 : vector<1x1000x128xf32> to vector<1000x128xf32>
    %add3A = arith.addf %get3A_3, %get3A_8 : vector<1000x128xf32>
    %get3A_9 = arith.constant 0 : index
    %get3A_10 = arith.constant 0 : index
    %get3A_11 = vector.load %arg2[%get3A_9, %get3A_10] : memref<1000x8xf32, #tpu.memory_space<vmem>>, vector<1000x1xf32>
    %mul3A = vector.broadcast %get3A_11 : vector<1000x1xf32> to vector<1000x128xf32>
    %mul3A_12 = arith.mulf %add3A, %mul3A : vector<1000x128xf32>
    %get3A_13 = arith.constant 0 : index
    %get3A_14 = arith.constant 0 : index
    %get3A_15 = vector.load %arg4[%get3A_13, %get3A_14] : memref<128x64xf32, #tpu.memory_space<vmem>>, vector<128x64xf32>
    %dot_general3A = arith.constant dense<0.000000e+00> : vector<1000x64xf32>
    %dot_general3A_16 = tpu.matmul %mul3A_12, %get3A_15, %dot_general3A {dimension_numbers = #tpu.dot_dimension_numbers<[1], [0], [0], [1], [0, 0, 1, 1], [], []>, transpose_lhs_hint = false} : vector<1000x128xf32>, vector<128x64xf32>, vector<1000x64xf32> -> vector<1000x64xf32>
    %get3A_17 = arith.constant 0 : index
    %get3A_18 = arith.constant 0 : index
    %get3A_19 = vector.load %arg5[%get3A_17, %get3A_18] : memref<1x64xf32, #tpu.memory_space<vmem>>, vector<1x64xf32>
    %add3A_20 = vector.broadcast %get3A_19 : vector<1x64xf32> to vector<1000x64xf32>
    %add3A_21 = arith.addf %dot_general3A_16, %add3A_20 : vector<1000x64xf32>
    %get3A_22 = arith.constant 0 : index
    %get3A_23 = arith.constant 0 : index
    %get3A_24 = vector.load %arg3[%get3A_22, %get3A_23] : memref<1000x64xf32, #tpu.memory_space<vmem>>, vector<1000x64xf32>
    %add3A_25 = arith.addf %add3A_21, %get3A_24 : vector<1000x64xf32>
    %get3A_26 = arith.constant 0 : index
    %get3A_27 = arith.constant 0 : index
    %get3A_28 = vector.load %arg6[%get3A_26, %get3A_27] : memref<64x64xf32, #tpu.memory_space<vmem>>, vector<64x64xf32>
    %dot_general3A_29 = arith.constant dense<0.000000e+00> : vector<1000x64xf32>
    %dot_general3A_30 = tpu.matmul %add3A_25, %get3A_28, %dot_general3A_29 {dimension_numbers = #tpu.dot_dimension_numbers<[1], [0], [0], [1], [0, 0, 1, 1], [], []>, transpose_lhs_hint = false} : vector<1000x64xf32>, vector<64x64xf32>, vector<1000x64xf32> -> vector<1000x64xf32>
    %get3A_31 = arith.constant 0 : index
    %get3A_32 = arith.constant 0 : index
    %get3A_33 = vector.load %arg7[%get3A_31, %get3A_32] : memref<1x64xf32, #tpu.memory_space<vmem>>, vector<1x64xf32>
    %add3A_34 = vector.broadcast %get3A_33 : vector<1x64xf32> to vector<1000x64xf32>
    %add3A_35 = arith.addf %dot_general3A_30, %add3A_34 : vector<1000x64xf32>
    %max3A = arith.constant 0.000000e+00 : f32
    %max3A_36 = vector.broadcast %max3A : f32 to vector<1000x64xf32>
    %max3A_37 = arith.maximumf %add3A_35, %max3A_36 : vector<1000x64xf32>
    %get3A_38 = arith.constant 0 : index
    %get3A_39 = arith.constant 0 : index
    %get3A_40 = vector.load %arg8[%get3A_38, %get3A_39] : memref<64x2xf32, #tpu.memory_space<vmem>>, vector<64x2xf32>
    %dot_general3A_41 = arith.constant dense<0.000000e+00> : vector<1000x2xf32>
    %dot_general3A_42 = tpu.matmul %max3A_37, %get3A_40, %dot_general3A_41 {dimension_numbers = #tpu.dot_dimension_numbers<[1], [0], [0], [1], [0, 0, 1, 1], [], []>, transpose_lhs_hint = false} : vector<1000x64xf32>, vector<64x2xf32>, vector<1000x2xf32> -> vector<1000x2xf32>
    %get3A_43 = arith.constant 0 : index
    %get3A_44 = arith.constant 0 : index
    %get3A_45 = vector.load %arg9[%get3A_43, %get3A_44] : memref<1x2xf32, #tpu.memory_space<vmem>>, vector<1x2xf32>
    %add3A_46 = vector.broadcast %get3A_45 : vector<1x2xf32> to vector<1000x2xf32>
    %add3A_47 = arith.addf %dot_general3A_42, %add3A_46 : vector<1000x2xf32>
    %reduce_max3A = arith.constant dense<0xFF800000> : vector<1000xf32>
    %reduce_max3A_48 = vector.multi_reduction <maximumf>, %add3A_47, %reduce_max3A [1] : vector<1000x2xf32> to vector<1000xf32>
    %broadcast_in_dim3A = vector.shape_cast %reduce_max3A_48 : vector<1000xf32> to vector<1000x1xf32>
    %sub3A = vector.broadcast %broadcast_in_dim3A : vector<1000x1xf32> to vector<1000x2xf32>
    %sub3A_49 = arith.subf %add3A_47, %sub3A : vector<1000x2xf32>
    %exp3A = math.exp %sub3A_49 : vector<1000x2xf32>
    %reduce_sum3A = arith.constant dense<0.000000e+00> : vector<1000xf32>
    %reduce_sum3A_50 = vector.multi_reduction <add>, %exp3A, %reduce_sum3A [1] : vector<1000x2xf32> to vector<1000xf32>
    %broadcast_in_dim3A_51 = vector.shape_cast %reduce_sum3A_50 : vector<1000xf32> to vector<1000x1xf32>
    %div3A = vector.broadcast %broadcast_in_dim3A_51 : vector<1000x1xf32> to vector<1000x2xf32>
    %div3A_52 = arith.divf %exp3A, %div3A : vector<1000x2xf32>
    %swap3A = arith.constant 0 : index
    %swap3A_53 = arith.constant 0 : index
    %swap3A_54 = vector.load %arg10[%swap3A, %swap3A_53] : memref<1000x64xf32, #tpu.memory_space<vmem>>, vector<1000x64xf32>
    tpu.vector_store %arg10[%swap3A, %swap3A_53], %add3A_25 {strides = array<i32>} : memref<1000x64xf32, #tpu.memory_space<vmem>>, vector<1000x64xf32>,
    %swap3A_55 = arith.constant 0 : index
    %swap3A_56 = arith.constant 0 : index
    %swap3A_57 = vector.load %arg11[%swap3A_55, %swap3A_56] : memref<1000x2xf32, #tpu.memory_space<vmem>>, vector<1000x2xf32>
    tpu.vector_store %arg11[%swap3A_55, %swap3A_56], %add3A_47 {strides = array<i32>} : memref<1000x2xf32, #tpu.memory_space<vmem>>, vector<1000x2xf32>,
    %swap3A_58 = arith.constant 0 : index
    %swap3A_59 = arith.constant 0 : index
    %swap3A_60 = vector.load %arg12[%swap3A_58, %swap3A_59] : memref<1000x2xf32, #tpu.memory_space<vmem>>, vector<1000x2xf32>
    tpu.vector_store %arg12[%swap3A_58, %swap3A_59], %div3A_52 {strides = array<i32>} : memref<1000x2xf32, #tpu.memory_space<vmem>>, vector<1000x2xf32>,
    return
  }
  func.func @transform_0(%arg0: i32) -> (i32, i32, i32) {
    %c0_i32 = arith.constant 0 : i32
    %c0_i32_0 = arith.constant 0 : i32
    %c0_i32_1 = arith.constant 0 : i32
    return %c0_i32, %arg0, %c0_i32_0 : i32, i32, i32
  }
  func.func @transform_1(%arg0: i32) -> (i32, i32) {
    %c0_i32 = arith.constant 0 : i32
    %c0_i32_0 = arith.constant 0 : i32
    return %arg0, %c0_i32 : i32, i32
  }
  func.func @transform_2(%arg0: i32) -> (i32, i32) {
    %c0_i32 = arith.constant 0 : i32
    %c0_i32_0 = arith.constant 0 : i32
    return %arg0, %c0_i32 : i32, i32
  }
  func.func @transform_3(%arg0: i32) -> (i32, i32) {
    %c0_i32 = arith.constant 0 : i32
    %c0_i32_0 = arith.constant 0 : i32
    %c0_i32_1 = arith.constant 0 : i32
    return %c0_i32, %c0_i32_0 : i32, i32
  }
  func.func @transform_4(%arg0: i32) -> (i32, i32) {
    %c0_i32 = arith.constant 0 : i32
    %c0_i32_0 = arith.constant 0 : i32
    %c0_i32_1 = arith.constant 0 : i32
    return %c0_i32, %c0_i32_0 : i32, i32
  }
  func.func @transform_5(%arg0: i32) -> (i32, i32) {
    %c0_i32 = arith.constant 0 : i32
    %c0_i32_0 = arith.constant 0 : i32
    %c0_i32_1 = arith.constant 0 : i32
    return %c0_i32, %c0_i32_0 : i32, i32
  }
  func.func @transform_6(%arg0: i32) -> (i32, i32) {
    %c0_i32 = arith.constant 0 : i32
    %c0_i32_0 = arith.constant 0 : i32
    %c0_i32_1 = arith.constant 0 : i32
    return %c0_i32, %c0_i32_0 : i32, i32
  }
  func.func @transform_7(%arg0: i32) -> (i32, i32) {
    %c0_i32 = arith.constant 0 : i32
    %c0_i32_0 = arith.constant 0 : i32
    %c0_i32_1 = arith.constant 0 : i32
    return %c0_i32, %c0_i32_0 : i32, i32
  }
  func.func @transform_8(%arg0: i32) -> (i32, i32) {
    %c0_i32 = arith.constant 0 : i32
    %c0_i32_0 = arith.constant 0 : i32
    %c0_i32_1 = arith.constant 0 : i32
    return %c0_i32, %c0_i32_0 : i32, i32
  }
  func.func @transform_9(%arg0: i32) -> (i32, i32) {
    %c0_i32 = arith.constant 0 : i32
    %c0_i32_0 = arith.constant 0 : i32
    return %arg0, %c0_i32 : i32, i32
  }
  func.func @transform_10(%arg0: i32) -> (i32, i32) {
    %c0_i32 = arith.constant 0 : i32
    %c0_i32_0 = arith.constant 0 : i32
    return %arg0, %c0_i32 : i32, i32
  }
  func.func @transform_11(%arg0: i32) -> (i32, i32) {
    %c0_i32 = arith.constant 0 : i32
    %c0_i32_0 = arith.constant 0 : i32
    return %arg0, %c0_i32 : i32, i32
  }
}

module attributes {stable_mosaic.version = 14 : i64} {
  func.func @_tc1_body(%arg0: i32, %arg1: memref<2x1000x128xf32, #tpu.memory_space<vmem>>, %arg2: memref<2x1000x128xf32, #tpu.memory_space<vmem>>, %arg3: memref<1000x128xf32, #tpu.memory_space<vmem>>, %arg4: memref<128x128xf32, #tpu.memory_space<vmem>>, %arg5: memref<1x128xf32, #tpu.memory_space<vmem>>, %arg6: memref<128x128xf32, #tpu.memory_space<vmem>>, %arg7: memref<128x64xf32, #tpu.memory_space<vmem>>, %arg8: memref<1000x128xf32, #tpu.memory_space<vmem>>, %arg9: memref<1000x64xf32, #tpu.memory_space<vmem>>, %arg10: memref<1000x8xf32, #tpu.memory_space<vmem>>) attributes {dimension_semantics = [#tpu.dimension_semantics<arbitrary>], iteration_bounds = array<i64: 10>, scalar_prefetch = 0 : i64, scratch_operands = 0 : i64, tpu.core_type = #tpu.core_type<tc>, window_params = [{transform_indices = @transform_0, window_bounds = array<i64: 2, 1000, 128>}, {transform_indices = @transform_1, window_bounds = array<i64: 2, 1000, 128>}, {transform_indices = @transform_2, window_bounds = array<i64: 1000, 128>}, {pipeline_mode = #tpu.pipeline_mode<synchronous>, transform_indices = @transform_3, window_bounds = array<i64: 128, 128>}, {pipeline_mode = #tpu.pipeline_mode<synchronous>, transform_indices = @transform_4, window_bounds = array<i64: 1, 128>}, {pipeline_mode = #tpu.pipeline_mode<synchronous>, transform_indices = @transform_5, window_bounds = array<i64: 128, 128>}, {pipeline_mode = #tpu.pipeline_mode<synchronous>, transform_indices = @transform_6, window_bounds = array<i64: 128, 64>}, {transform_indices = @transform_7, window_bounds = array<i64: 1000, 128>}, {transform_indices = @transform_8, window_bounds = array<i64: 1000, 64>}, {transform_indices = @transform_9, window_bounds = array<i64: 1000, 8>}]} {
    %get3A = arith.constant 0 : index
    %get3A_0 = arith.constant 0 : index
    %get3A_1 = arith.constant 0 : index
    %get3A_2 = vector.load %arg1[%get3A, %get3A_0, %get3A_1] : memref<2x1000x128xf32, #tpu.memory_space<vmem>>, vector<1x1000x128xf32>
    %get3A_3 = vector.shape_cast %get3A_2 : vector<1x1000x128xf32> to vector<1000x128xf32>
    %get3A_4 = arith.constant 1 : index
    %get3A_5 = arith.constant 0 : index
    %get3A_6 = arith.constant 0 : index
    %get3A_7 = vector.load %arg1[%get3A_4, %get3A_5, %get3A_6] : memref<2x1000x128xf32, #tpu.memory_space<vmem>>, vector<1x1000x128xf32>
    %get3A_8 = vector.shape_cast %get3A_7 : vector<1x1000x128xf32> to vector<1000x128xf32>
    %add3A = arith.addf %get3A_3, %get3A_8 : vector<1000x128xf32>
    %get3A_9 = arith.constant 0 : index
    %get3A_10 = arith.constant 0 : index
    %get3A_11 = arith.constant 0 : index
    %get3A_12 = vector.load %arg2[%get3A_9, %get3A_10, %get3A_11] : memref<2x1000x128xf32, #tpu.memory_space<vmem>>, vector<1x1000x1xf32>
    %get3A_13 = vector.shape_cast %get3A_12 : vector<1x1000x1xf32> to vector<1000x1xf32>
    %get3A_14 = arith.constant 1 : index
    %get3A_15 = arith.constant 0 : index
    %get3A_16 = arith.constant 0 : index
    %get3A_17 = vector.load %arg2[%get3A_14, %get3A_15, %get3A_16] : memref<2x1000x128xf32, #tpu.memory_space<vmem>>, vector<1x1000x1xf32>
    %get3A_18 = vector.shape_cast %get3A_17 : vector<1x1000x1xf32> to vector<1000x1xf32>
    %add3A_19 = arith.addf %get3A_13, %get3A_18 : vector<1000x1xf32>
    %max3A = arith.constant 1.000000e+00 : f32
    %max3A_20 = vector.broadcast %max3A : f32 to vector<1000x1xf32>
    %max3A_21 = arith.maximumf %add3A_19, %max3A_20 : vector<1000x1xf32>
    %div3A = arith.constant 1.000000e+00 : f32
    %div3A_22 = vector.broadcast %div3A : f32 to vector<1000x1xf32>
    %div3A_23 = arith.divf %div3A_22, %max3A_21 : vector<1000x1xf32>
    %mul3A = vector.broadcast %div3A_23 : vector<1000x1xf32> to vector<1000x128xf32>
    %mul3A_24 = arith.mulf %add3A, %mul3A : vector<1000x128xf32>
    %get3A_25 = arith.constant 0 : index
    %get3A_26 = arith.constant 0 : index
    %get3A_27 = vector.load %arg4[%get3A_25, %get3A_26] : memref<128x128xf32, #tpu.memory_space<vmem>>, vector<128x128xf32>
    %dot_general3A = arith.constant dense<0.000000e+00> : vector<1000x128xf32>
    %dot_general3A_28 = tpu.matmul %mul3A_24, %get3A_27, %dot_general3A {dimension_numbers = #tpu.dot_dimension_numbers<[1], [0], [0], [1], [0, 0, 1, 1], [], []>, transpose_lhs_hint = false} : vector<1000x128xf32>, vector<128x128xf32>, vector<1000x128xf32> -> vector<1000x128xf32>
    %get3A_29 = arith.constant 0 : index
    %get3A_30 = arith.constant 0 : index
    %get3A_31 = vector.load %arg5[%get3A_29, %get3A_30] : memref<1x128xf32, #tpu.memory_space<vmem>>, vector<1x128xf32>
    %add3A_32 = vector.broadcast %get3A_31 : vector<1x128xf32> to vector<1000x128xf32>
    %add3A_33 = arith.addf %dot_general3A_28, %add3A_32 : vector<1000x128xf32>
    %get3A_34 = arith.constant 0 : index
    %get3A_35 = arith.constant 0 : index
    %get3A_36 = vector.load %arg3[%get3A_34, %get3A_35] : memref<1000x128xf32, #tpu.memory_space<vmem>>, vector<1000x128xf32>
    %get3A_37 = arith.constant 0 : index
    %get3A_38 = arith.constant 0 : index
    %get3A_39 = vector.load %arg6[%get3A_37, %get3A_38] : memref<128x128xf32, #tpu.memory_space<vmem>>, vector<128x128xf32>
    %dot_general3A_40 = arith.constant dense<0.000000e+00> : vector<1000x128xf32>
    %dot_general3A_41 = tpu.matmul %get3A_36, %get3A_39, %dot_general3A_40 {dimension_numbers = #tpu.dot_dimension_numbers<[1], [0], [0], [1], [0, 0, 1, 1], [], []>, transpose_lhs_hint = false} : vector<1000x128xf32>, vector<128x128xf32>, vector<1000x128xf32> -> vector<1000x128xf32>
    %add3A_42 = arith.addf %add3A_33, %dot_general3A_41 : vector<1000x128xf32>
    %max3A_43 = arith.constant 0.000000e+00 : f32
    %max3A_44 = vector.broadcast %max3A_43 : f32 to vector<1000x128xf32>
    %max3A_45 = arith.maximumf %add3A_42, %max3A_44 : vector<1000x128xf32>
    %swap3A = arith.constant 0 : index
    %swap3A_46 = arith.constant 0 : index
    %swap3A_47 = vector.load %arg8[%swap3A, %swap3A_46] : memref<1000x128xf32, #tpu.memory_space<vmem>>, vector<1000x128xf32>
    tpu.vector_store %arg8[%swap3A, %swap3A_46], %max3A_45 {strides = array<i32>} : memref<1000x128xf32, #tpu.memory_space<vmem>>, vector<1000x128xf32>,
    %get3A_48 = arith.constant 0 : index
    %get3A_49 = arith.constant 0 : index
    %get3A_50 = vector.load %arg7[%get3A_48, %get3A_49] : memref<128x64xf32, #tpu.memory_space<vmem>>, vector<128x64xf32>
    %dot_general3A_51 = arith.constant dense<0.000000e+00> : vector<1000x64xf32>
    %dot_general3A_52 = tpu.matmul %max3A_45, %get3A_50, %dot_general3A_51 {dimension_numbers = #tpu.dot_dimension_numbers<[1], [0], [0], [1], [0, 0, 1, 1], [], []>, transpose_lhs_hint = false} : vector<1000x128xf32>, vector<128x64xf32>, vector<1000x64xf32> -> vector<1000x64xf32>
    %swap3A_53 = arith.constant 0 : index
    %swap3A_54 = arith.constant 0 : index
    %swap3A_55 = vector.load %arg9[%swap3A_53, %swap3A_54] : memref<1000x64xf32, #tpu.memory_space<vmem>>, vector<1000x64xf32>
    tpu.vector_store %arg9[%swap3A_53, %swap3A_54], %dot_general3A_52 {strides = array<i32>} : memref<1000x64xf32, #tpu.memory_space<vmem>>, vector<1000x64xf32>,
    %broadcast_in_dim3A = vector.shape_cast %div3A_23 : vector<1000x1xf32> to vector<1000x1xf32>
    %broadcast_in_dim3A_56 = vector.broadcast %broadcast_in_dim3A : vector<1000x1xf32> to vector<1000x8xf32>
    %swap3A_57 = arith.constant 0 : index
    %swap3A_58 = arith.constant 0 : index
    %swap3A_59 = vector.load %arg10[%swap3A_57, %swap3A_58] : memref<1000x8xf32, #tpu.memory_space<vmem>>, vector<1000x8xf32>
    tpu.vector_store %arg10[%swap3A_57, %swap3A_58], %broadcast_in_dim3A_56 {strides = array<i32>} : memref<1000x8xf32, #tpu.memory_space<vmem>>, vector<1000x8xf32>,
    return
  }
  func.func @transform_0(%arg0: i32) -> (i32, i32, i32) {
    %c0_i32 = arith.constant 0 : i32
    %c0_i32_0 = arith.constant 0 : i32
    %c0_i32_1 = arith.constant 0 : i32
    return %c0_i32, %arg0, %c0_i32_0 : i32, i32, i32
  }
  func.func @transform_1(%arg0: i32) -> (i32, i32, i32) {
    %c0_i32 = arith.constant 0 : i32
    %c0_i32_0 = arith.constant 0 : i32
    %c0_i32_1 = arith.constant 0 : i32
    return %c0_i32, %arg0, %c0_i32_0 : i32, i32, i32
  }
  func.func @transform_2(%arg0: i32) -> (i32, i32) {
    %c0_i32 = arith.constant 0 : i32
    %c0_i32_0 = arith.constant 0 : i32
    return %arg0, %c0_i32 : i32, i32
  }
  func.func @transform_3(%arg0: i32) -> (i32, i32) {
    %c0_i32 = arith.constant 0 : i32
    %c0_i32_0 = arith.constant 0 : i32
    %c0_i32_1 = arith.constant 0 : i32
    return %c0_i32, %c0_i32_0 : i32, i32
  }
  func.func @transform_4(%arg0: i32) -> (i32, i32) {
    %c0_i32 = arith.constant 0 : i32
    %c0_i32_0 = arith.constant 0 : i32
    %c0_i32_1 = arith.constant 0 : i32
    return %c0_i32, %c0_i32_0 : i32, i32
  }
  func.func @transform_5(%arg0: i32) -> (i32, i32) {
    %c0_i32 = arith.constant 0 : i32
    %c0_i32_0 = arith.constant 0 : i32
    %c0_i32_1 = arith.constant 0 : i32
    return %c0_i32, %c0_i32_0 : i32, i32
  }
  func.func @transform_6(%arg0: i32) -> (i32, i32) {
    %c0_i32 = arith.constant 0 : i32
    %c0_i32_0 = arith.constant 0 : i32
    %c0_i32_1 = arith.constant 0 : i32
    return %c0_i32, %c0_i32_0 : i32, i32
  }
  func.func @transform_7(%arg0: i32) -> (i32, i32) {
    %c0_i32 = arith.constant 0 : i32
    %c0_i32_0 = arith.constant 0 : i32
    return %arg0, %c0_i32 : i32, i32
  }
  func.func @transform_8(%arg0: i32) -> (i32, i32) {
    %c0_i32 = arith.constant 0 : i32
    %c0_i32_0 = arith.constant 0 : i32
    return %arg0, %c0_i32 : i32, i32
  }
  func.func @transform_9(%arg0: i32) -> (i32, i32) {
    %c0_i32 = arith.constant 0 : i32
    %c0_i32_0 = arith.constant 0 : i32
    return %arg0, %c0_i32 : i32, i32
  }
}

</mosaic_0001>

<sc_bundles>
// kernel: kernel.6.cloned.1.call-start
scs
__scs_entry_jumppad:
0x0: {  	(pc) =	sbr.rel $0x88, $3  }
0x1: {  	(tag) =	ssettag $0x0;
	lr =	simm.s32 $0x1  }
0x2: {  	[smem:$0x3F95] =	sst lr;
	_ =	strace $0xD0000000  }
0x3: {  	_ = 	snop  }
0x4: {  	_ = 	snop  }
0x5: {  	_ = 	snop  }
0x6: {  	_ = 	snop  }
0x7: {  	_ = 	snop  }
__scs_overlays_trampoline_lowered:
0x8: {  	[smem:$0x3FA4] =	sst s0  }
0x9: {  	[smem:$0x3FA5] =	sst s1  }
0xa: {  	[smem:$0x3FA6] =	sst s2  }
0xb: {  	[smem:$0x3FA7] =	sst s3  }
0xc: {  	[smem:$0x3FA8] =	sst s4  }
0xd: {  	[smem:$0x3FA9] =	sst s5  }
0xe: {  	[smem:$0x3FAA] =	sst s6  }
0xf: {  	[smem:$0x3FAB] =	sst s7  }
0x10: {  	[smem:$0x3FAC] =	sst s8  }
0x11: {  	[smem:$0x3FAD] =	sst s9;
	s0 =	simm.s32 @!p0 $0x0  }
0x12: {  	s1 =	sld [smem:$0x3F93];
	s0 =	simm.s32 @p0 $0x1  }
0x13: {  	[smem:$0x3FAE] =	sst s0;
	s0 =	simm.s32 @!p1 $0x0  }
0x14: {  	s2 =	sld [smem:$0x3F92];
	s0 =	simm.s32 @p1 $0x1  }
0x15: {  	[smem:$0x3FAF] =	sst s0;
	s0 =	simm.s32 @!p2 $0x0  }
0x16: {  	s3 =	sld [smem:$0x3FDB];
	s0 =	simm.s32 @p2 $0x1  }
0x17: {  	s4 =	simm.s32 $0x1BF5;
	[smem:$0x3FB1] =	sst s0  }
0x18: {  	s0 =	sld [smem:$0x3F94];
	_ =	swait.ge [sflag:s4], $0x0  }
0x19: {  	s7 =	sld [smem:$0x3F95]  }
0x1a: {  	s8 =	sadd.s32 $0xFFFFE003, lr  }
0x1b: {  	s9 =	sadd.s32 $0xFFFFFEF7, lr;
	s5 =	simm.s32 $0xFFFFFFFF;
	p2 =	slt.u32 s8, $0xFFFFF086  }
0x1c: {  	p1 =	slt.u32 s9, $0xF7A;
	s5 =	simm.s32 @!p2 $0x0  }
0x1d: {  	s5 =	simm.s32 @p1 $0x1;
	p0 =	seq.s32 s7, s2  }
0x1e: {  	s7 =	smul.u32 @!p0 $0xF7A, s2;
	p2 =	seq.s32 @!p0 s5, $0x0  }
0x1f: {  	s9 =	smul.u32 $0xF7A, s1;
	s8 =	simm.s32 @!p0 $0x1BF5;
	p2 =	por !p2, p0  }
0x20: {  	[sflag:s8] =	ssyncset.s32 @!p0 $0xFFFFF086;
	s6 =	sadd.s32 @!p0 s3, s7;
	s7 =	simm.s32 @!p0 $0x108  }
0x21: {  	s3 =	sadd.s32 s3, s9;
	s6 =	sadd.s32 @!p0 $0x88, s6;
	s7 =	simm.s32 @p2 $0x1082  }
0x22: {  	[simem:s7], [sflag:s8] =	dma.local @!p0 [hbm:s6], $0xF7A  }
0x23: {  	s9 =	sor.u32 $0xD0000000, s2;
	s6 =	simm.s32 $0x108;
	_ =	swait.ge @!p0 [sflag:s8], $0x0  }
0x24: {  	s3 =	sadd.s32 $0x88, s3;
	s6 =	simm.s32 @!p1 $0x1082;
	[sflag:s4] =	ssyncset.s32 $0xFFFFF086  }
0x25: {  	[simem:s6], [sflag:s4] =	dma.local [hbm:s3], $0xF7A  }
0x26: {  	[smem:$0x3F95] =	sst s1;
	(tag) =	ssettag s2;
	_ =	strace s9  }
0x27: {  	s1 =	sld [smem:$0x3FA5]  }
0x28: {  	s2 =	sld [smem:$0x3FA6]  }
0x29: {  	s4 =	sld [smem:$0x3FA8]  }
0x2a: {  	p0 =	seq.s32 s5, $0x0;
	s5 =	sld [smem:$0x3FA9]  }
0x2b: {  	s6 =	sld [smem:$0x3FAA]  }
0x2c: {  	s7 =	sld [smem:$0x3FAB]  }
0x2d: {  	s3 =	simm.s32 $0x108;
	s8 =	sld [smem:$0x3FAC]  }
0x2e: {  	s3 =	simm.s32 @!p0 $0x1082;
	s9 =	sld [smem:$0x3FAD]  }
0x2f: {  	lr =	sadd.s32 s0, s3;
	s0 =	sld [smem:$0x3FA4]  }
0x30: {  	s3 =	sld [smem:$0x3FA7]  }
0x31: {  	[smem:$0x3FB0] =	sst s10  }
0x32: {  	s10 =	sld [smem:$0x3FAE];
	_ =	sdelay $0x3  }
0x33: {  	p0 =	seq.s32 s10, $0x1;
	s10 =	sld [smem:$0x3FB0];
	_ =	sdelay $0x3  }
0x34: {  	[smem:$0x3FB0] =	sst s10  }
0x35: {  	s10 =	sld [smem:$0x3FAF];
	_ =	sdelay $0x3  }
0x36: {  	p1 =	seq.s32 s10, $0x1;
	s10 =	sld [smem:$0x3FB0];
	_ =	sdelay $0x3  }
0x37: {  	[smem:$0x3FB0] =	sst s10  }
0x38: {  	s10 =	sld [smem:$0x3FB1]  }
0x39: {  	_ = 	snop;
	(pc) =	sbr.ind lr, $3  }
0x3a: {  	_ = 	snop  }
0x3b: {  	_ = 	snop  }
0x3c: {  	p2 =	seq.s32 s10, $0x1;
	s10 =	sld [smem:$0x3FB0]  }
0x3d: {  	_ =	shalt  }
0x3e: {  	_ =	shalt  }
0x3f: {  	_ =	shalt  }
0x40: {  	_ =	shalt  }
0x41: {  	_ =	shalt  }
0x42: {  	_ =	shalt  }
0x43: {  	_ =	shalt  }
0x44: {  	_ =	shalt  }
0x45: {  	_ =	shalt  }
0x46: {  	_ =	shalt  }
0x47: {  	_ =	shalt  }
0x48: {  	_ =	shalt  }
0x49: {  	_ =	shalt  }
0x4a: {  	_ =	shalt  }
0x4b: {  	_ =	shalt  }
0x4c: {  	_ =	shalt  }
0x4d: {  	_ =	shalt  }
0x4e: {  	_ =	shalt  }
0x4f: {  	_ =	shalt  }
0x50: {  	_ =	shalt  }
0x51: {  	_ =	shalt  }
0x52: {  	_ =	shalt  }
0x53: {  	_ =	shalt  }
0x54: {  	_ =	shalt  }
0x55: {  	_ =	shalt  }
0x56: {  	_ =	shalt  }
0x57: {  	_ =	shalt  }
0x58: {  	_ =	shalt  }
0x59: {  	_ =	shalt  }
0x5a: {  	_ =	shalt  }
0x5b: {  	_ =	shalt  }
0x5c: {  	_ =	shalt  }
0x5d: {  	_ =	shalt  }
0x5e: {  	_ =	shalt  }
0x5f: {  	_ =	shalt  }
0x60: {  	_ =	shalt  }
0x61: {  	_ =	shalt  }
0x62: {  	_ =	shalt  }
0x63: {  	_ =	shalt  }
0x64: {  	_ =	shalt  }
0x65: {  	_ =	shalt  }
0x66: {  	_ =	shalt  }
0x67: {  	_ =	shalt  }
0x68: {  	_ =	shalt  }
0x69: {  	_ =	shalt  }
0x6a: {  	_ =	shalt  }
0x6b: {  	_ =	shalt  }
0x6c: {  	_ =	shalt  }
0x6d: {  	_ =	shalt  }
0x6e: {  	_ =	shalt  }
0x6f: {  	_ =	shalt  }
0x70: {  	_ =	shalt  }
0x71: {  	_ =	shalt  }
0x72: {  	_ =	shalt  }
0x73: {  	_ =	shalt  }
0x74: {  	_ =	shalt  }
0x75: {  	_ =	shalt  }
0x76: {  	_ =	shalt  }
0x77: {  	_ =	shalt  }
0x78: {  	_ =	shalt  }
0x79: {  	_ =	shalt  }
0x7a: {  	_ =	shalt  }
0x7b: {  	_ =	shalt  }
0x7c: {  	_ =	shalt  }
0x7d: {  	_ =	shalt  }
0x7e: {  	_ =	shalt  }
0x7f: {  	_ =	shalt  }
0x80: {  	_ =	shalt  }
0x81: {  	_ =	shalt  }
0x82: {  	_ =	shalt  }
0x83: {  	_ =	shalt  }
0x84: {  	_ =	shalt  }
0x85: {  	_ =	shalt  }
0x86: {  	_ =	shalt  }
0x87: {  	_ =	shalt  }
.Lfunc_end0:
.L_simem_size_0:
called_computation_lowered:
.L_overlay_start_0:
0x88: {  	s2 =	sld [smem:$0x3FD9]  }
0x89: {  	s3 =	sld [smem:$0x3FFE];
	_ =	sdelay $0x1  }
0x8a: {  	s1 =	srdreg.scid  }
0x8b: {  	s0 =	sand.u32 $0x1, s1  }
0x8c: {  	s14 =	sshll.u32 s0, $0xA;
	s2 =	sadd.s32 s3, s2  }
0x8d: {  	s2 =	sadd.s32 s2, s14  }
0x8e: {  	[smem:$0x3FBC] =	sst s2  }
0x8f: {  	_ = 	snop  }
0x90: {  	s2 =	sld [smem:$0x3FD0];
	_ =	sdelay $0x2  }
0x91: {  	s4 =	simm.s32 $0xA;
	s5 =	simm.s32 $0x10;
	s15 =	sld [smem:$0x3FC9]  }
0x92: {  	[smem:s5], [sflag:s4] =	dma.local [hbm:s2], $0x1  }
0x93: {  	_ =	swait.eq [sflag:s4], $0x1  }
0x94: {  	[sflag:s4] =	ssyncset.done $0x0  }
0x95: {  	[sflag:s4] =	ssyncadd.s32 $0xFFFFFFFF  }
0x96: {  	s16 =	sld [smem:$0x11];
	(tm) =	ssettm $0x1  }
0x97: {  	s17 =	sld [smem:$0x3FFB];
	_ =	sdelay $0x3  }
0x98: {  	_ =	strace s17  }
0x99: {  	s4 =	sld [smem:$0x3FFC];
	_ =	sdelay $0x3  }
0x9a: {  	_ =	strace s4  }
0x9b: {  	s4 =	sld [smem:$0x3FFD];
	_ =	sdelay $0x3  }
0x9c: {  	_ =	strace s4  }
0x9d: {  	_ =	strace $0x8FFFFFFF  }
0x9e: {  	s18 =	sld [smem:$0x3FDB];
	_ =	sdelay $0x1  }
0x9f: {  	s19 =	simm.s32 $_scs_section_size  }
0xa0: {  	s6 =	simm.s32 $_size__tile_overlayer_lowered;
	s7 =	simm.s32 $_tile_overlayer_lowered  }
0xa1: {  	s22 =	simm.s32 $0x1BFF;
	s21 =	sshll.u32 s7, $0x1;
	s4 =	sadd.s32 s19, s18  }
0xa2: {  	s8 =	simm.s32 $0x0;
	s20 =	sshll.u32 s6, $0x1;
	s6 =	sadd.s32 s21, s4  }
0xa3: {  	[timem:s8], [sflag:s22] =	dma.local [hbm:s6], s20  }
0xa4: {  	_ =	swait.ge [sflag:s22], s20  }
0xa5: {  	s5 =	ssub.s32 $0x0, s20;
	[sflag:s22] =	ssyncset.done $0x0  }
0xa6: {  	[sflag:s22] =	ssyncadd.s32 s5;
	_ =	sdelay $0x1  }
0xa7: {  	s23 =	simm.s32 $0x1B8B  }
0xa8: {  	_ =	swait.ge [sflag:s23], $0x1  }
0xa9: {  	[sflag:s23] =	ssyncset.done $0x0  }
0xaa: {  	s25 =	simm.s32 $0x1B8E;
	s24 =	sld [smem:$0x3FFE];
	[sflag:s23] =	ssyncadd.s32 $0xFFFFFFFF  }
0xab: {  	s26 =	simm.s32 $execute0_lowered;
	[smem:$0x3FD2] =	sst s25  }
0xac: {  	s6 =	sshll.u32 s26, $0x1;
	_ =	strace $0x80000046;
	[dreg:$0x1] =	wrdreg $0xFFFFFFFF  }
0xad: {  	s28 =	simm.s32 $_size_execute0_lowered;
	s4 =	sadd.s32 s4, s6;
	[dreg:$0x0] =	wrdreg $0x0  }
0xae: {  	s6 =	sshll.u32 s28, $0x1;
	[dreg:$0x2] =	wrdreg s4  }
0xaf: {  	[dreg:$0x3] =	wrdreg s6  }
0xb0: {  	[dreg:$0x4] =	wrdreg $0xC0  }
0xb1: {  	_ =	task [dreg:s8], $0x5FFFF  }
0xb2: {  	[dreg:$0x1] =	wrdreg $0xFFFFFFFF  }
0xb3: {  	[dreg:$0x0] =	wrdreg $0x60  }
0xb4: {  	[dreg:$0x2] =	wrdreg s15  }
0xb5: {  	[dreg:$0x3] =	wrdreg s16  }
0xb6: {  	[dreg:$0x4] =	wrdreg s24  }
0xb7: {  	[dreg:$0x5] =	wrdreg $0xA9000  }
0xb8: {  	[dreg:$0x6] =	wrdreg $0x9  }
0xb9: {  	_ =	task.clear_ibuf [dreg:s8], $0x7FFFF;
	_ =	strace $0x90000046  }
0xba: {  	s29 =	simm.s32 $0x9;
	_ =	strace $0x80000048  }
0xbb: {  	_ =	swait.ge [sflag:s29], $0x1  }
0xbc: {  	[sflag:s29] =	ssyncadd.s32 $0xFFFFFFFF  }
0xbd: {  	_ =	strace $0x90000048  }
0xbe: {  	_ =	sfence  }
0xbf: {  	s30 =	sld [smem:$0x0];
	_ =	sdelay $0x2  }
0xc0: {  	s31 =	sshll.u32 s1, $0xD;
	s1 =	sshrl.u32 s1, $0x2  }
0xc1: {  	s3 =	sand.u32 $0x4000, s31;
	s1 =	sadd.s32 s1, s30  }
0xc2: {  	s0 =	sor.u32 s3, s0;
	s1 =	sshll.u32 s1, $0x11  }
0xc3: {  	s0 =	sor.u32 s1, s0  }
0xc4: {  	s0 =	sadd.s32 $0x8F2B, s0  }
0xc5: {  	[sflag:s0] =	ssyncadd.remote.s32 $0x1  }
0xc6: {  	_ =	sfence.sel $0xFFFF  }
0xc7: {  	[dreg:$0x0] =	wrdreg $0xFFFFFFFF;
	(pc) =	sbr.abs _section_cstart, $3  }
0xc8: {  	[dreg:$0x1] =	wrdreg $0xFFFFFFFF  }
0xc9: {  	_ =	task.clear_ibuf [dreg:s8], $0x2FFFF;
	_ =	strace $0x9FFFFFFF  }
0xca: {  	(tm) =	ssettm $0x7FFFFFFF  }
0xcb: {  	_ =	shalt  }
tec
execute0_lowered:
.L_overlay_start_1:
0x0: {  	(tag) =	ssettag $0x1  }
0x1: {  	s1 =	rddreg [dreg:$0x0];
	s0 =	srdreg.scid  }
0x2: {  	s28 =	stileid.u32;
	s3 =	rddreg [dreg:$0x1]  }
0x3: {  	s5 =	rddreg [dreg:$0x2];
	s2 =	simm.s32 $0x0;
	s30 =	simm.s32 $0x5  }
0x4: {  	s31 =	simm.s32 $0x2900;
	s0 =	sand.u32 $0x1, s0;
	s10 =	smul.u32 $0x13800, s28  }
0x5: {  	s4 =	sshll.u32 s28, $0x1;
	[smem:$0x7FF] =	sst s2;
	s18 =	smul.u32 $0x5000, s28  }
0x6: {  	s6 =	sadd.s32 $0x2A00, s5;
	s7 =	sadd.s32 $0xCA00, s5;
	s22 =	smul.u32 $0x138800, s0  }
0x7: {  	s4 =	sor.u32 s0, s4;
	s8 =	ssub.s32 $0x2, s0;
	s0 =	smul.u32 $0x2800, s0  }
0x8: {  	s5 =	sadd.s32 $0x5AC00, s5;
	p0 =	sne.s32 s28, $0xF;
	s4 =	smul.u32 $0x2800, s4  }
0x9: {  	s9 =	sshrl.u32 s8, $0x1;
	s11 =	sadd.s32 $0x4000, s10;
	s12 =	sadd.s32 $0x8000, s10  }
0xa: {  	s17 =	sadd.s32 $0xC000, s10;
	s8 =	ssub.s32 s8, s9;
	s9 =	smul.u32 $0x4E000, s28  }
0xb: {  	s13 =	sadd.s32 s10, s22;
	s14 =	sadd.s32 s22, s11;
	s10 =	sadd.s32 $0x10000, s10  }
0xc: {  	s24 =	sadd.s32 s22, s12;
	s16 =	sadd.s32 s22, s17;
	s4 =	sshrl.u32 s4, $0x3  }
0xd: {  	s0 =	sadd.s32 s0, s18;
	s13 =	sshrl.u32 s13, $0x3;
	s3 =	sadd.s32 s3, s4  }
0xe: {  	s14 =	sshrl.u32 s14, $0x3;
	s15 =	sadd.s32 s7, s13;
	[dreg:$0x5] =	wrdreg s3  }
0xf: {  	s16 =	sshrl.u32 s16, $0x3;
	s23 =	sadd.s32 s7, s14;
	[dreg:$0x6] =	wrdreg s15  }
0x10: {  	s26 =	sadd.s32 s22, s10;
	s25 =	sadd.s32 s7, s16;
	[dreg:$0x7] =	wrdreg s23  }
0x11: {  	s21 =	sadd.s32 s5, s13;
	s15 =	sshrl.u32 s24, $0x3;
	[dreg:$0x9] =	wrdreg s25  }
0x12: {  	s3 =	sshrl.u32 s22, $0x3;
	[dreg:$0xc] =	wrdreg s21;
	s22 =	sadd.s32 s5, s14  }
0x13: {  	s24 =	sadd.s32 s5, s16;
	s25 =	sor.u32 $0x180, s0;
	s16 =	sadd.s32 s6, s4  }
0x14: {  	s0 =	sor.u32 $0x100, s0;
	s4 =	simm.s32 $0x6900;
	[dreg:$0xd] =	wrdreg s22  }
0x15: {  	s19 =	sadd.s32 s7, s15;
	s3 =	sadd.s32 $0x27000, s3;
	[dreg:$0xf] =	wrdreg s24  }
0x16: {  	s23 =	sadd.s32 s5, s15;
	s0 =	sshrl.u32 s0, $0x3;
	[dreg:$0x8] =	wrdreg s19  }
0x17: {  	s29 =	sadd.s32 $0x10, s16;
	s19 =	sshrl.u32 s26, $0x3;
	[dreg:$0xe] =	wrdreg s23  }
0x18: {  	s15 =	sadd.s32 s5, s3;
	s26 =	sshrl.u32 s9, $0x2;
	s9 =	simm.s32 $0x0  }
0x19: {  	s20 =	sadd.s32 s7, s19;
	s14 =	sadd.s32 s5, s19;
	s19 =	rddreg [dreg:$0x3]  }
0x1a: {  	s7 =	sadd.s32 s7, s3;
	s3 =	sshrl.u32 s25, $0x3;
	[dreg:$0xa] =	wrdreg s20  }
0x1b: {  	s5 =	simm.s32 $0x1;
	[dreg:$0xb] =	wrdreg s7;
	s18 =	sadd.s32 s3, s6  }
0x1c: {  	s20 =	sadd.s32 s0, s6;
	s21 =	sadd.s32 s26, s19;
	s22 =	sadd.s32 s11, s19  }
0x1d: {  	s23 =	sadd.s32 s12, s19;
	s24 =	sadd.s32 s17, s19;
	s25 =	sadd.s32 s10, s19  }
0x1e: {  	s26 =	smax.u32 s8, $0x1;
	s28 =	sadd.s32 $0x138000, s19;
	s17 =	simm.s32 $0x2800  }
0x1f: {  	s0 =	simm.s32 $0x2880;
	s3 =	simm.s32 $0x80;
	s6 =	simm.s32 $0x3  }
0x20: {  	v0 =	vimm.f32 $0.0e+00;
	v1 =	vimm.f32 $1.000000000e+00;
	s7 =	simm.s32 $0x2;
	s8 =	simm.s32 $0x4;
	_ =	strace $0x80000047  }
.LBB2_1:
0x21: {  	s10 =	rddreg [dreg:$0x5]  }
0x22: {  	[tilespmem:s2], [sflag:$0x5] =	stream.linear.gather [hbm4b:s10+s2], $0x2800, $0x38;
	[tilespmem:$0x1E580] =	vst v63  }
0x23: {  	_ =	swait.ge [sflag:s30], $0x2800  }
0x24: {  	[sflag:s30] =	ssyncset.done $0x0  }
0x25: {  	s11 =	simm.s32 $0x200;
	s10 =	simm.s32 $0x0;
	[sflag:s30] =	ssyncadd.s32 $0xFFFFD800  }
.LBB2_2:
0x26: {  	p1 =	sne.s32 s11, $0xFE00;
	[tilespmem:s10+$0x2970] =	vst v0  }
0x27: {  	[tilespmem:s10+$0x2900] =	vst v0  }
0x28: {  	[tilespmem:s10+$0x2910] =	vst v0  }
.Ltmp0:
0x29: {  	[tilespmem:s10+$0x2920] =	vst v0;
	(pc) =	sbr.rel @p1 .LBB2_2-.Ltmp0, $4  }
0x2a: {  	[tilespmem:s10+$0x2930] =	vst v0  }
0x2b: {  	[tilespmem:s10+$0x2940] =	vst v0  }
0x2c: {  	[tilespmem:s10+$0x2950] =	vst v0  }
0x2d: {  	[tilespmem:s10+$0x2960] =	vst v0;
	s10 =	sshra.s32 s11, $0x2;
	s11 =	sadd.s32 $0x200, s11  }
0x2e: {  	[tilespmem:s10+$0x2970] =	vst v0  }
0x2f: {  	[tilespmem:s10+$0x2900] =	vst v0  }
0x30: {  	[tilespmem:s10+$0x2910] =	vst v0  }
0x31: {  	[tilespmem:s10+$0x2920] =	vst v0  }
0x32: {  	[tilespmem:s10+$0x2930] =	vst v0  }
0x33: {  	[tilespmem:s10+$0x2940] =	vst v0  }
0x34: {  	[tilespmem:s10+$0x2950] =	vst v0  }
0x35: {  	[tilespmem:s10+$0x2960] =	vst v0  }
0x36: {  	[spmem:s21] =	stream.linear.scatter [tilespmem:s31], [sflag:$0x5], $0x4000, $0x38;
	[tilespmem:$0x1E580] =	vst v63  }
0x37: {  	_ =	swait.ge [sflag:s30], $0x4000  }
0x38: {  	[sflag:s30] =	ssyncset.done $0x0  }
0x39: {  	[sflag:s30] =	ssyncadd.s32 $0xFFFFC000  }
0x3a: {  	[spmem:s22] =	stream.linear.scatter [tilespmem:s31], [sflag:$0x5], $0x4000, $0x38;
	[tilespmem:$0x1E580] =	vst v63  }
0x3b: {  	_ =	swait.ge [sflag:s30], $0x4000  }
0x3c: {  	[sflag:s30] =	ssyncset.done $0x0  }
0x3d: {  	[sflag:s30] =	ssyncadd.s32 $0xFFFFC000  }
0x3e: {  	[spmem:s23] =	stream.linear.scatter [tilespmem:s31], [sflag:$0x5], $0x4000, $0x38;
	[tilespmem:$0x1E580] =	vst v63  }
0x3f: {  	_ =	swait.ge [sflag:s30], $0x4000  }
0x40: {  	[sflag:s30] =	ssyncset.done $0x0  }
0x41: {  	[sflag:s30] =	ssyncadd.s32 $0xFFFFC000  }
0x42: {  	[spmem:s24] =	stream.linear.scatter [tilespmem:s31], [sflag:$0x5], $0x4000, $0x38;
	[tilespmem:$0x1E580] =	vst v63  }
0x43: {  	_ =	swait.ge [sflag:s30], $0x4000  }
0x44: {  	[sflag:s30] =	ssyncset.done $0x0  }
0x45: {  	[sflag:s30] =	ssyncadd.s32 $0xFFFFC000  }
0x46: {  	[spmem:s25] =	stream.linear.scatter [tilespmem:s31], [sflag:$0x5], $0x3800, $0x38;
	[tilespmem:$0x1E580] =	vst v63  }
0x47: {  	_ =	swait.ge [sflag:s30], $0x3800  }
0x48: {  	[sflag:s30] =	ssyncset.done $0x0  }
0x49: {  	s10 =	simm.s32 @!p0 $0x2900;
	[sflag:s30] =	ssyncadd.s32 $0xFFFFC800  }
0x4a: {  	[spmem:s28] =	stream.linear.scatter @!p0 [tilespmem:s10], [sflag:$0x5], $0x800, $0x38;
	[tilespmem:$0x1E580] =	vst v63  }
0x4b: {  	s10 =	simm.s32 @!p0 $0x5  }
0x4c: {  	_ =	swait.ge @!p0 [sflag:s10], $0x800  }
0x4d: {  	[sflag:s10] =	ssyncset.done @!p0 $0x0  }
0x4e: {  	[sflag:s10] =	ssyncadd.s32 @!p0 $0xFFFFF800  }
0x4f: {  	s13 =	simm.s32 $0x0;
	[bflag:$0x0] =	sbarrier.arrive $0xFFFF  }
0x50: {  	[tilespmem:s17], [sflag:$0x3] =	stream.linear.gather [hbm4b:s16+s13], $0x80, $0x38;
	[tilespmem:$0x1E580] =	vst v63  }
0x51: {  	_ = 	snop  }
0x52: {  	[tilespmem:s0], [sflag:$0x4] =	stream.linear.gather [hbm4b:s29+s13], $0x80, $0x38;
	[tilespmem:$0x1E580] =	vst v63  }
0x53: {  	_ = 	snop  }
0x54: {  	[tilespmem:s31], [sflag:$0x1] =	stream.indirect.gather [hbm4b:s1+s3], $0x80, s13, s3, $0xb8;
	[tilespmem:$0x1E580] =	vst v63  }
0x55: {  	_ = 	snop  }
0x56: {  	[tilespmem:s4], [sflag:$0x2] =	stream.indirect.gather [hbm4b:s1+s3], $0x80, s3, s3, $0xb8;
	[tilespmem:$0x1E580] =	vst v63  }
0x57: {  	_ =	swait.ge [sflag:s5], $0x4000  }
0x58: {  	[sflag:s5] =	ssyncset.done $0x0  }
0x59: {  	[sflag:s5] =	ssyncadd.s32 $0xFFFFC000  }
0x5a: {  	_ =	swait.ge [sflag:s6], $0x80  }
0x5b: {  	[sflag:s6] =	ssyncset.done $0x0  }
0x5c: {  	[sflag:s6] =	ssyncadd.s32 $0xFFFFFF80  }
0x5d: {  	[spmem:s19] =	stream.indirect.scatter.add.f32 [tilespmem:s31], [sflag:$0x5], $0x80, s17, s3, $0xb8;
	[tilespmem:$0x1E580] =	vst v63  }
0x5e: {  	_ =	swait.ge [sflag:s30], $0x4000  }
0x5f: {  	[sflag:s30] =	ssyncset.done $0x0  }
0x60: {  	s11 =	simm.s32 $0x100;
	[sflag:s30] =	ssyncadd.s32 $0xFFFFC000  }
0x61: {  	[tilespmem:s31], [sflag:$0x1] =	stream.indirect.gather [hbm4b:s1+s3], $0x80, s11, s3, $0xb8;
	[tilespmem:$0x1E580] =	vst v63  }
0x62: {  	s12 =	sadd.s32 $0x0, s20  }
0x63: {  	[tilespmem:s17], [sflag:$0x3] =	stream.linear.gather [hbm4b:s12+s2], $0x80, $0x38;
	[tilespmem:$0x1E580] =	vst v63  }
0x64: {  	_ =	swait.ge [sflag:s7], $0x4000  }
0x65: {  	[sflag:s7] =	ssyncset.done $0x0  }
0x66: {  	[sflag:s7] =	ssyncadd.s32 $0xFFFFC000  }
0x67: {  	_ =	swait.ge [sflag:s8], $0x80  }
0x68: {  	[sflag:s8] =	ssyncset.done $0x0  }
0x69: {  	[sflag:s8] =	ssyncadd.s32 $0xFFFFFF80  }
0x6a: {  	[spmem:s19] =	stream.indirect.scatter.add.f32 [tilespmem:s4], [sflag:$0x5], $0x80, s0, s3, $0xb8;
	[tilespmem:$0x1E580] =	vst v63  }
0x6b: {  	_ =	swait.ge [sflag:s30], $0x4000  }
0x6c: {  	s10 =	simm.s32 $0x20;
	s13 =	simm.s32 $0x180;
	[sflag:s30] =	ssyncset.done $0x0  }
0x6d: {  	s11 =	simm.s32 $0x280;
	s12 =	sadd.s32 $0x0, s18;
	[sflag:s30] =	ssyncadd.s32 $0xFFFFC000  }
0x6e: {  	[tilespmem:s4], [sflag:$0x2] =	stream.indirect.gather [hbm4b:s1+s3], $0x80, s13, s3, $0xb8;
	[tilespmem:$0x1E580] =	vst v63  }
.LBB2_4:
0x6f: {  	[tilespmem:s0], [sflag:$0x4] =	stream.linear.gather [hbm4b:s12+s2], $0x80, $0x38;
	[tilespmem:$0x1E580] =	vst v63  }
0x70: {  	s12 =	smov.u32 s10  }
0x71: {  	p1 =	sne.s32 s10, $0x4C0;
	s10 =	sadd.s32 $0x20, s10;
	_ =	swait.ge [sflag:s5], $0x4000  }
0x72: {  	[sflag:s5] =	ssyncset.done $0x0  }
0x73: {  	[sflag:s5] =	ssyncadd.s32 $0xFFFFC000  }
0x74: {  	_ =	swait.ge [sflag:s6], $0x80  }
0x75: {  	[sflag:s6] =	ssyncset.done $0x0  }
0x76: {  	[sflag:s6] =	ssyncadd.s32 $0xFFFFFF80  }
0x77: {  	[spmem:s19] =	stream.indirect.scatter.add.f32 [tilespmem:s31], [sflag:$0x5], $0x80, s17, s3, $0xb8;
	[tilespmem:$0x1E580] =	vst v63  }
0x78: {  	_ =	swait.ge [sflag:s30], $0x4000  }
0x79: {  	[sflag:s30] =	ssyncset.done $0x0  }
0x7a: {  	s13 =	sadd.s32 $0xFFFFFF80, s11;
	[sflag:s30] =	ssyncadd.s32 $0xFFFFC000  }
0x7b: {  	[tilespmem:s31], [sflag:$0x1] =	stream.indirect.gather [hbm4b:s1+s3], $0x80, s13, s3, $0xb8;
	[tilespmem:$0x1E580] =	vst v63  }
0x7c: {  	s13 =	sadd.s32 s12, s20  }
0x7d: {  	[tilespmem:s17], [sflag:$0x3] =	stream.linear.gather [hbm4b:s13+s2], $0x80, $0x38;
	[tilespmem:$0x1E580] =	vst v63  }
0x7e: {  	_ =	swait.ge [sflag:s7], $0x4000  }
0x7f: {  	[sflag:s7] =	ssyncset.done $0x0  }
0x80: {  	[sflag:s7] =	ssyncadd.s32 $0xFFFFC000  }
0x81: {  	_ =	swait.ge [sflag:s8], $0x80  }
0x82: {  	[sflag:s8] =	ssyncset.done $0x0  }
0x83: {  	[sflag:s8] =	ssyncadd.s32 $0xFFFFFF80  }
0x84: {  	[spmem:s19] =	stream.indirect.scatter.add.f32 [tilespmem:s4], [sflag:$0x5], $0x80, s0, s3, $0xb8;
	[tilespmem:$0x1E580] =	vst v63  }
.Ltmp1:
0x85: {  	_ =	swait.ge [sflag:s30], $0x4000;
	(pc) =	sbr.rel @p1 .LBB2_4-.Ltmp1, $4  }
0x86: {  	[sflag:s30] =	ssyncset.done $0x0  }
0x87: {  	[sflag:s30] =	ssyncadd.s32 $0xFFFFC000  }
0x88: {  	[tilespmem:s4], [sflag:$0x2] =	stream.indirect.gather [hbm4b:s1+s3], $0x80, s11, s3, $0xb8;
	[tilespmem:$0x1E580] =	vst v63  }
0x89: {  	s12 =	sadd.s32 s12, s18;
	s11 =	sadd.s32 $0x100, s11  }
0x8a: {  	[tilespmem:s0], [sflag:$0x4] =	stream.linear.gather [hbm4b:s12+s2], $0x80, $0x38;
	[tilespmem:$0x1E580] =	vst v63  }
0x8b: {  	_ =	swait.ge [sflag:s5], $0x4000  }
0x8c: {  	[sflag:s5] =	ssyncset.done $0x0  }
0x8d: {  	[sflag:s5] =	ssyncadd.s32 $0xFFFFC000  }
0x8e: {  	_ =	swait.ge [sflag:s6], $0x80  }
0x8f: {  	[sflag:s6] =	ssyncset.done $0x0  }
0x90: {  	[sflag:s6] =	ssyncadd.s32 $0xFFFFFF80  }
0x91: {  	[spmem:s19] =	stream.indirect.scatter.add.f32 [tilespmem:s31], [sflag:$0x5], $0x80, s17, s3, $0xb8;
	[tilespmem:$0x1E580] =	vst v63  }
0x92: {  	_ =	swait.ge [sflag:s30], $0x4000  }
0x93: {  	[sflag:s30] =	ssyncset.done $0x0  }
0x94: {  	[sflag:s30] =	ssyncadd.s32 $0xFFFFC000  }
0x95: {  	_ =	swait.ge [sflag:s7], $0x4000  }
0x96: {  	[sflag:s7] =	ssyncset.done $0x0  }
0x97: {  	[sflag:s7] =	ssyncadd.s32 $0xFFFFC000  }
0x98: {  	_ =	swait.ge [sflag:s8], $0x80  }
0x99: {  	[sflag:s8] =	ssyncset.done $0x0  }
0x9a: {  	[sflag:s8] =	ssyncadd.s32 $0xFFFFFF80  }
0x9b: {  	[spmem:s19] =	stream.indirect.scatter.add.f32 [tilespmem:s4], [sflag:$0x5], $0x80, s0, s3, $0xb8;
	[tilespmem:$0x1E580] =	vst v63  }
0x9c: {  	_ =	swait.ge [sflag:s30], $0x4000  }
0x9d: {  	[sflag:s30] =	ssyncset.done $0x0  }
0x9e: {  	[sflag:s30] =	ssyncadd.s32 $0xFFFFC000  }
0x9f: {  	[bflag:$0x0] =	sbarrier.arrive $0xFFFF  }
0xa0: {  	[tilespmem:s31], [sflag:$0x5] =	stream.linear.gather [spmem:s21], $0x4000, $0x38;
	[tilespmem:$0x1E580] =	vst v63  }
0xa1: {  	_ =	swait.ge [sflag:s30], $0x4000  }
0xa2: {  	[sflag:s30] =	ssyncset.done $0x0  }
0xa3: {  	s10 =	rddreg [dreg:$0x6];
	[sflag:s30] =	ssyncadd.s32 $0xFFFFC000  }
0xa4: {  	[hbm4b:s10+s2] =	stream.linear.scatter [tilespmem:s31], [sflag:$0x5], $0x4000, $0x38;
	[tilespmem:$0x1E580] =	vst v63  }
0xa5: {  	_ =	swait.ge [sflag:s30], $0x4000  }
0xa6: {  	[sflag:s30] =	ssyncset.done $0x0  }
0xa7: {  	[sflag:s30] =	ssyncadd.s32 $0xFFFFC000  }
0xa8: {  	[tilespmem:s31], [sflag:$0x5] =	stream.linear.gather [spmem:s22], $0x4000, $0x38;
	[tilespmem:$0x1E580] =	vst v63  }
0xa9: {  	_ =	swait.ge [sflag:s30], $0x4000  }
0xaa: {  	[sflag:s30] =	ssyncset.done $0x0  }
0xab: {  	s13 =	rddreg [dreg:$0x7];
	[sflag:s30] =	ssyncadd.s32 $0xFFFFC000  }
0xac: {  	[hbm4b:s13+s2] =	stream.linear.scatter [tilespmem:s31], [sflag:$0x5], $0x4000, $0x38;
	[tilespmem:$0x1E580] =	vst v63  }
0xad: {  	_ =	swait.ge [sflag:s30], $0x4000  }
0xae: {  	[sflag:s30] =	ssyncset.done $0x0  }
0xaf: {  	[sflag:s30] =	ssyncadd.s32 $0xFFFFC000  }
0xb0: {  	[tilespmem:s31], [sflag:$0x5] =	stream.linear.gather [spmem:s23], $0x4000, $0x38;
	[tilespmem:$0x1E580] =	vst v63  }
0xb1: {  	_ =	swait.ge [sflag:s30], $0x4000  }
0xb2: {  	[sflag:s30] =	ssyncset.done $0x0  }
0xb3: {  	s11 =	rddreg [dreg:$0x8];
	[sflag:s30] =	ssyncadd.s32 $0xFFFFC000  }
0xb4: {  	[hbm4b:s11+s2] =	stream.linear.scatter [tilespmem:s31], [sflag:$0x5], $0x4000, $0x38;
	[tilespmem:$0x1E580] =	vst v63  }
0xb5: {  	_ =	swait.ge [sflag:s30], $0x4000  }
0xb6: {  	[sflag:s30] =	ssyncset.done $0x0  }
0xb7: {  	[sflag:s30] =	ssyncadd.s32 $0xFFFFC000  }
0xb8: {  	[tilespmem:s31], [sflag:$0x5] =	stream.linear.gather [spmem:s24], $0x4000, $0x38;
	[tilespmem:$0x1E580] =	vst v63  }
0xb9: {  	_ =	swait.ge [sflag:s30], $0x4000  }
0xba: {  	[sflag:s30] =	ssyncset.done $0x0  }
0xbb: {  	s12 =	rddreg [dreg:$0x9];
	[sflag:s30] =	ssyncadd.s32 $0xFFFFC000  }
0xbc: {  	[hbm4b:s12+s2] =	stream.linear.scatter [tilespmem:s31], [sflag:$0x5], $0x4000, $0x38;
	[tilespmem:$0x1E580] =	vst v63  }
0xbd: {  	_ =	swait.ge [sflag:s30], $0x4000  }
0xbe: {  	[sflag:s30] =	ssyncset.done $0x0  }
0xbf: {  	[sflag:s30] =	ssyncadd.s32 $0xFFFFC000  }
0xc0: {  	[tilespmem:s31], [sflag:$0x5] =	stream.linear.gather [spmem:s25], $0x3800, $0x38;
	[tilespmem:$0x1E580] =	vst v63  }
0xc1: {  	_ =	swait.ge [sflag:s30], $0x3800  }
0xc2: {  	[sflag:s30] =	ssyncset.done $0x0  }
0xc3: {  	s13 =	rddreg [dreg:$0xa];
	[sflag:s30] =	ssyncadd.s32 $0xFFFFC800  }
0xc4: {  	[hbm4b:s13+s2] =	stream.linear.scatter [tilespmem:s31], [sflag:$0x5], $0x3800, $0x38;
	[tilespmem:$0x1E580] =	vst v63  }
0xc5: {  	_ =	swait.ge [sflag:s30], $0x3800  }
0xc6: {  	[sflag:s30] =	ssyncset.done $0x0  }
0xc7: {  	s10 =	simm.s32 @!p0 $0x2900;
	s11 =	simm.s32 @!p0 $0x5;
	[sflag:s30] =	ssyncadd.s32 $0xFFFFC800  }
0xc8: {  	[tilespmem:s10], [sflag:$0x5] =	stream.linear.gather @!p0 [spmem:s28], $0x800, $0x38;
	[tilespmem:$0x1E580] =	vst v63  }
0xc9: {  	_ =	swait.ge @!p0 [sflag:s11], $0x800  }
0xca: {  	[sflag:s11] =	ssyncset.done @!p0 $0x0  }
0xcb: {  	s12 =	simm.s32 @!p0 $0x0;
	s13 =	rddreg [dreg:$0xb];
	[sflag:s11] =	ssyncadd.s32 @!p0 $0xFFFFF800  }
0xcc: {  	[hbm4b:s13+s12] =	stream.linear.scatter @!p0 [tilespmem:s10], [sflag:$0x5], $0x800, $0x38;
	[tilespmem:$0x1E580] =	vst v63  }
0xcd: {  	_ =	swait.ge @!p0 [sflag:s11], $0x800  }
0xce: {  	[sflag:s11] =	ssyncset.done @!p0 $0x0  }
0xcf: {  	[sflag:s11] =	ssyncadd.s32 @!p0 $0xFFFFF800  }
0xd0: {  	s10 =	simm.s32 $0x0;
	s11 =	simm.s32 $0x200;
	[bflag:$0x0] =	sbarrier.arrive $0xFFFF  }
.LBB2_6:
0xd1: {  	p1 =	sne.s32 s11, $0xFE00;
	[tilespmem:s10+$0x2970] =	vst v0  }
0xd2: {  	[tilespmem:s10+$0x2900] =	vst v0  }
0xd3: {  	[tilespmem:s10+$0x2910] =	vst v0  }
.Ltmp2:
0xd4: {  	[tilespmem:s10+$0x2920] =	vst v0;
	(pc) =	sbr.rel @p1 .LBB2_6-.Ltmp2, $4  }
0xd5: {  	[tilespmem:s10+$0x2930] =	vst v0  }
0xd6: {  	[tilespmem:s10+$0x2940] =	vst v0  }
0xd7: {  	[tilespmem:s10+$0x2950] =	vst v0  }
0xd8: {  	[tilespmem:s10+$0x2960] =	vst v0;
	s10 =	sshra.s32 s11, $0x2;
	s11 =	sadd.s32 $0x200, s11  }
0xd9: {  	[tilespmem:s10+$0x2970] =	vst v0  }
0xda: {  	[tilespmem:s10+$0x2900] =	vst v0  }
0xdb: {  	[tilespmem:s10+$0x2910] =	vst v0  }
0xdc: {  	[tilespmem:s10+$0x2920] =	vst v0  }
0xdd: {  	[tilespmem:s10+$0x2930] =	vst v0  }
0xde: {  	[tilespmem:s10+$0x2940] =	vst v0  }
0xdf: {  	[tilespmem:s10+$0x2950] =	vst v0  }
0xe0: {  	[tilespmem:s10+$0x2960] =	vst v0  }
0xe1: {  	[spmem:s21] =	stream.linear.scatter [tilespmem:s31], [sflag:$0x5], $0x4000, $0x38;
	[tilespmem:$0x1E580] =	vst v63  }
0xe2: {  	_ =	swait.ge [sflag:s30], $0x4000  }
0xe3: {  	[sflag:s30] =	ssyncset.done $0x0  }
0xe4: {  	[sflag:s30] =	ssyncadd.s32 $0xFFFFC000  }
0xe5: {  	[spmem:s22] =	stream.linear.scatter [tilespmem:s31], [sflag:$0x5], $0x4000, $0x38;
	[tilespmem:$0x1E580] =	vst v63  }
0xe6: {  	_ =	swait.ge [sflag:s30], $0x4000  }
0xe7: {  	[sflag:s30] =	ssyncset.done $0x0  }
0xe8: {  	[sflag:s30] =	ssyncadd.s32 $0xFFFFC000  }
0xe9: {  	[spmem:s23] =	stream.linear.scatter [tilespmem:s31], [sflag:$0x5], $0x4000, $0x38;
	[tilespmem:$0x1E580] =	vst v63  }
0xea: {  	_ =	swait.ge [sflag:s30], $0x4000  }
0xeb: {  	[sflag:s30] =	ssyncset.done $0x0  }
0xec: {  	[sflag:s30] =	ssyncadd.s32 $0xFFFFC000  }
0xed: {  	[spmem:s24] =	stream.linear.scatter [tilespmem:s31], [sflag:$0x5], $0x4000, $0x38;
	[tilespmem:$0x1E580] =	vst v63  }
0xee: {  	_ =	swait.ge [sflag:s30], $0x4000  }
0xef: {  	[sflag:s30] =	ssyncset.done $0x0  }
0xf0: {  	[sflag:s30] =	ssyncadd.s32 $0xFFFFC000  }
0xf1: {  	[spmem:s25] =	stream.linear.scatter [tilespmem:s31], [sflag:$0x5], $0x3800, $0x38;
	[tilespmem:$0x1E580] =	vst v63  }
0xf2: {  	_ =	swait.ge [sflag:s30], $0x3800  }
0xf3: {  	[sflag:s30] =	ssyncset.done $0x0  }
0xf4: {  	s10 =	simm.s32 @!p0 $0x2900;
	[sflag:s30] =	ssyncadd.s32 $0xFFFFC800  }
0xf5: {  	[spmem:s28] =	stream.linear.scatter @!p0 [tilespmem:s10], [sflag:$0x5], $0x800, $0x38;
	[tilespmem:$0x1E580] =	vst v63  }
0xf6: {  	s10 =	simm.s32 @!p0 $0x5  }
0xf7: {  	_ =	swait.ge @!p0 [sflag:s10], $0x800  }
0xf8: {  	[sflag:s10] =	ssyncset.done @!p0 $0x0  }
0xf9: {  	s11 =	simm.s32 $0x200;
	[sflag:s10] =	ssyncadd.s32 @!p0 $0xFFFFF800;
	s10 =	simm.s32 $0x0  }
.LBB2_8:
0xfa: {  	p1 =	sne.s32 s11, $0xFE00;
	[tilespmem:s10+$0x6970] =	vst v1  }
0xfb: {  	[tilespmem:s10+$0x6900] =	vst v1  }
0xfc: {  	[tilespmem:s10+$0x6910] =	vst v1  }
.Ltmp3:
0xfd: {  	[tilespmem:s10+$0x6920] =	vst v1;
	(pc) =	sbr.rel @p1 .LBB2_8-.Ltmp3, $4  }
0xfe: {  	[tilespmem:s10+$0x6930] =	vst v1  }
0xff: {  	[tilespmem:s10+$0x6940] =	vst v1  }
0x100: {  	[tilespmem:s10+$0x6950] =	vst v1  }
0x101: {  	[tilespmem:s10+$0x6960] =	vst v1;
	s10 =	sshra.s32 s11, $0x2;
	s11 =	sadd.s32 $0x200, s11  }
0x102: {  	[tilespmem:s10+$0x6970] =	vst v1  }
0x103: {  	[tilespmem:s10+$0x6900] =	vst v1  }
0x104: {  	[tilespmem:s10+$0x6910] =	vst v1  }
0x105: {  	[tilespmem:s10+$0x6920] =	vst v1  }
0x106: {  	[tilespmem:s10+$0x6930] =	vst v1  }
0x107: {  	[tilespmem:s10+$0x6940] =	vst v1  }
0x108: {  	[tilespmem:s10+$0x6950] =	vst v1  }
0x109: {  	[tilespmem:s10+$0x6960] =	vst v1  }
0x10a: {  	s12 =	simm.s32 $0x0;
	[bflag:$0x0] =	sbarrier.arrive $0xFFFF  }
0x10b: {  	[tilespmem:s17], [sflag:$0x3] =	stream.linear.gather [hbm4b:s16+s12], $0x80, $0x38;
	[tilespmem:$0x1E580] =	vst v63  }
0x10c: {  	_ = 	snop  }
0x10d: {  	[tilespmem:s0], [sflag:$0x4] =	stream.linear.gather [hbm4b:s29+s12], $0x80, $0x38;
	[tilespmem:$0x1E580] =	vst v63  }
0x10e: {  	_ =	swait.ge [sflag:s6], $0x80  }
0x10f: {  	[sflag:s6] =	ssyncset.done $0x0  }
0x110: {  	[sflag:s6] =	ssyncadd.s32 $0xFFFFFF80  }
0x111: {  	[spmem:s19] =	stream.indirect.scatter.add.f32 [tilespmem:s4], [sflag:$0x5], $0x80, s17, s3, $0xb8;
	[tilespmem:$0x1E580] =	vst v63  }
0x112: {  	_ =	swait.ge [sflag:s30], $0x4000  }
0x113: {  	[sflag:s30] =	ssyncset.done $0x0  }
0x114: {  	s13 =	sadd.s32 $0x0, s20;
	[sflag:s30] =	ssyncadd.s32 $0xFFFFC000  }
0x115: {  	[tilespmem:s17], [sflag:$0x3] =	stream.linear.gather [hbm4b:s13+s2], $0x80, $0x38;
	[tilespmem:$0x1E580] =	vst v63  }
0x116: {  	_ =	swait.ge [sflag:s8], $0x80  }
0x117: {  	[sflag:s8] =	ssyncset.done $0x0  }
0x118: {  	[sflag:s8] =	ssyncadd.s32 $0xFFFFFF80  }
0x119: {  	[spmem:s19] =	stream.indirect.scatter.add.f32 [tilespmem:s4], [sflag:$0x5], $0x80, s0, s3, $0xb8;
	[tilespmem:$0x1E580] =	vst v63  }
0x11a: {  	_ =	swait.ge [sflag:s30], $0x4000  }
0x11b: {  	[sflag:s30] =	ssyncset.done $0x0  }
0x11c: {  	s10 =	simm.s32 $0x20;
	s11 =	sadd.s32 $0x0, s18;
	[sflag:s30] =	ssyncadd.s32 $0xFFFFC000  }
.LBB2_10:
0x11d: {  	[tilespmem:s0], [sflag:$0x4] =	stream.linear.gather [hbm4b:s11+s2], $0x80, $0x38;
	[tilespmem:$0x1E580] =	vst v63  }
0x11e: {  	s11 =	smov.u32 s10  }
0x11f: {  	p1 =	sne.s32 s10, $0x4C0;
	s10 =	sadd.s32 $0x20, s10;
	_ =	swait.ge [sflag:s6], $0x80  }
0x120: {  	[sflag:s6] =	ssyncset.done $0x0  }
0x121: {  	[sflag:s6] =	ssyncadd.s32 $0xFFFFFF80  }
0x122: {  	[spmem:s19] =	stream.indirect.scatter.add.f32 [tilespmem:s4], [sflag:$0x5], $0x80, s17, s3, $0xb8;
	[tilespmem:$0x1E580] =	vst v63  }
0x123: {  	_ =	swait.ge [sflag:s30], $0x4000  }
0x124: {  	[sflag:s30] =	ssyncset.done $0x0  }
0x125: {  	s12 =	sadd.s32 s11, s20;
	[sflag:s30] =	ssyncadd.s32 $0xFFFFC000  }
0x126: {  	[tilespmem:s17], [sflag:$0x3] =	stream.linear.gather [hbm4b:s12+s2], $0x80, $0x38;
	[tilespmem:$0x1E580] =	vst v63  }
0x127: {  	_ =	swait.ge [sflag:s8], $0x80  }
0x128: {  	[sflag:s8] =	ssyncset.done $0x0  }
.Ltmp4:
0x129: {  	[sflag:s8] =	ssyncadd.s32 $0xFFFFFF80;
	(pc) =	sbr.rel @p1 .LBB2_10-.Ltmp4, $4  }
0x12a: {  	[spmem:s19] =	stream.indirect.scatter.add.f32 [tilespmem:s4], [sflag:$0x5], $0x80, s0, s3, $0xb8;
	[tilespmem:$0x1E580] =	vst v63  }
0x12b: {  	_ =	swait.ge [sflag:s30], $0x4000  }
0x12c: {  	[sflag:s30] =	ssyncset.done $0x0  }
0x12d: {  	s11 =	sadd.s32 s11, s18;
	[sflag:s30] =	ssyncadd.s32 $0xFFFFC000  }
0x12e: {  	[tilespmem:s0], [sflag:$0x4] =	stream.linear.gather [hbm4b:s11+s2], $0x80, $0x38;
	[tilespmem:$0x1E580] =	vst v63  }
0x12f: {  	_ =	swait.ge [sflag:s6], $0x80  }
0x130: {  	[sflag:s6] =	ssyncset.done $0x0  }
0x131: {  	[sflag:s6] =	ssyncadd.s32 $0xFFFFFF80  }
0x132: {  	[spmem:s19] =	stream.indirect.scatter.add.f32 [tilespmem:s4], [sflag:$0x5], $0x80, s17, s3, $0xb8;
	[tilespmem:$0x1E580] =	vst v63  }
0x133: {  	_ =	swait.ge [sflag:s30], $0x4000  }
0x134: {  	[sflag:s30] =	ssyncset.done $0x0  }
0x135: {  	[sflag:s30] =	ssyncadd.s32 $0xFFFFC000  }
0x136: {  	_ =	swait.ge [sflag:s8], $0x80  }
0x137: {  	[sflag:s8] =	ssyncset.done $0x0  }
0x138: {  	[sflag:s8] =	ssyncadd.s32 $0xFFFFFF80  }
0x139: {  	[spmem:s19] =	stream.indirect.scatter.add.f32 [tilespmem:s4], [sflag:$0x5], $0x80, s0, s3, $0xb8;
	[tilespmem:$0x1E580] =	vst v63  }
0x13a: {  	_ =	swait.ge [sflag:s30], $0x4000  }
0x13b: {  	[sflag:s30] =	ssyncset.done $0x0  }
0x13c: {  	[sflag:s30] =	ssyncadd.s32 $0xFFFFC000  }
0x13d: {  	[bflag:$0x0] =	sbarrier.arrive $0xFFFF  }
0x13e: {  	[tilespmem:s31], [sflag:$0x5] =	stream.linear.gather [spmem:s21], $0x4000, $0x38;
	[tilespmem:$0x1E580] =	vst v63  }
0x13f: {  	_ =	swait.ge [sflag:s30], $0x4000  }
0x140: {  	[sflag:s30] =	ssyncset.done $0x0  }
0x141: {  	s10 =	rddreg [dreg:$0xc];
	[sflag:s30] =	ssyncadd.s32 $0xFFFFC000  }
0x142: {  	[hbm4b:s10+s2] =	stream.linear.scatter [tilespmem:s31], [sflag:$0x5], $0x4000, $0x38;
	[tilespmem:$0x1E580] =	vst v63  }
0x143: {  	_ =	swait.ge [sflag:s30], $0x4000  }
0x144: {  	[sflag:s30] =	ssyncset.done $0x0  }
0x145: {  	[sflag:s30] =	ssyncadd.s32 $0xFFFFC000  }
0x146: {  	[tilespmem:s31], [sflag:$0x5] =	stream.linear.gather [spmem:s22], $0x4000, $0x38;
	[tilespmem:$0x1E580] =	vst v63  }
0x147: {  	_ =	swait.ge [sflag:s30], $0x4000  }
0x148: {  	[sflag:s30] =	ssyncset.done $0x0  }
0x149: {  	s11 =	rddreg [dreg:$0xd];
	[sflag:s30] =	ssyncadd.s32 $0xFFFFC000  }
0x14a: {  	[hbm4b:s11+s2] =	stream.linear.scatter [tilespmem:s31], [sflag:$0x5], $0x4000, $0x38;
	[tilespmem:$0x1E580] =	vst v63  }
0x14b: {  	_ =	swait.ge [sflag:s30], $0x4000  }
0x14c: {  	[sflag:s30] =	ssyncset.done $0x0  }
0x14d: {  	[sflag:s30] =	ssyncadd.s32 $0xFFFFC000  }
0x14e: {  	[tilespmem:s31], [sflag:$0x5] =	stream.linear.gather [spmem:s23], $0x4000, $0x38;
	[tilespmem:$0x1E580] =	vst v63  }
0x14f: {  	_ =	swait.ge [sflag:s30], $0x4000  }
0x150: {  	[sflag:s30] =	ssyncset.done $0x0  }
0x151: {  	s12 =	rddreg [dreg:$0xe];
	[sflag:s30] =	ssyncadd.s32 $0xFFFFC000  }
0x152: {  	[hbm4b:s12+s2] =	stream.linear.scatter [tilespmem:s31], [sflag:$0x5], $0x4000, $0x38;
	[tilespmem:$0x1E580] =	vst v63  }
0x153: {  	_ =	swait.ge [sflag:s30], $0x4000  }
0x154: {  	[sflag:s30] =	ssyncset.done $0x0  }
0x155: {  	[sflag:s30] =	ssyncadd.s32 $0xFFFFC000  }
0x156: {  	[tilespmem:s31], [sflag:$0x5] =	stream.linear.gather [spmem:s24], $0x4000, $0x38;
	[tilespmem:$0x1E580] =	vst v63  }
0x157: {  	_ =	swait.ge [sflag:s30], $0x4000  }
0x158: {  	[sflag:s30] =	ssyncset.done $0x0  }
0x159: {  	s13 =	rddreg [dreg:$0xf];
	[sflag:s30] =	ssyncadd.s32 $0xFFFFC000  }
0x15a: {  	[hbm4b:s13+s2] =	stream.linear.scatter [tilespmem:s31], [sflag:$0x5], $0x4000, $0x38;
	[tilespmem:$0x1E580] =	vst v63  }
0x15b: {  	_ =	swait.ge [sflag:s30], $0x4000  }
0x15c: {  	[sflag:s30] =	ssyncset.done $0x0  }
0x15d: {  	[sflag:s30] =	ssyncadd.s32 $0xFFFFC000  }
0x15e: {  	[tilespmem:s31], [sflag:$0x5] =	stream.linear.gather [spmem:s25], $0x3800, $0x38;
	[tilespmem:$0x1E580] =	vst v63  }
0x15f: {  	_ =	swait.ge [sflag:s30], $0x3800  }
0x160: {  	[sflag:s30] =	ssyncset.done $0x0  }
0x161: {  	[sflag:s30] =	ssyncadd.s32 $0xFFFFC800  }
0x162: {  	[hbm4b:s14+s2] =	stream.linear.scatter [tilespmem:s31], [sflag:$0x5], $0x3800, $0x38;
	[tilespmem:$0x1E580] =	vst v63  }
0x163: {  	_ =	swait.ge [sflag:s30], $0x3800  }
0x164: {  	[sflag:s30] =	ssyncset.done $0x0  }
0x165: {  	s10 =	simm.s32 @!p0 $0x2900;
	s11 =	simm.s32 @!p0 $0x5;
	[sflag:s30] =	ssyncadd.s32 $0xFFFFC800  }
0x166: {  	[tilespmem:s10], [sflag:$0x5] =	stream.linear.gather @!p0 [spmem:s28], $0x800, $0x38;
	[tilespmem:$0x1E580] =	vst v63  }
0x167: {  	s9 =	sadd.s32 $0x1, s9;
	_ =	swait.ge @!p0 [sflag:s11], $0x800  }
0x168: {  	p1 =	sne.s32 s9, s26;
	[sflag:s11] =	ssyncset.done @!p0 $0x0  }
.Ltmp5:
0x169: {  	s12 =	simm.s32 @!p0 $0x0;
	[sflag:s11] =	ssyncadd.s32 @!p0 $0xFFFFF800;
	(pc) =	sbr.rel @p1 .LBB2_1-.Ltmp5, $4  }
0x16a: {  	[hbm4b:s15+s12] =	stream.linear.scatter @!p0 [tilespmem:s10], [sflag:$0x5], $0x800, $0x38;
	[tilespmem:$0x1E580] =	vst v63  }
0x16b: {  	_ =	swait.ge @!p0 [sflag:s11], $0x800  }
0x16c: {  	[sflag:s11] =	ssyncset.done @!p0 $0x0  }
0x16d: {  	[sflag:s11] =	ssyncadd.s32 @!p0 $0xFFFFF800  }
0x16e: {  	_ =	sfence.sel $0x180000  }
0x16f: {  	[bflag:$0x0] =	sbarrier.arrive $0xFFFF  }
0x170: {  	_ =	strace $0x90000047  }
0x171: {  	s0 =	stileid.u32;
	[bflag:$0x2] =	sbarrier.arrive $0xFFFF  }
0x172: {  	p0 =	sne.s32 s0, $0x0;
	s0 =	rddreg [dreg:$0x4]  }
0x173: {  	s0 =	sadd.s32 @!p0 $0x100000, s0  }
0x174: {  	[sflag:s0] =	ssyncadd.tile.s32 @!p0 $0x1;
	_ =	shalt  }
.Lfunc_end2:
_tile_overlayer_lowered:
.L_overlay_start_2:
0x175: {  	(tag) =	ssettag $0x2  }
0x176: {  	s0 =	rddreg [dreg:$0x0];
	s2 =	stileid.u32  }
0x177: {  	s1 =	rddreg [dreg:$0x1];
	p0 =	sne.s32 s2, $0x0  }
0x178: {  	s3 =	rddreg [dreg:$0x2];
	[bflag:$0x3] =	sbarrier.arrive $0xFFFF;
	s2 =	simm.s32 @!p0 $0x1C05  }
0x179: {  	[timem:s3], [sflag:s2] =	dma.local @!p0 [hbm:s0], s1  }
0x17a: {  	s0 =	simm.s32 @!p0 $0x5  }
0x17b: {  	_ =	swait.ge @!p0 [sflag:s0], s1  }
0x17c: {  	s1 =	ssub.s32 @!p0 $0x0, s1;
	[sflag:s0] =	ssyncset.done @!p0 $0x0  }
0x17d: {  	[sflag:s0] =	ssyncadd.s32 @!p0 s1  }
0x17e: {  	[bflag:$0x3] =	sbarrier.arrive $0xFFFF  }
0x17f: {  	_ =	shalt  }

// kernel: kernel.9.cloned.1.call-start
scs
__scs_entry_jumppad:
0x0: {  	(pc) =	sbr.rel $0x88, $3  }
0x1: {  	(tag) =	ssettag $0x0;
	lr =	simm.s32 $0x1  }
0x2: {  	[smem:$0x3F95] =	sst lr;
	_ =	strace $0xD0000000  }
0x3: {  	_ = 	snop  }
0x4: {  	_ = 	snop  }
0x5: {  	_ = 	snop  }
0x6: {  	_ = 	snop  }
0x7: {  	_ = 	snop  }
__scs_overlays_trampoline_lowered:
0x8: {  	[smem:$0x3FA4] =	sst s0  }
0x9: {  	[smem:$0x3FA5] =	sst s1  }
0xa: {  	[smem:$0x3FA6] =	sst s2  }
0xb: {  	[smem:$0x3FA7] =	sst s3  }
0xc: {  	[smem:$0x3FA8] =	sst s4  }
0xd: {  	[smem:$0x3FA9] =	sst s5  }
0xe: {  	[smem:$0x3FAA] =	sst s6  }
0xf: {  	[smem:$0x3FAB] =	sst s7  }
0x10: {  	[smem:$0x3FAC] =	sst s8  }
0x11: {  	[smem:$0x3FAD] =	sst s9;
	s0 =	simm.s32 @!p0 $0x0  }
0x12: {  	s1 =	sld [smem:$0x3F93];
	s0 =	simm.s32 @p0 $0x1  }
0x13: {  	[smem:$0x3FAE] =	sst s0;
	s0 =	simm.s32 @!p1 $0x0  }
0x14: {  	s2 =	sld [smem:$0x3F92];
	s0 =	simm.s32 @p1 $0x1  }
0x15: {  	[smem:$0x3FAF] =	sst s0;
	s0 =	simm.s32 @!p2 $0x0  }
0x16: {  	s3 =	sld [smem:$0x3FDB];
	s0 =	simm.s32 @p2 $0x1  }
0x17: {  	s4 =	simm.s32 $0x1BF5;
	[smem:$0x3FB1] =	sst s0  }
0x18: {  	s0 =	sld [smem:$0x3F94];
	_ =	swait.ge [sflag:s4], $0x0  }
0x19: {  	s7 =	sld [smem:$0x3F95]  }
0x1a: {  	s8 =	sadd.s32 $0xFFFFE003, lr  }
0x1b: {  	s9 =	sadd.s32 $0xFFFFFEF7, lr;
	s5 =	simm.s32 $0xFFFFFFFF;
	p2 =	slt.u32 s8, $0xFFFFF086  }
0x1c: {  	p1 =	slt.u32 s9, $0xF7A;
	s5 =	simm.s32 @!p2 $0x0  }
0x1d: {  	s5 =	simm.s32 @p1 $0x1;
	p0 =	seq.s32 s7, s2  }
0x1e: {  	s7 =	smul.u32 @!p0 $0xF7A, s2;
	p2 =	seq.s32 @!p0 s5, $0x0  }
0x1f: {  	s9 =	smul.u32 $0xF7A, s1;
	s8 =	simm.s32 @!p0 $0x1BF5;
	p2 =	por !p2, p0  }
0x20: {  	[sflag:s8] =	ssyncset.s32 @!p0 $0xFFFFF086;
	s6 =	sadd.s32 @!p0 s3, s7;
	s7 =	simm.s32 @!p0 $0x108  }
0x21: {  	s3 =	sadd.s32 s3, s9;
	s6 =	sadd.s32 @!p0 $0x88, s6;
	s7 =	simm.s32 @p2 $0x1082  }
0x22: {  	[simem:s7], [sflag:s8] =	dma.local @!p0 [hbm:s6], $0xF7A  }
0x23: {  	s9 =	sor.u32 $0xD0000000, s2;
	s6 =	simm.s32 $0x108;
	_ =	swait.ge @!p0 [sflag:s8], $0x0  }
0x24: {  	s3 =	sadd.s32 $0x88, s3;
	s6 =	simm.s32 @!p1 $0x1082;
	[sflag:s4] =	ssyncset.s32 $0xFFFFF086  }
0x25: {  	[simem:s6], [sflag:s4] =	dma.local [hbm:s3], $0xF7A  }
0x26: {  	[smem:$0x3F95] =	sst s1;
	(tag) =	ssettag s2;
	_ =	strace s9  }
0x27: {  	s1 =	sld [smem:$0x3FA5]  }
0x28: {  	s2 =	sld [smem:$0x3FA6]  }
0x29: {  	s4 =	sld [smem:$0x3FA8]  }
0x2a: {  	p0 =	seq.s32 s5, $0x0;
	s5 =	sld [smem:$0x3FA9]  }
0x2b: {  	s6 =	sld [smem:$0x3FAA]  }
0x2c: {  	s7 =	sld [smem:$0x3FAB]  }
0x2d: {  	s3 =	simm.s32 $0x108;
	s8 =	sld [smem:$0x3FAC]  }
0x2e: {  	s3 =	simm.s32 @!p0 $0x1082;
	s9 =	sld [smem:$0x3FAD]  }
0x2f: {  	lr =	sadd.s32 s0, s3;
	s0 =	sld [smem:$0x3FA4]  }
0x30: {  	s3 =	sld [smem:$0x3FA7]  }
0x31: {  	[smem:$0x3FB0] =	sst s10  }
0x32: {  	s10 =	sld [smem:$0x3FAE];
	_ =	sdelay $0x3  }
0x33: {  	p0 =	seq.s32 s10, $0x1;
	s10 =	sld [smem:$0x3FB0];
	_ =	sdelay $0x3  }
0x34: {  	[smem:$0x3FB0] =	sst s10  }
0x35: {  	s10 =	sld [smem:$0x3FAF];
	_ =	sdelay $0x3  }
0x36: {  	p1 =	seq.s32 s10, $0x1;
	s10 =	sld [smem:$0x3FB0];
	_ =	sdelay $0x3  }
0x37: {  	[smem:$0x3FB0] =	sst s10  }
0x38: {  	s10 =	sld [smem:$0x3FB1]  }
0x39: {  	_ = 	snop;
	(pc) =	sbr.ind lr, $3  }
0x3a: {  	_ = 	snop  }
0x3b: {  	_ = 	snop  }
0x3c: {  	p2 =	seq.s32 s10, $0x1;
	s10 =	sld [smem:$0x3FB0]  }
0x3d: {  	_ =	shalt  }
0x3e: {  	_ =	shalt  }
0x3f: {  	_ =	shalt  }
0x40: {  	_ =	shalt  }
0x41: {  	_ =	shalt  }
0x42: {  	_ =	shalt  }
0x43: {  	_ =	shalt  }
0x44: {  	_ =	shalt  }
0x45: {  	_ =	shalt  }
0x46: {  	_ =	shalt  }
0x47: {  	_ =	shalt  }
0x48: {  	_ =	shalt  }
0x49: {  	_ =	shalt  }
0x4a: {  	_ =	shalt  }
0x4b: {  	_ =	shalt  }
0x4c: {  	_ =	shalt  }
0x4d: {  	_ =	shalt  }
0x4e: {  	_ =	shalt  }
0x4f: {  	_ =	shalt  }
0x50: {  	_ =	shalt  }
0x51: {  	_ =	shalt  }
0x52: {  	_ =	shalt  }
0x53: {  	_ =	shalt  }
0x54: {  	_ =	shalt  }
0x55: {  	_ =	shalt  }
0x56: {  	_ =	shalt  }
0x57: {  	_ =	shalt  }
0x58: {  	_ =	shalt  }
0x59: {  	_ =	shalt  }
0x5a: {  	_ =	shalt  }
0x5b: {  	_ =	shalt  }
0x5c: {  	_ =	shalt  }
0x5d: {  	_ =	shalt  }
0x5e: {  	_ =	shalt  }
0x5f: {  	_ =	shalt  }
0x60: {  	_ =	shalt  }
0x61: {  	_ =	shalt  }
0x62: {  	_ =	shalt  }
0x63: {  	_ =	shalt  }
0x64: {  	_ =	shalt  }
0x65: {  	_ =	shalt  }
0x66: {  	_ =	shalt  }
0x67: {  	_ =	shalt  }
0x68: {  	_ =	shalt  }
0x69: {  	_ =	shalt  }
0x6a: {  	_ =	shalt  }
0x6b: {  	_ =	shalt  }
0x6c: {  	_ =	shalt  }
0x6d: {  	_ =	shalt  }
0x6e: {  	_ =	shalt  }
0x6f: {  	_ =	shalt  }
0x70: {  	_ =	shalt  }
0x71: {  	_ =	shalt  }
0x72: {  	_ =	shalt  }
0x73: {  	_ =	shalt  }
0x74: {  	_ =	shalt  }
0x75: {  	_ =	shalt  }
0x76: {  	_ =	shalt  }
0x77: {  	_ =	shalt  }
0x78: {  	_ =	shalt  }
0x79: {  	_ =	shalt  }
0x7a: {  	_ =	shalt  }
0x7b: {  	_ =	shalt  }
0x7c: {  	_ =	shalt  }
0x7d: {  	_ =	shalt  }
0x7e: {  	_ =	shalt  }
0x7f: {  	_ =	shalt  }
0x80: {  	_ =	shalt  }
0x81: {  	_ =	shalt  }
0x82: {  	_ =	shalt  }
0x83: {  	_ =	shalt  }
0x84: {  	_ =	shalt  }
0x85: {  	_ =	shalt  }
0x86: {  	_ =	shalt  }
0x87: {  	_ =	shalt  }
.Lfunc_end0:
.L_simem_size_0:
called_computation.1_lowered:
.L_overlay_start_0:
0x88: {  	s2 =	sld [smem:$0x3FD9]  }
0x89: {  	s3 =	sld [smem:$0x3FFE];
	_ =	sdelay $0x1  }
0x8a: {  	s1 =	srdreg.scid  }
0x8b: {  	s0 =	sand.u32 $0x1, s1  }
0x8c: {  	s14 =	sshll.u32 s0, $0xA;
	s2 =	sadd.s32 s3, s2  }
0x8d: {  	s2 =	sadd.s32 s2, s14  }
0x8e: {  	[smem:$0x3FBC] =	sst s2  }
0x8f: {  	_ = 	snop  }
0x90: {  	s2 =	sld [smem:$0x3FD0];
	_ =	sdelay $0x2  }
0x91: {  	s15 =	simm.s32 $0xA;
	s4 =	simm.s32 $0x10  }
0x92: {  	[smem:s4], [sflag:s15] =	dma.local [hbm:s2], $0x1  }
0x93: {  	_ =	swait.eq [sflag:s15], $0x1  }
0x94: {  	[sflag:s15] =	ssyncset.done $0x0  }
0x95: {  	[sflag:s15] =	ssyncadd.s32 $0xFFFFFFFF  }
0x96: {  	s16 =	sld [smem:$0x11];
	(tm) =	ssettm $0x1  }
0x97: {  	s17 =	sld [smem:$0x3FFB];
	_ =	sdelay $0x3  }
0x98: {  	_ =	strace s17  }
0x99: {  	s3 =	sld [smem:$0x3FFC];
	_ =	sdelay $0x3  }
0x9a: {  	_ =	strace s3  }
0x9b: {  	s3 =	sld [smem:$0x3FFD];
	_ =	sdelay $0x3  }
0x9c: {  	_ =	strace s3  }
0x9d: {  	_ =	strace $0x8FFFFFFF  }
0x9e: {  	s18 =	sld [smem:$0x3FDB];
	_ =	sdelay $0x1  }
0x9f: {  	s19 =	simm.s32 $_scs_section_size  }
0xa0: {  	s5 =	simm.s32 $_size__tile_overlayer_lowered;
	s6 =	simm.s32 $_tile_overlayer_lowered  }
0xa1: {  	s22 =	simm.s32 $0x1BFF;
	s21 =	sshll.u32 s6, $0x1;
	s3 =	sadd.s32 s19, s18  }
0xa2: {  	s7 =	simm.s32 $0x0;
	s20 =	sshll.u32 s5, $0x1;
	s5 =	sadd.s32 s21, s3  }
0xa3: {  	[timem:s7], [sflag:s22] =	dma.local [hbm:s5], s20  }
0xa4: {  	_ =	swait.ge [sflag:s22], s20  }
0xa5: {  	s4 =	ssub.s32 $0x0, s20;
	[sflag:s22] =	ssyncset.done $0x0  }
0xa6: {  	[sflag:s22] =	ssyncadd.s32 s4;
	_ =	sdelay $0x1  }
0xa7: {  	s23 =	simm.s32 $0x1B8B  }
0xa8: {  	_ =	swait.ge [sflag:s23], $0x1  }
0xa9: {  	[sflag:s23] =	ssyncset.done $0x0  }
0xaa: {  	s25 =	simm.s32 $0x1B8E;
	s24 =	sld [smem:$0x3FFE];
	[sflag:s23] =	ssyncadd.s32 $0xFFFFFFFF  }
0xab: {  	s26 =	simm.s32 $execute0_lowered;
	[smem:$0x3FD2] =	sst s25  }
0xac: {  	s5 =	sshll.u32 s26, $0x1;
	_ =	strace $0x80000049;
	[dreg:$0x1] =	wrdreg $0xFFFFFFFF  }
0xad: {  	s28 =	simm.s32 $_size_execute0_lowered;
	s3 =	sadd.s32 s3, s5;
	[dreg:$0x0] =	wrdreg $0x0  }
0xae: {  	s5 =	sshll.u32 s28, $0x1;
	[dreg:$0x2] =	wrdreg s3  }
0xaf: {  	[dreg:$0x3] =	wrdreg s5  }
0xb0: {  	[dreg:$0x4] =	wrdreg $0xC0  }
0xb1: {  	_ =	task [dreg:s7], $0x5FFFF  }
0xb2: {  	[dreg:$0x1] =	wrdreg $0xFFFFFFFF  }
0xb3: {  	[dreg:$0x0] =	wrdreg $0x60  }
0xb4: {  	[dreg:$0x2] =	wrdreg s24  }
0xb5: {  	[dreg:$0x3] =	wrdreg s16  }
0xb6: {  	[dreg:$0x4] =	wrdreg $0xA9000  }
0xb7: {  	[dreg:$0x5] =	wrdreg $0x9  }
0xb8: {  	_ =	task.clear_ibuf [dreg:s7], $0x6FFFF;
	_ =	strace $0x90000049  }
0xb9: {  	s29 =	simm.s32 $0x9;
	_ =	strace $0x8000004B  }
0xba: {  	_ =	swait.ge [sflag:s29], $0x1  }
0xbb: {  	[sflag:s29] =	ssyncadd.s32 $0xFFFFFFFF  }
0xbc: {  	_ =	strace $0x9000004B  }
0xbd: {  	_ =	sfence  }
0xbe: {  	s30 =	sld [smem:$0x0];
	_ =	sdelay $0x2  }
0xbf: {  	s31 =	sshll.u32 s1, $0xD;
	s1 =	sshrl.u32 s1, $0x2  }
0xc0: {  	s3 =	sand.u32 $0x4000, s31;
	s1 =	sadd.s32 s1, s30  }
0xc1: {  	s0 =	sor.u32 s3, s0;
	s1 =	sshll.u32 s1, $0x11  }
0xc2: {  	s0 =	sor.u32 s1, s0  }
0xc3: {  	s0 =	sadd.s32 $0x8F2B, s0  }
0xc4: {  	[sflag:s0] =	ssyncadd.remote.s32 $0x1  }
0xc5: {  	_ =	sfence.sel $0xFFFF  }
0xc6: {  	[dreg:$0x0] =	wrdreg $0xFFFFFFFF;
	(pc) =	sbr.abs _section_cstart, $3  }
0xc7: {  	[dreg:$0x1] =	wrdreg $0xFFFFFFFF  }
0xc8: {  	_ =	task.clear_ibuf [dreg:s7], $0x2FFFF;
	_ =	strace $0x9FFFFFFF  }
0xc9: {  	(tm) =	ssettm $0x7FFFFFFF  }
tec
execute0_lowered:
.L_overlay_start_1:
0x0: {  	(tag) =	ssettag $0x1  }
0x1: {  	s0 =	rddreg [dreg:$0x0]  }
0x2: {  	s1 =	rddreg [dreg:$0x1]  }
0x3: {  	s2 =	rddreg [dreg:$0x2]  }
0x4: {  	s4 =	srdreg.scid;
	s24 =	stileid.u32;
	s3 =	simm.s32 $0x0  }
0x5: {  	s28 =	simm.s32 $0x80;
	s29 =	simm.s32 $0x6900;
	s30 =	simm.s32 $0x1  }
0x6: {  	s31 =	simm.s32 $0x3;
	s5 =	sand.u32 $0x1, s4;
	s23 =	sshll.u32 s24, $0x1  }
0x7: {  	[smem:$0x7FF] =	sst s3;
	s4 =	sadd.s32 $0xCA00, s0;
	s8 =	smul.u32 $0x4E000, s24  }
0x8: {  	s13 =	sadd.s32 $0x2A00, s0;
	s14 =	smul.u32 $0x13800, s24;
	s0 =	sadd.s32 $0x5AE00, s0  }
0x9: {  	s11 =	sadd.s32 $0x138000, s2;
	p0 =	sne.s32 s24, $0xF;
	s19 =	smul.u32 $0x138800, s5  }
0xa: {  	s6 =	sor.u32 s5, s23;
	s7 =	ssub.s32 $0x2, s5;
	s5 =	smul.u32 $0x2800, s5  }
0xb: {  	_ =	strace $0x8000004A;
	s6 =	smul.u32 $0x2800, s6;
	s9 =	sshrl.u32 s7, $0x1  }
0xc: {  	s25 =	sshrl.u32 s8, $0x2;
	s16 =	sadd.s32 $0x4000, s14;
	s17 =	sadd.s32 $0x8000, s14  }
0xd: {  	s26 =	sadd.s32 $0xC000, s14;
	s18 =	sadd.s32 $0x10000, s14;
	s15 =	ssub.s32 s7, s9  }
0xe: {  	s7 =	sadd.s32 s16, s2;
	s8 =	sadd.s32 s17, s2;
	s9 =	sadd.s32 s26, s2  }
0xf: {  	s10 =	sadd.s32 s18, s2;
	s14 =	sadd.s32 s14, s19;
	s16 =	sadd.s32 s19, s16  }
0x10: {  	s20 =	sadd.s32 s19, s17;
	s18 =	sadd.s32 s19, s18;
	s12 =	sshrl.u32 s6, $0x3  }
0x11: {  	s22 =	sshrl.u32 s19, $0x3;
	s6 =	sadd.s32 s25, s2;
	s1 =	sadd.s32 s1, s12  }
0x12: {  	s14 =	sshrl.u32 s14, $0x3;
	s12 =	sadd.s32 s13, s12;
	[dreg:$0x4] =	wrdreg s1  }
0x13: {  	s16 =	sshrl.u32 s16, $0x3;
	s14 =	sadd.s32 s0, s14;
	[dreg:$0x5] =	wrdreg s12  }
0x14: {  	s21 =	sshrl.u32 s18, $0x3;
	s16 =	sadd.s32 s0, s16;
	[dreg:$0x7] =	wrdreg s14  }
0x15: {  	s18 =	sadd.s32 s0, s21;
	s12 =	sadd.s32 $0x10, s12;
	[dreg:$0x8] =	wrdreg s16  }
0x16: {  	s14 =	sshrl.u32 s20, $0x3;
	s1 =	sadd.s32 s19, s26;
	s20 =	smul.u32 $0x5000, s24  }
0x17: {  	s24 =	simm.s32 $0x2900;
	[dreg:$0x6] =	wrdreg s12;
	s1 =	sshrl.u32 s1, $0x3  }
0x18: {  	s16 =	sadd.s32 s0, s14;
	s17 =	sadd.s32 s0, s1;
	s5 =	sadd.s32 s5, s20  }
0x19: {  	s0 =	sadd.s32 s0, s22;
	s20 =	smax.u32 s15, $0x1;
	s1 =	simm.s32 $0x4  }
0x1a: {  	s23 =	sor.u32 $0x180, s5;
	s5 =	sor.u32 $0x100, s5;
	s19 =	sadd.s32 $0x27000, s0  }
0x1b: {  	s0 =	simm.s32 $0x2;
	s25 =	sshrl.u32 s23, $0x3;
	s26 =	sshrl.u32 s5, $0x3  }
0x1c: {  	s23 =	simm.s32 $0x5;
	s5 =	simm.s32 $0x0;
	s21 =	sadd.s32 s25, s13  }
0x1d: {  	v0 =	vimm.f32 $0.0e+00;
	s22 =	sadd.s32 s26, s13;
	s25 =	simm.s32 $0x2800;
	s26 =	simm.s32 $0x2880  }
.LBB2_1:
0x1e: {  	s12 =	rddreg [dreg:$0x4]  }
0x1f: {  	[tilespmem:s3], [sflag:$0x5] =	stream.linear.gather [hbm4b:s12+s3], $0x2800, $0x38;
	[tilespmem:$0x1E580] =	vst v63  }
0x20: {  	_ =	swait.ge [sflag:s23], $0x2800  }
0x21: {  	[sflag:s23] =	ssyncset.done $0x0  }
0x22: {  	s13 =	simm.s32 $0x0;
	s14 =	simm.s32 $0x200;
	[sflag:s23] =	ssyncadd.s32 $0xFFFFD800  }
.LBB2_2:
0x23: {  	p1 =	sne.s32 s14, $0xFE00;
	[tilespmem:s13+$0x2970] =	vst v0  }
0x24: {  	[tilespmem:s13+$0x2900] =	vst v0  }
0x25: {  	[tilespmem:s13+$0x2910] =	vst v0  }
.Ltmp0:
0x26: {  	[tilespmem:s13+$0x2920] =	vst v0;
	(pc) =	sbr.rel @p1 .LBB2_2-.Ltmp0, $4  }
0x27: {  	[tilespmem:s13+$0x2930] =	vst v0  }
0x28: {  	[tilespmem:s13+$0x2940] =	vst v0  }
0x29: {  	[tilespmem:s13+$0x2950] =	vst v0  }
0x2a: {  	[tilespmem:s13+$0x2960] =	vst v0;
	s13 =	sshra.s32 s14, $0x2;
	s14 =	sadd.s32 $0x200, s14  }
0x2b: {  	[tilespmem:s13+$0x2970] =	vst v0  }
0x2c: {  	[tilespmem:s13+$0x2900] =	vst v0  }
0x2d: {  	[tilespmem:s13+$0x2910] =	vst v0  }
0x2e: {  	[tilespmem:s13+$0x2920] =	vst v0  }
0x2f: {  	[tilespmem:s13+$0x2930] =	vst v0  }
0x30: {  	[tilespmem:s13+$0x2940] =	vst v0  }
0x31: {  	[tilespmem:s13+$0x2950] =	vst v0  }
0x32: {  	[tilespmem:s13+$0x2960] =	vst v0  }
0x33: {  	[spmem:s6] =	stream.linear.scatter [tilespmem:s24], [sflag:$0x5], $0x4000, $0x38;
	[tilespmem:$0x1E580] =	vst v63  }
0x34: {  	_ =	swait.ge [sflag:s23], $0x4000  }
0x35: {  	[sflag:s23] =	ssyncset.done $0x0  }
0x36: {  	[sflag:s23] =	ssyncadd.s32 $0xFFFFC000  }
0x37: {  	[spmem:s7] =	stream.linear.scatter [tilespmem:s24], [sflag:$0x5], $0x4000, $0x38;
	[tilespmem:$0x1E580] =	vst v63  }
0x38: {  	_ =	swait.ge [sflag:s23], $0x4000  }
0x39: {  	[sflag:s23] =	ssyncset.done $0x0  }
0x3a: {  	[sflag:s23] =	ssyncadd.s32 $0xFFFFC000  }
0x3b: {  	[spmem:s8] =	stream.linear.scatter [tilespmem:s24], [sflag:$0x5], $0x4000, $0x38;
	[tilespmem:$0x1E580] =	vst v63  }
0x3c: {  	_ =	swait.ge [sflag:s23], $0x4000  }
0x3d: {  	[sflag:s23] =	ssyncset.done $0x0  }
0x3e: {  	[sflag:s23] =	ssyncadd.s32 $0xFFFFC000  }
0x3f: {  	[spmem:s9] =	stream.linear.scatter [tilespmem:s24], [sflag:$0x5], $0x4000, $0x38;
	[tilespmem:$0x1E580] =	vst v63  }
0x40: {  	_ =	swait.ge [sflag:s23], $0x4000  }
0x41: {  	[sflag:s23] =	ssyncset.done $0x0  }
0x42: {  	[sflag:s23] =	ssyncadd.s32 $0xFFFFC000  }
0x43: {  	[spmem:s10] =	stream.linear.scatter [tilespmem:s24], [sflag:$0x5], $0x3800, $0x38;
	[tilespmem:$0x1E580] =	vst v63  }
0x44: {  	_ =	swait.ge [sflag:s23], $0x3800  }
0x45: {  	[sflag:s23] =	ssyncset.done $0x0  }
0x46: {  	s13 =	simm.s32 @!p0 $0x2900;
	[sflag:s23] =	ssyncadd.s32 $0xFFFFC800  }
0x47: {  	[spmem:s11] =	stream.linear.scatter @!p0 [tilespmem:s13], [sflag:$0x5], $0x800, $0x38;
	[tilespmem:$0x1E580] =	vst v63  }
0x48: {  	s13 =	simm.s32 @!p0 $0x5  }
0x49: {  	_ =	swait.ge @!p0 [sflag:s13], $0x800  }
0x4a: {  	[sflag:s13] =	ssyncset.done @!p0 $0x0  }
0x4b: {  	[sflag:s13] =	ssyncadd.s32 @!p0 $0xFFFFF800  }
0x4c: {  	[bflag:$0x0] =	sbarrier.arrive $0xFFFF  }
0x4d: {  	s14 =	simm.s32 $0x0;
	s12 =	rddreg [dreg:$0x5]  }
0x4e: {  	[tilespmem:s25], [sflag:$0x3] =	stream.linear.gather [hbm4b:s12+s14], $0x80, $0x38;
	[tilespmem:$0x1E580] =	vst v63  }
0x4f: {  	s15 =	rddreg [dreg:$0x6]  }
0x50: {  	[tilespmem:s26], [sflag:$0x4] =	stream.linear.gather [hbm4b:s15+s14], $0x80, $0x38;
	[tilespmem:$0x1E580] =	vst v63  }
0x51: {  	_ = 	snop  }
0x52: {  	[tilespmem:s24], [sflag:$0x1] =	stream.indirect.gather [hbm4b:s4+s28], $0x80, s14, s28, $0xb8;
	[tilespmem:$0x1E580] =	vst v63  }
0x53: {  	_ = 	snop  }
0x54: {  	[tilespmem:s29], [sflag:$0x2] =	stream.indirect.gather [hbm4b:s4+s28], $0x80, s28, s28, $0xb8;
	[tilespmem:$0x1E580] =	vst v63  }
0x55: {  	_ =	swait.ge [sflag:s30], $0x4000  }
0x56: {  	[sflag:s30] =	ssyncset.done $0x0  }
0x57: {  	[sflag:s30] =	ssyncadd.s32 $0xFFFFC000  }
0x58: {  	_ =	swait.ge [sflag:s31], $0x80  }
0x59: {  	[sflag:s31] =	ssyncset.done $0x0  }
0x5a: {  	[sflag:s31] =	ssyncadd.s32 $0xFFFFFF80  }
0x5b: {  	[spmem:s2] =	stream.indirect.scatter.add.f32 [tilespmem:s24], [sflag:$0x5], $0x80, s25, s28, $0xb8;
	[tilespmem:$0x1E580] =	vst v63  }
0x5c: {  	_ =	swait.ge [sflag:s23], $0x4000  }
0x5d: {  	[sflag:s23] =	ssyncset.done $0x0  }
0x5e: {  	s12 =	simm.s32 $0x100;
	[sflag:s23] =	ssyncadd.s32 $0xFFFFC000  }
0x5f: {  	[tilespmem:s24], [sflag:$0x1] =	stream.indirect.gather [hbm4b:s4+s28], $0x80, s12, s28, $0xb8;
	[tilespmem:$0x1E580] =	vst v63  }
0x60: {  	s14 =	sadd.s32 $0x0, s22  }
0x61: {  	[tilespmem:s25], [sflag:$0x3] =	stream.linear.gather [hbm4b:s14+s3], $0x80, $0x38;
	[tilespmem:$0x1E580] =	vst v63  }
0x62: {  	_ =	swait.ge [sflag:s0], $0x4000  }
0x63: {  	[sflag:s0] =	ssyncset.done $0x0  }
0x64: {  	[sflag:s0] =	ssyncadd.s32 $0xFFFFC000  }
0x65: {  	_ =	swait.ge [sflag:s1], $0x80  }
0x66: {  	[sflag:s1] =	ssyncset.done $0x0  }
0x67: {  	[sflag:s1] =	ssyncadd.s32 $0xFFFFFF80  }
0x68: {  	[spmem:s2] =	stream.indirect.scatter.add.f32 [tilespmem:s29], [sflag:$0x5], $0x80, s26, s28, $0xb8;
	[tilespmem:$0x1E580] =	vst v63  }
0x69: {  	_ =	swait.ge [sflag:s23], $0x4000  }
0x6a: {  	[sflag:s23] =	ssyncset.done $0x0  }
0x6b: {  	s15 =	simm.s32 $0x180;
	[sflag:s23] =	ssyncadd.s32 $0xFFFFC000  }
0x6c: {  	[tilespmem:s29], [sflag:$0x2] =	stream.indirect.gather [hbm4b:s4+s28], $0x80, s15, s28, $0xb8;
	[tilespmem:$0x1E580] =	vst v63  }
0x6d: {  	s13 =	simm.s32 $0x20;
	s14 =	simm.s32 $0x280;
	s15 =	sadd.s32 $0x0, s21  }
.LBB2_4:
0x6e: {  	[tilespmem:s26], [sflag:$0x4] =	stream.linear.gather [hbm4b:s15+s3], $0x80, $0x38;
	[tilespmem:$0x1E580] =	vst v63  }
0x6f: {  	s15 =	smov.u32 s13  }
0x70: {  	p1 =	sne.s32 s13, $0x4C0;
	s13 =	sadd.s32 $0x20, s13;
	_ =	swait.ge [sflag:s30], $0x4000  }
0x71: {  	[sflag:s30] =	ssyncset.done $0x0  }
0x72: {  	[sflag:s30] =	ssyncadd.s32 $0xFFFFC000  }
0x73: {  	_ =	swait.ge [sflag:s31], $0x80  }
0x74: {  	[sflag:s31] =	ssyncset.done $0x0  }
0x75: {  	[sflag:s31] =	ssyncadd.s32 $0xFFFFFF80  }
0x76: {  	[spmem:s2] =	stream.indirect.scatter.add.f32 [tilespmem:s24], [sflag:$0x5], $0x80, s25, s28, $0xb8;
	[tilespmem:$0x1E580] =	vst v63  }
0x77: {  	_ =	swait.ge [sflag:s23], $0x4000  }
0x78: {  	[sflag:s23] =	ssyncset.done $0x0  }
0x79: {  	s12 =	sadd.s32 $0xFFFFFF80, s14;
	[sflag:s23] =	ssyncadd.s32 $0xFFFFC000  }
0x7a: {  	[tilespmem:s24], [sflag:$0x1] =	stream.indirect.gather [hbm4b:s4+s28], $0x80, s12, s28, $0xb8;
	[tilespmem:$0x1E580] =	vst v63  }
0x7b: {  	s12 =	sadd.s32 s15, s22  }
0x7c: {  	[tilespmem:s25], [sflag:$0x3] =	stream.linear.gather [hbm4b:s12+s3], $0x80, $0x38;
	[tilespmem:$0x1E580] =	vst v63  }
0x7d: {  	_ =	swait.ge [sflag:s0], $0x4000  }
0x7e: {  	[sflag:s0] =	ssyncset.done $0x0  }
0x7f: {  	[sflag:s0] =	ssyncadd.s32 $0xFFFFC000  }
0x80: {  	_ =	swait.ge [sflag:s1], $0x80  }
0x81: {  	[sflag:s1] =	ssyncset.done $0x0  }
0x82: {  	[sflag:s1] =	ssyncadd.s32 $0xFFFFFF80  }
0x83: {  	[spmem:s2] =	stream.indirect.scatter.add.f32 [tilespmem:s29], [sflag:$0x5], $0x80, s26, s28, $0xb8;
	[tilespmem:$0x1E580] =	vst v63  }
.Ltmp1:
0x84: {  	_ =	swait.ge [sflag:s23], $0x4000;
	(pc) =	sbr.rel @p1 .LBB2_4-.Ltmp1, $4  }
0x85: {  	[sflag:s23] =	ssyncset.done $0x0  }
0x86: {  	[sflag:s23] =	ssyncadd.s32 $0xFFFFC000  }
0x87: {  	[tilespmem:s29], [sflag:$0x2] =	stream.indirect.gather [hbm4b:s4+s28], $0x80, s14, s28, $0xb8;
	[tilespmem:$0x1E580] =	vst v63  }
0x88: {  	s15 =	sadd.s32 s15, s21;
	s14 =	sadd.s32 $0x100, s14  }
0x89: {  	[tilespmem:s26], [sflag:$0x4] =	stream.linear.gather [hbm4b:s15+s3], $0x80, $0x38;
	[tilespmem:$0x1E580] =	vst v63  }
0x8a: {  	_ =	swait.ge [sflag:s30], $0x4000  }
0x8b: {  	[sflag:s30] =	ssyncset.done $0x0  }
0x8c: {  	[sflag:s30] =	ssyncadd.s32 $0xFFFFC000  }
0x8d: {  	_ =	swait.ge [sflag:s31], $0x80  }
0x8e: {  	[sflag:s31] =	ssyncset.done $0x0  }
0x8f: {  	[sflag:s31] =	ssyncadd.s32 $0xFFFFFF80  }
0x90: {  	[spmem:s2] =	stream.indirect.scatter.add.f32 [tilespmem:s24], [sflag:$0x5], $0x80, s25, s28, $0xb8;
	[tilespmem:$0x1E580] =	vst v63  }
0x91: {  	_ =	swait.ge [sflag:s23], $0x4000  }
0x92: {  	[sflag:s23] =	ssyncset.done $0x0  }
0x93: {  	[sflag:s23] =	ssyncadd.s32 $0xFFFFC000  }
0x94: {  	_ =	swait.ge [sflag:s0], $0x4000  }
0x95: {  	[sflag:s0] =	ssyncset.done $0x0  }
0x96: {  	[sflag:s0] =	ssyncadd.s32 $0xFFFFC000  }
0x97: {  	_ =	swait.ge [sflag:s1], $0x80  }
0x98: {  	[sflag:s1] =	ssyncset.done $0x0  }
0x99: {  	[sflag:s1] =	ssyncadd.s32 $0xFFFFFF80  }
0x9a: {  	[spmem:s2] =	stream.indirect.scatter.add.f32 [tilespmem:s29], [sflag:$0x5], $0x80, s26, s28, $0xb8;
	[tilespmem:$0x1E580] =	vst v63  }
0x9b: {  	_ =	swait.ge [sflag:s23], $0x4000  }
0x9c: {  	[sflag:s23] =	ssyncset.done $0x0  }
0x9d: {  	[sflag:s23] =	ssyncadd.s32 $0xFFFFC000  }
0x9e: {  	[bflag:$0x0] =	sbarrier.arrive $0xFFFF  }
0x9f: {  	[tilespmem:s24], [sflag:$0x5] =	stream.linear.gather [spmem:s6], $0x4000, $0x38;
	[tilespmem:$0x1E580] =	vst v63  }
0xa0: {  	_ =	swait.ge [sflag:s23], $0x4000  }
0xa1: {  	[sflag:s23] =	ssyncset.done $0x0  }
0xa2: {  	s12 =	rddreg [dreg:$0x7];
	[sflag:s23] =	ssyncadd.s32 $0xFFFFC000  }
0xa3: {  	[hbm4b:s12+s3] =	stream.linear.scatter [tilespmem:s24], [sflag:$0x5], $0x4000, $0x38;
	[tilespmem:$0x1E580] =	vst v63  }
0xa4: {  	_ =	swait.ge [sflag:s23], $0x4000  }
0xa5: {  	[sflag:s23] =	ssyncset.done $0x0  }
0xa6: {  	[sflag:s23] =	ssyncadd.s32 $0xFFFFC000  }
0xa7: {  	[tilespmem:s24], [sflag:$0x5] =	stream.linear.gather [spmem:s7], $0x4000, $0x38;
	[tilespmem:$0x1E580] =	vst v63  }
0xa8: {  	_ =	swait.ge [sflag:s23], $0x4000  }
0xa9: {  	[sflag:s23] =	ssyncset.done $0x0  }
0xaa: {  	s15 =	rddreg [dreg:$0x8];
	[sflag:s23] =	ssyncadd.s32 $0xFFFFC000  }
0xab: {  	[hbm4b:s15+s3] =	stream.linear.scatter [tilespmem:s24], [sflag:$0x5], $0x4000, $0x38;
	[tilespmem:$0x1E580] =	vst v63  }
0xac: {  	_ =	swait.ge [sflag:s23], $0x4000  }
0xad: {  	[sflag:s23] =	ssyncset.done $0x0  }
0xae: {  	[sflag:s23] =	ssyncadd.s32 $0xFFFFC000  }
0xaf: {  	[tilespmem:s24], [sflag:$0x5] =	stream.linear.gather [spmem:s8], $0x4000, $0x38;
	[tilespmem:$0x1E580] =	vst v63  }
0xb0: {  	_ =	swait.ge [sflag:s23], $0x4000  }
0xb1: {  	[sflag:s23] =	ssyncset.done $0x0  }
0xb2: {  	[sflag:s23] =	ssyncadd.s32 $0xFFFFC000  }
0xb3: {  	[hbm4b:s16+s3] =	stream.linear.scatter [tilespmem:s24], [sflag:$0x5], $0x4000, $0x38;
	[tilespmem:$0x1E580] =	vst v63  }
0xb4: {  	_ =	swait.ge [sflag:s23], $0x4000  }
0xb5: {  	[sflag:s23] =	ssyncset.done $0x0  }
0xb6: {  	[sflag:s23] =	ssyncadd.s32 $0xFFFFC000  }
0xb7: {  	[tilespmem:s24], [sflag:$0x5] =	stream.linear.gather [spmem:s9], $0x4000, $0x38;
	[tilespmem:$0x1E580] =	vst v63  }
0xb8: {  	_ =	swait.ge [sflag:s23], $0x4000  }
0xb9: {  	[sflag:s23] =	ssyncset.done $0x0  }
0xba: {  	[sflag:s23] =	ssyncadd.s32 $0xFFFFC000  }
0xbb: {  	[hbm4b:s17+s3] =	stream.linear.scatter [tilespmem:s24], [sflag:$0x5], $0x4000, $0x38;
	[tilespmem:$0x1E580] =	vst v63  }
0xbc: {  	_ =	swait.ge [sflag:s23], $0x4000  }
0xbd: {  	[sflag:s23] =	ssyncset.done $0x0  }
0xbe: {  	[sflag:s23] =	ssyncadd.s32 $0xFFFFC000  }
0xbf: {  	[tilespmem:s24], [sflag:$0x5] =	stream.linear.gather [spmem:s10], $0x3800, $0x38;
	[tilespmem:$0x1E580] =	vst v63  }
0xc0: {  	_ =	swait.ge [sflag:s23], $0x3800  }
0xc1: {  	[sflag:s23] =	ssyncset.done $0x0  }
0xc2: {  	[sflag:s23] =	ssyncadd.s32 $0xFFFFC800  }
0xc3: {  	[hbm4b:s18+s3] =	stream.linear.scatter [tilespmem:s24], [sflag:$0x5], $0x3800, $0x38;
	[tilespmem:$0x1E580] =	vst v63  }
0xc4: {  	_ =	swait.ge [sflag:s23], $0x3800  }
0xc5: {  	[sflag:s23] =	ssyncset.done $0x0  }
0xc6: {  	s13 =	simm.s32 @!p0 $0x5;
	s12 =	simm.s32 @!p0 $0x2900;
	[sflag:s23] =	ssyncadd.s32 $0xFFFFC800  }
0xc7: {  	[tilespmem:s12], [sflag:$0x5] =	stream.linear.gather @!p0 [spmem:s11], $0x800, $0x38;
	[tilespmem:$0x1E580] =	vst v63  }
0xc8: {  	s5 =	sadd.s32 $0x1, s5;
	_ =	swait.ge @!p0 [sflag:s13], $0x800  }
0xc9: {  	p1 =	sne.s32 s5, s20;
	[sflag:s13] =	ssyncset.done @!p0 $0x0  }
.Ltmp2:
0xca: {  	s14 =	simm.s32 @!p0 $0x0;
	[sflag:s13] =	ssyncadd.s32 @!p0 $0xFFFFF800;
	(pc) =	sbr.rel @p1 .LBB2_1-.Ltmp2, $4  }
0xcb: {  	[hbm4b:s19+s14] =	stream.linear.scatter @!p0 [tilespmem:s12], [sflag:$0x5], $0x800, $0x38;
	[tilespmem:$0x1E580] =	vst v63  }
0xcc: {  	_ =	swait.ge @!p0 [sflag:s13], $0x800  }
0xcd: {  	[sflag:s13] =	ssyncset.done @!p0 $0x0  }
0xce: {  	[sflag:s13] =	ssyncadd.s32 @!p0 $0xFFFFF800  }
0xcf: {  	_ =	sfence.sel $0x180000  }
0xd0: {  	[bflag:$0x0] =	sbarrier.arrive $0xFFFF  }
0xd1: {  	_ =	strace $0x9000004A  }
0xd2: {  	s0 =	stileid.u32;
	[bflag:$0x2] =	sbarrier.arrive $0xFFFF  }
0xd3: {  	p0 =	sne.s32 s0, $0x0;
	s0 =	rddreg [dreg:$0x3]  }
0xd4: {  	s0 =	sadd.s32 @!p0 $0x100000, s0  }
0xd5: {  	[sflag:s0] =	ssyncadd.tile.s32 @!p0 $0x1;
	_ =	shalt  }
.Lfunc_end2:
_tile_overlayer_lowered:
.L_overlay_start_2:
0xd6: {  	(tag) =	ssettag $0x2  }
0xd7: {  	s0 =	rddreg [dreg:$0x0];
	s2 =	stileid.u32  }
0xd8: {  	s1 =	rddreg [dreg:$0x1];
	p0 =	sne.s32 s2, $0x0  }
0xd9: {  	s3 =	rddreg [dreg:$0x2];
	[bflag:$0x3] =	sbarrier.arrive $0xFFFF;
	s2 =	simm.s32 @!p0 $0x1C05  }
0xda: {  	[timem:s3], [sflag:s2] =	dma.local @!p0 [hbm:s0], s1  }
0xdb: {  	s0 =	simm.s32 @!p0 $0x5  }
0xdc: {  	_ =	swait.ge @!p0 [sflag:s0], s1  }
0xdd: {  	s1 =	ssub.s32 @!p0 $0x0, s1;
	[sflag:s0] =	ssyncset.done @!p0 $0x0  }
0xde: {  	[sflag:s0] =	ssyncadd.s32 @!p0 s1  }
0xdf: {  	[bflag:$0x3] =	sbarrier.arrive $0xFFFF  }
0xe0: {  	_ =	shalt  }

</sc_bundles>
